<compile_context>
chip_gen: v7x
topology: tpu7x:2x2x1
jax: 0.10.2.dev20260603
libtpu: 0.0.44.dev20260713+nightly
codegen_flags: <defaults>
</compile_context>

<pallas_src>
import functools

import numpy as np
import jax
import jax.numpy as jnp
from jax import lax
from jax.experimental import pallas as pl
from jax.experimental.pallas import tpu as pltpu
from jax.experimental.pallas import tpu_sc as plsc

N = 10000
E = 320000
D = 128
K = 1024

NC = 2
NS = 16
NW = NC * NS
CHUNK = 64
NBUF = 4
CPW = 160
NPH = 4
PH = CPW // NPH
EPAD = NW * CHUNK * CPW
ZPR = 632
RPAD = NS * ZPR
KPW = K // NW

@functools.cache
def _mesh():
    return plsc.VectorSubcoreMesh(core_axis_name="c", subcore_axis_name="s",
                                  num_cores=NC, num_subcores=NS)



_BR = 2000
_Z = np.int32(0)


def _tc_in_body(x_ref, wx_ref, b_ref, cx_ref, out1_ref):
    cx = jnp.dot(x_ref[...], wx_ref[...],
                 preferred_element_type=jnp.float32) + b_ref[...]
    cx_ref[...] = cx
    out1_ref[...] = jnp.tanh(cx)


def _tc_mid_body(hp_ref, cx_ref, w_ref, out_ref):
    h = hp_ref[0] + hp_ref[1]
    out_ref[...] = jnp.tanh(
        jnp.dot(h, w_ref[...], preferred_element_type=jnp.float32)
        + cx_ref[...])


def _tc_out_body(p_ref, wr_ref, br_ref, out_ref):
    pooled = jnp.sum(p_ref[...], axis=0, keepdims=True)
    out_ref[...] = jnp.tanh(
        jnp.dot(pooled, wr_ref[...], preferred_element_type=jnp.float32)
        + br_ref[...])


def _tc_in(x, wx, b2):
    nb = N // _BR
    return pl.pallas_call(
        _tc_in_body,
        grid=(nb,),
        in_specs=[
            pl.BlockSpec((_BR, D), lambda i: (i, _Z)),
            pl.BlockSpec((D, D), lambda i: (_Z, _Z)),
            pl.BlockSpec((1, D), lambda i: (_Z, _Z)),
        ],
        out_specs=[
            pl.BlockSpec((_BR, D), lambda i: (i, _Z)),
            pl.BlockSpec((_BR, D), lambda i: (i, _Z)),
        ],
        out_shape=[
            jax.ShapeDtypeStruct((N, D), jnp.float32),
            jax.ShapeDtypeStruct((N, D), jnp.float32),
        ],
    )(x, wx, b2)


def _tc_mid(hp, cx, w):
    nb = N // _BR
    return pl.pallas_call(
        _tc_mid_body,
        grid=(nb,),
        in_specs=[
            pl.BlockSpec((NC, _BR, D), lambda i: (_Z, i, _Z)),
            pl.BlockSpec((_BR, D), lambda i: (i, _Z)),
            pl.BlockSpec((D, D), lambda i: (_Z, _Z)),
        ],
        out_specs=pl.BlockSpec((_BR, D), lambda i: (i, _Z)),
        out_shape=jax.ShapeDtypeStruct((N, D), jnp.float32),
    )(hp, cx, w)


def _tc_out(psum, wr, br2):
    return pl.pallas_call(
        _tc_out_body,
        in_specs=[
            pl.BlockSpec((NW, D), lambda: (_Z, _Z)),
            pl.BlockSpec((D, D), lambda: (_Z, _Z)),
            pl.BlockSpec((1, D), lambda: (_Z, _Z)),
        ],
        out_specs=pl.BlockSpec((1, D), lambda: (_Z, _Z)),
        out_shape=jax.ShapeDtypeStruct((1, D), jnp.float32),
    )(psum, wr, br2)



def _sc_seg_body(out_hbm, src_hbm, dst_hbm, hpart_hbm,
                 srcv, dstv, rowbuf, zbuf, spmem, zsem, *sems):
    c = lax.axis_index("c")
    s = lax.axis_index("s")
    wid = c * NS + s
    for r in range(8):
        for q in range(D // 16):
            zbuf[np.int32(r), pl.ds(q * 16, 16)] = jnp.zeros(
                (16,), jnp.float32)

    def zfire(k, carry):
        base = pl.multiple_of(s * ZPR + k * 8, 8)
        pltpu.async_copy(zbuf, spmem.at[pl.ds(base, 8)], zsem)
        return carry

    lax.fori_loop(jnp.int32(0), jnp.int32(ZPR // 8), zfire, jnp.int32(0))
    pltpu.sync_copy(src_hbm.at[wid].at[pl.ds(0, PH)], srcv)
    pltpu.sync_copy(dst_hbm.at[wid].at[pl.ds(0, PH)], dstv)

    def zdrain(k, carry):
        base = pl.multiple_of(s * ZPR + k * 8, 8)
        pltpu.make_async_copy(zbuf, spmem.at[pl.ds(base, 8)], zsem).wait()
        return carry

    lax.fori_loop(jnp.int32(0), jnp.int32(ZPR // 8), zdrain, jnp.int32(0))
    plsc.subcore_barrier()

    def phase(ph, pcarry):
        @pl.when(ph > 0)
        def _():
            base = pl.multiple_of(ph * PH, 8)
            pltpu.sync_copy(src_hbm.at[wid].at[pl.ds(base, PH)], srcv)
            pltpu.sync_copy(dst_hbm.at[wid].at[pl.ds(base, PH)], dstv)
        for b in range(NBUF):
            pltpu.async_copy(out_hbm.at[srcv.at[jnp.int32(b)]],
                             rowbuf.at[jnp.int32(b)], sems[b])

        def outer(i, carry):
            for b in range(NBUF):
                j = i * NBUF + b
                pltpu.make_async_copy(out_hbm.at[srcv.at[j]],
                                      rowbuf.at[jnp.int32(b)], sems[b]).wait()
                pltpu.sync_copy(rowbuf.at[jnp.int32(b)],
                                spmem.at[dstv.at[j]], add=True)
                nj = j + NBUF

                @pl.when(nj < PH)
                def _():
                    pltpu.async_copy(out_hbm.at[srcv.at[nj]],
                                     rowbuf.at[jnp.int32(b)], sems[b])
            return carry

        lax.fori_loop(jnp.int32(0), jnp.int32(PH // NBUF), outer,
                      jnp.int32(0))
        return pcarry

    lax.fori_loop(jnp.int32(0), jnp.int32(NPH), phase, jnp.int32(0))
    plsc.subcore_barrier()
    pltpu.sync_copy(spmem.at[pl.ds(s * ZPR, ZPR)],
                    hpart_hbm.at[c].at[pl.ds(s * ZPR, ZPR)])


@functools.cache
def _sc_seg():
    return pl.kernel(
        _sc_seg_body,
        out_type=jax.ShapeDtypeStruct((NC, RPAD, D), jnp.float32),
        mesh=_mesh(),
        scratch_types=[
            pltpu.MemorySpace.VMEM((PH, CHUNK), jnp.int32),
            pltpu.MemorySpace.VMEM((PH, CHUNK), jnp.int32),
            pltpu.MemorySpace.VMEM((NBUF, CHUNK, D), jnp.float32),
            pltpu.MemorySpace.VMEM((8, D), jnp.float32),
            pltpu.MemorySpace.VMEM_SHARED((RPAD, D), jnp.float32),
            pltpu.SemaphoreType.DMA,
        ] + [pltpu.SemaphoreType.DMA] * NBUF,
    )


def _sc_pool_body(out_hbm, ridx_hbm, psum_hbm, idxv, rows, partial, sem):
    c = lax.axis_index("c")
    s = lax.axis_index("s")
    wid = c * NS + s
    pltpu.sync_copy(ridx_hbm.at[wid], idxv)
    pltpu.async_copy(out_hbm.at[idxv.at[jnp.int32(0)]], rows, sem).wait()
    for col in range(D // 16):
        def rsum(r, acc):
            return acc + rows[r, pl.ds(col * 16, 16)]
        acc = lax.fori_loop(jnp.int32(0), jnp.int32(KPW), rsum,
                            jnp.zeros((16,), jnp.float32))
        partial[0, pl.ds(col * 16, 16)] = acc
    pltpu.sync_copy(partial, psum_hbm.at[wid])


@functools.cache
def _sc_pool():
    return pl.kernel(
        _sc_pool_body,
        out_type=jax.ShapeDtypeStruct((NW, 1, D), jnp.float32),
        mesh=_mesh(),
        scratch_types=[
            pltpu.MemorySpace.VMEM((1, KPW), jnp.int32),
            pltpu.MemorySpace.VMEM((KPW, D), jnp.float32),
            pltpu.MemorySpace.VMEM((1, D), jnp.float32),
            pltpu.SemaphoreType.DMA,
        ],
    )



def kernel(x, edge_index, readout_idx, W, Wx, b, Wr, br):
    x = x.astype(jnp.float32)
    src = edge_index[0].astype(jnp.int32)
    dst = edge_index[1].astype(jnp.int32)
    ridx = readout_idx.astype(jnp.int32).reshape(NW, 1, KPW)
    npad = EPAD - E
    pad_ids = jnp.arange(npad, dtype=jnp.int32)
    src_p = jnp.concatenate([src, pad_ids % N]).reshape(NW, CPW, CHUNK)
    dst_p = jnp.concatenate([dst, N + pad_ids % (RPAD - N)]).reshape(
        NW, CPW, CHUNK)
    b2 = b.astype(jnp.float32).reshape(1, D)
    br2 = br.astype(jnp.float32).reshape(1, D)
    w = W.astype(jnp.float32)

    seg = _sc_seg()
    cx, out1 = _tc_in(x, Wx.astype(jnp.float32), b2)
    h1p = seg(out1, src_p, dst_p)
    out2 = _tc_mid(h1p, cx, w)
    h2p = seg(out2, src_p, dst_p)
    out3 = _tc_mid(h2p, cx, w)
    psum = _sc_pool()(out3, ridx).reshape(NW, D)
    rd = _tc_out(psum, Wr.astype(jnp.float32), br2)
    return rd.reshape(D).astype(jnp.float64)

# --- scband reference (transcript-rebuilt; emitter-appended) ---
"""Pipeline reference for scband-cyclic-net-61899068670202 (READ-ONLY COPY).

The authoritative reference and input builder live on the scoring server;
editing this copy changes nothing except your own understanding.
"""

import jax
import jax.numpy as jnp
import numpy as np
from jax import config
config.update("jax_enable_x64", True)

N = 10000      # number of neurons (nodes)
E = 320000     # number of directed edges (avg_degree=32)
D = 128        # per-neuron activation dim
K = 1024       # number of readout in-neighbors
ITERS = 3      # number_iterations


def setup_inputs(seed: int = 0) -> dict:
    key = jax.random.key(seed)
    ks = jax.random.split(key, 8)
    x = jax.random.normal(ks[0], (N, D), dtype=jnp.float32)
    edge_index = jax.random.randint(ks[1], (2, E), 0, N, dtype=jnp.int64)
    readout_idx = jax.random.randint(ks[2], (K,), 0, N, dtype=jnp.int64)
    s = 1.0 / np.sqrt(D)
    W = jax.random.normal(ks[3], (D, D), dtype=jnp.float32) * s   # weights on aggregated in-neighbor activations
    Wx = jax.random.normal(ks[4], (D, D), dtype=jnp.float32) * s  # weights on external input x
    b = jnp.zeros((D,), dtype=jnp.float32)
    Wr = jax.random.normal(ks[5], (D, D), dtype=jnp.float32) * s  # readout neuron weights
    br = jnp.zeros((D,), dtype=jnp.float32)
    return {"x": x, "edge_index": edge_index, "readout_idx": readout_idx,
            "W": W, "Wx": Wx, "b": b, "Wr": Wr, "br": br}


def reference(x, edge_index, readout_idx, W, Wx, b, Wr, br):
    # Vectorized translation of CyclicNet.propagate run for `number_iterations` steps.
    # activations_sink[current][inneighbor] (all initialized to zeros in the torch code)
    # is modeled as h[current] = sum over in-neighbors of their last-iteration outputs
    # (scatter-add over dst). neuron.compute(in_acts, x) is modeled as
    # tanh(h @ W + x @ Wx + b), identical for every neuron, fused into one matmul.
    src = edge_index[0]
    dst = edge_index[1]
    h = jnp.zeros_like(x)               # initial zero activations_sink
    out = jnp.zeros_like(x)
    for _ in range(ITERS):
        out = jnp.tanh(h @ W + x @ Wx + b)          # next_activations_source[current]
        msgs = jnp.take(out, src, axis=0)            # gather each source neuron's output per edge
        h = jax.ops.segment_sum(msgs, dst, num_segments=N)  # next_activations_sink aggregation
    # readout neuron (ID -1): sink node aggregating its in-neighbors' final outputs
    pooled = jnp.sum(jnp.take(out, readout_idx, axis=0), axis=0)
    readout = jnp.tanh(pooled @ Wr + br)
    return readout

if __name__ == "__main__":
    import jax
    _d = setup_inputs()
    print(jax.jit(kernel)(*tuple(_d.values())))

</pallas_src>

<mosaic_0001>
#map = affine_map<(d0, d1) -> (0, 0)>
#map1 = affine_map<(d0, d1) -> (0, 0, 0)>
module attributes {stable_mosaic.version = 14 : i64} {
  func.func @_sc_pool_body(%arg0: i32, %arg1: i32, %arg2: memref<10000x128xf32, #tpu.memory_space<hbm>>, %arg3: memref<32x1x32xi32, #tpu.memory_space<hbm>>, %arg4: memref<32x1x128xf32, #tpu.memory_space<hbm>>, %arg5: memref<1x32xi32, #tpu.memory_space<vmem>>, %arg6: memref<32x128xf32, #tpu.memory_space<vmem>>, %arg7: memref<1x128xf32, #tpu.memory_space<vmem>>, %arg8: memref<!tpu.dma_semaphore, #tpu.memory_space<semaphore_mem>>) attributes {dimension_semantics = [#tpu.dimension_semantics<core_parallel>, #tpu.dimension_semantics<subcore_parallel>], iteration_bounds = array<i64: 2, 16>, scalar_prefetch = 0 : i64, scratch_operands = 4 : i64, tpu.core_type = #tpu.core_type<sc_vector_subcore>, window_params = [{transform_indices = #map}, {transform_indices = #map1}, {transform_indices = #map1}]} {
    %mul3A = arith.constant 16 : i32
    %mul3A_0 = arith.muli %arg0, %mul3A : i32
    %add3A = arith.addi %mul3A_0, %arg1 : i32
    "tpu.region"() ({
      %run_scoped3A = tpu.sem_alloc : memref<!tpu.dma_semaphore, #tpu.memory_space<semaphore_mem>>
      %dma_start3A_170 = arith.constant 0 : i32
      %dma_start3A_171 = arith.constant 0 : i32
      %dma_start3A_172 = tpu.memref_slice %arg3[%add3A, %dma_start3A_170, %dma_start3A_171] : memref<32x1x32xi32, #tpu.memory_space<hbm>> -> memref<1x1x32xi32, #tpu.memory_space<hbm>>
      %dma_start3A_173 = tpu.memref_squeeze %dma_start3A_172 : memref<1x1x32xi32, #tpu.memory_space<hbm>> -> memref<1x32xi32, #tpu.memory_space<hbm>>
      %dma_start3A_174 = arith.constant 0 : i32
      %dma_start3A_175 = arith.constant 0 : i32
      %dma_start3A_176 = tpu.memref_slice %arg3[%add3A, %dma_start3A_174, %dma_start3A_175] : memref<32x1x32xi32, #tpu.memory_space<hbm>> -> memref<1x1x32xi32, #tpu.memory_space<hbm>>
      %dma_start3A_177 = tpu.memref_squeeze %dma_start3A_176 : memref<1x1x32xi32, #tpu.memory_space<hbm>> -> memref<1x32xi32, #tpu.memory_space<hbm>>
      tpu.enqueue_dma source(%dma_start3A_177 : memref<1x32xi32, #tpu.memory_space<hbm>>) target(%arg5 : memref<1x32xi32, #tpu.memory_space<vmem>>) target_semaphore(%run_scoped3A : memref<!tpu.dma_semaphore, #tpu.memory_space<semaphore_mem>>)
      %dma_wait3A_178 = arith.constant 0 : i32
      %dma_wait3A_179 = arith.constant 0 : i32
      %dma_wait3A_180 = tpu.memref_slice %arg3[%add3A, %dma_wait3A_178, %dma_wait3A_179] : memref<32x1x32xi32, #tpu.memory_space<hbm>> -> memref<1x1x32xi32, #tpu.memory_space<hbm>>
      %dma_wait3A_181 = tpu.memref_squeeze %dma_wait3A_180 : memref<1x1x32xi32, #tpu.memory_space<hbm>> -> memref<1x32xi32, #tpu.memory_space<hbm>>
      %dma_wait3A_182 = arith.constant 0 : i32
      %dma_wait3A_183 = arith.constant 0 : i32
      %dma_wait3A_184 = tpu.memref_slice %arg3[%add3A, %dma_wait3A_182, %dma_wait3A_183] : memref<32x1x32xi32, #tpu.memory_space<hbm>> -> memref<1x1x32xi32, #tpu.memory_space<hbm>>
      %dma_wait3A_185 = tpu.memref_squeeze %dma_wait3A_184 : memref<1x1x32xi32, #tpu.memory_space<hbm>> -> memref<1x32xi32, #tpu.memory_space<hbm>>
      tpu.wait_dma2 semaphore(%run_scoped3A : memref<!tpu.dma_semaphore, #tpu.memory_space<semaphore_mem>>) src(%dma_wait3A_185 : memref<1x32xi32, #tpu.memory_space<hbm>>) dst(%arg5 : memref<1x32xi32, #tpu.memory_space<vmem>>)
      tpu.yield
    }) : () -> ()
    %dma_start3A = arith.constant 0 : i32
    %dma_start3A_1 = arith.constant 0 : i32
    %dma_start3A_2 = tpu.memref_slice %arg5[%dma_start3A, %dma_start3A_1] : memref<1x32xi32, #tpu.memory_space<vmem>> -> memref<1x32xi32, #tpu.memory_space<vmem>>
    %dma_start3A_3 = tpu.memref_squeeze %dma_start3A_2 : memref<1x32xi32, #tpu.memory_space<vmem>> -> memref<32xi32, #tpu.memory_space<vmem>>
    %dma_start3A_4 = arith.constant 0 : i32
    %dma_start3A_5 = arith.constant 0 : i32
    %dma_start3A_6 = tpu.memref_slice %arg2[%dma_start3A_4, %dma_start3A_5] : memref<10000x128xf32, #tpu.memory_space<hbm>> -> memref<10000x128xf32, #tpu.memory_space<hbm>>
    tpu.enqueue_indirect_dma source(%dma_start3A_6 : memref<10000x128xf32, #tpu.memory_space<hbm>>) target(%arg6 : memref<32x128xf32, #tpu.memory_space<vmem>>) offsets(%dma_start3A_3 : memref<32xi32, #tpu.memory_space<vmem>>) semaphore(%arg8 : memref<!tpu.dma_semaphore, #tpu.memory_space<semaphore_mem>>)
    %dma_wait3A = arith.constant 0 : i32
    %dma_wait3A_7 = arith.constant 0 : i32
    %dma_wait3A_8 = tpu.memref_slice %arg5[%dma_wait3A, %dma_wait3A_7] : memref<1x32xi32, #tpu.memory_space<vmem>> -> memref<1x32xi32, #tpu.memory_space<vmem>>
    %dma_wait3A_9 = tpu.memref_squeeze %dma_wait3A_8 : memref<1x32xi32, #tpu.memory_space<vmem>> -> memref<32xi32, #tpu.memory_space<vmem>>
    %dma_wait3A_10 = arith.constant 0 : i32
    %dma_wait3A_11 = arith.constant 0 : i32
    %dma_wait3A_12 = tpu.memref_slice %arg2[%dma_wait3A_10, %dma_wait3A_11] : memref<10000x128xf32, #tpu.memory_space<hbm>> -> memref<10000x128xf32, #tpu.memory_space<hbm>>
    tpu.wait_indirect_dma semaphore(%arg8 : memref<!tpu.dma_semaphore, #tpu.memory_space<semaphore_mem>>) src(%dma_wait3A_12 : memref<10000x128xf32, #tpu.memory_space<hbm>>) dst(%arg6 : memref<32x128xf32, #tpu.memory_space<vmem>>)
    %broadcast_in_dim3A = arith.constant 0.000000e+00 : f32
    %broadcast_in_dim3A_13 = vector.broadcast %broadcast_in_dim3A : f32 to vector<16xf32>
    %while3A = arith.constant 0 : i32
    %while3A_14 = arith.constant 32 : i32
    %while3A_15 = arith.subi %while3A_14, %while3A : i32
    %while3A_16 = arith.addi %while3A, %while3A_15 : i32
    %while3A_17 = arith.constant 1 : i32
    %while3A_18 = arith.divsi %while3A_15, %while3A_17 : i32
    %while3A_19 = arith.muli %while3A_18, %while3A_17 : i32
    %while3A_20 = arith.addi %while3A, %while3A_19 : i32
    %while3A_21 = arith.constant 1 : i32
    %while3A_22 = scf.for %while3A_170 = %while3A to %while3A_20 step %while3A_21 iter_args(%while3A_171 = %broadcast_in_dim3A_13) -> (vector<16xf32>)  : i32 {
      %get3A = arith.index_cast %while3A_170 : i32 to index
      %get3A_172 = arith.constant 0 : index
      %get3A_173 = tpu.vector_load %arg6[%get3A, %get3A_172] {strides = array<i32>} : memref<32x128xf32, #tpu.memory_space<vmem>>, vector<1x16xf32>,
      %get3A_174 = vector.shape_cast %get3A_173 : vector<1x16xf32> to vector<16xf32>
      %add3A_175 = arith.addf %while3A_171, %get3A_174 : vector<16xf32>
      scf.yield %add3A_175 : vector<16xf32>
    }
    %while3A_23 = arith.constant 1 : i32
    %while3A_24 = scf.for %while3A_170 = %while3A_20 to %while3A_16 step %while3A_23 iter_args(%while3A_171 = %while3A_22) -> (vector<16xf32>)  : i32 {
      %get3A = arith.index_cast %while3A_170 : i32 to index
      %get3A_172 = arith.constant 0 : index
      %get3A_173 = tpu.vector_load %arg6[%get3A, %get3A_172] {strides = array<i32>} : memref<32x128xf32, #tpu.memory_space<vmem>>, vector<1x16xf32>,
      %get3A_174 = vector.shape_cast %get3A_173 : vector<1x16xf32> to vector<16xf32>
      %add3A_175 = arith.addf %while3A_171, %get3A_174 : vector<16xf32>
      scf.yield %add3A_175 : vector<16xf32>
    }
    %swap3A = arith.constant 0 : i64
    %swap3A_25 = arith.index_cast %swap3A : i64 to index
    %swap3A_26 = arith.constant 0 : index
    %swap3A_27 = tpu.vector_load %arg7[%swap3A_25, %swap3A_26] {strides = array<i32>} : memref<1x128xf32, #tpu.memory_space<vmem>>, vector<1x16xf32>,
    %swap3A_28 = vector.shape_cast %swap3A_27 : vector<1x16xf32> to vector<16xf32>
    %swap3A_29 = vector.shape_cast %while3A_24 : vector<16xf32> to vector<1x16xf32>
    tpu.vector_store %arg7[%swap3A_25, %swap3A_26], %swap3A_29 {strides = array<i32>} : memref<1x128xf32, #tpu.memory_space<vmem>>, vector<1x16xf32>,
    %broadcast_in_dim3A_30 = arith.constant 0.000000e+00 : f32
    %broadcast_in_dim3A_31 = vector.broadcast %broadcast_in_dim3A_30 : f32 to vector<16xf32>
    %while3A_32 = arith.constant 0 : i32
    %while3A_33 = arith.constant 32 : i32
    %while3A_34 = arith.subi %while3A_33, %while3A_32 : i32
    %while3A_35 = arith.addi %while3A_32, %while3A_34 : i32
    %while3A_36 = arith.constant 1 : i32
    %while3A_37 = arith.divsi %while3A_34, %while3A_36 : i32
    %while3A_38 = arith.muli %while3A_37, %while3A_36 : i32
    %while3A_39 = arith.addi %while3A_32, %while3A_38 : i32
    %while3A_40 = arith.constant 1 : i32
    %while3A_41 = scf.for %while3A_170 = %while3A_32 to %while3A_39 step %while3A_40 iter_args(%while3A_171 = %broadcast_in_dim3A_31) -> (vector<16xf32>)  : i32 {
      %get3A = arith.index_cast %while3A_170 : i32 to index
      %get3A_172 = arith.constant 16 : index
      %get3A_173 = tpu.vector_load %arg6[%get3A, %get3A_172] {strides = array<i32>} : memref<32x128xf32, #tpu.memory_space<vmem>>, vector<1x16xf32>,
      %get3A_174 = vector.shape_cast %get3A_173 : vector<1x16xf32> to vector<16xf32>
      %add3A_175 = arith.addf %while3A_171, %get3A_174 : vector<16xf32>
      scf.yield %add3A_175 : vector<16xf32>
    }
    %while3A_42 = arith.constant 1 : i32
    %while3A_43 = scf.for %while3A_170 = %while3A_39 to %while3A_35 step %while3A_42 iter_args(%while3A_171 = %while3A_41) -> (vector<16xf32>)  : i32 {
      %get3A = arith.index_cast %while3A_170 : i32 to index
      %get3A_172 = arith.constant 16 : index
      %get3A_173 = tpu.vector_load %arg6[%get3A, %get3A_172] {strides = array<i32>} : memref<32x128xf32, #tpu.memory_space<vmem>>, vector<1x16xf32>,
      %get3A_174 = vector.shape_cast %get3A_173 : vector<1x16xf32> to vector<16xf32>
      %add3A_175 = arith.addf %while3A_171, %get3A_174 : vector<16xf32>
      scf.yield %add3A_175 : vector<16xf32>
    }
    %swap3A_44 = arith.constant 0 : i64
    %swap3A_45 = arith.index_cast %swap3A_44 : i64 to index
    %swap3A_46 = arith.constant 16 : index
    %swap3A_47 = tpu.vector_load %arg7[%swap3A_45, %swap3A_46] {strides = array<i32>} : memref<1x128xf32, #tpu.memory_space<vmem>>, vector<1x16xf32>,
    %swap3A_48 = vector.shape_cast %swap3A_47 : vector<1x16xf32> to vector<16xf32>
    %swap3A_49 = vector.shape_cast %while3A_43 : vector<16xf32> to vector<1x16xf32>
    tpu.vector_store %arg7[%swap3A_45, %swap3A_46], %swap3A_49 {strides = array<i32>} : memref<1x128xf32, #tpu.memory_space<vmem>>, vector<1x16xf32>,
    %broadcast_in_dim3A_50 = arith.constant 0.000000e+00 : f32
    %broadcast_in_dim3A_51 = vector.broadcast %broadcast_in_dim3A_50 : f32 to vector<16xf32>
    %while3A_52 = arith.constant 0 : i32
    %while3A_53 = arith.constant 32 : i32
    %while3A_54 = arith.subi %while3A_53, %while3A_52 : i32
    %while3A_55 = arith.addi %while3A_52, %while3A_54 : i32
    %while3A_56 = arith.constant 1 : i32
    %while3A_57 = arith.divsi %while3A_54, %while3A_56 : i32
    %while3A_58 = arith.muli %while3A_57, %while3A_56 : i32
    %while3A_59 = arith.addi %while3A_52, %while3A_58 : i32
    %while3A_60 = arith.constant 1 : i32
    %while3A_61 = scf.for %while3A_170 = %while3A_52 to %while3A_59 step %while3A_60 iter_args(%while3A_171 = %broadcast_in_dim3A_51) -> (vector<16xf32>)  : i32 {
      %get3A = arith.index_cast %while3A_170 : i32 to index
      %get3A_172 = arith.constant 32 : index
      %get3A_173 = tpu.vector_load %arg6[%get3A, %get3A_172] {strides = array<i32>} : memref<32x128xf32, #tpu.memory_space<vmem>>, vector<1x16xf32>,
      %get3A_174 = vector.shape_cast %get3A_173 : vector<1x16xf32> to vector<16xf32>
      %add3A_175 = arith.addf %while3A_171, %get3A_174 : vector<16xf32>
      scf.yield %add3A_175 : vector<16xf32>
    }
    %while3A_62 = arith.constant 1 : i32
    %while3A_63 = scf.for %while3A_170 = %while3A_59 to %while3A_55 step %while3A_62 iter_args(%while3A_171 = %while3A_61) -> (vector<16xf32>)  : i32 {
      %get3A = arith.index_cast %while3A_170 : i32 to index
      %get3A_172 = arith.constant 32 : index
      %get3A_173 = tpu.vector_load %arg6[%get3A, %get3A_172] {strides = array<i32>} : memref<32x128xf32, #tpu.memory_space<vmem>>, vector<1x16xf32>,
      %get3A_174 = vector.shape_cast %get3A_173 : vector<1x16xf32> to vector<16xf32>
      %add3A_175 = arith.addf %while3A_171, %get3A_174 : vector<16xf32>
      scf.yield %add3A_175 : vector<16xf32>
    }
    %swap3A_64 = arith.constant 0 : i64
    %swap3A_65 = arith.index_cast %swap3A_64 : i64 to index
    %swap3A_66 = arith.constant 32 : index
    %swap3A_67 = tpu.vector_load %arg7[%swap3A_65, %swap3A_66] {strides = array<i32>} : memref<1x128xf32, #tpu.memory_space<vmem>>, vector<1x16xf32>,
    %swap3A_68 = vector.shape_cast %swap3A_67 : vector<1x16xf32> to vector<16xf32>
    %swap3A_69 = vector.shape_cast %while3A_63 : vector<16xf32> to vector<1x16xf32>
    tpu.vector_store %arg7[%swap3A_65, %swap3A_66], %swap3A_69 {strides = array<i32>} : memref<1x128xf32, #tpu.memory_space<vmem>>, vector<1x16xf32>,
    %broadcast_in_dim3A_70 = arith.constant 0.000000e+00 : f32
    %broadcast_in_dim3A_71 = vector.broadcast %broadcast_in_dim3A_70 : f32 to vector<16xf32>
    %while3A_72 = arith.constant 0 : i32
    %while3A_73 = arith.constant 32 : i32
    %while3A_74 = arith.subi %while3A_73, %while3A_72 : i32
    %while3A_75 = arith.addi %while3A_72, %while3A_74 : i32
    %while3A_76 = arith.constant 1 : i32
    %while3A_77 = arith.divsi %while3A_74, %while3A_76 : i32
    %while3A_78 = arith.muli %while3A_77, %while3A_76 : i32
    %while3A_79 = arith.addi %while3A_72, %while3A_78 : i32
    %while3A_80 = arith.constant 1 : i32
    %while3A_81 = scf.for %while3A_170 = %while3A_72 to %while3A_79 step %while3A_80 iter_args(%while3A_171 = %broadcast_in_dim3A_71) -> (vector<16xf32>)  : i32 {
      %get3A = arith.index_cast %while3A_170 : i32 to index
      %get3A_172 = arith.constant 48 : index
      %get3A_173 = tpu.vector_load %arg6[%get3A, %get3A_172] {strides = array<i32>} : memref<32x128xf32, #tpu.memory_space<vmem>>, vector<1x16xf32>,
      %get3A_174 = vector.shape_cast %get3A_173 : vector<1x16xf32> to vector<16xf32>
      %add3A_175 = arith.addf %while3A_171, %get3A_174 : vector<16xf32>
      scf.yield %add3A_175 : vector<16xf32>
    }
    %while3A_82 = arith.constant 1 : i32
    %while3A_83 = scf.for %while3A_170 = %while3A_79 to %while3A_75 step %while3A_82 iter_args(%while3A_171 = %while3A_81) -> (vector<16xf32>)  : i32 {
      %get3A = arith.index_cast %while3A_170 : i32 to index
      %get3A_172 = arith.constant 48 : index
      %get3A_173 = tpu.vector_load %arg6[%get3A, %get3A_172] {strides = array<i32>} : memref<32x128xf32, #tpu.memory_space<vmem>>, vector<1x16xf32>,
      %get3A_174 = vector.shape_cast %get3A_173 : vector<1x16xf32> to vector<16xf32>
      %add3A_175 = arith.addf %while3A_171, %get3A_174 : vector<16xf32>
      scf.yield %add3A_175 : vector<16xf32>
    }
    %swap3A_84 = arith.constant 0 : i64
    %swap3A_85 = arith.index_cast %swap3A_84 : i64 to index
    %swap3A_86 = arith.constant 48 : index
    %swap3A_87 = tpu.vector_load %arg7[%swap3A_85, %swap3A_86] {strides = array<i32>} : memref<1x128xf32, #tpu.memory_space<vmem>>, vector<1x16xf32>,
    %swap3A_88 = vector.shape_cast %swap3A_87 : vector<1x16xf32> to vector<16xf32>
    %swap3A_89 = vector.shape_cast %while3A_83 : vector<16xf32> to vector<1x16xf32>
    tpu.vector_store %arg7[%swap3A_85, %swap3A_86], %swap3A_89 {strides = array<i32>} : memref<1x128xf32, #tpu.memory_space<vmem>>, vector<1x16xf32>,
    %broadcast_in_dim3A_90 = arith.constant 0.000000e+00 : f32
    %broadcast_in_dim3A_91 = vector.broadcast %broadcast_in_dim3A_90 : f32 to vector<16xf32>
    %while3A_92 = arith.constant 0 : i32
    %while3A_93 = arith.constant 32 : i32
    %while3A_94 = arith.subi %while3A_93, %while3A_92 : i32
    %while3A_95 = arith.addi %while3A_92, %while3A_94 : i32
    %while3A_96 = arith.constant 1 : i32
    %while3A_97 = arith.divsi %while3A_94, %while3A_96 : i32
    %while3A_98 = arith.muli %while3A_97, %while3A_96 : i32
    %while3A_99 = arith.addi %while3A_92, %while3A_98 : i32
    %while3A_100 = arith.constant 1 : i32
    %while3A_101 = scf.for %while3A_170 = %while3A_92 to %while3A_99 step %while3A_100 iter_args(%while3A_171 = %broadcast_in_dim3A_91) -> (vector<16xf32>)  : i32 {
      %get3A = arith.index_cast %while3A_170 : i32 to index
      %get3A_172 = arith.constant 64 : index
      %get3A_173 = tpu.vector_load %arg6[%get3A, %get3A_172] {strides = array<i32>} : memref<32x128xf32, #tpu.memory_space<vmem>>, vector<1x16xf32>,
      %get3A_174 = vector.shape_cast %get3A_173 : vector<1x16xf32> to vector<16xf32>
      %add3A_175 = arith.addf %while3A_171, %get3A_174 : vector<16xf32>
      scf.yield %add3A_175 : vector<16xf32>
    }
    %while3A_102 = arith.constant 1 : i32
    %while3A_103 = scf.for %while3A_170 = %while3A_99 to %while3A_95 step %while3A_102 iter_args(%while3A_171 = %while3A_101) -> (vector<16xf32>)  : i32 {
      %get3A = arith.index_cast %while3A_170 : i32 to index
      %get3A_172 = arith.constant 64 : index
      %get3A_173 = tpu.vector_load %arg6[%get3A, %get3A_172] {strides = array<i32>} : memref<32x128xf32, #tpu.memory_space<vmem>>, vector<1x16xf32>,
      %get3A_174 = vector.shape_cast %get3A_173 : vector<1x16xf32> to vector<16xf32>
      %add3A_175 = arith.addf %while3A_171, %get3A_174 : vector<16xf32>
      scf.yield %add3A_175 : vector<16xf32>
    }
    %swap3A_104 = arith.constant 0 : i64
    %swap3A_105 = arith.index_cast %swap3A_104 : i64 to index
    %swap3A_106 = arith.constant 64 : index
    %swap3A_107 = tpu.vector_load %arg7[%swap3A_105, %swap3A_106] {strides = array<i32>} : memref<1x128xf32, #tpu.memory_space<vmem>>, vector<1x16xf32>,
    %swap3A_108 = vector.shape_cast %swap3A_107 : vector<1x16xf32> to vector<16xf32>
    %swap3A_109 = vector.shape_cast %while3A_103 : vector<16xf32> to vector<1x16xf32>
    tpu.vector_store %arg7[%swap3A_105, %swap3A_106], %swap3A_109 {strides = array<i32>} : memref<1x128xf32, #tpu.memory_space<vmem>>, vector<1x16xf32>,
    %broadcast_in_dim3A_110 = arith.constant 0.000000e+00 : f32
    %broadcast_in_dim3A_111 = vector.broadcast %broadcast_in_dim3A_110 : f32 to vector<16xf32>
    %while3A_112 = arith.constant 0 : i32
    %while3A_113 = arith.constant 32 : i32
    %while3A_114 = arith.subi %while3A_113, %while3A_112 : i32
    %while3A_115 = arith.addi %while3A_112, %while3A_114 : i32
    %while3A_116 = arith.constant 1 : i32
    %while3A_117 = arith.divsi %while3A_114, %while3A_116 : i32
    %while3A_118 = arith.muli %while3A_117, %while3A_116 : i32
    %while3A_119 = arith.addi %while3A_112, %while3A_118 : i32
    %while3A_120 = arith.constant 1 : i32
    %while3A_121 = scf.for %while3A_170 = %while3A_112 to %while3A_119 step %while3A_120 iter_args(%while3A_171 = %broadcast_in_dim3A_111) -> (vector<16xf32>)  : i32 {
      %get3A = arith.index_cast %while3A_170 : i32 to index
      %get3A_172 = arith.constant 80 : index
      %get3A_173 = tpu.vector_load %arg6[%get3A, %get3A_172] {strides = array<i32>} : memref<32x128xf32, #tpu.memory_space<vmem>>, vector<1x16xf32>,
      %get3A_174 = vector.shape_cast %get3A_173 : vector<1x16xf32> to vector<16xf32>
      %add3A_175 = arith.addf %while3A_171, %get3A_174 : vector<16xf32>
      scf.yield %add3A_175 : vector<16xf32>
    }
    %while3A_122 = arith.constant 1 : i32
    %while3A_123 = scf.for %while3A_170 = %while3A_119 to %while3A_115 step %while3A_122 iter_args(%while3A_171 = %while3A_121) -> (vector<16xf32>)  : i32 {
      %get3A = arith.index_cast %while3A_170 : i32 to index
      %get3A_172 = arith.constant 80 : index
      %get3A_173 = tpu.vector_load %arg6[%get3A, %get3A_172] {strides = array<i32>} : memref<32x128xf32, #tpu.memory_space<vmem>>, vector<1x16xf32>,
      %get3A_174 = vector.shape_cast %get3A_173 : vector<1x16xf32> to vector<16xf32>
      %add3A_175 = arith.addf %while3A_171, %get3A_174 : vector<16xf32>
      scf.yield %add3A_175 : vector<16xf32>
    }
    %swap3A_124 = arith.constant 0 : i64
    %swap3A_125 = arith.index_cast %swap3A_124 : i64 to index
    %swap3A_126 = arith.constant 80 : index
    %swap3A_127 = tpu.vector_load %arg7[%swap3A_125, %swap3A_126] {strides = array<i32>} : memref<1x128xf32, #tpu.memory_space<vmem>>, vector<1x16xf32>,
    %swap3A_128 = vector.shape_cast %swap3A_127 : vector<1x16xf32> to vector<16xf32>
    %swap3A_129 = vector.shape_cast %while3A_123 : vector<16xf32> to vector<1x16xf32>
    tpu.vector_store %arg7[%swap3A_125, %swap3A_126], %swap3A_129 {strides = array<i32>} : memref<1x128xf32, #tpu.memory_space<vmem>>, vector<1x16xf32>,
    %broadcast_in_dim3A_130 = arith.constant 0.000000e+00 : f32
    %broadcast_in_dim3A_131 = vector.broadcast %broadcast_in_dim3A_130 : f32 to vector<16xf32>
    %while3A_132 = arith.constant 0 : i32
    %while3A_133 = arith.constant 32 : i32
    %while3A_134 = arith.subi %while3A_133, %while3A_132 : i32
    %while3A_135 = arith.addi %while3A_132, %while3A_134 : i32
    %while3A_136 = arith.constant 1 : i32
    %while3A_137 = arith.divsi %while3A_134, %while3A_136 : i32
    %while3A_138 = arith.muli %while3A_137, %while3A_136 : i32
    %while3A_139 = arith.addi %while3A_132, %while3A_138 : i32
    %while3A_140 = arith.constant 1 : i32
    %while3A_141 = scf.for %while3A_170 = %while3A_132 to %while3A_139 step %while3A_140 iter_args(%while3A_171 = %broadcast_in_dim3A_131) -> (vector<16xf32>)  : i32 {
      %get3A = arith.index_cast %while3A_170 : i32 to index
      %get3A_172 = arith.constant 96 : index
      %get3A_173 = tpu.vector_load %arg6[%get3A, %get3A_172] {strides = array<i32>} : memref<32x128xf32, #tpu.memory_space<vmem>>, vector<1x16xf32>,
      %get3A_174 = vector.shape_cast %get3A_173 : vector<1x16xf32> to vector<16xf32>
      %add3A_175 = arith.addf %while3A_171, %get3A_174 : vector<16xf32>
      scf.yield %add3A_175 : vector<16xf32>
    }
    %while3A_142 = arith.constant 1 : i32
    %while3A_143 = scf.for %while3A_170 = %while3A_139 to %while3A_135 step %while3A_142 iter_args(%while3A_171 = %while3A_141) -> (vector<16xf32>)  : i32 {
      %get3A = arith.index_cast %while3A_170 : i32 to index
      %get3A_172 = arith.constant 96 : index
      %get3A_173 = tpu.vector_load %arg6[%get3A, %get3A_172] {strides = array<i32>} : memref<32x128xf32, #tpu.memory_space<vmem>>, vector<1x16xf32>,
      %get3A_174 = vector.shape_cast %get3A_173 : vector<1x16xf32> to vector<16xf32>
      %add3A_175 = arith.addf %while3A_171, %get3A_174 : vector<16xf32>
      scf.yield %add3A_175 : vector<16xf32>
    }
    %swap3A_144 = arith.constant 0 : i64
    %swap3A_145 = arith.index_cast %swap3A_144 : i64 to index
    %swap3A_146 = arith.constant 96 : index
    %swap3A_147 = tpu.vector_load %arg7[%swap3A_145, %swap3A_146] {strides = array<i32>} : memref<1x128xf32, #tpu.memory_space<vmem>>, vector<1x16xf32>,
    %swap3A_148 = vector.shape_cast %swap3A_147 : vector<1x16xf32> to vector<16xf32>
    %swap3A_149 = vector.shape_cast %while3A_143 : vector<16xf32> to vector<1x16xf32>
    tpu.vector_store %arg7[%swap3A_145, %swap3A_146], %swap3A_149 {strides = array<i32>} : memref<1x128xf32, #tpu.memory_space<vmem>>, vector<1x16xf32>,
    %broadcast_in_dim3A_150 = arith.constant 0.000000e+00 : f32
    %broadcast_in_dim3A_151 = vector.broadcast %broadcast_in_dim3A_150 : f32 to vector<16xf32>
    %while3A_152 = arith.constant 0 : i32
    %while3A_153 = arith.constant 32 : i32
    %while3A_154 = arith.subi %while3A_153, %while3A_152 : i32
    %while3A_155 = arith.addi %while3A_152, %while3A_154 : i32
    %while3A_156 = arith.constant 1 : i32
    %while3A_157 = arith.divsi %while3A_154, %while3A_156 : i32
    %while3A_158 = arith.muli %while3A_157, %while3A_156 : i32
    %while3A_159 = arith.addi %while3A_152, %while3A_158 : i32
    %while3A_160 = arith.constant 1 : i32
    %while3A_161 = scf.for %while3A_170 = %while3A_152 to %while3A_159 step %while3A_160 iter_args(%while3A_171 = %broadcast_in_dim3A_151) -> (vector<16xf32>)  : i32 {
      %get3A = arith.index_cast %while3A_170 : i32 to index
      %get3A_172 = arith.constant 112 : index
      %get3A_173 = tpu.vector_load %arg6[%get3A, %get3A_172] {strides = array<i32>} : memref<32x128xf32, #tpu.memory_space<vmem>>, vector<1x16xf32>,
      %get3A_174 = vector.shape_cast %get3A_173 : vector<1x16xf32> to vector<16xf32>
      %add3A_175 = arith.addf %while3A_171, %get3A_174 : vector<16xf32>
      scf.yield %add3A_175 : vector<16xf32>
    }
    %while3A_162 = arith.constant 1 : i32
    %while3A_163 = scf.for %while3A_170 = %while3A_159 to %while3A_155 step %while3A_162 iter_args(%while3A_171 = %while3A_161) -> (vector<16xf32>)  : i32 {
      %get3A = arith.index_cast %while3A_170 : i32 to index
      %get3A_172 = arith.constant 112 : index
      %get3A_173 = tpu.vector_load %arg6[%get3A, %get3A_172] {strides = array<i32>} : memref<32x128xf32, #tpu.memory_space<vmem>>, vector<1x16xf32>,
      %get3A_174 = vector.shape_cast %get3A_173 : vector<1x16xf32> to vector<16xf32>
      %add3A_175 = arith.addf %while3A_171, %get3A_174 : vector<16xf32>
      scf.yield %add3A_175 : vector<16xf32>
    }
    %swap3A_164 = arith.constant 0 : i64
    %swap3A_165 = arith.index_cast %swap3A_164 : i64 to index
    %swap3A_166 = arith.constant 112 : index
    %swap3A_167 = tpu.vector_load %arg7[%swap3A_165, %swap3A_166] {strides = array<i32>} : memref<1x128xf32, #tpu.memory_space<vmem>>, vector<1x16xf32>,
    %swap3A_168 = vector.shape_cast %swap3A_167 : vector<1x16xf32> to vector<16xf32>
    %swap3A_169 = vector.shape_cast %while3A_163 : vector<16xf32> to vector<1x16xf32>
    tpu.vector_store %arg7[%swap3A_165, %swap3A_166], %swap3A_169 {strides = array<i32>} : memref<1x128xf32, #tpu.memory_space<vmem>>, vector<1x16xf32>,
    "tpu.region"() ({
      %run_scoped3A = tpu.sem_alloc : memref<!tpu.dma_semaphore, #tpu.memory_space<semaphore_mem>>
      %dma_start3A_170 = arith.constant 0 : i32
      %dma_start3A_171 = arith.constant 0 : i32
      %dma_start3A_172 = tpu.memref_slice %arg4[%add3A, %dma_start3A_170, %dma_start3A_171] : memref<32x1x128xf32, #tpu.memory_space<hbm>> -> memref<1x1x128xf32, #tpu.memory_space<hbm>>
      %dma_start3A_173 = tpu.memref_squeeze %dma_start3A_172 : memref<1x1x128xf32, #tpu.memory_space<hbm>> -> memref<1x128xf32, #tpu.memory_space<hbm>>
      %dma_start3A_174 = arith.constant 0 : i32
      %dma_start3A_175 = arith.constant 0 : i32
      %dma_start3A_176 = tpu.memref_slice %arg4[%add3A, %dma_start3A_174, %dma_start3A_175] : memref<32x1x128xf32, #tpu.memory_space<hbm>> -> memref<1x1x128xf32, #tpu.memory_space<hbm>>
      %dma_start3A_177 = tpu.memref_squeeze %dma_start3A_176 : memref<1x1x128xf32, #tpu.memory_space<hbm>> -> memref<1x128xf32, #tpu.memory_space<hbm>>
      tpu.enqueue_dma source(%arg7 : memref<1x128xf32, #tpu.memory_space<vmem>>) target(%dma_start3A_177 : memref<1x128xf32, #tpu.memory_space<hbm>>) target_semaphore(%run_scoped3A : memref<!tpu.dma_semaphore, #tpu.memory_space<semaphore_mem>>)
      %dma_wait3A_178 = arith.constant 0 : i32
      %dma_wait3A_179 = arith.constant 0 : i32
      %dma_wait3A_180 = tpu.memref_slice %arg4[%add3A, %dma_wait3A_178, %dma_wait3A_179] : memref<32x1x128xf32, #tpu.memory_space<hbm>> -> memref<1x1x128xf32, #tpu.memory_space<hbm>>
      %dma_wait3A_181 = tpu.memref_squeeze %dma_wait3A_180 : memref<1x1x128xf32, #tpu.memory_space<hbm>> -> memref<1x128xf32, #tpu.memory_space<hbm>>
      %dma_wait3A_182 = arith.constant 0 : i32
      %dma_wait3A_183 = arith.constant 0 : i32
      %dma_wait3A_184 = tpu.memref_slice %arg4[%add3A, %dma_wait3A_182, %dma_wait3A_183] : memref<32x1x128xf32, #tpu.memory_space<hbm>> -> memref<1x1x128xf32, #tpu.memory_space<hbm>>
      %dma_wait3A_185 = tpu.memref_squeeze %dma_wait3A_184 : memref<1x1x128xf32, #tpu.memory_space<hbm>> -> memref<1x128xf32, #tpu.memory_space<hbm>>
      tpu.wait_dma2 semaphore(%run_scoped3A : memref<!tpu.dma_semaphore, #tpu.memory_space<semaphore_mem>>) src(%arg7 : memref<1x128xf32, #tpu.memory_space<vmem>>) dst(%dma_wait3A_185 : memref<1x128xf32, #tpu.memory_space<hbm>>)
      tpu.yield
    }) : () -> ()
    return
  }
}

#map = affine_map<(d0, d1) -> (0, 0)>
#map1 = affine_map<(d0, d1) -> (0, 0, 0)>
module attributes {stable_mosaic.version = 14 : i64} {
  func.func @_sc_seg_body(%arg0: i32, %arg1: i32, %arg2: memref<10000x128xf32, #tpu.memory_space<hbm>>, %arg3: memref<32x160x64xi32, #tpu.memory_space<hbm>>, %arg4: memref<32x160x64xi32, #tpu.memory_space<hbm>>, %arg5: memref<2x10112x128xf32, #tpu.memory_space<hbm>>, %arg6: memref<40x64xi32, #tpu.memory_space<vmem>>, %arg7: memref<40x64xi32, #tpu.memory_space<vmem>>, %arg8: memref<4x64x128xf32, #tpu.memory_space<vmem>>, %arg9: memref<8x128xf32, #tpu.memory_space<vmem>>, %arg10: memref<10112x128xf32, #tpu.memory_space<vmem_shared>>, %arg11: memref<!tpu.dma_semaphore, #tpu.memory_space<semaphore_mem>>, %arg12: memref<!tpu.dma_semaphore, #tpu.memory_space<semaphore_mem>>, %arg13: memref<!tpu.dma_semaphore, #tpu.memory_space<semaphore_mem>>, %arg14: memref<!tpu.dma_semaphore, #tpu.memory_space<semaphore_mem>>, %arg15: memref<!tpu.dma_semaphore, #tpu.memory_space<semaphore_mem>>) attributes {dimension_semantics = [#tpu.dimension_semantics<core_parallel>, #tpu.dimension_semantics<subcore_parallel>], iteration_bounds = array<i64: 2, 16>, scalar_prefetch = 0 : i64, scratch_operands = 10 : i64, tpu.core_type = #tpu.core_type<sc_vector_subcore>, window_params = [{transform_indices = #map}, {transform_indices = #map1}, {transform_indices = #map1}, {transform_indices = #map1}]} {
    %mul3A = arith.constant 16 : i32
    %mul3A_0 = arith.muli %arg0, %mul3A : i32
    %add3A = arith.addi %mul3A_0, %arg1 : i32
    %broadcast_in_dim3A = arith.constant 0.000000e+00 : f32
    %broadcast_in_dim3A_1 = vector.broadcast %broadcast_in_dim3A : f32 to vector<16xf32>
    %swap3A = arith.constant 0 : i32
    %swap3A_2 = arith.index_cast %swap3A : i32 to index
    %swap3A_3 = arith.constant 0 : index
    %swap3A_4 = tpu.vector_load %arg9[%swap3A_2, %swap3A_3] {strides = array<i32>} : memref<8x128xf32, #tpu.memory_space<vmem>>, vector<1x16xf32>,
    %swap3A_5 = vector.shape_cast %swap3A_4 : vector<1x16xf32> to vector<16xf32>
    %swap3A_6 = vector.shape_cast %broadcast_in_dim3A_1 : vector<16xf32> to vector<1x16xf32>
    tpu.vector_store %arg9[%swap3A_2, %swap3A_3], %swap3A_6 {strides = array<i32>} : memref<8x128xf32, #tpu.memory_space<vmem>>, vector<1x16xf32>,
    %broadcast_in_dim3A_7 = arith.constant 0.000000e+00 : f32
    %broadcast_in_dim3A_8 = vector.broadcast %broadcast_in_dim3A_7 : f32 to vector<16xf32>
    %swap3A_9 = arith.constant 0 : i32
    %swap3A_10 = arith.index_cast %swap3A_9 : i32 to index
    %swap3A_11 = arith.constant 16 : index
    %swap3A_12 = tpu.vector_load %arg9[%swap3A_10, %swap3A_11] {strides = array<i32>} : memref<8x128xf32, #tpu.memory_space<vmem>>, vector<1x16xf32>,
    %swap3A_13 = vector.shape_cast %swap3A_12 : vector<1x16xf32> to vector<16xf32>
    %swap3A_14 = vector.shape_cast %broadcast_in_dim3A_8 : vector<16xf32> to vector<1x16xf32>
    tpu.vector_store %arg9[%swap3A_10, %swap3A_11], %swap3A_14 {strides = array<i32>} : memref<8x128xf32, #tpu.memory_space<vmem>>, vector<1x16xf32>,
    %broadcast_in_dim3A_15 = arith.constant 0.000000e+00 : f32
    %broadcast_in_dim3A_16 = vector.broadcast %broadcast_in_dim3A_15 : f32 to vector<16xf32>
    %swap3A_17 = arith.constant 0 : i32
    %swap3A_18 = arith.index_cast %swap3A_17 : i32 to index
    %swap3A_19 = arith.constant 32 : index
    %swap3A_20 = tpu.vector_load %arg9[%swap3A_18, %swap3A_19] {strides = array<i32>} : memref<8x128xf32, #tpu.memory_space<vmem>>, vector<1x16xf32>,
    %swap3A_21 = vector.shape_cast %swap3A_20 : vector<1x16xf32> to vector<16xf32>
    %swap3A_22 = vector.shape_cast %broadcast_in_dim3A_16 : vector<16xf32> to vector<1x16xf32>
    tpu.vector_store %arg9[%swap3A_18, %swap3A_19], %swap3A_22 {strides = array<i32>} : memref<8x128xf32, #tpu.memory_space<vmem>>, vector<1x16xf32>,
    %broadcast_in_dim3A_23 = arith.constant 0.000000e+00 : f32
    %broadcast_in_dim3A_24 = vector.broadcast %broadcast_in_dim3A_23 : f32 to vector<16xf32>
    %swap3A_25 = arith.constant 0 : i32
    %swap3A_26 = arith.index_cast %swap3A_25 : i32 to index
    %swap3A_27 = arith.constant 48 : index
    %swap3A_28 = tpu.vector_load %arg9[%swap3A_26, %swap3A_27] {strides = array<i32>} : memref<8x128xf32, #tpu.memory_space<vmem>>, vector<1x16xf32>,
    %swap3A_29 = vector.shape_cast %swap3A_28 : vector<1x16xf32> to vector<16xf32>
    %swap3A_30 = vector.shape_cast %broadcast_in_dim3A_24 : vector<16xf32> to vector<1x16xf32>
    tpu.vector_store %arg9[%swap3A_26, %swap3A_27], %swap3A_30 {strides = array<i32>} : memref<8x128xf32, #tpu.memory_space<vmem>>, vector<1x16xf32>,
    %broadcast_in_dim3A_31 = arith.constant 0.000000e+00 : f32
    %broadcast_in_dim3A_32 = vector.broadcast %broadcast_in_dim3A_31 : f32 to vector<16xf32>
    %swap3A_33 = arith.constant 0 : i32
    %swap3A_34 = arith.index_cast %swap3A_33 : i32 to index
    %swap3A_35 = arith.constant 64 : index
    %swap3A_36 = tpu.vector_load %arg9[%swap3A_34, %swap3A_35] {strides = array<i32>} : memref<8x128xf32, #tpu.memory_space<vmem>>, vector<1x16xf32>,
    %swap3A_37 = vector.shape_cast %swap3A_36 : vector<1x16xf32> to vector<16xf32>
    %swap3A_38 = vector.shape_cast %broadcast_in_dim3A_32 : vector<16xf32> to vector<1x16xf32>
    tpu.vector_store %arg9[%swap3A_34, %swap3A_35], %swap3A_38 {strides = array<i32>} : memref<8x128xf32, #tpu.memory_space<vmem>>, vector<1x16xf32>,
    %broadcast_in_dim3A_39 = arith.constant 0.000000e+00 : f32
    %broadcast_in_dim3A_40 = vector.broadcast %broadcast_in_dim3A_39 : f32 to vector<16xf32>
    %swap3A_41 = arith.constant 0 : i32
    %swap3A_42 = arith.index_cast %swap3A_41 : i32 to index
    %swap3A_43 = arith.constant 80 : index
    %swap3A_44 = tpu.vector_load %arg9[%swap3A_42, %swap3A_43] {strides = array<i32>} : memref<8x128xf32, #tpu.memory_space<vmem>>, vector<1x16xf32>,
    %swap3A_45 = vector.shape_cast %swap3A_44 : vector<1x16xf32> to vector<16xf32>
    %swap3A_46 = vector.shape_cast %broadcast_in_dim3A_40 : vector<16xf32> to vector<1x16xf32>
    tpu.vector_store %arg9[%swap3A_42, %swap3A_43], %swap3A_46 {strides = array<i32>} : memref<8x128xf32, #tpu.memory_space<vmem>>, vector<1x16xf32>,
    %broadcast_in_dim3A_47 = arith.constant 0.000000e+00 : f32
    %broadcast_in_dim3A_48 = vector.broadcast %broadcast_in_dim3A_47 : f32 to vector<16xf32>
    %swap3A_49 = arith.constant 0 : i32
    %swap3A_50 = arith.index_cast %swap3A_49 : i32 to index
    %swap3A_51 = arith.constant 96 : index
    %swap3A_52 = tpu.vector_load %arg9[%swap3A_50, %swap3A_51] {strides = array<i32>} : memref<8x128xf32, #tpu.memory_space<vmem>>, vector<1x16xf32>,
    %swap3A_53 = vector.shape_cast %swap3A_52 : vector<1x16xf32> to vector<16xf32>
    %swap3A_54 = vector.shape_cast %broadcast_in_dim3A_48 : vector<16xf32> to vector<1x16xf32>
    tpu.vector_store %arg9[%swap3A_50, %swap3A_51], %swap3A_54 {strides = array<i32>} : memref<8x128xf32, #tpu.memory_space<vmem>>, vector<1x16xf32>,
    %broadcast_in_dim3A_55 = arith.constant 0.000000e+00 : f32
    %broadcast_in_dim3A_56 = vector.broadcast %broadcast_in_dim3A_55 : f32 to vector<16xf32>
    %swap3A_57 = arith.constant 0 : i32
    %swap3A_58 = arith.index_cast %swap3A_57 : i32 to index
    %swap3A_59 = arith.constant 112 : index
    %swap3A_60 = tpu.vector_load %arg9[%swap3A_58, %swap3A_59] {strides = array<i32>} : memref<8x128xf32, #tpu.memory_space<vmem>>, vector<1x16xf32>,
    %swap3A_61 = vector.shape_cast %swap3A_60 : vector<1x16xf32> to vector<16xf32>
    %swap3A_62 = vector.shape_cast %broadcast_in_dim3A_56 : vector<16xf32> to vector<1x16xf32>
    tpu.vector_store %arg9[%swap3A_58, %swap3A_59], %swap3A_62 {strides = array<i32>} : memref<8x128xf32, #tpu.memory_space<vmem>>, vector<1x16xf32>,
    %broadcast_in_dim3A_63 = arith.constant 0.000000e+00 : f32
    %broadcast_in_dim3A_64 = vector.broadcast %broadcast_in_dim3A_63 : f32 to vector<16xf32>
    %swap3A_65 = arith.constant 1 : i32
    %swap3A_66 = arith.index_cast %swap3A_65 : i32 to index
    %swap3A_67 = arith.constant 0 : index
    %swap3A_68 = tpu.vector_load %arg9[%swap3A_66, %swap3A_67] {strides = array<i32>} : memref<8x128xf32, #tpu.memory_space<vmem>>, vector<1x16xf32>,
    %swap3A_69 = vector.shape_cast %swap3A_68 : vector<1x16xf32> to vector<16xf32>
    %swap3A_70 = vector.shape_cast %broadcast_in_dim3A_64 : vector<16xf32> to vector<1x16xf32>
    tpu.vector_store %arg9[%swap3A_66, %swap3A_67], %swap3A_70 {strides = array<i32>} : memref<8x128xf32, #tpu.memory_space<vmem>>, vector<1x16xf32>,
    %broadcast_in_dim3A_71 = arith.constant 0.000000e+00 : f32
    %broadcast_in_dim3A_72 = vector.broadcast %broadcast_in_dim3A_71 : f32 to vector<16xf32>
    %swap3A_73 = arith.constant 1 : i32
    %swap3A_74 = arith.index_cast %swap3A_73 : i32 to index
    %swap3A_75 = arith.constant 16 : index
    %swap3A_76 = tpu.vector_load %arg9[%swap3A_74, %swap3A_75] {strides = array<i32>} : memref<8x128xf32, #tpu.memory_space<vmem>>, vector<1x16xf32>,
    %swap3A_77 = vector.shape_cast %swap3A_76 : vector<1x16xf32> to vector<16xf32>
    %swap3A_78 = vector.shape_cast %broadcast_in_dim3A_72 : vector<16xf32> to vector<1x16xf32>
    tpu.vector_store %arg9[%swap3A_74, %swap3A_75], %swap3A_78 {strides = array<i32>} : memref<8x128xf32, #tpu.memory_space<vmem>>, vector<1x16xf32>,
    %broadcast_in_dim3A_79 = arith.constant 0.000000e+00 : f32
    %broadcast_in_dim3A_80 = vector.broadcast %broadcast_in_dim3A_79 : f32 to vector<16xf32>
    %swap3A_81 = arith.constant 1 : i32
    %swap3A_82 = arith.index_cast %swap3A_81 : i32 to index
    %swap3A_83 = arith.constant 32 : index
    %swap3A_84 = tpu.vector_load %arg9[%swap3A_82, %swap3A_83] {strides = array<i32>} : memref<8x128xf32, #tpu.memory_space<vmem>>, vector<1x16xf32>,
    %swap3A_85 = vector.shape_cast %swap3A_84 : vector<1x16xf32> to vector<16xf32>
    %swap3A_86 = vector.shape_cast %broadcast_in_dim3A_80 : vector<16xf32> to vector<1x16xf32>
    tpu.vector_store %arg9[%swap3A_82, %swap3A_83], %swap3A_86 {strides = array<i32>} : memref<8x128xf32, #tpu.memory_space<vmem>>, vector<1x16xf32>,
    %broadcast_in_dim3A_87 = arith.constant 0.000000e+00 : f32
    %broadcast_in_dim3A_88 = vector.broadcast %broadcast_in_dim3A_87 : f32 to vector<16xf32>
    %swap3A_89 = arith.constant 1 : i32
    %swap3A_90 = arith.index_cast %swap3A_89 : i32 to index
    %swap3A_91 = arith.constant 48 : index
    %swap3A_92 = tpu.vector_load %arg9[%swap3A_90, %swap3A_91] {strides = array<i32>} : memref<8x128xf32, #tpu.memory_space<vmem>>, vector<1x16xf32>,
    %swap3A_93 = vector.shape_cast %swap3A_92 : vector<1x16xf32> to vector<16xf32>
    %swap3A_94 = vector.shape_cast %broadcast_in_dim3A_88 : vector<16xf32> to vector<1x16xf32>
    tpu.vector_store %arg9[%swap3A_90, %swap3A_91], %swap3A_94 {strides = array<i32>} : memref<8x128xf32, #tpu.memory_space<vmem>>, vector<1x16xf32>,
    %broadcast_in_dim3A_95 = arith.constant 0.000000e+00 : f32
    %broadcast_in_dim3A_96 = vector.broadcast %broadcast_in_dim3A_95 : f32 to vector<16xf32>
    %swap3A_97 = arith.constant 1 : i32
    %swap3A_98 = arith.index_cast %swap3A_97 : i32 to index
    %swap3A_99 = arith.constant 64 : index
    %swap3A_100 = tpu.vector_load %arg9[%swap3A_98, %swap3A_99] {strides = array<i32>} : memref<8x128xf32, #tpu.memory_space<vmem>>, vector<1x16xf32>,
    %swap3A_101 = vector.shape_cast %swap3A_100 : vector<1x16xf32> to vector<16xf32>
    %swap3A_102 = vector.shape_cast %broadcast_in_dim3A_96 : vector<16xf32> to vector<1x16xf32>
    tpu.vector_store %arg9[%swap3A_98, %swap3A_99], %swap3A_102 {strides = array<i32>} : memref<8x128xf32, #tpu.memory_space<vmem>>, vector<1x16xf32>,
    %broadcast_in_dim3A_103 = arith.constant 0.000000e+00 : f32
    %broadcast_in_dim3A_104 = vector.broadcast %broadcast_in_dim3A_103 : f32 to vector<16xf32>
    %swap3A_105 = arith.constant 1 : i32
    %swap3A_106 = arith.index_cast %swap3A_105 : i32 to index
    %swap3A_107 = arith.constant 80 : index
    %swap3A_108 = tpu.vector_load %arg9[%swap3A_106, %swap3A_107] {strides = array<i32>} : memref<8x128xf32, #tpu.memory_space<vmem>>, vector<1x16xf32>,
    %swap3A_109 = vector.shape_cast %swap3A_108 : vector<1x16xf32> to vector<16xf32>
    %swap3A_110 = vector.shape_cast %broadcast_in_dim3A_104 : vector<16xf32> to vector<1x16xf32>
    tpu.vector_store %arg9[%swap3A_106, %swap3A_107], %swap3A_110 {strides = array<i32>} : memref<8x128xf32, #tpu.memory_space<vmem>>, vector<1x16xf32>,
    %broadcast_in_dim3A_111 = arith.constant 0.000000e+00 : f32
    %broadcast_in_dim3A_112 = vector.broadcast %broadcast_in_dim3A_111 : f32 to vector<16xf32>
    %swap3A_113 = arith.constant 1 : i32
    %swap3A_114 = arith.index_cast %swap3A_113 : i32 to index
    %swap3A_115 = arith.constant 96 : index
    %swap3A_116 = tpu.vector_load %arg9[%swap3A_114, %swap3A_115] {strides = array<i32>} : memref<8x128xf32, #tpu.memory_space<vmem>>, vector<1x16xf32>,
    %swap3A_117 = vector.shape_cast %swap3A_116 : vector<1x16xf32> to vector<16xf32>
    %swap3A_118 = vector.shape_cast %broadcast_in_dim3A_112 : vector<16xf32> to vector<1x16xf32>
    tpu.vector_store %arg9[%swap3A_114, %swap3A_115], %swap3A_118 {strides = array<i32>} : memref<8x128xf32, #tpu.memory_space<vmem>>, vector<1x16xf32>,
    %broadcast_in_dim3A_119 = arith.constant 0.000000e+00 : f32
    %broadcast_in_dim3A_120 = vector.broadcast %broadcast_in_dim3A_119 : f32 to vector<16xf32>
    %swap3A_121 = arith.constant 1 : i32
    %swap3A_122 = arith.index_cast %swap3A_121 : i32 to index
    %swap3A_123 = arith.constant 112 : index
    %swap3A_124 = tpu.vector_load %arg9[%swap3A_122, %swap3A_123] {strides = array<i32>} : memref<8x128xf32, #tpu.memory_space<vmem>>, vector<1x16xf32>,
    %swap3A_125 = vector.shape_cast %swap3A_124 : vector<1x16xf32> to vector<16xf32>
    %swap3A_126 = vector.shape_cast %broadcast_in_dim3A_120 : vector<16xf32> to vector<1x16xf32>
    tpu.vector_store %arg9[%swap3A_122, %swap3A_123], %swap3A_126 {strides = array<i32>} : memref<8x128xf32, #tpu.memory_space<vmem>>, vector<1x16xf32>,
    %broadcast_in_dim3A_127 = arith.constant 0.000000e+00 : f32
    %broadcast_in_dim3A_128 = vector.broadcast %broadcast_in_dim3A_127 : f32 to vector<16xf32>
    %swap3A_129 = arith.constant 2 : i32
    %swap3A_130 = arith.index_cast %swap3A_129 : i32 to index
    %swap3A_131 = arith.constant 0 : index
    %swap3A_132 = tpu.vector_load %arg9[%swap3A_130, %swap3A_131] {strides = array<i32>} : memref<8x128xf32, #tpu.memory_space<vmem>>, vector<1x16xf32>,
    %swap3A_133 = vector.shape_cast %swap3A_132 : vector<1x16xf32> to vector<16xf32>
    %swap3A_134 = vector.shape_cast %broadcast_in_dim3A_128 : vector<16xf32> to vector<1x16xf32>
    tpu.vector_store %arg9[%swap3A_130, %swap3A_131], %swap3A_134 {strides = array<i32>} : memref<8x128xf32, #tpu.memory_space<vmem>>, vector<1x16xf32>,
    %broadcast_in_dim3A_135 = arith.constant 0.000000e+00 : f32
    %broadcast_in_dim3A_136 = vector.broadcast %broadcast_in_dim3A_135 : f32 to vector<16xf32>
    %swap3A_137 = arith.constant 2 : i32
    %swap3A_138 = arith.index_cast %swap3A_137 : i32 to index
    %swap3A_139 = arith.constant 16 : index
    %swap3A_140 = tpu.vector_load %arg9[%swap3A_138, %swap3A_139] {strides = array<i32>} : memref<8x128xf32, #tpu.memory_space<vmem>>, vector<1x16xf32>,
    %swap3A_141 = vector.shape_cast %swap3A_140 : vector<1x16xf32> to vector<16xf32>
    %swap3A_142 = vector.shape_cast %broadcast_in_dim3A_136 : vector<16xf32> to vector<1x16xf32>
    tpu.vector_store %arg9[%swap3A_138, %swap3A_139], %swap3A_142 {strides = array<i32>} : memref<8x128xf32, #tpu.memory_space<vmem>>, vector<1x16xf32>,
    %broadcast_in_dim3A_143 = arith.constant 0.000000e+00 : f32
    %broadcast_in_dim3A_144 = vector.broadcast %broadcast_in_dim3A_143 : f32 to vector<16xf32>
    %swap3A_145 = arith.constant 2 : i32
    %swap3A_146 = arith.index_cast %swap3A_145 : i32 to index
    %swap3A_147 = arith.constant 32 : index
    %swap3A_148 = tpu.vector_load %arg9[%swap3A_146, %swap3A_147] {strides = array<i32>} : memref<8x128xf32, #tpu.memory_space<vmem>>, vector<1x16xf32>,
    %swap3A_149 = vector.shape_cast %swap3A_148 : vector<1x16xf32> to vector<16xf32>
    %swap3A_150 = vector.shape_cast %broadcast_in_dim3A_144 : vector<16xf32> to vector<1x16xf32>
    tpu.vector_store %arg9[%swap3A_146, %swap3A_147], %swap3A_150 {strides = array<i32>} : memref<8x128xf32, #tpu.memory_space<vmem>>, vector<1x16xf32>,
    %broadcast_in_dim3A_151 = arith.constant 0.000000e+00 : f32
    %broadcast_in_dim3A_152 = vector.broadcast %broadcast_in_dim3A_151 : f32 to vector<16xf32>
    %swap3A_153 = arith.constant 2 : i32
    %swap3A_154 = arith.index_cast %swap3A_153 : i32 to index
    %swap3A_155 = arith.constant 48 : index
    %swap3A_156 = tpu.vector_load %arg9[%swap3A_154, %swap3A_155] {strides = array<i32>} : memref<8x128xf32, #tpu.memory_space<vmem>>, vector<1x16xf32>,
    %swap3A_157 = vector.shape_cast %swap3A_156 : vector<1x16xf32> to vector<16xf32>
    %swap3A_158 = vector.shape_cast %broadcast_in_dim3A_152 : vector<16xf32> to vector<1x16xf32>
    tpu.vector_store %arg9[%swap3A_154, %swap3A_155], %swap3A_158 {strides = array<i32>} : memref<8x128xf32, #tpu.memory_space<vmem>>, vector<1x16xf32>,
    %broadcast_in_dim3A_159 = arith.constant 0.000000e+00 : f32
    %broadcast_in_dim3A_160 = vector.broadcast %broadcast_in_dim3A_159 : f32 to vector<16xf32>
    %swap3A_161 = arith.constant 2 : i32
    %swap3A_162 = arith.index_cast %swap3A_161 : i32 to index
    %swap3A_163 = arith.constant 64 : index
    %swap3A_164 = tpu.vector_load %arg9[%swap3A_162, %swap3A_163] {strides = array<i32>} : memref<8x128xf32, #tpu.memory_space<vmem>>, vector<1x16xf32>,
    %swap3A_165 = vector.shape_cast %swap3A_164 : vector<1x16xf32> to vector<16xf32>
    %swap3A_166 = vector.shape_cast %broadcast_in_dim3A_160 : vector<16xf32> to vector<1x16xf32>
    tpu.vector_store %arg9[%swap3A_162, %swap3A_163], %swap3A_166 {strides = array<i32>} : memref<8x128xf32, #tpu.memory_space<vmem>>, vector<1x16xf32>,
    %broadcast_in_dim3A_167 = arith.constant 0.000000e+00 : f32
    %broadcast_in_dim3A_168 = vector.broadcast %broadcast_in_dim3A_167 : f32 to vector<16xf32>
    %swap3A_169 = arith.constant 2 : i32
    %swap3A_170 = arith.index_cast %swap3A_169 : i32 to index
    %swap3A_171 = arith.constant 80 : index
    %swap3A_172 = tpu.vector_load %arg9[%swap3A_170, %swap3A_171] {strides = array<i32>} : memref<8x128xf32, #tpu.memory_space<vmem>>, vector<1x16xf32>,
    %swap3A_173 = vector.shape_cast %swap3A_172 : vector<1x16xf32> to vector<16xf32>
    %swap3A_174 = vector.shape_cast %broadcast_in_dim3A_168 : vector<16xf32> to vector<1x16xf32>
    tpu.vector_store %arg9[%swap3A_170, %swap3A_171], %swap3A_174 {strides = array<i32>} : memref<8x128xf32, #tpu.memory_space<vmem>>, vector<1x16xf32>,
    %broadcast_in_dim3A_175 = arith.constant 0.000000e+00 : f32
    %broadcast_in_dim3A_176 = vector.broadcast %broadcast_in_dim3A_175 : f32 to vector<16xf32>
    %swap3A_177 = arith.constant 2 : i32
    %swap3A_178 = arith.index_cast %swap3A_177 : i32 to index
    %swap3A_179 = arith.constant 96 : index
    %swap3A_180 = tpu.vector_load %arg9[%swap3A_178, %swap3A_179] {strides = array<i32>} : memref<8x128xf32, #tpu.memory_space<vmem>>, vector<1x16xf32>,
    %swap3A_181 = vector.shape_cast %swap3A_180 : vector<1x16xf32> to vector<16xf32>
    %swap3A_182 = vector.shape_cast %broadcast_in_dim3A_176 : vector<16xf32> to vector<1x16xf32>
    tpu.vector_store %arg9[%swap3A_178, %swap3A_179], %swap3A_182 {strides = array<i32>} : memref<8x128xf32, #tpu.memory_space<vmem>>, vector<1x16xf32>,
    %broadcast_in_dim3A_183 = arith.constant 0.000000e+00 : f32
    %broadcast_in_dim3A_184 = vector.broadcast %broadcast_in_dim3A_183 : f32 to vector<16xf32>
    %swap3A_185 = arith.constant 2 : i32
    %swap3A_186 = arith.index_cast %swap3A_185 : i32 to index
    %swap3A_187 = arith.constant 112 : index
    %swap3A_188 = tpu.vector_load %arg9[%swap3A_186, %swap3A_187] {strides = array<i32>} : memref<8x128xf32, #tpu.memory_space<vmem>>, vector<1x16xf32>,
    %swap3A_189 = vector.shape_cast %swap3A_188 : vector<1x16xf32> to vector<16xf32>
    %swap3A_190 = vector.shape_cast %broadcast_in_dim3A_184 : vector<16xf32> to vector<1x16xf32>
    tpu.vector_store %arg9[%swap3A_186, %swap3A_187], %swap3A_190 {strides = array<i32>} : memref<8x128xf32, #tpu.memory_space<vmem>>, vector<1x16xf32>,
    %broadcast_in_dim3A_191 = arith.constant 0.000000e+00 : f32
    %broadcast_in_dim3A_192 = vector.broadcast %broadcast_in_dim3A_191 : f32 to vector<16xf32>
    %swap3A_193 = arith.constant 3 : i32
    %swap3A_194 = arith.index_cast %swap3A_193 : i32 to index
    %swap3A_195 = arith.constant 0 : index
    %swap3A_196 = tpu.vector_load %arg9[%swap3A_194, %swap3A_195] {strides = array<i32>} : memref<8x128xf32, #tpu.memory_space<vmem>>, vector<1x16xf32>,
    %swap3A_197 = vector.shape_cast %swap3A_196 : vector<1x16xf32> to vector<16xf32>
    %swap3A_198 = vector.shape_cast %broadcast_in_dim3A_192 : vector<16xf32> to vector<1x16xf32>
    tpu.vector_store %arg9[%swap3A_194, %swap3A_195], %swap3A_198 {strides = array<i32>} : memref<8x128xf32, #tpu.memory_space<vmem>>, vector<1x16xf32>,
    %broadcast_in_dim3A_199 = arith.constant 0.000000e+00 : f32
    %broadcast_in_dim3A_200 = vector.broadcast %broadcast_in_dim3A_199 : f32 to vector<16xf32>
    %swap3A_201 = arith.constant 3 : i32
    %swap3A_202 = arith.index_cast %swap3A_201 : i32 to index
    %swap3A_203 = arith.constant 16 : index
    %swap3A_204 = tpu.vector_load %arg9[%swap3A_202, %swap3A_203] {strides = array<i32>} : memref<8x128xf32, #tpu.memory_space<vmem>>, vector<1x16xf32>,
    %swap3A_205 = vector.shape_cast %swap3A_204 : vector<1x16xf32> to vector<16xf32>
    %swap3A_206 = vector.shape_cast %broadcast_in_dim3A_200 : vector<16xf32> to vector<1x16xf32>
    tpu.vector_store %arg9[%swap3A_202, %swap3A_203], %swap3A_206 {strides = array<i32>} : memref<8x128xf32, #tpu.memory_space<vmem>>, vector<1x16xf32>,
    %broadcast_in_dim3A_207 = arith.constant 0.000000e+00 : f32
    %broadcast_in_dim3A_208 = vector.broadcast %broadcast_in_dim3A_207 : f32 to vector<16xf32>
    %swap3A_209 = arith.constant 3 : i32
    %swap3A_210 = arith.index_cast %swap3A_209 : i32 to index
    %swap3A_211 = arith.constant 32 : index
    %swap3A_212 = tpu.vector_load %arg9[%swap3A_210, %swap3A_211] {strides = array<i32>} : memref<8x128xf32, #tpu.memory_space<vmem>>, vector<1x16xf32>,
    %swap3A_213 = vector.shape_cast %swap3A_212 : vector<1x16xf32> to vector<16xf32>
    %swap3A_214 = vector.shape_cast %broadcast_in_dim3A_208 : vector<16xf32> to vector<1x16xf32>
    tpu.vector_store %arg9[%swap3A_210, %swap3A_211], %swap3A_214 {strides = array<i32>} : memref<8x128xf32, #tpu.memory_space<vmem>>, vector<1x16xf32>,
    %broadcast_in_dim3A_215 = arith.constant 0.000000e+00 : f32
    %broadcast_in_dim3A_216 = vector.broadcast %broadcast_in_dim3A_215 : f32 to vector<16xf32>
    %swap3A_217 = arith.constant 3 : i32
    %swap3A_218 = arith.index_cast %swap3A_217 : i32 to index
    %swap3A_219 = arith.constant 48 : index
    %swap3A_220 = tpu.vector_load %arg9[%swap3A_218, %swap3A_219] {strides = array<i32>} : memref<8x128xf32, #tpu.memory_space<vmem>>, vector<1x16xf32>,
    %swap3A_221 = vector.shape_cast %swap3A_220 : vector<1x16xf32> to vector<16xf32>
    %swap3A_222 = vector.shape_cast %broadcast_in_dim3A_216 : vector<16xf32> to vector<1x16xf32>
    tpu.vector_store %arg9[%swap3A_218, %swap3A_219], %swap3A_222 {strides = array<i32>} : memref<8x128xf32, #tpu.memory_space<vmem>>, vector<1x16xf32>,
    %broadcast_in_dim3A_223 = arith.constant 0.000000e+00 : f32
    %broadcast_in_dim3A_224 = vector.broadcast %broadcast_in_dim3A_223 : f32 to vector<16xf32>
    %swap3A_225 = arith.constant 3 : i32
    %swap3A_226 = arith.index_cast %swap3A_225 : i32 to index
    %swap3A_227 = arith.constant 64 : index
    %swap3A_228 = tpu.vector_load %arg9[%swap3A_226, %swap3A_227] {strides = array<i32>} : memref<8x128xf32, #tpu.memory_space<vmem>>, vector<1x16xf32>,
    %swap3A_229 = vector.shape_cast %swap3A_228 : vector<1x16xf32> to vector<16xf32>
    %swap3A_230 = vector.shape_cast %broadcast_in_dim3A_224 : vector<16xf32> to vector<1x16xf32>
    tpu.vector_store %arg9[%swap3A_226, %swap3A_227], %swap3A_230 {strides = array<i32>} : memref<8x128xf32, #tpu.memory_space<vmem>>, vector<1x16xf32>,
    %broadcast_in_dim3A_231 = arith.constant 0.000000e+00 : f32
    %broadcast_in_dim3A_232 = vector.broadcast %broadcast_in_dim3A_231 : f32 to vector<16xf32>
    %swap3A_233 = arith.constant 3 : i32
    %swap3A_234 = arith.index_cast %swap3A_233 : i32 to index
    %swap3A_235 = arith.constant 80 : index
    %swap3A_236 = tpu.vector_load %arg9[%swap3A_234, %swap3A_235] {strides = array<i32>} : memref<8x128xf32, #tpu.memory_space<vmem>>, vector<1x16xf32>,
    %swap3A_237 = vector.shape_cast %swap3A_236 : vector<1x16xf32> to vector<16xf32>
    %swap3A_238 = vector.shape_cast %broadcast_in_dim3A_232 : vector<16xf32> to vector<1x16xf32>
    tpu.vector_store %arg9[%swap3A_234, %swap3A_235], %swap3A_238 {strides = array<i32>} : memref<8x128xf32, #tpu.memory_space<vmem>>, vector<1x16xf32>,
    %broadcast_in_dim3A_239 = arith.constant 0.000000e+00 : f32
    %broadcast_in_dim3A_240 = vector.broadcast %broadcast_in_dim3A_239 : f32 to vector<16xf32>
    %swap3A_241 = arith.constant 3 : i32
    %swap3A_242 = arith.index_cast %swap3A_241 : i32 to index
    %swap3A_243 = arith.constant 96 : index
    %swap3A_244 = tpu.vector_load %arg9[%swap3A_242, %swap3A_243] {strides = array<i32>} : memref<8x128xf32, #tpu.memory_space<vmem>>, vector<1x16xf32>,
    %swap3A_245 = vector.shape_cast %swap3A_244 : vector<1x16xf32> to vector<16xf32>
    %swap3A_246 = vector.shape_cast %broadcast_in_dim3A_240 : vector<16xf32> to vector<1x16xf32>
    tpu.vector_store %arg9[%swap3A_242, %swap3A_243], %swap3A_246 {strides = array<i32>} : memref<8x128xf32, #tpu.memory_space<vmem>>, vector<1x16xf32>,
    %broadcast_in_dim3A_247 = arith.constant 0.000000e+00 : f32
    %broadcast_in_dim3A_248 = vector.broadcast %broadcast_in_dim3A_247 : f32 to vector<16xf32>
    %swap3A_249 = arith.constant 3 : i32
    %swap3A_250 = arith.index_cast %swap3A_249 : i32 to index
    %swap3A_251 = arith.constant 112 : index
    %swap3A_252 = tpu.vector_load %arg9[%swap3A_250, %swap3A_251] {strides = array<i32>} : memref<8x128xf32, #tpu.memory_space<vmem>>, vector<1x16xf32>,
    %swap3A_253 = vector.shape_cast %swap3A_252 : vector<1x16xf32> to vector<16xf32>
    %swap3A_254 = vector.shape_cast %broadcast_in_dim3A_248 : vector<16xf32> to vector<1x16xf32>
    tpu.vector_store %arg9[%swap3A_250, %swap3A_251], %swap3A_254 {strides = array<i32>} : memref<8x128xf32, #tpu.memory_space<vmem>>, vector<1x16xf32>,
    %broadcast_in_dim3A_255 = arith.constant 0.000000e+00 : f32
    %broadcast_in_dim3A_256 = vector.broadcast %broadcast_in_dim3A_255 : f32 to vector<16xf32>
    %swap3A_257 = arith.constant 4 : i32
    %swap3A_258 = arith.index_cast %swap3A_257 : i32 to index
    %swap3A_259 = arith.constant 0 : index
    %swap3A_260 = tpu.vector_load %arg9[%swap3A_258, %swap3A_259] {strides = array<i32>} : memref<8x128xf32, #tpu.memory_space<vmem>>, vector<1x16xf32>,
    %swap3A_261 = vector.shape_cast %swap3A_260 : vector<1x16xf32> to vector<16xf32>
    %swap3A_262 = vector.shape_cast %broadcast_in_dim3A_256 : vector<16xf32> to vector<1x16xf32>
    tpu.vector_store %arg9[%swap3A_258, %swap3A_259], %swap3A_262 {strides = array<i32>} : memref<8x128xf32, #tpu.memory_space<vmem>>, vector<1x16xf32>,
    %broadcast_in_dim3A_263 = arith.constant 0.000000e+00 : f32
    %broadcast_in_dim3A_264 = vector.broadcast %broadcast_in_dim3A_263 : f32 to vector<16xf32>
    %swap3A_265 = arith.constant 4 : i32
    %swap3A_266 = arith.index_cast %swap3A_265 : i32 to index
    %swap3A_267 = arith.constant 16 : index
    %swap3A_268 = tpu.vector_load %arg9[%swap3A_266, %swap3A_267] {strides = array<i32>} : memref<8x128xf32, #tpu.memory_space<vmem>>, vector<1x16xf32>,
    %swap3A_269 = vector.shape_cast %swap3A_268 : vector<1x16xf32> to vector<16xf32>
    %swap3A_270 = vector.shape_cast %broadcast_in_dim3A_264 : vector<16xf32> to vector<1x16xf32>
    tpu.vector_store %arg9[%swap3A_266, %swap3A_267], %swap3A_270 {strides = array<i32>} : memref<8x128xf32, #tpu.memory_space<vmem>>, vector<1x16xf32>,
    %broadcast_in_dim3A_271 = arith.constant 0.000000e+00 : f32
    %broadcast_in_dim3A_272 = vector.broadcast %broadcast_in_dim3A_271 : f32 to vector<16xf32>
    %swap3A_273 = arith.constant 4 : i32
    %swap3A_274 = arith.index_cast %swap3A_273 : i32 to index
    %swap3A_275 = arith.constant 32 : index
    %swap3A_276 = tpu.vector_load %arg9[%swap3A_274, %swap3A_275] {strides = array<i32>} : memref<8x128xf32, #tpu.memory_space<vmem>>, vector<1x16xf32>,
    %swap3A_277 = vector.shape_cast %swap3A_276 : vector<1x16xf32> to vector<16xf32>
    %swap3A_278 = vector.shape_cast %broadcast_in_dim3A_272 : vector<16xf32> to vector<1x16xf32>
    tpu.vector_store %arg9[%swap3A_274, %swap3A_275], %swap3A_278 {strides = array<i32>} : memref<8x128xf32, #tpu.memory_space<vmem>>, vector<1x16xf32>,
    %broadcast_in_dim3A_279 = arith.constant 0.000000e+00 : f32
    %broadcast_in_dim3A_280 = vector.broadcast %broadcast_in_dim3A_279 : f32 to vector<16xf32>
    %swap3A_281 = arith.constant 4 : i32
    %swap3A_282 = arith.index_cast %swap3A_281 : i32 to index
    %swap3A_283 = arith.constant 48 : index
    %swap3A_284 = tpu.vector_load %arg9[%swap3A_282, %swap3A_283] {strides = array<i32>} : memref<8x128xf32, #tpu.memory_space<vmem>>, vector<1x16xf32>,
    %swap3A_285 = vector.shape_cast %swap3A_284 : vector<1x16xf32> to vector<16xf32>
    %swap3A_286 = vector.shape_cast %broadcast_in_dim3A_280 : vector<16xf32> to vector<1x16xf32>
    tpu.vector_store %arg9[%swap3A_282, %swap3A_283], %swap3A_286 {strides = array<i32>} : memref<8x128xf32, #tpu.memory_space<vmem>>, vector<1x16xf32>,
    %broadcast_in_dim3A_287 = arith.constant 0.000000e+00 : f32
    %broadcast_in_dim3A_288 = vector.broadcast %broadcast_in_dim3A_287 : f32 to vector<16xf32>
    %swap3A_289 = arith.constant 4 : i32
    %swap3A_290 = arith.index_cast %swap3A_289 : i32 to index
    %swap3A_291 = arith.constant 64 : index
    %swap3A_292 = tpu.vector_load %arg9[%swap3A_290, %swap3A_291] {strides = array<i32>} : memref<8x128xf32, #tpu.memory_space<vmem>>, vector<1x16xf32>,
    %swap3A_293 = vector.shape_cast %swap3A_292 : vector<1x16xf32> to vector<16xf32>
    %swap3A_294 = vector.shape_cast %broadcast_in_dim3A_288 : vector<16xf32> to vector<1x16xf32>
    tpu.vector_store %arg9[%swap3A_290, %swap3A_291], %swap3A_294 {strides = array<i32>} : memref<8x128xf32, #tpu.memory_space<vmem>>, vector<1x16xf32>,
    %broadcast_in_dim3A_295 = arith.constant 0.000000e+00 : f32
    %broadcast_in_dim3A_296 = vector.broadcast %broadcast_in_dim3A_295 : f32 to vector<16xf32>
    %swap3A_297 = arith.constant 4 : i32
    %swap3A_298 = arith.index_cast %swap3A_297 : i32 to index
    %swap3A_299 = arith.constant 80 : index
    %swap3A_300 = tpu.vector_load %arg9[%swap3A_298, %swap3A_299] {strides = array<i32>} : memref<8x128xf32, #tpu.memory_space<vmem>>, vector<1x16xf32>,
    %swap3A_301 = vector.shape_cast %swap3A_300 : vector<1x16xf32> to vector<16xf32>
    %swap3A_302 = vector.shape_cast %broadcast_in_dim3A_296 : vector<16xf32> to vector<1x16xf32>
    tpu.vector_store %arg9[%swap3A_298, %swap3A_299], %swap3A_302 {strides = array<i32>} : memref<8x128xf32, #tpu.memory_space<vmem>>, vector<1x16xf32>,
    %broadcast_in_dim3A_303 = arith.constant 0.000000e+00 : f32
    %broadcast_in_dim3A_304 = vector.broadcast %broadcast_in_dim3A_303 : f32 to vector<16xf32>
    %swap3A_305 = arith.constant 4 : i32
    %swap3A_306 = arith.index_cast %swap3A_305 : i32 to index
    %swap3A_307 = arith.constant 96 : index
    %swap3A_308 = tpu.vector_load %arg9[%swap3A_306, %swap3A_307] {strides = array<i32>} : memref<8x128xf32, #tpu.memory_space<vmem>>, vector<1x16xf32>,
    %swap3A_309 = vector.shape_cast %swap3A_308 : vector<1x16xf32> to vector<16xf32>
    %swap3A_310 = vector.shape_cast %broadcast_in_dim3A_304 : vector<16xf32> to vector<1x16xf32>
    tpu.vector_store %arg9[%swap3A_306, %swap3A_307], %swap3A_310 {strides = array<i32>} : memref<8x128xf32, #tpu.memory_space<vmem>>, vector<1x16xf32>,
    %broadcast_in_dim3A_311 = arith.constant 0.000000e+00 : f32
    %broadcast_in_dim3A_312 = vector.broadcast %broadcast_in_dim3A_311 : f32 to vector<16xf32>
    %swap3A_313 = arith.constant 4 : i32
    %swap3A_314 = arith.index_cast %swap3A_313 : i32 to index
    %swap3A_315 = arith.constant 112 : index
    %swap3A_316 = tpu.vector_load %arg9[%swap3A_314, %swap3A_315] {strides = array<i32>} : memref<8x128xf32, #tpu.memory_space<vmem>>, vector<1x16xf32>,
    %swap3A_317 = vector.shape_cast %swap3A_316 : vector<1x16xf32> to vector<16xf32>
    %swap3A_318 = vector.shape_cast %broadcast_in_dim3A_312 : vector<16xf32> to vector<1x16xf32>
    tpu.vector_store %arg9[%swap3A_314, %swap3A_315], %swap3A_318 {strides = array<i32>} : memref<8x128xf32, #tpu.memory_space<vmem>>, vector<1x16xf32>,
    %broadcast_in_dim3A_319 = arith.constant 0.000000e+00 : f32
    %broadcast_in_dim3A_320 = vector.broadcast %broadcast_in_dim3A_319 : f32 to vector<16xf32>
    %swap3A_321 = arith.constant 5 : i32
    %swap3A_322 = arith.index_cast %swap3A_321 : i32 to index
    %swap3A_323 = arith.constant 0 : index
    %swap3A_324 = tpu.vector_load %arg9[%swap3A_322, %swap3A_323] {strides = array<i32>} : memref<8x128xf32, #tpu.memory_space<vmem>>, vector<1x16xf32>,
    %swap3A_325 = vector.shape_cast %swap3A_324 : vector<1x16xf32> to vector<16xf32>
    %swap3A_326 = vector.shape_cast %broadcast_in_dim3A_320 : vector<16xf32> to vector<1x16xf32>
    tpu.vector_store %arg9[%swap3A_322, %swap3A_323], %swap3A_326 {strides = array<i32>} : memref<8x128xf32, #tpu.memory_space<vmem>>, vector<1x16xf32>,
    %broadcast_in_dim3A_327 = arith.constant 0.000000e+00 : f32
    %broadcast_in_dim3A_328 = vector.broadcast %broadcast_in_dim3A_327 : f32 to vector<16xf32>
    %swap3A_329 = arith.constant 5 : i32
    %swap3A_330 = arith.index_cast %swap3A_329 : i32 to index
    %swap3A_331 = arith.constant 16 : index
    %swap3A_332 = tpu.vector_load %arg9[%swap3A_330, %swap3A_331] {strides = array<i32>} : memref<8x128xf32, #tpu.memory_space<vmem>>, vector<1x16xf32>,
    %swap3A_333 = vector.shape_cast %swap3A_332 : vector<1x16xf32> to vector<16xf32>
    %swap3A_334 = vector.shape_cast %broadcast_in_dim3A_328 : vector<16xf32> to vector<1x16xf32>
    tpu.vector_store %arg9[%swap3A_330, %swap3A_331], %swap3A_334 {strides = array<i32>} : memref<8x128xf32, #tpu.memory_space<vmem>>, vector<1x16xf32>,
    %broadcast_in_dim3A_335 = arith.constant 0.000000e+00 : f32
    %broadcast_in_dim3A_336 = vector.broadcast %broadcast_in_dim3A_335 : f32 to vector<16xf32>
    %swap3A_337 = arith.constant 5 : i32
    %swap3A_338 = arith.index_cast %swap3A_337 : i32 to index
    %swap3A_339 = arith.constant 32 : index
    %swap3A_340 = tpu.vector_load %arg9[%swap3A_338, %swap3A_339] {strides = array<i32>} : memref<8x128xf32, #tpu.memory_space<vmem>>, vector<1x16xf32>,
    %swap3A_341 = vector.shape_cast %swap3A_340 : vector<1x16xf32> to vector<16xf32>
    %swap3A_342 = vector.shape_cast %broadcast_in_dim3A_336 : vector<16xf32> to vector<1x16xf32>
    tpu.vector_store %arg9[%swap3A_338, %swap3A_339], %swap3A_342 {strides = array<i32>} : memref<8x128xf32, #tpu.memory_space<vmem>>, vector<1x16xf32>,
    %broadcast_in_dim3A_343 = arith.constant 0.000000e+00 : f32
    %broadcast_in_dim3A_344 = vector.broadcast %broadcast_in_dim3A_343 : f32 to vector<16xf32>
    %swap3A_345 = arith.constant 5 : i32
    %swap3A_346 = arith.index_cast %swap3A_345 : i32 to index
    %swap3A_347 = arith.constant 48 : index
    %swap3A_348 = tpu.vector_load %arg9[%swap3A_346, %swap3A_347] {strides = array<i32>} : memref<8x128xf32, #tpu.memory_space<vmem>>, vector<1x16xf32>,
    %swap3A_349 = vector.shape_cast %swap3A_348 : vector<1x16xf32> to vector<16xf32>
    %swap3A_350 = vector.shape_cast %broadcast_in_dim3A_344 : vector<16xf32> to vector<1x16xf32>
    tpu.vector_store %arg9[%swap3A_346, %swap3A_347], %swap3A_350 {strides = array<i32>} : memref<8x128xf32, #tpu.memory_space<vmem>>, vector<1x16xf32>,
    %broadcast_in_dim3A_351 = arith.constant 0.000000e+00 : f32
    %broadcast_in_dim3A_352 = vector.broadcast %broadcast_in_dim3A_351 : f32 to vector<16xf32>
    %swap3A_353 = arith.constant 5 : i32
    %swap3A_354 = arith.index_cast %swap3A_353 : i32 to index
    %swap3A_355 = arith.constant 64 : index
    %swap3A_356 = tpu.vector_load %arg9[%swap3A_354, %swap3A_355] {strides = array<i32>} : memref<8x128xf32, #tpu.memory_space<vmem>>, vector<1x16xf32>,
    %swap3A_357 = vector.shape_cast %swap3A_356 : vector<1x16xf32> to vector<16xf32>
    %swap3A_358 = vector.shape_cast %broadcast_in_dim3A_352 : vector<16xf32> to vector<1x16xf32>
    tpu.vector_store %arg9[%swap3A_354, %swap3A_355], %swap3A_358 {strides = array<i32>} : memref<8x128xf32, #tpu.memory_space<vmem>>, vector<1x16xf32>,
    %broadcast_in_dim3A_359 = arith.constant 0.000000e+00 : f32
    %broadcast_in_dim3A_360 = vector.broadcast %broadcast_in_dim3A_359 : f32 to vector<16xf32>
    %swap3A_361 = arith.constant 5 : i32
    %swap3A_362 = arith.index_cast %swap3A_361 : i32 to index
    %swap3A_363 = arith.constant 80 : index
    %swap3A_364 = tpu.vector_load %arg9[%swap3A_362, %swap3A_363] {strides = array<i32>} : memref<8x128xf32, #tpu.memory_space<vmem>>, vector<1x16xf32>,
    %swap3A_365 = vector.shape_cast %swap3A_364 : vector<1x16xf32> to vector<16xf32>
    %swap3A_366 = vector.shape_cast %broadcast_in_dim3A_360 : vector<16xf32> to vector<1x16xf32>
    tpu.vector_store %arg9[%swap3A_362, %swap3A_363], %swap3A_366 {strides = array<i32>} : memref<8x128xf32, #tpu.memory_space<vmem>>, vector<1x16xf32>,
    %broadcast_in_dim3A_367 = arith.constant 0.000000e+00 : f32
    %broadcast_in_dim3A_368 = vector.broadcast %broadcast_in_dim3A_367 : f32 to vector<16xf32>
    %swap3A_369 = arith.constant 5 : i32
    %swap3A_370 = arith.index_cast %swap3A_369 : i32 to index
    %swap3A_371 = arith.constant 96 : index
    %swap3A_372 = tpu.vector_load %arg9[%swap3A_370, %swap3A_371] {strides = array<i32>} : memref<8x128xf32, #tpu.memory_space<vmem>>, vector<1x16xf32>,
    %swap3A_373 = vector.shape_cast %swap3A_372 : vector<1x16xf32> to vector<16xf32>
    %swap3A_374 = vector.shape_cast %broadcast_in_dim3A_368 : vector<16xf32> to vector<1x16xf32>
    tpu.vector_store %arg9[%swap3A_370, %swap3A_371], %swap3A_374 {strides = array<i32>} : memref<8x128xf32, #tpu.memory_space<vmem>>, vector<1x16xf32>,
    %broadcast_in_dim3A_375 = arith.constant 0.000000e+00 : f32
    %broadcast_in_dim3A_376 = vector.broadcast %broadcast_in_dim3A_375 : f32 to vector<16xf32>
    %swap3A_377 = arith.constant 5 : i32
    %swap3A_378 = arith.index_cast %swap3A_377 : i32 to index
    %swap3A_379 = arith.constant 112 : index
    %swap3A_380 = tpu.vector_load %arg9[%swap3A_378, %swap3A_379] {strides = array<i32>} : memref<8x128xf32, #tpu.memory_space<vmem>>, vector<1x16xf32>,
    %swap3A_381 = vector.shape_cast %swap3A_380 : vector<1x16xf32> to vector<16xf32>
    %swap3A_382 = vector.shape_cast %broadcast_in_dim3A_376 : vector<16xf32> to vector<1x16xf32>
    tpu.vector_store %arg9[%swap3A_378, %swap3A_379], %swap3A_382 {strides = array<i32>} : memref<8x128xf32, #tpu.memory_space<vmem>>, vector<1x16xf32>,
    %broadcast_in_dim3A_383 = arith.constant 0.000000e+00 : f32
    %broadcast_in_dim3A_384 = vector.broadcast %broadcast_in_dim3A_383 : f32 to vector<16xf32>
    %swap3A_385 = arith.constant 6 : i32
    %swap3A_386 = arith.index_cast %swap3A_385 : i32 to index
    %swap3A_387 = arith.constant 0 : index
    %swap3A_388 = tpu.vector_load %arg9[%swap3A_386, %swap3A_387] {strides = array<i32>} : memref<8x128xf32, #tpu.memory_space<vmem>>, vector<1x16xf32>,
    %swap3A_389 = vector.shape_cast %swap3A_388 : vector<1x16xf32> to vector<16xf32>
    %swap3A_390 = vector.shape_cast %broadcast_in_dim3A_384 : vector<16xf32> to vector<1x16xf32>
    tpu.vector_store %arg9[%swap3A_386, %swap3A_387], %swap3A_390 {strides = array<i32>} : memref<8x128xf32, #tpu.memory_space<vmem>>, vector<1x16xf32>,
    %broadcast_in_dim3A_391 = arith.constant 0.000000e+00 : f32
    %broadcast_in_dim3A_392 = vector.broadcast %broadcast_in_dim3A_391 : f32 to vector<16xf32>
    %swap3A_393 = arith.constant 6 : i32
    %swap3A_394 = arith.index_cast %swap3A_393 : i32 to index
    %swap3A_395 = arith.constant 16 : index
    %swap3A_396 = tpu.vector_load %arg9[%swap3A_394, %swap3A_395] {strides = array<i32>} : memref<8x128xf32, #tpu.memory_space<vmem>>, vector<1x16xf32>,
    %swap3A_397 = vector.shape_cast %swap3A_396 : vector<1x16xf32> to vector<16xf32>
    %swap3A_398 = vector.shape_cast %broadcast_in_dim3A_392 : vector<16xf32> to vector<1x16xf32>
    tpu.vector_store %arg9[%swap3A_394, %swap3A_395], %swap3A_398 {strides = array<i32>} : memref<8x128xf32, #tpu.memory_space<vmem>>, vector<1x16xf32>,
    %broadcast_in_dim3A_399 = arith.constant 0.000000e+00 : f32
    %broadcast_in_dim3A_400 = vector.broadcast %broadcast_in_dim3A_399 : f32 to vector<16xf32>
    %swap3A_401 = arith.constant 6 : i32
    %swap3A_402 = arith.index_cast %swap3A_401 : i32 to index
    %swap3A_403 = arith.constant 32 : index
    %swap3A_404 = tpu.vector_load %arg9[%swap3A_402, %swap3A_403] {strides = array<i32>} : memref<8x128xf32, #tpu.memory_space<vmem>>, vector<1x16xf32>,
    %swap3A_405 = vector.shape_cast %swap3A_404 : vector<1x16xf32> to vector<16xf32>
    %swap3A_406 = vector.shape_cast %broadcast_in_dim3A_400 : vector<16xf32> to vector<1x16xf32>
    tpu.vector_store %arg9[%swap3A_402, %swap3A_403], %swap3A_406 {strides = array<i32>} : memref<8x128xf32, #tpu.memory_space<vmem>>, vector<1x16xf32>,
    %broadcast_in_dim3A_407 = arith.constant 0.000000e+00 : f32
    %broadcast_in_dim3A_408 = vector.broadcast %broadcast_in_dim3A_407 : f32 to vector<16xf32>
    %swap3A_409 = arith.constant 6 : i32
    %swap3A_410 = arith.index_cast %swap3A_409 : i32 to index
    %swap3A_411 = arith.constant 48 : index
    %swap3A_412 = tpu.vector_load %arg9[%swap3A_410, %swap3A_411] {strides = array<i32>} : memref<8x128xf32, #tpu.memory_space<vmem>>, vector<1x16xf32>,
    %swap3A_413 = vector.shape_cast %swap3A_412 : vector<1x16xf32> to vector<16xf32>
    %swap3A_414 = vector.shape_cast %broadcast_in_dim3A_408 : vector<16xf32> to vector<1x16xf32>
    tpu.vector_store %arg9[%swap3A_410, %swap3A_411], %swap3A_414 {strides = array<i32>} : memref<8x128xf32, #tpu.memory_space<vmem>>, vector<1x16xf32>,
    %broadcast_in_dim3A_415 = arith.constant 0.000000e+00 : f32
    %broadcast_in_dim3A_416 = vector.broadcast %broadcast_in_dim3A_415 : f32 to vector<16xf32>
    %swap3A_417 = arith.constant 6 : i32
    %swap3A_418 = arith.index_cast %swap3A_417 : i32 to index
    %swap3A_419 = arith.constant 64 : index
    %swap3A_420 = tpu.vector_load %arg9[%swap3A_418, %swap3A_419] {strides = array<i32>} : memref<8x128xf32, #tpu.memory_space<vmem>>, vector<1x16xf32>,
    %swap3A_421 = vector.shape_cast %swap3A_420 : vector<1x16xf32> to vector<16xf32>
    %swap3A_422 = vector.shape_cast %broadcast_in_dim3A_416 : vector<16xf32> to vector<1x16xf32>
    tpu.vector_store %arg9[%swap3A_418, %swap3A_419], %swap3A_422 {strides = array<i32>} : memref<8x128xf32, #tpu.memory_space<vmem>>, vector<1x16xf32>,
    %broadcast_in_dim3A_423 = arith.constant 0.000000e+00 : f32
    %broadcast_in_dim3A_424 = vector.broadcast %broadcast_in_dim3A_423 : f32 to vector<16xf32>
    %swap3A_425 = arith.constant 6 : i32
    %swap3A_426 = arith.index_cast %swap3A_425 : i32 to index
    %swap3A_427 = arith.constant 80 : index
    %swap3A_428 = tpu.vector_load %arg9[%swap3A_426, %swap3A_427] {strides = array<i32>} : memref<8x128xf32, #tpu.memory_space<vmem>>, vector<1x16xf32>,
    %swap3A_429 = vector.shape_cast %swap3A_428 : vector<1x16xf32> to vector<16xf32>
    %swap3A_430 = vector.shape_cast %broadcast_in_dim3A_424 : vector<16xf32> to vector<1x16xf32>
    tpu.vector_store %arg9[%swap3A_426, %swap3A_427], %swap3A_430 {strides = array<i32>} : memref<8x128xf32, #tpu.memory_space<vmem>>, vector<1x16xf32>,
    %broadcast_in_dim3A_431 = arith.constant 0.000000e+00 : f32
    %broadcast_in_dim3A_432 = vector.broadcast %broadcast_in_dim3A_431 : f32 to vector<16xf32>
    %swap3A_433 = arith.constant 6 : i32
    %swap3A_434 = arith.index_cast %swap3A_433 : i32 to index
    %swap3A_435 = arith.constant 96 : index
    %swap3A_436 = tpu.vector_load %arg9[%swap3A_434, %swap3A_435] {strides = array<i32>} : memref<8x128xf32, #tpu.memory_space<vmem>>, vector<1x16xf32>,
    %swap3A_437 = vector.shape_cast %swap3A_436 : vector<1x16xf32> to vector<16xf32>
    %swap3A_438 = vector.shape_cast %broadcast_in_dim3A_432 : vector<16xf32> to vector<1x16xf32>
    tpu.vector_store %arg9[%swap3A_434, %swap3A_435], %swap3A_438 {strides = array<i32>} : memref<8x128xf32, #tpu.memory_space<vmem>>, vector<1x16xf32>,
    %broadcast_in_dim3A_439 = arith.constant 0.000000e+00 : f32
    %broadcast_in_dim3A_440 = vector.broadcast %broadcast_in_dim3A_439 : f32 to vector<16xf32>
    %swap3A_441 = arith.constant 6 : i32
    %swap3A_442 = arith.index_cast %swap3A_441 : i32 to index
    %swap3A_443 = arith.constant 112 : index
    %swap3A_444 = tpu.vector_load %arg9[%swap3A_442, %swap3A_443] {strides = array<i32>} : memref<8x128xf32, #tpu.memory_space<vmem>>, vector<1x16xf32>,
    %swap3A_445 = vector.shape_cast %swap3A_444 : vector<1x16xf32> to vector<16xf32>
    %swap3A_446 = vector.shape_cast %broadcast_in_dim3A_440 : vector<16xf32> to vector<1x16xf32>
    tpu.vector_store %arg9[%swap3A_442, %swap3A_443], %swap3A_446 {strides = array<i32>} : memref<8x128xf32, #tpu.memory_space<vmem>>, vector<1x16xf32>,
    %broadcast_in_dim3A_447 = arith.constant 0.000000e+00 : f32
    %broadcast_in_dim3A_448 = vector.broadcast %broadcast_in_dim3A_447 : f32 to vector<16xf32>
    %swap3A_449 = arith.constant 7 : i32
    %swap3A_450 = arith.index_cast %swap3A_449 : i32 to index
    %swap3A_451 = arith.constant 0 : index
    %swap3A_452 = tpu.vector_load %arg9[%swap3A_450, %swap3A_451] {strides = array<i32>} : memref<8x128xf32, #tpu.memory_space<vmem>>, vector<1x16xf32>,
    %swap3A_453 = vector.shape_cast %swap3A_452 : vector<1x16xf32> to vector<16xf32>
    %swap3A_454 = vector.shape_cast %broadcast_in_dim3A_448 : vector<16xf32> to vector<1x16xf32>
    tpu.vector_store %arg9[%swap3A_450, %swap3A_451], %swap3A_454 {strides = array<i32>} : memref<8x128xf32, #tpu.memory_space<vmem>>, vector<1x16xf32>,
    %broadcast_in_dim3A_455 = arith.constant 0.000000e+00 : f32
    %broadcast_in_dim3A_456 = vector.broadcast %broadcast_in_dim3A_455 : f32 to vector<16xf32>
    %swap3A_457 = arith.constant 7 : i32
    %swap3A_458 = arith.index_cast %swap3A_457 : i32 to index
    %swap3A_459 = arith.constant 16 : index
    %swap3A_460 = tpu.vector_load %arg9[%swap3A_458, %swap3A_459] {strides = array<i32>} : memref<8x128xf32, #tpu.memory_space<vmem>>, vector<1x16xf32>,
    %swap3A_461 = vector.shape_cast %swap3A_460 : vector<1x16xf32> to vector<16xf32>
    %swap3A_462 = vector.shape_cast %broadcast_in_dim3A_456 : vector<16xf32> to vector<1x16xf32>
    tpu.vector_store %arg9[%swap3A_458, %swap3A_459], %swap3A_462 {strides = array<i32>} : memref<8x128xf32, #tpu.memory_space<vmem>>, vector<1x16xf32>,
    %broadcast_in_dim3A_463 = arith.constant 0.000000e+00 : f32
    %broadcast_in_dim3A_464 = vector.broadcast %broadcast_in_dim3A_463 : f32 to vector<16xf32>
    %swap3A_465 = arith.constant 7 : i32
    %swap3A_466 = arith.index_cast %swap3A_465 : i32 to index
    %swap3A_467 = arith.constant 32 : index
    %swap3A_468 = tpu.vector_load %arg9[%swap3A_466, %swap3A_467] {strides = array<i32>} : memref<8x128xf32, #tpu.memory_space<vmem>>, vector<1x16xf32>,
    %swap3A_469 = vector.shape_cast %swap3A_468 : vector<1x16xf32> to vector<16xf32>
    %swap3A_470 = vector.shape_cast %broadcast_in_dim3A_464 : vector<16xf32> to vector<1x16xf32>
    tpu.vector_store %arg9[%swap3A_466, %swap3A_467], %swap3A_470 {strides = array<i32>} : memref<8x128xf32, #tpu.memory_space<vmem>>, vector<1x16xf32>,
    %broadcast_in_dim3A_471 = arith.constant 0.000000e+00 : f32
    %broadcast_in_dim3A_472 = vector.broadcast %broadcast_in_dim3A_471 : f32 to vector<16xf32>
    %swap3A_473 = arith.constant 7 : i32
    %swap3A_474 = arith.index_cast %swap3A_473 : i32 to index
    %swap3A_475 = arith.constant 48 : index
    %swap3A_476 = tpu.vector_load %arg9[%swap3A_474, %swap3A_475] {strides = array<i32>} : memref<8x128xf32, #tpu.memory_space<vmem>>, vector<1x16xf32>,
    %swap3A_477 = vector.shape_cast %swap3A_476 : vector<1x16xf32> to vector<16xf32>
    %swap3A_478 = vector.shape_cast %broadcast_in_dim3A_472 : vector<16xf32> to vector<1x16xf32>
    tpu.vector_store %arg9[%swap3A_474, %swap3A_475], %swap3A_478 {strides = array<i32>} : memref<8x128xf32, #tpu.memory_space<vmem>>, vector<1x16xf32>,
    %broadcast_in_dim3A_479 = arith.constant 0.000000e+00 : f32
    %broadcast_in_dim3A_480 = vector.broadcast %broadcast_in_dim3A_479 : f32 to vector<16xf32>
    %swap3A_481 = arith.constant 7 : i32
    %swap3A_482 = arith.index_cast %swap3A_481 : i32 to index
    %swap3A_483 = arith.constant 64 : index
    %swap3A_484 = tpu.vector_load %arg9[%swap3A_482, %swap3A_483] {strides = array<i32>} : memref<8x128xf32, #tpu.memory_space<vmem>>, vector<1x16xf32>,
    %swap3A_485 = vector.shape_cast %swap3A_484 : vector<1x16xf32> to vector<16xf32>
    %swap3A_486 = vector.shape_cast %broadcast_in_dim3A_480 : vector<16xf32> to vector<1x16xf32>
    tpu.vector_store %arg9[%swap3A_482, %swap3A_483], %swap3A_486 {strides = array<i32>} : memref<8x128xf32, #tpu.memory_space<vmem>>, vector<1x16xf32>,
    %broadcast_in_dim3A_487 = arith.constant 0.000000e+00 : f32
    %broadcast_in_dim3A_488 = vector.broadcast %broadcast_in_dim3A_487 : f32 to vector<16xf32>
    %swap3A_489 = arith.constant 7 : i32
    %swap3A_490 = arith.index_cast %swap3A_489 : i32 to index
    %swap3A_491 = arith.constant 80 : index
    %swap3A_492 = tpu.vector_load %arg9[%swap3A_490, %swap3A_491] {strides = array<i32>} : memref<8x128xf32, #tpu.memory_space<vmem>>, vector<1x16xf32>,
    %swap3A_493 = vector.shape_cast %swap3A_492 : vector<1x16xf32> to vector<16xf32>
    %swap3A_494 = vector.shape_cast %broadcast_in_dim3A_488 : vector<16xf32> to vector<1x16xf32>
    tpu.vector_store %arg9[%swap3A_490, %swap3A_491], %swap3A_494 {strides = array<i32>} : memref<8x128xf32, #tpu.memory_space<vmem>>, vector<1x16xf32>,
    %broadcast_in_dim3A_495 = arith.constant 0.000000e+00 : f32
    %broadcast_in_dim3A_496 = vector.broadcast %broadcast_in_dim3A_495 : f32 to vector<16xf32>
    %swap3A_497 = arith.constant 7 : i32
    %swap3A_498 = arith.index_cast %swap3A_497 : i32 to index
    %swap3A_499 = arith.constant 96 : index
    %swap3A_500 = tpu.vector_load %arg9[%swap3A_498, %swap3A_499] {strides = array<i32>} : memref<8x128xf32, #tpu.memory_space<vmem>>, vector<1x16xf32>,
    %swap3A_501 = vector.shape_cast %swap3A_500 : vector<1x16xf32> to vector<16xf32>
    %swap3A_502 = vector.shape_cast %broadcast_in_dim3A_496 : vector<16xf32> to vector<1x16xf32>
    tpu.vector_store %arg9[%swap3A_498, %swap3A_499], %swap3A_502 {strides = array<i32>} : memref<8x128xf32, #tpu.memory_space<vmem>>, vector<1x16xf32>,
    %broadcast_in_dim3A_503 = arith.constant 0.000000e+00 : f32
    %broadcast_in_dim3A_504 = vector.broadcast %broadcast_in_dim3A_503 : f32 to vector<16xf32>
    %swap3A_505 = arith.constant 7 : i32
    %swap3A_506 = arith.index_cast %swap3A_505 : i32 to index
    %swap3A_507 = arith.constant 112 : index
    %swap3A_508 = tpu.vector_load %arg9[%swap3A_506, %swap3A_507] {strides = array<i32>} : memref<8x128xf32, #tpu.memory_space<vmem>>, vector<1x16xf32>,
    %swap3A_509 = vector.shape_cast %swap3A_508 : vector<1x16xf32> to vector<16xf32>
    %swap3A_510 = vector.shape_cast %broadcast_in_dim3A_504 : vector<16xf32> to vector<1x16xf32>
    tpu.vector_store %arg9[%swap3A_506, %swap3A_507], %swap3A_510 {strides = array<i32>} : memref<8x128xf32, #tpu.memory_space<vmem>>, vector<1x16xf32>,
    %while3A = arith.constant 0 : i32
    %while3A_511 = arith.constant 0 : i32
    %while3A_512 = arith.constant 79 : i32
    %while3A_513 = arith.subi %while3A_512, %while3A_511 : i32
    %while3A_514 = arith.addi %while3A_511, %while3A_513 : i32
    %while3A_515 = arith.constant 1 : i32
    %while3A_516 = arith.divsi %while3A_513, %while3A_515 : i32
    %while3A_517 = arith.muli %while3A_516, %while3A_515 : i32
    %while3A_518 = arith.addi %while3A_511, %while3A_517 : i32
    %while3A_519 = arith.constant 1 : i32
    scf.for %while3A_548 = %while3A_511 to %while3A_518 step %while3A_519  : i32 {
      %mul3A_549 = arith.constant 632 : i32
      %mul3A_550 = arith.muli %arg1, %mul3A_549 : i32
      %mul3A_551 = arith.constant 8 : i32
      %mul3A_552 = arith.muli %while3A_548, %mul3A_551 : i32
      %add3A_553 = arith.addi %mul3A_550, %mul3A_552 : i32
      %multiple_of3A = tpu.assume_multiple %add3A_553, 8 : i32
      %dma_start3A = arith.constant 0 : i32
      %dma_start3A_554 = tpu.memref_slice %arg10[%multiple_of3A, %dma_start3A] : memref<10112x128xf32, #tpu.memory_space<vmem_shared>> -> memref<8x128xf32, #tpu.memory_space<vmem_shared>>
      %dma_start3A_555 = arith.constant 0 : i32
      %dma_start3A_556 = tpu.memref_slice %arg10[%multiple_of3A, %dma_start3A_555] : memref<10112x128xf32, #tpu.memory_space<vmem_shared>> -> memref<8x128xf32, #tpu.memory_space<vmem_shared>>
      tpu.enqueue_dma source(%arg9 : memref<8x128xf32, #tpu.memory_space<vmem>>) target(%dma_start3A_556 : memref<8x128xf32, #tpu.memory_space<vmem_shared>>) target_semaphore(%arg11 : memref<!tpu.dma_semaphore, #tpu.memory_space<semaphore_mem>>)
    }
    %while3A_520 = arith.constant 1 : i32
    scf.for %while3A_548 = %while3A_518 to %while3A_514 step %while3A_520  : i32 {
      %mul3A_549 = arith.constant 632 : i32
      %mul3A_550 = arith.muli %arg1, %mul3A_549 : i32
      %mul3A_551 = arith.constant 8 : i32
      %mul3A_552 = arith.muli %while3A_548, %mul3A_551 : i32
      %add3A_553 = arith.addi %mul3A_550, %mul3A_552 : i32
      %multiple_of3A = tpu.assume_multiple %add3A_553, 8 : i32
      %dma_start3A = arith.constant 0 : i32
      %dma_start3A_554 = tpu.memref_slice %arg10[%multiple_of3A, %dma_start3A] : memref<10112x128xf32, #tpu.memory_space<vmem_shared>> -> memref<8x128xf32, #tpu.memory_space<vmem_shared>>
      %dma_start3A_555 = arith.constant 0 : i32
      %dma_start3A_556 = tpu.memref_slice %arg10[%multiple_of3A, %dma_start3A_555] : memref<10112x128xf32, #tpu.memory_space<vmem_shared>> -> memref<8x128xf32, #tpu.memory_space<vmem_shared>>
      tpu.enqueue_dma source(%arg9 : memref<8x128xf32, #tpu.memory_space<vmem>>) target(%dma_start3A_556 : memref<8x128xf32, #tpu.memory_space<vmem_shared>>) target_semaphore(%arg11 : memref<!tpu.dma_semaphore, #tpu.memory_space<semaphore_mem>>)
    }
    "tpu.region"() ({
      %run_scoped3A = tpu.sem_alloc : memref<!tpu.dma_semaphore, #tpu.memory_space<semaphore_mem>>
      %dma_start3A = arith.constant 0 : i32
      %dma_start3A_548 = arith.constant 0 : i32
      %dma_start3A_549 = tpu.memref_slice %arg3[%add3A, %dma_start3A, %dma_start3A_548] : memref<32x160x64xi32, #tpu.memory_space<hbm>> -> memref<1x160x64xi32, #tpu.memory_space<hbm>>
      %dma_start3A_550 = tpu.memref_squeeze %dma_start3A_549 : memref<1x160x64xi32, #tpu.memory_space<hbm>> -> memref<160x64xi32, #tpu.memory_space<hbm>>
      %dma_start3A_551 = arith.constant 0 : i32
      %dma_start3A_552 = arith.constant 0 : i32
      %dma_start3A_553 = tpu.memref_slice %dma_start3A_550[%dma_start3A_551, %dma_start3A_552] : memref<160x64xi32, #tpu.memory_space<hbm>> -> memref<40x64xi32, #tpu.memory_space<hbm>>
      %dma_start3A_554 = arith.constant 0 : i32
      %dma_start3A_555 = arith.constant 0 : i32
      %dma_start3A_556 = tpu.memref_slice %arg3[%add3A, %dma_start3A_554, %dma_start3A_555] : memref<32x160x64xi32, #tpu.memory_space<hbm>> -> memref<1x160x64xi32, #tpu.memory_space<hbm>>
      %dma_start3A_557 = tpu.memref_squeeze %dma_start3A_556 : memref<1x160x64xi32, #tpu.memory_space<hbm>> -> memref<160x64xi32, #tpu.memory_space<hbm>>
      %dma_start3A_558 = arith.constant 0 : i32
      %dma_start3A_559 = arith.constant 0 : i32
      %dma_start3A_560 = tpu.memref_slice %dma_start3A_557[%dma_start3A_558, %dma_start3A_559] : memref<160x64xi32, #tpu.memory_space<hbm>> -> memref<40x64xi32, #tpu.memory_space<hbm>>
      tpu.enqueue_dma source(%dma_start3A_560 : memref<40x64xi32, #tpu.memory_space<hbm>>) target(%arg6 : memref<40x64xi32, #tpu.memory_space<vmem>>) target_semaphore(%run_scoped3A : memref<!tpu.dma_semaphore, #tpu.memory_space<semaphore_mem>>)
      %dma_wait3A = arith.constant 0 : i32
      %dma_wait3A_561 = arith.constant 0 : i32
      %dma_wait3A_562 = tpu.memref_slice %arg3[%add3A, %dma_wait3A, %dma_wait3A_561] : memref<32x160x64xi32, #tpu.memory_space<hbm>> -> memref<1x160x64xi32, #tpu.memory_space<hbm>>
      %dma_wait3A_563 = tpu.memref_squeeze %dma_wait3A_562 : memref<1x160x64xi32, #tpu.memory_space<hbm>> -> memref<160x64xi32, #tpu.memory_space<hbm>>
      %dma_wait3A_564 = arith.constant 0 : i32
      %dma_wait3A_565 = arith.constant 0 : i32
      %dma_wait3A_566 = tpu.memref_slice %dma_wait3A_563[%dma_wait3A_564, %dma_wait3A_565] : memref<160x64xi32, #tpu.memory_space<hbm>> -> memref<40x64xi32, #tpu.memory_space<hbm>>
      %dma_wait3A_567 = arith.constant 0 : i32
      %dma_wait3A_568 = arith.constant 0 : i32
      %dma_wait3A_569 = tpu.memref_slice %arg3[%add3A, %dma_wait3A_567, %dma_wait3A_568] : memref<32x160x64xi32, #tpu.memory_space<hbm>> -> memref<1x160x64xi32, #tpu.memory_space<hbm>>
      %dma_wait3A_570 = tpu.memref_squeeze %dma_wait3A_569 : memref<1x160x64xi32, #tpu.memory_space<hbm>> -> memref<160x64xi32, #tpu.memory_space<hbm>>
      %dma_wait3A_571 = arith.constant 0 : i32
      %dma_wait3A_572 = arith.constant 0 : i32
      %dma_wait3A_573 = tpu.memref_slice %dma_wait3A_570[%dma_wait3A_571, %dma_wait3A_572] : memref<160x64xi32, #tpu.memory_space<hbm>> -> memref<40x64xi32, #tpu.memory_space<hbm>>
      tpu.wait_dma2 semaphore(%run_scoped3A : memref<!tpu.dma_semaphore, #tpu.memory_space<semaphore_mem>>) src(%dma_wait3A_573 : memref<40x64xi32, #tpu.memory_space<hbm>>) dst(%arg6 : memref<40x64xi32, #tpu.memory_space<vmem>>)
      tpu.yield
    }) : () -> ()
    "tpu.region"() ({
      %run_scoped3A = tpu.sem_alloc : memref<!tpu.dma_semaphore, #tpu.memory_space<semaphore_mem>>
      %dma_start3A = arith.constant 0 : i32
      %dma_start3A_548 = arith.constant 0 : i32
      %dma_start3A_549 = tpu.memref_slice %arg4[%add3A, %dma_start3A, %dma_start3A_548] : memref<32x160x64xi32, #tpu.memory_space<hbm>> -> memref<1x160x64xi32, #tpu.memory_space<hbm>>
      %dma_start3A_550 = tpu.memref_squeeze %dma_start3A_549 : memref<1x160x64xi32, #tpu.memory_space<hbm>> -> memref<160x64xi32, #tpu.memory_space<hbm>>
      %dma_start3A_551 = arith.constant 0 : i32
      %dma_start3A_552 = arith.constant 0 : i32
      %dma_start3A_553 = tpu.memref_slice %dma_start3A_550[%dma_start3A_551, %dma_start3A_552] : memref<160x64xi32, #tpu.memory_space<hbm>> -> memref<40x64xi32, #tpu.memory_space<hbm>>
      %dma_start3A_554 = arith.constant 0 : i32
      %dma_start3A_555 = arith.constant 0 : i32
      %dma_start3A_556 = tpu.memref_slice %arg4[%add3A, %dma_start3A_554, %dma_start3A_555] : memref<32x160x64xi32, #tpu.memory_space<hbm>> -> memref<1x160x64xi32, #tpu.memory_space<hbm>>
      %dma_start3A_557 = tpu.memref_squeeze %dma_start3A_556 : memref<1x160x64xi32, #tpu.memory_space<hbm>> -> memref<160x64xi32, #tpu.memory_space<hbm>>
      %dma_start3A_558 = arith.constant 0 : i32
      %dma_start3A_559 = arith.constant 0 : i32
      %dma_start3A_560 = tpu.memref_slice %dma_start3A_557[%dma_start3A_558, %dma_start3A_559] : memref<160x64xi32, #tpu.memory_space<hbm>> -> memref<40x64xi32, #tpu.memory_space<hbm>>
      tpu.enqueue_dma source(%dma_start3A_560 : memref<40x64xi32, #tpu.memory_space<hbm>>) target(%arg7 : memref<40x64xi32, #tpu.memory_space<vmem>>) target_semaphore(%run_scoped3A : memref<!tpu.dma_semaphore, #tpu.memory_space<semaphore_mem>>)
      %dma_wait3A = arith.constant 0 : i32
      %dma_wait3A_561 = arith.constant 0 : i32
      %dma_wait3A_562 = tpu.memref_slice %arg4[%add3A, %dma_wait3A, %dma_wait3A_561] : memref<32x160x64xi32, #tpu.memory_space<hbm>> -> memref<1x160x64xi32, #tpu.memory_space<hbm>>
      %dma_wait3A_563 = tpu.memref_squeeze %dma_wait3A_562 : memref<1x160x64xi32, #tpu.memory_space<hbm>> -> memref<160x64xi32, #tpu.memory_space<hbm>>
      %dma_wait3A_564 = arith.constant 0 : i32
      %dma_wait3A_565 = arith.constant 0 : i32
      %dma_wait3A_566 = tpu.memref_slice %dma_wait3A_563[%dma_wait3A_564, %dma_wait3A_565] : memref<160x64xi32, #tpu.memory_space<hbm>> -> memref<40x64xi32, #tpu.memory_space<hbm>>
      %dma_wait3A_567 = arith.constant 0 : i32
      %dma_wait3A_568 = arith.constant 0 : i32
      %dma_wait3A_569 = tpu.memref_slice %arg4[%add3A, %dma_wait3A_567, %dma_wait3A_568] : memref<32x160x64xi32, #tpu.memory_space<hbm>> -> memref<1x160x64xi32, #tpu.memory_space<hbm>>
      %dma_wait3A_570 = tpu.memref_squeeze %dma_wait3A_569 : memref<1x160x64xi32, #tpu.memory_space<hbm>> -> memref<160x64xi32, #tpu.memory_space<hbm>>
      %dma_wait3A_571 = arith.constant 0 : i32
      %dma_wait3A_572 = arith.constant 0 : i32
      %dma_wait3A_573 = tpu.memref_slice %dma_wait3A_570[%dma_wait3A_571, %dma_wait3A_572] : memref<160x64xi32, #tpu.memory_space<hbm>> -> memref<40x64xi32, #tpu.memory_space<hbm>>
      tpu.wait_dma2 semaphore(%run_scoped3A : memref<!tpu.dma_semaphore, #tpu.memory_space<semaphore_mem>>) src(%dma_wait3A_573 : memref<40x64xi32, #tpu.memory_space<hbm>>) dst(%arg7 : memref<40x64xi32, #tpu.memory_space<vmem>>)
      tpu.yield
    }) : () -> ()
    %while3A_521 = arith.constant 0 : i32
    %while3A_522 = arith.constant 0 : i32
    %while3A_523 = arith.constant 79 : i32
    %while3A_524 = arith.subi %while3A_523, %while3A_522 : i32
    %while3A_525 = arith.addi %while3A_522, %while3A_524 : i32
    %while3A_526 = arith.constant 1 : i32
    %while3A_527 = arith.divsi %while3A_524, %while3A_526 : i32
    %while3A_528 = arith.muli %while3A_527, %while3A_526 : i32
    %while3A_529 = arith.addi %while3A_522, %while3A_528 : i32
    %while3A_530 = arith.constant 1 : i32
    scf.for %while3A_548 = %while3A_522 to %while3A_529 step %while3A_530  : i32 {
      %mul3A_549 = arith.constant 632 : i32
      %mul3A_550 = arith.muli %arg1, %mul3A_549 : i32
      %mul3A_551 = arith.constant 8 : i32
      %mul3A_552 = arith.muli %while3A_548, %mul3A_551 : i32
      %add3A_553 = arith.addi %mul3A_550, %mul3A_552 : i32
      %multiple_of3A = tpu.assume_multiple %add3A_553, 8 : i32
      %dma_wait3A = arith.constant 0 : i32
      %dma_wait3A_554 = tpu.memref_slice %arg10[%multiple_of3A, %dma_wait3A] : memref<10112x128xf32, #tpu.memory_space<vmem_shared>> -> memref<8x128xf32, #tpu.memory_space<vmem_shared>>
      %dma_wait3A_555 = arith.constant 0 : i32
      %dma_wait3A_556 = tpu.memref_slice %arg10[%multiple_of3A, %dma_wait3A_555] : memref<10112x128xf32, #tpu.memory_space<vmem_shared>> -> memref<8x128xf32, #tpu.memory_space<vmem_shared>>
      tpu.wait_dma2 semaphore(%arg11 : memref<!tpu.dma_semaphore, #tpu.memory_space<semaphore_mem>>) src(%arg9 : memref<8x128xf32, #tpu.memory_space<vmem>>) dst(%dma_wait3A_556 : memref<8x128xf32, #tpu.memory_space<vmem_shared>>)
    }
    %while3A_531 = arith.constant 1 : i32
    scf.for %while3A_548 = %while3A_529 to %while3A_525 step %while3A_531  : i32 {
      %mul3A_549 = arith.constant 632 : i32
      %mul3A_550 = arith.muli %arg1, %mul3A_549 : i32
      %mul3A_551 = arith.constant 8 : i32
      %mul3A_552 = arith.muli %while3A_548, %mul3A_551 : i32
      %add3A_553 = arith.addi %mul3A_550, %mul3A_552 : i32
      %multiple_of3A = tpu.assume_multiple %add3A_553, 8 : i32
      %dma_wait3A = arith.constant 0 : i32
      %dma_wait3A_554 = tpu.memref_slice %arg10[%multiple_of3A, %dma_wait3A] : memref<10112x128xf32, #tpu.memory_space<vmem_shared>> -> memref<8x128xf32, #tpu.memory_space<vmem_shared>>
      %dma_wait3A_555 = arith.constant 0 : i32
      %dma_wait3A_556 = tpu.memref_slice %arg10[%multiple_of3A, %dma_wait3A_555] : memref<10112x128xf32, #tpu.memory_space<vmem_shared>> -> memref<8x128xf32, #tpu.memory_space<vmem_shared>>
      tpu.wait_dma2 semaphore(%arg11 : memref<!tpu.dma_semaphore, #tpu.memory_space<semaphore_mem>>) src(%arg9 : memref<8x128xf32, #tpu.memory_space<vmem>>) dst(%dma_wait3A_556 : memref<8x128xf32, #tpu.memory_space<vmem_shared>>)
    }
    %barrier3A = arith.constant 0 : index
    tpu.barrier barrier_id(%barrier3A)
    %while3A_532 = arith.constant 0 : i32
    %while3A_533 = arith.constant 0 : i32
    %while3A_534 = arith.constant 4 : i32
    %while3A_535 = arith.subi %while3A_534, %while3A_533 : i32
    %while3A_536 = arith.addi %while3A_533, %while3A_535 : i32
    %while3A_537 = arith.constant 1 : i32
    %while3A_538 = arith.divsi %while3A_535, %while3A_537 : i32
    %while3A_539 = arith.muli %while3A_538, %while3A_537 : i32
    %while3A_540 = arith.addi %while3A_533, %while3A_539 : i32
    %while3A_541 = arith.constant 1 : i32
    scf.for %while3A_548 = %while3A_533 to %while3A_540 step %while3A_541  : i32 {
      %gt3A = arith.constant 0 : i32
      %gt3A_549 = arith.cmpi sgt, %while3A_548, %gt3A : i32
      %convert_element_type3A = arith.extui %gt3A_549 : i1 to i32
      %cond3A = arith.constant 0 : i32
      %cond3A_550 = arith.cmpi ne, %convert_element_type3A, %cond3A : i32
      scf.if %cond3A_550 {
        %mul3A_609 = arith.constant 40 : i32
        %mul3A_610 = arith.muli %while3A_548, %mul3A_609 : i32
        %multiple_of3A = tpu.assume_multiple %mul3A_610, 8 : i32
        "tpu.region"() ({
          %run_scoped3A = tpu.sem_alloc : memref<!tpu.dma_semaphore, #tpu.memory_space<semaphore_mem>>
          %dma_start3A_611 = arith.constant 0 : i32
          %dma_start3A_612 = arith.constant 0 : i32
          %dma_start3A_613 = tpu.memref_slice %arg3[%add3A, %dma_start3A_611, %dma_start3A_612] : memref<32x160x64xi32, #tpu.memory_space<hbm>> -> memref<1x160x64xi32, #tpu.memory_space<hbm>>
          %dma_start3A_614 = tpu.memref_squeeze %dma_start3A_613 : memref<1x160x64xi32, #tpu.memory_space<hbm>> -> memref<160x64xi32, #tpu.memory_space<hbm>>
          %dma_start3A_615 = arith.constant 0 : i32
          %dma_start3A_616 = tpu.memref_slice %dma_start3A_614[%multiple_of3A, %dma_start3A_615] : memref<160x64xi32, #tpu.memory_space<hbm>> -> memref<40x64xi32, #tpu.memory_space<hbm>>
          %dma_start3A_617 = arith.constant 0 : i32
          %dma_start3A_618 = arith.constant 0 : i32
          %dma_start3A_619 = tpu.memref_slice %arg3[%add3A, %dma_start3A_617, %dma_start3A_618] : memref<32x160x64xi32, #tpu.memory_space<hbm>> -> memref<1x160x64xi32, #tpu.memory_space<hbm>>
          %dma_start3A_620 = tpu.memref_squeeze %dma_start3A_619 : memref<1x160x64xi32, #tpu.memory_space<hbm>> -> memref<160x64xi32, #tpu.memory_space<hbm>>
          %dma_start3A_621 = arith.constant 0 : i32
          %dma_start3A_622 = tpu.memref_slice %dma_start3A_620[%multiple_of3A, %dma_start3A_621] : memref<160x64xi32, #tpu.memory_space<hbm>> -> memref<40x64xi32, #tpu.memory_space<hbm>>
          tpu.enqueue_dma source(%dma_start3A_622 : memref<40x64xi32, #tpu.memory_space<hbm>>) target(%arg6 : memref<40x64xi32, #tpu.memory_space<vmem>>) target_semaphore(%run_scoped3A : memref<!tpu.dma_semaphore, #tpu.memory_space<semaphore_mem>>)
          %dma_wait3A = arith.constant 0 : i32
          %dma_wait3A_623 = arith.constant 0 : i32
          %dma_wait3A_624 = tpu.memref_slice %arg3[%add3A, %dma_wait3A, %dma_wait3A_623] : memref<32x160x64xi32, #tpu.memory_space<hbm>> -> memref<1x160x64xi32, #tpu.memory_space<hbm>>
          %dma_wait3A_625 = tpu.memref_squeeze %dma_wait3A_624 : memref<1x160x64xi32, #tpu.memory_space<hbm>> -> memref<160x64xi32, #tpu.memory_space<hbm>>
          %dma_wait3A_626 = arith.constant 0 : i32
          %dma_wait3A_627 = tpu.memref_slice %dma_wait3A_625[%multiple_of3A, %dma_wait3A_626] : memref<160x64xi32, #tpu.memory_space<hbm>> -> memref<40x64xi32, #tpu.memory_space<hbm>>
          %dma_wait3A_628 = arith.constant 0 : i32
          %dma_wait3A_629 = arith.constant 0 : i32
          %dma_wait3A_630 = tpu.memref_slice %arg3[%add3A, %dma_wait3A_628, %dma_wait3A_629] : memref<32x160x64xi32, #tpu.memory_space<hbm>> -> memref<1x160x64xi32, #tpu.memory_space<hbm>>
          %dma_wait3A_631 = tpu.memref_squeeze %dma_wait3A_630 : memref<1x160x64xi32, #tpu.memory_space<hbm>> -> memref<160x64xi32, #tpu.memory_space<hbm>>
          %dma_wait3A_632 = arith.constant 0 : i32
          %dma_wait3A_633 = tpu.memref_slice %dma_wait3A_631[%multiple_of3A, %dma_wait3A_632] : memref<160x64xi32, #tpu.memory_space<hbm>> -> memref<40x64xi32, #tpu.memory_space<hbm>>
          tpu.wait_dma2 semaphore(%run_scoped3A : memref<!tpu.dma_semaphore, #tpu.memory_space<semaphore_mem>>) src(%dma_wait3A_633 : memref<40x64xi32, #tpu.memory_space<hbm>>) dst(%arg6 : memref<40x64xi32, #tpu.memory_space<vmem>>)
          tpu.yield
        }) : () -> ()
        "tpu.region"() ({
          %run_scoped3A = tpu.sem_alloc : memref<!tpu.dma_semaphore, #tpu.memory_space<semaphore_mem>>
          %dma_start3A_611 = arith.constant 0 : i32
          %dma_start3A_612 = arith.constant 0 : i32
          %dma_start3A_613 = tpu.memref_slice %arg4[%add3A, %dma_start3A_611, %dma_start3A_612] : memref<32x160x64xi32, #tpu.memory_space<hbm>> -> memref<1x160x64xi32, #tpu.memory_space<hbm>>
          %dma_start3A_614 = tpu.memref_squeeze %dma_start3A_613 : memref<1x160x64xi32, #tpu.memory_space<hbm>> -> memref<160x64xi32, #tpu.memory_space<hbm>>
          %dma_start3A_615 = arith.constant 0 : i32
          %dma_start3A_616 = tpu.memref_slice %dma_start3A_614[%multiple_of3A, %dma_start3A_615] : memref<160x64xi32, #tpu.memory_space<hbm>> -> memref<40x64xi32, #tpu.memory_space<hbm>>
          %dma_start3A_617 = arith.constant 0 : i32
          %dma_start3A_618 = arith.constant 0 : i32
          %dma_start3A_619 = tpu.memref_slice %arg4[%add3A, %dma_start3A_617, %dma_start3A_618] : memref<32x160x64xi32, #tpu.memory_space<hbm>> -> memref<1x160x64xi32, #tpu.memory_space<hbm>>
          %dma_start3A_620 = tpu.memref_squeeze %dma_start3A_619 : memref<1x160x64xi32, #tpu.memory_space<hbm>> -> memref<160x64xi32, #tpu.memory_space<hbm>>
          %dma_start3A_621 = arith.constant 0 : i32
          %dma_start3A_622 = tpu.memref_slice %dma_start3A_620[%multiple_of3A, %dma_start3A_621] : memref<160x64xi32, #tpu.memory_space<hbm>> -> memref<40x64xi32, #tpu.memory_space<hbm>>
          tpu.enqueue_dma source(%dma_start3A_622 : memref<40x64xi32, #tpu.memory_space<hbm>>) target(%arg7 : memref<40x64xi32, #tpu.memory_space<vmem>>) target_semaphore(%run_scoped3A : memref<!tpu.dma_semaphore, #tpu.memory_space<semaphore_mem>>)
          %dma_wait3A = arith.constant 0 : i32
          %dma_wait3A_623 = arith.constant 0 : i32
          %dma_wait3A_624 = tpu.memref_slice %arg4[%add3A, %dma_wait3A, %dma_wait3A_623] : memref<32x160x64xi32, #tpu.memory_space<hbm>> -> memref<1x160x64xi32, #tpu.memory_space<hbm>>
          %dma_wait3A_625 = tpu.memref_squeeze %dma_wait3A_624 : memref<1x160x64xi32, #tpu.memory_space<hbm>> -> memref<160x64xi32, #tpu.memory_space<hbm>>
          %dma_wait3A_626 = arith.constant 0 : i32
          %dma_wait3A_627 = tpu.memref_slice %dma_wait3A_625[%multiple_of3A, %dma_wait3A_626] : memref<160x64xi32, #tpu.memory_space<hbm>> -> memref<40x64xi32, #tpu.memory_space<hbm>>
          %dma_wait3A_628 = arith.constant 0 : i32
          %dma_wait3A_629 = arith.constant 0 : i32
          %dma_wait3A_630 = tpu.memref_slice %arg4[%add3A, %dma_wait3A_628, %dma_wait3A_629] : memref<32x160x64xi32, #tpu.memory_space<hbm>> -> memref<1x160x64xi32, #tpu.memory_space<hbm>>
          %dma_wait3A_631 = tpu.memref_squeeze %dma_wait3A_630 : memref<1x160x64xi32, #tpu.memory_space<hbm>> -> memref<160x64xi32, #tpu.memory_space<hbm>>
          %dma_wait3A_632 = arith.constant 0 : i32
          %dma_wait3A_633 = tpu.memref_slice %dma_wait3A_631[%multiple_of3A, %dma_wait3A_632] : memref<160x64xi32, #tpu.memory_space<hbm>> -> memref<40x64xi32, #tpu.memory_space<hbm>>
          tpu.wait_dma2 semaphore(%run_scoped3A : memref<!tpu.dma_semaphore, #tpu.memory_space<semaphore_mem>>) src(%dma_wait3A_633 : memref<40x64xi32, #tpu.memory_space<hbm>>) dst(%arg7 : memref<40x64xi32, #tpu.memory_space<vmem>>)
          tpu.yield
        }) : () -> ()
      } else {
      }
      %dma_start3A = arith.constant 0 : i32
      %dma_start3A_551 = arith.constant 0 : i32
      %dma_start3A_552 = arith.constant 0 : i32
      %dma_start3A_553 = arith.constant 0 : i32
      %dma_start3A_554 = tpu.memref_slice %arg8[%dma_start3A_551, %dma_start3A_552, %dma_start3A_553] : memref<4x64x128xf32, #tpu.memory_space<vmem>> -> memref<1x64x128xf32, #tpu.memory_space<vmem>>
      %dma_start3A_555 = tpu.memref_squeeze %dma_start3A_554 : memref<1x64x128xf32, #tpu.memory_space<vmem>> -> memref<64x128xf32, #tpu.memory_space<vmem>>
      %dma_start3A_556 = arith.constant 0 : i32
      %dma_start3A_557 = tpu.memref_slice %arg6[%dma_start3A, %dma_start3A_556] : memref<40x64xi32, #tpu.memory_space<vmem>> -> memref<1x64xi32, #tpu.memory_space<vmem>>
      %dma_start3A_558 = tpu.memref_squeeze %dma_start3A_557 : memref<1x64xi32, #tpu.memory_space<vmem>> -> memref<64xi32, #tpu.memory_space<vmem>>
      %dma_start3A_559 = arith.constant 0 : i32
      %dma_start3A_560 = arith.constant 0 : i32
      %dma_start3A_561 = tpu.memref_slice %arg2[%dma_start3A_559, %dma_start3A_560] : memref<10000x128xf32, #tpu.memory_space<hbm>> -> memref<10000x128xf32, #tpu.memory_space<hbm>>
      tpu.enqueue_indirect_dma source(%dma_start3A_561 : memref<10000x128xf32, #tpu.memory_space<hbm>>) target(%dma_start3A_555 : memref<64x128xf32, #tpu.memory_space<vmem>>) offsets(%dma_start3A_558 : memref<64xi32, #tpu.memory_space<vmem>>) semaphore(%arg12 : memref<!tpu.dma_semaphore, #tpu.memory_space<semaphore_mem>>)
      %dma_start3A_562 = arith.constant 1 : i32
      %dma_start3A_563 = arith.constant 1 : i32
      %dma_start3A_564 = arith.constant 0 : i32
      %dma_start3A_565 = arith.constant 0 : i32
      %dma_start3A_566 = tpu.memref_slice %arg8[%dma_start3A_563, %dma_start3A_564, %dma_start3A_565] : memref<4x64x128xf32, #tpu.memory_space<vmem>> -> memref<1x64x128xf32, #tpu.memory_space<vmem>>
      %dma_start3A_567 = tpu.memref_squeeze %dma_start3A_566 : memref<1x64x128xf32, #tpu.memory_space<vmem>> -> memref<64x128xf32, #tpu.memory_space<vmem>>
      %dma_start3A_568 = arith.constant 0 : i32
      %dma_start3A_569 = tpu.memref_slice %arg6[%dma_start3A_562, %dma_start3A_568] : memref<40x64xi32, #tpu.memory_space<vmem>> -> memref<1x64xi32, #tpu.memory_space<vmem>>
      %dma_start3A_570 = tpu.memref_squeeze %dma_start3A_569 : memref<1x64xi32, #tpu.memory_space<vmem>> -> memref<64xi32, #tpu.memory_space<vmem>>
      %dma_start3A_571 = arith.constant 0 : i32
      %dma_start3A_572 = arith.constant 0 : i32
      %dma_start3A_573 = tpu.memref_slice %arg2[%dma_start3A_571, %dma_start3A_572] : memref<10000x128xf32, #tpu.memory_space<hbm>> -> memref<10000x128xf32, #tpu.memory_space<hbm>>
      tpu.enqueue_indirect_dma source(%dma_start3A_573 : memref<10000x128xf32, #tpu.memory_space<hbm>>) target(%dma_start3A_567 : memref<64x128xf32, #tpu.memory_space<vmem>>) offsets(%dma_start3A_570 : memref<64xi32, #tpu.memory_space<vmem>>) semaphore(%arg13 : memref<!tpu.dma_semaphore, #tpu.memory_space<semaphore_mem>>)
      %dma_start3A_574 = arith.constant 2 : i32
      %dma_start3A_575 = arith.constant 2 : i32
      %dma_start3A_576 = arith.constant 0 : i32
      %dma_start3A_577 = arith.constant 0 : i32
      %dma_start3A_578 = tpu.memref_slice %arg8[%dma_start3A_575, %dma_start3A_576, %dma_start3A_577] : memref<4x64x128xf32, #tpu.memory_space<vmem>> -> memref<1x64x128xf32, #tpu.memory_space<vmem>>
      %dma_start3A_579 = tpu.memref_squeeze %dma_start3A_578 : memref<1x64x128xf32, #tpu.memory_space<vmem>> -> memref<64x128xf32, #tpu.memory_space<vmem>>
      %dma_start3A_580 = arith.constant 0 : i32
      %dma_start3A_581 = tpu.memref_slice %arg6[%dma_start3A_574, %dma_start3A_580] : memref<40x64xi32, #tpu.memory_space<vmem>> -> memref<1x64xi32, #tpu.memory_space<vmem>>
      %dma_start3A_582 = tpu.memref_squeeze %dma_start3A_581 : memref<1x64xi32, #tpu.memory_space<vmem>> -> memref<64xi32, #tpu.memory_space<vmem>>
      %dma_start3A_583 = arith.constant 0 : i32
      %dma_start3A_584 = arith.constant 0 : i32
      %dma_start3A_585 = tpu.memref_slice %arg2[%dma_start3A_583, %dma_start3A_584] : memref<10000x128xf32, #tpu.memory_space<hbm>> -> memref<10000x128xf32, #tpu.memory_space<hbm>>
      tpu.enqueue_indirect_dma source(%dma_start3A_585 : memref<10000x128xf32, #tpu.memory_space<hbm>>) target(%dma_start3A_579 : memref<64x128xf32, #tpu.memory_space<vmem>>) offsets(%dma_start3A_582 : memref<64xi32, #tpu.memory_space<vmem>>) semaphore(%arg14 : memref<!tpu.dma_semaphore, #tpu.memory_space<semaphore_mem>>)
      %dma_start3A_586 = arith.constant 3 : i32
      %dma_start3A_587 = arith.constant 3 : i32
      %dma_start3A_588 = arith.constant 0 : i32
      %dma_start3A_589 = arith.constant 0 : i32
      %dma_start3A_590 = tpu.memref_slice %arg8[%dma_start3A_587, %dma_start3A_588, %dma_start3A_589] : memref<4x64x128xf32, #tpu.memory_space<vmem>> -> memref<1x64x128xf32, #tpu.memory_space<vmem>>
      %dma_start3A_591 = tpu.memref_squeeze %dma_start3A_590 : memref<1x64x128xf32, #tpu.memory_space<vmem>> -> memref<64x128xf32, #tpu.memory_space<vmem>>
      %dma_start3A_592 = arith.constant 0 : i32
      %dma_start3A_593 = tpu.memref_slice %arg6[%dma_start3A_586, %dma_start3A_592] : memref<40x64xi32, #tpu.memory_space<vmem>> -> memref<1x64xi32, #tpu.memory_space<vmem>>
      %dma_start3A_594 = tpu.memref_squeeze %dma_start3A_593 : memref<1x64xi32, #tpu.memory_space<vmem>> -> memref<64xi32, #tpu.memory_space<vmem>>
      %dma_start3A_595 = arith.constant 0 : i32
      %dma_start3A_596 = arith.constant 0 : i32
      %dma_start3A_597 = tpu.memref_slice %arg2[%dma_start3A_595, %dma_start3A_596] : memref<10000x128xf32, #tpu.memory_space<hbm>> -> memref<10000x128xf32, #tpu.memory_space<hbm>>
      tpu.enqueue_indirect_dma source(%dma_start3A_597 : memref<10000x128xf32, #tpu.memory_space<hbm>>) target(%dma_start3A_591 : memref<64x128xf32, #tpu.memory_space<vmem>>) offsets(%dma_start3A_594 : memref<64xi32, #tpu.memory_space<vmem>>) semaphore(%arg15 : memref<!tpu.dma_semaphore, #tpu.memory_space<semaphore_mem>>)
      %while3A_598 = arith.constant 0 : i32
      %while3A_599 = arith.constant 0 : i32
      %while3A_600 = arith.constant 10 : i32
      %while3A_601 = arith.subi %while3A_600, %while3A_599 : i32
      %while3A_602 = arith.addi %while3A_599, %while3A_601 : i32
      %while3A_603 = arith.constant 1 : i32
      %while3A_604 = arith.divsi %while3A_601, %while3A_603 : i32
      %while3A_605 = arith.muli %while3A_604, %while3A_603 : i32
      %while3A_606 = arith.addi %while3A_599, %while3A_605 : i32
      %while3A_607 = arith.constant 1 : i32
      scf.for %while3A_609 = %while3A_599 to %while3A_606 step %while3A_607  : i32 {
        %mul3A_610 = arith.constant 4 : i32
        %mul3A_611 = arith.muli %while3A_609, %mul3A_610 : i32
        %add3A_612 = arith.constant 0 : i32
        %add3A_613 = arith.addi %mul3A_611, %add3A_612 : i32
        %dma_wait3A = arith.constant 0 : i32
        %dma_wait3A_614 = arith.constant 0 : i32
        %dma_wait3A_615 = arith.constant 0 : i32
        %dma_wait3A_616 = tpu.memref_slice %arg8[%dma_wait3A, %dma_wait3A_614, %dma_wait3A_615] : memref<4x64x128xf32, #tpu.memory_space<vmem>> -> memref<1x64x128xf32, #tpu.memory_space<vmem>>
        %dma_wait3A_617 = tpu.memref_squeeze %dma_wait3A_616 : memref<1x64x128xf32, #tpu.memory_space<vmem>> -> memref<64x128xf32, #tpu.memory_space<vmem>>
        %dma_wait3A_618 = arith.constant 0 : i32
        %dma_wait3A_619 = tpu.memref_slice %arg6[%add3A_613, %dma_wait3A_618] : memref<40x64xi32, #tpu.memory_space<vmem>> -> memref<1x64xi32, #tpu.memory_space<vmem>>
        %dma_wait3A_620 = tpu.memref_squeeze %dma_wait3A_619 : memref<1x64xi32, #tpu.memory_space<vmem>> -> memref<64xi32, #tpu.memory_space<vmem>>
        %dma_wait3A_621 = arith.constant 0 : i32
        %dma_wait3A_622 = arith.constant 0 : i32
        %dma_wait3A_623 = tpu.memref_slice %arg2[%dma_wait3A_621, %dma_wait3A_622] : memref<10000x128xf32, #tpu.memory_space<hbm>> -> memref<10000x128xf32, #tpu.memory_space<hbm>>
        tpu.wait_indirect_dma semaphore(%arg12 : memref<!tpu.dma_semaphore, #tpu.memory_space<semaphore_mem>>) src(%dma_wait3A_623 : memref<10000x128xf32, #tpu.memory_space<hbm>>) dst(%dma_wait3A_617 : memref<64x128xf32, #tpu.memory_space<vmem>>)
        %run_scoped3A = arith.constant 0 : i32
        "tpu.region"() ({
          %run_scoped3A_699 = tpu.sem_alloc : memref<!tpu.dma_semaphore, #tpu.memory_space<semaphore_mem>>
          %dma_start3A_700 = arith.constant 0 : i32
          %dma_start3A_701 = arith.constant 0 : i32
          %dma_start3A_702 = tpu.memref_slice %arg8[%run_scoped3A, %dma_start3A_700, %dma_start3A_701] : memref<4x64x128xf32, #tpu.memory_space<vmem>> -> memref<1x64x128xf32, #tpu.memory_space<vmem>>
          %dma_start3A_703 = tpu.memref_squeeze %dma_start3A_702 : memref<1x64x128xf32, #tpu.memory_space<vmem>> -> memref<64x128xf32, #tpu.memory_space<vmem>>
          %dma_start3A_704 = arith.constant 0 : i32
          %dma_start3A_705 = tpu.memref_slice %arg7[%add3A_613, %dma_start3A_704] : memref<40x64xi32, #tpu.memory_space<vmem>> -> memref<1x64xi32, #tpu.memory_space<vmem>>
          %dma_start3A_706 = tpu.memref_squeeze %dma_start3A_705 : memref<1x64xi32, #tpu.memory_space<vmem>> -> memref<64xi32, #tpu.memory_space<vmem>>
          %dma_start3A_707 = arith.constant 0 : i32
          %dma_start3A_708 = arith.constant 0 : i32
          %dma_start3A_709 = tpu.memref_slice %arg10[%dma_start3A_707, %dma_start3A_708] : memref<10112x128xf32, #tpu.memory_space<vmem_shared>> -> memref<10112x128xf32, #tpu.memory_space<vmem_shared>>
          tpu.enqueue_indirect_dma source(%dma_start3A_703 : memref<64x128xf32, #tpu.memory_space<vmem>>) target(%dma_start3A_709 : memref<10112x128xf32, #tpu.memory_space<vmem_shared>>) offsets(%dma_start3A_706 : memref<64xi32, #tpu.memory_space<vmem>>) semaphore(%run_scoped3A_699 : memref<!tpu.dma_semaphore, #tpu.memory_space<semaphore_mem>>) {add = true}
          %dma_wait3A_710 = arith.constant 0 : i32
          %dma_wait3A_711 = arith.constant 0 : i32
          %dma_wait3A_712 = tpu.memref_slice %arg8[%run_scoped3A, %dma_wait3A_710, %dma_wait3A_711] : memref<4x64x128xf32, #tpu.memory_space<vmem>> -> memref<1x64x128xf32, #tpu.memory_space<vmem>>
          %dma_wait3A_713 = tpu.memref_squeeze %dma_wait3A_712 : memref<1x64x128xf32, #tpu.memory_space<vmem>> -> memref<64x128xf32, #tpu.memory_space<vmem>>
          %dma_wait3A_714 = arith.constant 0 : i32
          %dma_wait3A_715 = tpu.memref_slice %arg7[%add3A_613, %dma_wait3A_714] : memref<40x64xi32, #tpu.memory_space<vmem>> -> memref<1x64xi32, #tpu.memory_space<vmem>>
          %dma_wait3A_716 = tpu.memref_squeeze %dma_wait3A_715 : memref<1x64xi32, #tpu.memory_space<vmem>> -> memref<64xi32, #tpu.memory_space<vmem>>
          %dma_wait3A_717 = arith.constant 0 : i32
          %dma_wait3A_718 = arith.constant 0 : i32
          %dma_wait3A_719 = tpu.memref_slice %arg10[%dma_wait3A_717, %dma_wait3A_718] : memref<10112x128xf32, #tpu.memory_space<vmem_shared>> -> memref<10112x128xf32, #tpu.memory_space<vmem_shared>>
          tpu.wait_indirect_dma semaphore(%run_scoped3A_699 : memref<!tpu.dma_semaphore, #tpu.memory_space<semaphore_mem>>) src(%dma_wait3A_713 : memref<64x128xf32, #tpu.memory_space<vmem>>) dst(%dma_wait3A_719 : memref<10112x128xf32, #tpu.memory_space<vmem_shared>>)
          tpu.yield
        }) : () -> ()
        %add3A_624 = arith.constant 4 : i32
        %add3A_625 = arith.addi %add3A_613, %add3A_624 : i32
        %lt3A = arith.constant 40 : i32
        %lt3A_626 = arith.cmpi slt, %add3A_625, %lt3A : i32
        %convert_element_type3A_627 = arith.extui %lt3A_626 : i1 to i32
        %cond3A_628 = arith.constant 0 : i32
        %cond3A_629 = arith.cmpi ne, %convert_element_type3A_627, %cond3A_628 : i32
        scf.if %cond3A_629 {
          %dma_start3A_699 = arith.constant 0 : i32
          %dma_start3A_700 = arith.constant 0 : i32
          %dma_start3A_701 = arith.constant 0 : i32
          %dma_start3A_702 = tpu.memref_slice %arg8[%dma_start3A_699, %dma_start3A_700, %dma_start3A_701] : memref<4x64x128xf32, #tpu.memory_space<vmem>> -> memref<1x64x128xf32, #tpu.memory_space<vmem>>
          %dma_start3A_703 = tpu.memref_squeeze %dma_start3A_702 : memref<1x64x128xf32, #tpu.memory_space<vmem>> -> memref<64x128xf32, #tpu.memory_space<vmem>>
          %dma_start3A_704 = arith.constant 0 : i32
          %dma_start3A_705 = tpu.memref_slice %arg6[%add3A_625, %dma_start3A_704] : memref<40x64xi32, #tpu.memory_space<vmem>> -> memref<1x64xi32, #tpu.memory_space<vmem>>
          %dma_start3A_706 = tpu.memref_squeeze %dma_start3A_705 : memref<1x64xi32, #tpu.memory_space<vmem>> -> memref<64xi32, #tpu.memory_space<vmem>>
          %dma_start3A_707 = arith.constant 0 : i32
          %dma_start3A_708 = arith.constant 0 : i32
          %dma_start3A_709 = tpu.memref_slice %arg2[%dma_start3A_707, %dma_start3A_708] : memref<10000x128xf32, #tpu.memory_space<hbm>> -> memref<10000x128xf32, #tpu.memory_space<hbm>>
          tpu.enqueue_indirect_dma source(%dma_start3A_709 : memref<10000x128xf32, #tpu.memory_space<hbm>>) target(%dma_start3A_703 : memref<64x128xf32, #tpu.memory_space<vmem>>) offsets(%dma_start3A_706 : memref<64xi32, #tpu.memory_space<vmem>>) semaphore(%arg12 : memref<!tpu.dma_semaphore, #tpu.memory_space<semaphore_mem>>)
        } else {
        }
        %mul3A_630 = arith.constant 4 : i32
        %mul3A_631 = arith.muli %while3A_609, %mul3A_630 : i32
        %add3A_632 = arith.constant 1 : i32
        %add3A_633 = arith.addi %mul3A_631, %add3A_632 : i32
        %dma_wait3A_634 = arith.constant 1 : i32
        %dma_wait3A_635 = arith.constant 0 : i32
        %dma_wait3A_636 = arith.constant 0 : i32
        %dma_wait3A_637 = tpu.memref_slice %arg8[%dma_wait3A_634, %dma_wait3A_635, %dma_wait3A_636] : memref<4x64x128xf32, #tpu.memory_space<vmem>> -> memref<1x64x128xf32, #tpu.memory_space<vmem>>
        %dma_wait3A_638 = tpu.memref_squeeze %dma_wait3A_637 : memref<1x64x128xf32, #tpu.memory_space<vmem>> -> memref<64x128xf32, #tpu.memory_space<vmem>>
        %dma_wait3A_639 = arith.constant 0 : i32
        %dma_wait3A_640 = tpu.memref_slice %arg6[%add3A_633, %dma_wait3A_639] : memref<40x64xi32, #tpu.memory_space<vmem>> -> memref<1x64xi32, #tpu.memory_space<vmem>>
        %dma_wait3A_641 = tpu.memref_squeeze %dma_wait3A_640 : memref<1x64xi32, #tpu.memory_space<vmem>> -> memref<64xi32, #tpu.memory_space<vmem>>
        %dma_wait3A_642 = arith.constant 0 : i32
        %dma_wait3A_643 = arith.constant 0 : i32
        %dma_wait3A_644 = tpu.memref_slice %arg2[%dma_wait3A_642, %dma_wait3A_643] : memref<10000x128xf32, #tpu.memory_space<hbm>> -> memref<10000x128xf32, #tpu.memory_space<hbm>>
        tpu.wait_indirect_dma semaphore(%arg13 : memref<!tpu.dma_semaphore, #tpu.memory_space<semaphore_mem>>) src(%dma_wait3A_644 : memref<10000x128xf32, #tpu.memory_space<hbm>>) dst(%dma_wait3A_638 : memref<64x128xf32, #tpu.memory_space<vmem>>)
        %run_scoped3A_645 = arith.constant 1 : i32
        "tpu.region"() ({
          %run_scoped3A_699 = tpu.sem_alloc : memref<!tpu.dma_semaphore, #tpu.memory_space<semaphore_mem>>
          %dma_start3A_700 = arith.constant 0 : i32
          %dma_start3A_701 = arith.constant 0 : i32
          %dma_start3A_702 = tpu.memref_slice %arg8[%run_scoped3A_645, %dma_start3A_700, %dma_start3A_701] : memref<4x64x128xf32, #tpu.memory_space<vmem>> -> memref<1x64x128xf32, #tpu.memory_space<vmem>>
          %dma_start3A_703 = tpu.memref_squeeze %dma_start3A_702 : memref<1x64x128xf32, #tpu.memory_space<vmem>> -> memref<64x128xf32, #tpu.memory_space<vmem>>
          %dma_start3A_704 = arith.constant 0 : i32
          %dma_start3A_705 = tpu.memref_slice %arg7[%add3A_633, %dma_start3A_704] : memref<40x64xi32, #tpu.memory_space<vmem>> -> memref<1x64xi32, #tpu.memory_space<vmem>>
          %dma_start3A_706 = tpu.memref_squeeze %dma_start3A_705 : memref<1x64xi32, #tpu.memory_space<vmem>> -> memref<64xi32, #tpu.memory_space<vmem>>
          %dma_start3A_707 = arith.constant 0 : i32
          %dma_start3A_708 = arith.constant 0 : i32
          %dma_start3A_709 = tpu.memref_slice %arg10[%dma_start3A_707, %dma_start3A_708] : memref<10112x128xf32, #tpu.memory_space<vmem_shared>> -> memref<10112x128xf32, #tpu.memory_space<vmem_shared>>
          tpu.enqueue_indirect_dma source(%dma_start3A_703 : memref<64x128xf32, #tpu.memory_space<vmem>>) target(%dma_start3A_709 : memref<10112x128xf32, #tpu.memory_space<vmem_shared>>) offsets(%dma_start3A_706 : memref<64xi32, #tpu.memory_space<vmem>>) semaphore(%run_scoped3A_699 : memref<!tpu.dma_semaphore, #tpu.memory_space<semaphore_mem>>) {add = true}
          %dma_wait3A_710 = arith.constant 0 : i32
          %dma_wait3A_711 = arith.constant 0 : i32
          %dma_wait3A_712 = tpu.memref_slice %arg8[%run_scoped3A_645, %dma_wait3A_710, %dma_wait3A_711] : memref<4x64x128xf32, #tpu.memory_space<vmem>> -> memref<1x64x128xf32, #tpu.memory_space<vmem>>
          %dma_wait3A_713 = tpu.memref_squeeze %dma_wait3A_712 : memref<1x64x128xf32, #tpu.memory_space<vmem>> -> memref<64x128xf32, #tpu.memory_space<vmem>>
          %dma_wait3A_714 = arith.constant 0 : i32
          %dma_wait3A_715 = tpu.memref_slice %arg7[%add3A_633, %dma_wait3A_714] : memref<40x64xi32, #tpu.memory_space<vmem>> -> memref<1x64xi32, #tpu.memory_space<vmem>>
          %dma_wait3A_716 = tpu.memref_squeeze %dma_wait3A_715 : memref<1x64xi32, #tpu.memory_space<vmem>> -> memref<64xi32, #tpu.memory_space<vmem>>
          %dma_wait3A_717 = arith.constant 0 : i32
          %dma_wait3A_718 = arith.constant 0 : i32
          %dma_wait3A_719 = tpu.memref_slice %arg10[%dma_wait3A_717, %dma_wait3A_718] : memref<10112x128xf32, #tpu.memory_space<vmem_shared>> -> memref<10112x128xf32, #tpu.memory_space<vmem_shared>>
          tpu.wait_indirect_dma semaphore(%run_scoped3A_699 : memref<!tpu.dma_semaphore, #tpu.memory_space<semaphore_mem>>) src(%dma_wait3A_713 : memref<64x128xf32, #tpu.memory_space<vmem>>) dst(%dma_wait3A_719 : memref<10112x128xf32, #tpu.memory_space<vmem_shared>>)
          tpu.yield
        }) : () -> ()
        %add3A_646 = arith.constant 4 : i32
        %add3A_647 = arith.addi %add3A_633, %add3A_646 : i32
        %lt3A_648 = arith.constant 40 : i32
        %lt3A_649 = arith.cmpi slt, %add3A_647, %lt3A_648 : i32
        %convert_element_type3A_650 = arith.extui %lt3A_649 : i1 to i32
        %cond3A_651 = arith.constant 0 : i32
        %cond3A_652 = arith.cmpi ne, %convert_element_type3A_650, %cond3A_651 : i32
        scf.if %cond3A_652 {
          %dma_start3A_699 = arith.constant 1 : i32
          %dma_start3A_700 = arith.constant 0 : i32
          %dma_start3A_701 = arith.constant 0 : i32
          %dma_start3A_702 = tpu.memref_slice %arg8[%dma_start3A_699, %dma_start3A_700, %dma_start3A_701] : memref<4x64x128xf32, #tpu.memory_space<vmem>> -> memref<1x64x128xf32, #tpu.memory_space<vmem>>
          %dma_start3A_703 = tpu.memref_squeeze %dma_start3A_702 : memref<1x64x128xf32, #tpu.memory_space<vmem>> -> memref<64x128xf32, #tpu.memory_space<vmem>>
          %dma_start3A_704 = arith.constant 0 : i32
          %dma_start3A_705 = tpu.memref_slice %arg6[%add3A_647, %dma_start3A_704] : memref<40x64xi32, #tpu.memory_space<vmem>> -> memref<1x64xi32, #tpu.memory_space<vmem>>
          %dma_start3A_706 = tpu.memref_squeeze %dma_start3A_705 : memref<1x64xi32, #tpu.memory_space<vmem>> -> memref<64xi32, #tpu.memory_space<vmem>>
          %dma_start3A_707 = arith.constant 0 : i32
          %dma_start3A_708 = arith.constant 0 : i32
          %dma_start3A_709 = tpu.memref_slice %arg2[%dma_start3A_707, %dma_start3A_708] : memref<10000x128xf32, #tpu.memory_space<hbm>> -> memref<10000x128xf32, #tpu.memory_space<hbm>>
          tpu.enqueue_indirect_dma source(%dma_start3A_709 : memref<10000x128xf32, #tpu.memory_space<hbm>>) target(%dma_start3A_703 : memref<64x128xf32, #tpu.memory_space<vmem>>) offsets(%dma_start3A_706 : memref<64xi32, #tpu.memory_space<vmem>>) semaphore(%arg13 : memref<!tpu.dma_semaphore, #tpu.memory_space<semaphore_mem>>)
        } else {
        }
        %mul3A_653 = arith.constant 4 : i32
        %mul3A_654 = arith.muli %while3A_609, %mul3A_653 : i32
        %add3A_655 = arith.constant 2 : i32
        %add3A_656 = arith.addi %mul3A_654, %add3A_655 : i32
        %dma_wait3A_657 = arith.constant 2 : i32
        %dma_wait3A_658 = arith.constant 0 : i32
        %dma_wait3A_659 = arith.constant 0 : i32
        %dma_wait3A_660 = tpu.memref_slice %arg8[%dma_wait3A_657, %dma_wait3A_658, %dma_wait3A_659] : memref<4x64x128xf32, #tpu.memory_space<vmem>> -> memref<1x64x128xf32, #tpu.memory_space<vmem>>
        %dma_wait3A_661 = tpu.memref_squeeze %dma_wait3A_660 : memref<1x64x128xf32, #tpu.memory_space<vmem>> -> memref<64x128xf32, #tpu.memory_space<vmem>>
        %dma_wait3A_662 = arith.constant 0 : i32
        %dma_wait3A_663 = tpu.memref_slice %arg6[%add3A_656, %dma_wait3A_662] : memref<40x64xi32, #tpu.memory_space<vmem>> -> memref<1x64xi32, #tpu.memory_space<vmem>>
        %dma_wait3A_664 = tpu.memref_squeeze %dma_wait3A_663 : memref<1x64xi32, #tpu.memory_space<vmem>> -> memref<64xi32, #tpu.memory_space<vmem>>
        %dma_wait3A_665 = arith.constant 0 : i32
        %dma_wait3A_666 = arith.constant 0 : i32
        %dma_wait3A_667 = tpu.memref_slice %arg2[%dma_wait3A_665, %dma_wait3A_666] : memref<10000x128xf32, #tpu.memory_space<hbm>> -> memref<10000x128xf32, #tpu.memory_space<hbm>>
        tpu.wait_indirect_dma semaphore(%arg14 : memref<!tpu.dma_semaphore, #tpu.memory_space<semaphore_mem>>) src(%dma_wait3A_667 : memref<10000x128xf32, #tpu.memory_space<hbm>>) dst(%dma_wait3A_661 : memref<64x128xf32, #tpu.memory_space<vmem>>)
        %run_scoped3A_668 = arith.constant 2 : i32
        "tpu.region"() ({
          %run_scoped3A_699 = tpu.sem_alloc : memref<!tpu.dma_semaphore, #tpu.memory_space<semaphore_mem>>
          %dma_start3A_700 = arith.constant 0 : i32
          %dma_start3A_701 = arith.constant 0 : i32
          %dma_start3A_702 = tpu.memref_slice %arg8[%run_scoped3A_668, %dma_start3A_700, %dma_start3A_701] : memref<4x64x128xf32, #tpu.memory_space<vmem>> -> memref<1x64x128xf32, #tpu.memory_space<vmem>>
          %dma_start3A_703 = tpu.memref_squeeze %dma_start3A_702 : memref<1x64x128xf32, #tpu.memory_space<vmem>> -> memref<64x128xf32, #tpu.memory_space<vmem>>
          %dma_start3A_704 = arith.constant 0 : i32
          %dma_start3A_705 = tpu.memref_slice %arg7[%add3A_656, %dma_start3A_704] : memref<40x64xi32, #tpu.memory_space<vmem>> -> memref<1x64xi32, #tpu.memory_space<vmem>>
          %dma_start3A_706 = tpu.memref_squeeze %dma_start3A_705 : memref<1x64xi32, #tpu.memory_space<vmem>> -> memref<64xi32, #tpu.memory_space<vmem>>
          %dma_start3A_707 = arith.constant 0 : i32
          %dma_start3A_708 = arith.constant 0 : i32
          %dma_start3A_709 = tpu.memref_slice %arg10[%dma_start3A_707, %dma_start3A_708] : memref<10112x128xf32, #tpu.memory_space<vmem_shared>> -> memref<10112x128xf32, #tpu.memory_space<vmem_shared>>
          tpu.enqueue_indirect_dma source(%dma_start3A_703 : memref<64x128xf32, #tpu.memory_space<vmem>>) target(%dma_start3A_709 : memref<10112x128xf32, #tpu.memory_space<vmem_shared>>) offsets(%dma_start3A_706 : memref<64xi32, #tpu.memory_space<vmem>>) semaphore(%run_scoped3A_699 : memref<!tpu.dma_semaphore, #tpu.memory_space<semaphore_mem>>) {add = true}
          %dma_wait3A_710 = arith.constant 0 : i32
          %dma_wait3A_711 = arith.constant 0 : i32
          %dma_wait3A_712 = tpu.memref_slice %arg8[%run_scoped3A_668, %dma_wait3A_710, %dma_wait3A_711] : memref<4x64x128xf32, #tpu.memory_space<vmem>> -> memref<1x64x128xf32, #tpu.memory_space<vmem>>
          %dma_wait3A_713 = tpu.memref_squeeze %dma_wait3A_712 : memref<1x64x128xf32, #tpu.memory_space<vmem>> -> memref<64x128xf32, #tpu.memory_space<vmem>>
          %dma_wait3A_714 = arith.constant 0 : i32
          %dma_wait3A_715 = tpu.memref_slice %arg7[%add3A_656, %dma_wait3A_714] : memref<40x64xi32, #tpu.memory_space<vmem>> -> memref<1x64xi32, #tpu.memory_space<vmem>>
          %dma_wait3A_716 = tpu.memref_squeeze %dma_wait3A_715 : memref<1x64xi32, #tpu.memory_space<vmem>> -> memref<64xi32, #tpu.memory_space<vmem>>
          %dma_wait3A_717 = arith.constant 0 : i32
          %dma_wait3A_718 = arith.constant 0 : i32
          %dma_wait3A_719 = tpu.memref_slice %arg10[%dma_wait3A_717, %dma_wait3A_718] : memref<10112x128xf32, #tpu.memory_space<vmem_shared>> -> memref<10112x128xf32, #tpu.memory_space<vmem_shared>>
          tpu.wait_indirect_dma semaphore(%run_scoped3A_699 : memref<!tpu.dma_semaphore, #tpu.memory_space<semaphore_mem>>) src(%dma_wait3A_713 : memref<64x128xf32, #tpu.memory_space<vmem>>) dst(%dma_wait3A_719 : memref<10112x128xf32, #tpu.memory_space<vmem_shared>>)
          tpu.yield
        }) : () -> ()
        %add3A_669 = arith.constant 4 : i32
        %add3A_670 = arith.addi %add3A_656, %add3A_669 : i32
        %lt3A_671 = arith.constant 40 : i32
        %lt3A_672 = arith.cmpi slt, %add3A_670, %lt3A_671 : i32
        %convert_element_type3A_673 = arith.extui %lt3A_672 : i1 to i32
        %cond3A_674 = arith.constant 0 : i32
        %cond3A_675 = arith.cmpi ne, %convert_element_type3A_673, %cond3A_674 : i32
        scf.if %cond3A_675 {
          %dma_start3A_699 = arith.constant 2 : i32
          %dma_start3A_700 = arith.constant 0 : i32
          %dma_start3A_701 = arith.constant 0 : i32
          %dma_start3A_702 = tpu.memref_slice %arg8[%dma_start3A_699, %dma_start3A_700, %dma_start3A_701] : memref<4x64x128xf32, #tpu.memory_space<vmem>> -> memref<1x64x128xf32, #tpu.memory_space<vmem>>
          %dma_start3A_703 = tpu.memref_squeeze %dma_start3A_702 : memref<1x64x128xf32, #tpu.memory_space<vmem>> -> memref<64x128xf32, #tpu.memory_space<vmem>>
          %dma_start3A_704 = arith.constant 0 : i32
          %dma_start3A_705 = tpu.memref_slice %arg6[%add3A_670, %dma_start3A_704] : memref<40x64xi32, #tpu.memory_space<vmem>> -> memref<1x64xi32, #tpu.memory_space<vmem>>
          %dma_start3A_706 = tpu.memref_squeeze %dma_start3A_705 : memref<1x64xi32, #tpu.memory_space<vmem>> -> memref<64xi32, #tpu.memory_space<vmem>>
          %dma_start3A_707 = arith.constant 0 : i32
          %dma_start3A_708 = arith.constant 0 : i32
          %dma_start3A_709 = tpu.memref_slice %arg2[%dma_start3A_707, %dma_start3A_708] : memref<10000x128xf32, #tpu.memory_space<hbm>> -> memref<10000x128xf32, #tpu.memory_space<hbm>>
          tpu.enqueue_indirect_dma source(%dma_start3A_709 : memref<10000x128xf32, #tpu.memory_space<hbm>>) target(%dma_start3A_703 : memref<64x128xf32, #tpu.memory_space<vmem>>) offsets(%dma_start3A_706 : memref<64xi32, #tpu.memory_space<vmem>>) semaphore(%arg14 : memref<!tpu.dma_semaphore, #tpu.memory_space<semaphore_mem>>)
        } else {
        }
        %mul3A_676 = arith.constant 4 : i32
        %mul3A_677 = arith.muli %while3A_609, %mul3A_676 : i32
        %add3A_678 = arith.constant 3 : i32
        %add3A_679 = arith.addi %mul3A_677, %add3A_678 : i32
        %dma_wait3A_680 = arith.constant 3 : i32
        %dma_wait3A_681 = arith.constant 0 : i32
        %dma_wait3A_682 = arith.constant 0 : i32
        %dma_wait3A_683 = tpu.memref_slice %arg8[%dma_wait3A_680, %dma_wait3A_681, %dma_wait3A_682] : memref<4x64x128xf32, #tpu.memory_space<vmem>> -> memref<1x64x128xf32, #tpu.memory_space<vmem>>
        %dma_wait3A_684 = tpu.memref_squeeze %dma_wait3A_683 : memref<1x64x128xf32, #tpu.memory_space<vmem>> -> memref<64x128xf32, #tpu.memory_space<vmem>>
        %dma_wait3A_685 = arith.constant 0 : i32
        %dma_wait3A_686 = tpu.memref_slice %arg6[%add3A_679, %dma_wait3A_685] : memref<40x64xi32, #tpu.memory_space<vmem>> -> memref<1x64xi32, #tpu.memory_space<vmem>>
        %dma_wait3A_687 = tpu.memref_squeeze %dma_wait3A_686 : memref<1x64xi32, #tpu.memory_space<vmem>> -> memref<64xi32, #tpu.memory_space<vmem>>
        %dma_wait3A_688 = arith.constant 0 : i32
        %dma_wait3A_689 = arith.constant 0 : i32
        %dma_wait3A_690 = tpu.memref_slice %arg2[%dma_wait3A_688, %dma_wait3A_689] : memref<10000x128xf32, #tpu.memory_space<hbm>> -> memref<10000x128xf32, #tpu.memory_space<hbm>>
        tpu.wait_indirect_dma semaphore(%arg15 : memref<!tpu.dma_semaphore, #tpu.memory_space<semaphore_mem>>) src(%dma_wait3A_690 : memref<10000x128xf32, #tpu.memory_space<hbm>>) dst(%dma_wait3A_684 : memref<64x128xf32, #tpu.memory_space<vmem>>)
        %run_scoped3A_691 = arith.constant 3 : i32
        "tpu.region"() ({
          %run_scoped3A_699 = tpu.sem_alloc : memref<!tpu.dma_semaphore, #tpu.memory_space<semaphore_mem>>
          %dma_start3A_700 = arith.constant 0 : i32
          %dma_start3A_701 = arith.constant 0 : i32
          %dma_start3A_702 = tpu.memref_slice %arg8[%run_scoped3A_691, %dma_start3A_700, %dma_start3A_701] : memref<4x64x128xf32, #tpu.memory_space<vmem>> -> memref<1x64x128xf32, #tpu.memory_space<vmem>>
          %dma_start3A_703 = tpu.memref_squeeze %dma_start3A_702 : memref<1x64x128xf32, #tpu.memory_space<vmem>> -> memref<64x128xf32, #tpu.memory_space<vmem>>
          %dma_start3A_704 = arith.constant 0 : i32
          %dma_start3A_705 = tpu.memref_slice %arg7[%add3A_679, %dma_start3A_704] : memref<40x64xi32, #tpu.memory_space<vmem>> -> memref<1x64xi32, #tpu.memory_space<vmem>>
          %dma_start3A_706 = tpu.memref_squeeze %dma_start3A_705 : memref<1x64xi32, #tpu.memory_space<vmem>> -> memref<64xi32, #tpu.memory_space<vmem>>
          %dma_start3A_707 = arith.constant 0 : i32
          %dma_start3A_708 = arith.constant 0 : i32
          %dma_start3A_709 = tpu.memref_slice %arg10[%dma_start3A_707, %dma_start3A_708] : memref<10112x128xf32, #tpu.memory_space<vmem_shared>> -> memref<10112x128xf32, #tpu.memory_space<vmem_shared>>
          tpu.enqueue_indirect_dma source(%dma_start3A_703 : memref<64x128xf32, #tpu.memory_space<vmem>>) target(%dma_start3A_709 : memref<10112x128xf32, #tpu.memory_space<vmem_shared>>) offsets(%dma_start3A_706 : memref<64xi32, #tpu.memory_space<vmem>>) semaphore(%run_scoped3A_699 : memref<!tpu.dma_semaphore, #tpu.memory_space<semaphore_mem>>) {add = true}
          %dma_wait3A_710 = arith.constant 0 : i32
          %dma_wait3A_711 = arith.constant 0 : i32
          %dma_wait3A_712 = tpu.memref_slice %arg8[%run_scoped3A_691, %dma_wait3A_710, %dma_wait3A_711] : memref<4x64x128xf32, #tpu.memory_space<vmem>> -> memref<1x64x128xf32, #tpu.memory_space<vmem>>
          %dma_wait3A_713 = tpu.memref_squeeze %dma_wait3A_712 : memref<1x64x128xf32, #tpu.memory_space<vmem>> -> memref<64x128xf32, #tpu.memory_space<vmem>>
          %dma_wait3A_714 = arith.constant 0 : i32
          %dma_wait3A_715 = tpu.memref_slice %arg7[%add3A_679, %dma_wait3A_714] : memref<40x64xi32, #tpu.memory_space<vmem>> -> memref<1x64xi32, #tpu.memory_space<vmem>>
          %dma_wait3A_716 = tpu.memref_squeeze %dma_wait3A_715 : memref<1x64xi32, #tpu.memory_space<vmem>> -> memref<64xi32, #tpu.memory_space<vmem>>
          %dma_wait3A_717 = arith.constant 0 : i32
          %dma_wait3A_718 = arith.constant 0 : i32
          %dma_wait3A_719 = tpu.memref_slice %arg10[%dma_wait3A_717, %dma_wait3A_718] : memref<10112x128xf32, #tpu.memory_space<vmem_shared>> -> memref<10112x128xf32, #tpu.memory_space<vmem_shared>>
          tpu.wait_indirect_dma semaphore(%run_scoped3A_699 : memref<!tpu.dma_semaphore, #tpu.memory_space<semaphore_mem>>) src(%dma_wait3A_713 : memref<64x128xf32, #tpu.memory_space<vmem>>) dst(%dma_wait3A_719 : memref<10112x128xf32, #tpu.memory_space<vmem_shared>>)
          tpu.yield
        }) : () -> ()
        %add3A_692 = arith.constant 4 : i32
        %add3A_693 = arith.addi %add3A_679, %add3A_692 : i32
        %lt3A_694 = arith.constant 40 : i32
        %lt3A_695 = arith.cmpi slt, %add3A_693, %lt3A_694 : i32
        %convert_element_type3A_696 = arith.extui %lt3A_695 : i1 to i32
        %cond3A_697 = arith.constant 0 : i32
        %cond3A_698 = arith.cmpi ne, %convert_element_type3A_696, %cond3A_697 : i32
        scf.if %cond3A_698 {
          %dma_start3A_699 = arith.constant 3 : i32
          %dma_start3A_700 = arith.constant 0 : i32
          %dma_start3A_701 = arith.constant 0 : i32
          %dma_start3A_702 = tpu.memref_slice %arg8[%dma_start3A_699, %dma_start3A_700, %dma_start3A_701] : memref<4x64x128xf32, #tpu.memory_space<vmem>> -> memref<1x64x128xf32, #tpu.memory_space<vmem>>
          %dma_start3A_703 = tpu.memref_squeeze %dma_start3A_702 : memref<1x64x128xf32, #tpu.memory_space<vmem>> -> memref<64x128xf32, #tpu.memory_space<vmem>>
          %dma_start3A_704 = arith.constant 0 : i32
          %dma_start3A_705 = tpu.memref_slice %arg6[%add3A_693, %dma_start3A_704] : memref<40x64xi32, #tpu.memory_space<vmem>> -> memref<1x64xi32, #tpu.memory_space<vmem>>
          %dma_start3A_706 = tpu.memref_squeeze %dma_start3A_705 : memref<1x64xi32, #tpu.memory_space<vmem>> -> memref<64xi32, #tpu.memory_space<vmem>>
          %dma_start3A_707 = arith.constant 0 : i32
          %dma_start3A_708 = arith.constant 0 : i32
          %dma_start3A_709 = tpu.memref_slice %arg2[%dma_start3A_707, %dma_start3A_708] : memref<10000x128xf32, #tpu.memory_space<hbm>> -> memref<10000x128xf32, #tpu.memory_space<hbm>>
          tpu.enqueue_indirect_dma source(%dma_start3A_709 : memref<10000x128xf32, #tpu.memory_space<hbm>>) target(%dma_start3A_703 : memref<64x128xf32, #tpu.memory_space<vmem>>) offsets(%dma_start3A_706 : memref<64xi32, #tpu.memory_space<vmem>>) semaphore(%arg15 : memref<!tpu.dma_semaphore, #tpu.memory_space<semaphore_mem>>)
        } else {
        }
      }
      %while3A_608 = arith.constant 1 : i32
      scf.for %while3A_609 = %while3A_606 to %while3A_602 step %while3A_608  : i32 {
        %mul3A_610 = arith.constant 4 : i32
        %mul3A_611 = arith.muli %while3A_609, %mul3A_610 : i32
        %add3A_612 = arith.constant 0 : i32
        %add3A_613 = arith.addi %mul3A_611, %add3A_612 : i32
        %dma_wait3A = arith.constant 0 : i32
        %dma_wait3A_614 = arith.constant 0 : i32
        %dma_wait3A_615 = arith.constant 0 : i32
        %dma_wait3A_616 = tpu.memref_slice %arg8[%dma_wait3A, %dma_wait3A_614, %dma_wait3A_615] : memref<4x64x128xf32, #tpu.memory_space<vmem>> -> memref<1x64x128xf32, #tpu.memory_space<vmem>>
        %dma_wait3A_617 = tpu.memref_squeeze %dma_wait3A_616 : memref<1x64x128xf32, #tpu.memory_space<vmem>> -> memref<64x128xf32, #tpu.memory_space<vmem>>
        %dma_wait3A_618 = arith.constant 0 : i32
        %dma_wait3A_619 = tpu.memref_slice %arg6[%add3A_613, %dma_wait3A_618] : memref<40x64xi32, #tpu.memory_space<vmem>> -> memref<1x64xi32, #tpu.memory_space<vmem>>
        %dma_wait3A_620 = tpu.memref_squeeze %dma_wait3A_619 : memref<1x64xi32, #tpu.memory_space<vmem>> -> memref<64xi32, #tpu.memory_space<vmem>>
        %dma_wait3A_621 = arith.constant 0 : i32
        %dma_wait3A_622 = arith.constant 0 : i32
        %dma_wait3A_623 = tpu.memref_slice %arg2[%dma_wait3A_621, %dma_wait3A_622] : memref<10000x128xf32, #tpu.memory_space<hbm>> -> memref<10000x128xf32, #tpu.memory_space<hbm>>
        tpu.wait_indirect_dma semaphore(%arg12 : memref<!tpu.dma_semaphore, #tpu.memory_space<semaphore_mem>>) src(%dma_wait3A_623 : memref<10000x128xf32, #tpu.memory_space<hbm>>) dst(%dma_wait3A_617 : memref<64x128xf32, #tpu.memory_space<vmem>>)
        %run_scoped3A = arith.constant 0 : i32
        "tpu.region"() ({
          %run_scoped3A_699 = tpu.sem_alloc : memref<!tpu.dma_semaphore, #tpu.memory_space<semaphore_mem>>
          %dma_start3A_700 = arith.constant 0 : i32
          %dma_start3A_701 = arith.constant 0 : i32
          %dma_start3A_702 = tpu.memref_slice %arg8[%run_scoped3A, %dma_start3A_700, %dma_start3A_701] : memref<4x64x128xf32, #tpu.memory_space<vmem>> -> memref<1x64x128xf32, #tpu.memory_space<vmem>>
          %dma_start3A_703 = tpu.memref_squeeze %dma_start3A_702 : memref<1x64x128xf32, #tpu.memory_space<vmem>> -> memref<64x128xf32, #tpu.memory_space<vmem>>
          %dma_start3A_704 = arith.constant 0 : i32
          %dma_start3A_705 = tpu.memref_slice %arg7[%add3A_613, %dma_start3A_704] : memref<40x64xi32, #tpu.memory_space<vmem>> -> memref<1x64xi32, #tpu.memory_space<vmem>>
          %dma_start3A_706 = tpu.memref_squeeze %dma_start3A_705 : memref<1x64xi32, #tpu.memory_space<vmem>> -> memref<64xi32, #tpu.memory_space<vmem>>
          %dma_start3A_707 = arith.constant 0 : i32
          %dma_start3A_708 = arith.constant 0 : i32
          %dma_start3A_709 = tpu.memref_slice %arg10[%dma_start3A_707, %dma_start3A_708] : memref<10112x128xf32, #tpu.memory_space<vmem_shared>> -> memref<10112x128xf32, #tpu.memory_space<vmem_shared>>
          tpu.enqueue_indirect_dma source(%dma_start3A_703 : memref<64x128xf32, #tpu.memory_space<vmem>>) target(%dma_start3A_709 : memref<10112x128xf32, #tpu.memory_space<vmem_shared>>) offsets(%dma_start3A_706 : memref<64xi32, #tpu.memory_space<vmem>>) semaphore(%run_scoped3A_699 : memref<!tpu.dma_semaphore, #tpu.memory_space<semaphore_mem>>) {add = true}
          %dma_wait3A_710 = arith.constant 0 : i32
          %dma_wait3A_711 = arith.constant 0 : i32
          %dma_wait3A_712 = tpu.memref_slice %arg8[%run_scoped3A, %dma_wait3A_710, %dma_wait3A_711] : memref<4x64x128xf32, #tpu.memory_space<vmem>> -> memref<1x64x128xf32, #tpu.memory_space<vmem>>
          %dma_wait3A_713 = tpu.memref_squeeze %dma_wait3A_712 : memref<1x64x128xf32, #tpu.memory_space<vmem>> -> memref<64x128xf32, #tpu.memory_space<vmem>>
          %dma_wait3A_714 = arith.constant 0 : i32
          %dma_wait3A_715 = tpu.memref_slice %arg7[%add3A_613, %dma_wait3A_714] : memref<40x64xi32, #tpu.memory_space<vmem>> -> memref<1x64xi32, #tpu.memory_space<vmem>>
          %dma_wait3A_716 = tpu.memref_squeeze %dma_wait3A_715 : memref<1x64xi32, #tpu.memory_space<vmem>> -> memref<64xi32, #tpu.memory_space<vmem>>
          %dma_wait3A_717 = arith.constant 0 : i32
          %dma_wait3A_718 = arith.constant 0 : i32
          %dma_wait3A_719 = tpu.memref_slice %arg10[%dma_wait3A_717, %dma_wait3A_718] : memref<10112x128xf32, #tpu.memory_space<vmem_shared>> -> memref<10112x128xf32, #tpu.memory_space<vmem_shared>>
          tpu.wait_indirect_dma semaphore(%run_scoped3A_699 : memref<!tpu.dma_semaphore, #tpu.memory_space<semaphore_mem>>) src(%dma_wait3A_713 : memref<64x128xf32, #tpu.memory_space<vmem>>) dst(%dma_wait3A_719 : memref<10112x128xf32, #tpu.memory_space<vmem_shared>>)
          tpu.yield
        }) : () -> ()
        %add3A_624 = arith.constant 4 : i32
        %add3A_625 = arith.addi %add3A_613, %add3A_624 : i32
        %lt3A = arith.constant 40 : i32
        %lt3A_626 = arith.cmpi slt, %add3A_625, %lt3A : i32
        %convert_element_type3A_627 = arith.extui %lt3A_626 : i1 to i32
        %cond3A_628 = arith.constant 0 : i32
        %cond3A_629 = arith.cmpi ne, %convert_element_type3A_627, %cond3A_628 : i32
        scf.if %cond3A_629 {
          %dma_start3A_699 = arith.constant 0 : i32
          %dma_start3A_700 = arith.constant 0 : i32
          %dma_start3A_701 = arith.constant 0 : i32
          %dma_start3A_702 = tpu.memref_slice %arg8[%dma_start3A_699, %dma_start3A_700, %dma_start3A_701] : memref<4x64x128xf32, #tpu.memory_space<vmem>> -> memref<1x64x128xf32, #tpu.memory_space<vmem>>
          %dma_start3A_703 = tpu.memref_squeeze %dma_start3A_702 : memref<1x64x128xf32, #tpu.memory_space<vmem>> -> memref<64x128xf32, #tpu.memory_space<vmem>>
          %dma_start3A_704 = arith.constant 0 : i32
          %dma_start3A_705 = tpu.memref_slice %arg6[%add3A_625, %dma_start3A_704] : memref<40x64xi32, #tpu.memory_space<vmem>> -> memref<1x64xi32, #tpu.memory_space<vmem>>
          %dma_start3A_706 = tpu.memref_squeeze %dma_start3A_705 : memref<1x64xi32, #tpu.memory_space<vmem>> -> memref<64xi32, #tpu.memory_space<vmem>>
          %dma_start3A_707 = arith.constant 0 : i32
          %dma_start3A_708 = arith.constant 0 : i32
          %dma_start3A_709 = tpu.memref_slice %arg2[%dma_start3A_707, %dma_start3A_708] : memref<10000x128xf32, #tpu.memory_space<hbm>> -> memref<10000x128xf32, #tpu.memory_space<hbm>>
          tpu.enqueue_indirect_dma source(%dma_start3A_709 : memref<10000x128xf32, #tpu.memory_space<hbm>>) target(%dma_start3A_703 : memref<64x128xf32, #tpu.memory_space<vmem>>) offsets(%dma_start3A_706 : memref<64xi32, #tpu.memory_space<vmem>>) semaphore(%arg12 : memref<!tpu.dma_semaphore, #tpu.memory_space<semaphore_mem>>)
        } else {
        }
        %mul3A_630 = arith.constant 4 : i32
        %mul3A_631 = arith.muli %while3A_609, %mul3A_630 : i32
        %add3A_632 = arith.constant 1 : i32
        %add3A_633 = arith.addi %mul3A_631, %add3A_632 : i32
        %dma_wait3A_634 = arith.constant 1 : i32
        %dma_wait3A_635 = arith.constant 0 : i32
        %dma_wait3A_636 = arith.constant 0 : i32
        %dma_wait3A_637 = tpu.memref_slice %arg8[%dma_wait3A_634, %dma_wait3A_635, %dma_wait3A_636] : memref<4x64x128xf32, #tpu.memory_space<vmem>> -> memref<1x64x128xf32, #tpu.memory_space<vmem>>
        %dma_wait3A_638 = tpu.memref_squeeze %dma_wait3A_637 : memref<1x64x128xf32, #tpu.memory_space<vmem>> -> memref<64x128xf32, #tpu.memory_space<vmem>>
        %dma_wait3A_639 = arith.constant 0 : i32
        %dma_wait3A_640 = tpu.memref_slice %arg6[%add3A_633, %dma_wait3A_639] : memref<40x64xi32, #tpu.memory_space<vmem>> -> memref<1x64xi32, #tpu.memory_space<vmem>>
        %dma_wait3A_641 = tpu.memref_squeeze %dma_wait3A_640 : memref<1x64xi32, #tpu.memory_space<vmem>> -> memref<64xi32, #tpu.memory_space<vmem>>
        %dma_wait3A_642 = arith.constant 0 : i32
        %dma_wait3A_643 = arith.constant 0 : i32
        %dma_wait3A_644 = tpu.memref_slice %arg2[%dma_wait3A_642, %dma_wait3A_643] : memref<10000x128xf32, #tpu.memory_space<hbm>> -> memref<10000x128xf32, #tpu.memory_space<hbm>>
        tpu.wait_indirect_dma semaphore(%arg13 : memref<!tpu.dma_semaphore, #tpu.memory_space<semaphore_mem>>) src(%dma_wait3A_644 : memref<10000x128xf32, #tpu.memory_space<hbm>>) dst(%dma_wait3A_638 : memref<64x128xf32, #tpu.memory_space<vmem>>)
        %run_scoped3A_645 = arith.constant 1 : i32
        "tpu.region"() ({
          %run_scoped3A_699 = tpu.sem_alloc : memref<!tpu.dma_semaphore, #tpu.memory_space<semaphore_mem>>
          %dma_start3A_700 = arith.constant 0 : i32
          %dma_start3A_701 = arith.constant 0 : i32
          %dma_start3A_702 = tpu.memref_slice %arg8[%run_scoped3A_645, %dma_start3A_700, %dma_start3A_701] : memref<4x64x128xf32, #tpu.memory_space<vmem>> -> memref<1x64x128xf32, #tpu.memory_space<vmem>>
          %dma_start3A_703 = tpu.memref_squeeze %dma_start3A_702 : memref<1x64x128xf32, #tpu.memory_space<vmem>> -> memref<64x128xf32, #tpu.memory_space<vmem>>
          %dma_start3A_704 = arith.constant 0 : i32
          %dma_start3A_705 = tpu.memref_slice %arg7[%add3A_633, %dma_start3A_704] : memref<40x64xi32, #tpu.memory_space<vmem>> -> memref<1x64xi32, #tpu.memory_space<vmem>>
          %dma_start3A_706 = tpu.memref_squeeze %dma_start3A_705 : memref<1x64xi32, #tpu.memory_space<vmem>> -> memref<64xi32, #tpu.memory_space<vmem>>
          %dma_start3A_707 = arith.constant 0 : i32
          %dma_start3A_708 = arith.constant 0 : i32
          %dma_start3A_709 = tpu.memref_slice %arg10[%dma_start3A_707, %dma_start3A_708] : memref<10112x128xf32, #tpu.memory_space<vmem_shared>> -> memref<10112x128xf32, #tpu.memory_space<vmem_shared>>
          tpu.enqueue_indirect_dma source(%dma_start3A_703 : memref<64x128xf32, #tpu.memory_space<vmem>>) target(%dma_start3A_709 : memref<10112x128xf32, #tpu.memory_space<vmem_shared>>) offsets(%dma_start3A_706 : memref<64xi32, #tpu.memory_space<vmem>>) semaphore(%run_scoped3A_699 : memref<!tpu.dma_semaphore, #tpu.memory_space<semaphore_mem>>) {add = true}
          %dma_wait3A_710 = arith.constant 0 : i32
          %dma_wait3A_711 = arith.constant 0 : i32
          %dma_wait3A_712 = tpu.memref_slice %arg8[%run_scoped3A_645, %dma_wait3A_710, %dma_wait3A_711] : memref<4x64x128xf32, #tpu.memory_space<vmem>> -> memref<1x64x128xf32, #tpu.memory_space<vmem>>
          %dma_wait3A_713 = tpu.memref_squeeze %dma_wait3A_712 : memref<1x64x128xf32, #tpu.memory_space<vmem>> -> memref<64x128xf32, #tpu.memory_space<vmem>>
          %dma_wait3A_714 = arith.constant 0 : i32
          %dma_wait3A_715 = tpu.memref_slice %arg7[%add3A_633, %dma_wait3A_714] : memref<40x64xi32, #tpu.memory_space<vmem>> -> memref<1x64xi32, #tpu.memory_space<vmem>>
          %dma_wait3A_716 = tpu.memref_squeeze %dma_wait3A_715 : memref<1x64xi32, #tpu.memory_space<vmem>> -> memref<64xi32, #tpu.memory_space<vmem>>
          %dma_wait3A_717 = arith.constant 0 : i32
          %dma_wait3A_718 = arith.constant 0 : i32
          %dma_wait3A_719 = tpu.memref_slice %arg10[%dma_wait3A_717, %dma_wait3A_718] : memref<10112x128xf32, #tpu.memory_space<vmem_shared>> -> memref<10112x128xf32, #tpu.memory_space<vmem_shared>>
          tpu.wait_indirect_dma semaphore(%run_scoped3A_699 : memref<!tpu.dma_semaphore, #tpu.memory_space<semaphore_mem>>) src(%dma_wait3A_713 : memref<64x128xf32, #tpu.memory_space<vmem>>) dst(%dma_wait3A_719 : memref<10112x128xf32, #tpu.memory_space<vmem_shared>>)
          tpu.yield
        }) : () -> ()
        %add3A_646 = arith.constant 4 : i32
        %add3A_647 = arith.addi %add3A_633, %add3A_646 : i32
        %lt3A_648 = arith.constant 40 : i32
        %lt3A_649 = arith.cmpi slt, %add3A_647, %lt3A_648 : i32
        %convert_element_type3A_650 = arith.extui %lt3A_649 : i1 to i32
        %cond3A_651 = arith.constant 0 : i32
        %cond3A_652 = arith.cmpi ne, %convert_element_type3A_650, %cond3A_651 : i32
        scf.if %cond3A_652 {
          %dma_start3A_699 = arith.constant 1 : i32
          %dma_start3A_700 = arith.constant 0 : i32
          %dma_start3A_701 = arith.constant 0 : i32
          %dma_start3A_702 = tpu.memref_slice %arg8[%dma_start3A_699, %dma_start3A_700, %dma_start3A_701] : memref<4x64x128xf32, #tpu.memory_space<vmem>> -> memref<1x64x128xf32, #tpu.memory_space<vmem>>
          %dma_start3A_703 = tpu.memref_squeeze %dma_start3A_702 : memref<1x64x128xf32, #tpu.memory_space<vmem>> -> memref<64x128xf32, #tpu.memory_space<vmem>>
          %dma_start3A_704 = arith.constant 0 : i32
          %dma_start3A_705 = tpu.memref_slice %arg6[%add3A_647, %dma_start3A_704] : memref<40x64xi32, #tpu.memory_space<vmem>> -> memref<1x64xi32, #tpu.memory_space<vmem>>
          %dma_start3A_706 = tpu.memref_squeeze %dma_start3A_705 : memref<1x64xi32, #tpu.memory_space<vmem>> -> memref<64xi32, #tpu.memory_space<vmem>>
          %dma_start3A_707 = arith.constant 0 : i32
          %dma_start3A_708 = arith.constant 0 : i32
          %dma_start3A_709 = tpu.memref_slice %arg2[%dma_start3A_707, %dma_start3A_708] : memref<10000x128xf32, #tpu.memory_space<hbm>> -> memref<10000x128xf32, #tpu.memory_space<hbm>>
          tpu.enqueue_indirect_dma source(%dma_start3A_709 : memref<10000x128xf32, #tpu.memory_space<hbm>>) target(%dma_start3A_703 : memref<64x128xf32, #tpu.memory_space<vmem>>) offsets(%dma_start3A_706 : memref<64xi32, #tpu.memory_space<vmem>>) semaphore(%arg13 : memref<!tpu.dma_semaphore, #tpu.memory_space<semaphore_mem>>)
        } else {
        }
        %mul3A_653 = arith.constant 4 : i32
        %mul3A_654 = arith.muli %while3A_609, %mul3A_653 : i32
        %add3A_655 = arith.constant 2 : i32
        %add3A_656 = arith.addi %mul3A_654, %add3A_655 : i32
        %dma_wait3A_657 = arith.constant 2 : i32
        %dma_wait3A_658 = arith.constant 0 : i32
        %dma_wait3A_659 = arith.constant 0 : i32
        %dma_wait3A_660 = tpu.memref_slice %arg8[%dma_wait3A_657, %dma_wait3A_658, %dma_wait3A_659] : memref<4x64x128xf32, #tpu.memory_space<vmem>> -> memref<1x64x128xf32, #tpu.memory_space<vmem>>
        %dma_wait3A_661 = tpu.memref_squeeze %dma_wait3A_660 : memref<1x64x128xf32, #tpu.memory_space<vmem>> -> memref<64x128xf32, #tpu.memory_space<vmem>>
        %dma_wait3A_662 = arith.constant 0 : i32
        %dma_wait3A_663 = tpu.memref_slice %arg6[%add3A_656, %dma_wait3A_662] : memref<40x64xi32, #tpu.memory_space<vmem>> -> memref<1x64xi32, #tpu.memory_space<vmem>>
        %dma_wait3A_664 = tpu.memref_squeeze %dma_wait3A_663 : memref<1x64xi32, #tpu.memory_space<vmem>> -> memref<64xi32, #tpu.memory_space<vmem>>
        %dma_wait3A_665 = arith.constant 0 : i32
        %dma_wait3A_666 = arith.constant 0 : i32
        %dma_wait3A_667 = tpu.memref_slice %arg2[%dma_wait3A_665, %dma_wait3A_666] : memref<10000x128xf32, #tpu.memory_space<hbm>> -> memref<10000x128xf32, #tpu.memory_space<hbm>>
        tpu.wait_indirect_dma semaphore(%arg14 : memref<!tpu.dma_semaphore, #tpu.memory_space<semaphore_mem>>) src(%dma_wait3A_667 : memref<10000x128xf32, #tpu.memory_space<hbm>>) dst(%dma_wait3A_661 : memref<64x128xf32, #tpu.memory_space<vmem>>)
        %run_scoped3A_668 = arith.constant 2 : i32
        "tpu.region"() ({
          %run_scoped3A_699 = tpu.sem_alloc : memref<!tpu.dma_semaphore, #tpu.memory_space<semaphore_mem>>
          %dma_start3A_700 = arith.constant 0 : i32
          %dma_start3A_701 = arith.constant 0 : i32
          %dma_start3A_702 = tpu.memref_slice %arg8[%run_scoped3A_668, %dma_start3A_700, %dma_start3A_701] : memref<4x64x128xf32, #tpu.memory_space<vmem>> -> memref<1x64x128xf32, #tpu.memory_space<vmem>>
          %dma_start3A_703 = tpu.memref_squeeze %dma_start3A_702 : memref<1x64x128xf32, #tpu.memory_space<vmem>> -> memref<64x128xf32, #tpu.memory_space<vmem>>
          %dma_start3A_704 = arith.constant 0 : i32
          %dma_start3A_705 = tpu.memref_slice %arg7[%add3A_656, %dma_start3A_704] : memref<40x64xi32, #tpu.memory_space<vmem>> -> memref<1x64xi32, #tpu.memory_space<vmem>>
          %dma_start3A_706 = tpu.memref_squeeze %dma_start3A_705 : memref<1x64xi32, #tpu.memory_space<vmem>> -> memref<64xi32, #tpu.memory_space<vmem>>
          %dma_start3A_707 = arith.constant 0 : i32
          %dma_start3A_708 = arith.constant 0 : i32
          %dma_start3A_709 = tpu.memref_slice %arg10[%dma_start3A_707, %dma_start3A_708] : memref<10112x128xf32, #tpu.memory_space<vmem_shared>> -> memref<10112x128xf32, #tpu.memory_space<vmem_shared>>
          tpu.enqueue_indirect_dma source(%dma_start3A_703 : memref<64x128xf32, #tpu.memory_space<vmem>>) target(%dma_start3A_709 : memref<10112x128xf32, #tpu.memory_space<vmem_shared>>) offsets(%dma_start3A_706 : memref<64xi32, #tpu.memory_space<vmem>>) semaphore(%run_scoped3A_699 : memref<!tpu.dma_semaphore, #tpu.memory_space<semaphore_mem>>) {add = true}
          %dma_wait3A_710 = arith.constant 0 : i32
          %dma_wait3A_711 = arith.constant 0 : i32
          %dma_wait3A_712 = tpu.memref_slice %arg8[%run_scoped3A_668, %dma_wait3A_710, %dma_wait3A_711] : memref<4x64x128xf32, #tpu.memory_space<vmem>> -> memref<1x64x128xf32, #tpu.memory_space<vmem>>
          %dma_wait3A_713 = tpu.memref_squeeze %dma_wait3A_712 : memref<1x64x128xf32, #tpu.memory_space<vmem>> -> memref<64x128xf32, #tpu.memory_space<vmem>>
          %dma_wait3A_714 = arith.constant 0 : i32
          %dma_wait3A_715 = tpu.memref_slice %arg7[%add3A_656, %dma_wait3A_714] : memref<40x64xi32, #tpu.memory_space<vmem>> -> memref<1x64xi32, #tpu.memory_space<vmem>>
          %dma_wait3A_716 = tpu.memref_squeeze %dma_wait3A_715 : memref<1x64xi32, #tpu.memory_space<vmem>> -> memref<64xi32, #tpu.memory_space<vmem>>
          %dma_wait3A_717 = arith.constant 0 : i32
          %dma_wait3A_718 = arith.constant 0 : i32
          %dma_wait3A_719 = tpu.memref_slice %arg10[%dma_wait3A_717, %dma_wait3A_718] : memref<10112x128xf32, #tpu.memory_space<vmem_shared>> -> memref<10112x128xf32, #tpu.memory_space<vmem_shared>>
          tpu.wait_indirect_dma semaphore(%run_scoped3A_699 : memref<!tpu.dma_semaphore, #tpu.memory_space<semaphore_mem>>) src(%dma_wait3A_713 : memref<64x128xf32, #tpu.memory_space<vmem>>) dst(%dma_wait3A_719 : memref<10112x128xf32, #tpu.memory_space<vmem_shared>>)
          tpu.yield
        }) : () -> ()
        %add3A_669 = arith.constant 4 : i32
        %add3A_670 = arith.addi %add3A_656, %add3A_669 : i32
        %lt3A_671 = arith.constant 40 : i32
        %lt3A_672 = arith.cmpi slt, %add3A_670, %lt3A_671 : i32
        %convert_element_type3A_673 = arith.extui %lt3A_672 : i1 to i32
        %cond3A_674 = arith.constant 0 : i32
        %cond3A_675 = arith.cmpi ne, %convert_element_type3A_673, %cond3A_674 : i32
        scf.if %cond3A_675 {
          %dma_start3A_699 = arith.constant 2 : i32
          %dma_start3A_700 = arith.constant 0 : i32
          %dma_start3A_701 = arith.constant 0 : i32
          %dma_start3A_702 = tpu.memref_slice %arg8[%dma_start3A_699, %dma_start3A_700, %dma_start3A_701] : memref<4x64x128xf32, #tpu.memory_space<vmem>> -> memref<1x64x128xf32, #tpu.memory_space<vmem>>
          %dma_start3A_703 = tpu.memref_squeeze %dma_start3A_702 : memref<1x64x128xf32, #tpu.memory_space<vmem>> -> memref<64x128xf32, #tpu.memory_space<vmem>>
          %dma_start3A_704 = arith.constant 0 : i32
          %dma_start3A_705 = tpu.memref_slice %arg6[%add3A_670, %dma_start3A_704] : memref<40x64xi32, #tpu.memory_space<vmem>> -> memref<1x64xi32, #tpu.memory_space<vmem>>
          %dma_start3A_706 = tpu.memref_squeeze %dma_start3A_705 : memref<1x64xi32, #tpu.memory_space<vmem>> -> memref<64xi32, #tpu.memory_space<vmem>>
          %dma_start3A_707 = arith.constant 0 : i32
          %dma_start3A_708 = arith.constant 0 : i32
          %dma_start3A_709 = tpu.memref_slice %arg2[%dma_start3A_707, %dma_start3A_708] : memref<10000x128xf32, #tpu.memory_space<hbm>> -> memref<10000x128xf32, #tpu.memory_space<hbm>>
          tpu.enqueue_indirect_dma source(%dma_start3A_709 : memref<10000x128xf32, #tpu.memory_space<hbm>>) target(%dma_start3A_703 : memref<64x128xf32, #tpu.memory_space<vmem>>) offsets(%dma_start3A_706 : memref<64xi32, #tpu.memory_space<vmem>>) semaphore(%arg14 : memref<!tpu.dma_semaphore, #tpu.memory_space<semaphore_mem>>)
        } else {
        }
        %mul3A_676 = arith.constant 4 : i32
        %mul3A_677 = arith.muli %while3A_609, %mul3A_676 : i32
        %add3A_678 = arith.constant 3 : i32
        %add3A_679 = arith.addi %mul3A_677, %add3A_678 : i32
        %dma_wait3A_680 = arith.constant 3 : i32
        %dma_wait3A_681 = arith.constant 0 : i32
        %dma_wait3A_682 = arith.constant 0 : i32
        %dma_wait3A_683 = tpu.memref_slice %arg8[%dma_wait3A_680, %dma_wait3A_681, %dma_wait3A_682] : memref<4x64x128xf32, #tpu.memory_space<vmem>> -> memref<1x64x128xf32, #tpu.memory_space<vmem>>
        %dma_wait3A_684 = tpu.memref_squeeze %dma_wait3A_683 : memref<1x64x128xf32, #tpu.memory_space<vmem>> -> memref<64x128xf32, #tpu.memory_space<vmem>>
        %dma_wait3A_685 = arith.constant 0 : i32
        %dma_wait3A_686 = tpu.memref_slice %arg6[%add3A_679, %dma_wait3A_685] : memref<40x64xi32, #tpu.memory_space<vmem>> -> memref<1x64xi32, #tpu.memory_space<vmem>>
        %dma_wait3A_687 = tpu.memref_squeeze %dma_wait3A_686 : memref<1x64xi32, #tpu.memory_space<vmem>> -> memref<64xi32, #tpu.memory_space<vmem>>
        %dma_wait3A_688 = arith.constant 0 : i32
        %dma_wait3A_689 = arith.constant 0 : i32
        %dma_wait3A_690 = tpu.memref_slice %arg2[%dma_wait3A_688, %dma_wait3A_689] : memref<10000x128xf32, #tpu.memory_space<hbm>> -> memref<10000x128xf32, #tpu.memory_space<hbm>>
        tpu.wait_indirect_dma semaphore(%arg15 : memref<!tpu.dma_semaphore, #tpu.memory_space<semaphore_mem>>) src(%dma_wait3A_690 : memref<10000x128xf32, #tpu.memory_space<hbm>>) dst(%dma_wait3A_684 : memref<64x128xf32, #tpu.memory_space<vmem>>)
        %run_scoped3A_691 = arith.constant 3 : i32
        "tpu.region"() ({
          %run_scoped3A_699 = tpu.sem_alloc : memref<!tpu.dma_semaphore, #tpu.memory_space<semaphore_mem>>
          %dma_start3A_700 = arith.constant 0 : i32
          %dma_start3A_701 = arith.constant 0 : i32
          %dma_start3A_702 = tpu.memref_slice %arg8[%run_scoped3A_691, %dma_start3A_700, %dma_start3A_701] : memref<4x64x128xf32, #tpu.memory_space<vmem>> -> memref<1x64x128xf32, #tpu.memory_space<vmem>>
          %dma_start3A_703 = tpu.memref_squeeze %dma_start3A_702 : memref<1x64x128xf32, #tpu.memory_space<vmem>> -> memref<64x128xf32, #tpu.memory_space<vmem>>
          %dma_start3A_704 = arith.constant 0 : i32
          %dma_start3A_705 = tpu.memref_slice %arg7[%add3A_679, %dma_start3A_704] : memref<40x64xi32, #tpu.memory_space<vmem>> -> memref<1x64xi32, #tpu.memory_space<vmem>>
          %dma_start3A_706 = tpu.memref_squeeze %dma_start3A_705 : memref<1x64xi32, #tpu.memory_space<vmem>> -> memref<64xi32, #tpu.memory_space<vmem>>
          %dma_start3A_707 = arith.constant 0 : i32
          %dma_start3A_708 = arith.constant 0 : i32
          %dma_start3A_709 = tpu.memref_slice %arg10[%dma_start3A_707, %dma_start3A_708] : memref<10112x128xf32, #tpu.memory_space<vmem_shared>> -> memref<10112x128xf32, #tpu.memory_space<vmem_shared>>
          tpu.enqueue_indirect_dma source(%dma_start3A_703 : memref<64x128xf32, #tpu.memory_space<vmem>>) target(%dma_start3A_709 : memref<10112x128xf32, #tpu.memory_space<vmem_shared>>) offsets(%dma_start3A_706 : memref<64xi32, #tpu.memory_space<vmem>>) semaphore(%run_scoped3A_699 : memref<!tpu.dma_semaphore, #tpu.memory_space<semaphore_mem>>) {add = true}
          %dma_wait3A_710 = arith.constant 0 : i32
          %dma_wait3A_711 = arith.constant 0 : i32
          %dma_wait3A_712 = tpu.memref_slice %arg8[%run_scoped3A_691, %dma_wait3A_710, %dma_wait3A_711] : memref<4x64x128xf32, #tpu.memory_space<vmem>> -> memref<1x64x128xf32, #tpu.memory_space<vmem>>
          %dma_wait3A_713 = tpu.memref_squeeze %dma_wait3A_712 : memref<1x64x128xf32, #tpu.memory_space<vmem>> -> memref<64x128xf32, #tpu.memory_space<vmem>>
          %dma_wait3A_714 = arith.constant 0 : i32
          %dma_wait3A_715 = tpu.memref_slice %arg7[%add3A_679, %dma_wait3A_714] : memref<40x64xi32, #tpu.memory_space<vmem>> -> memref<1x64xi32, #tpu.memory_space<vmem>>
          %dma_wait3A_716 = tpu.memref_squeeze %dma_wait3A_715 : memref<1x64xi32, #tpu.memory_space<vmem>> -> memref<64xi32, #tpu.memory_space<vmem>>
          %dma_wait3A_717 = arith.constant 0 : i32
          %dma_wait3A_718 = arith.constant 0 : i32
          %dma_wait3A_719 = tpu.memref_slice %arg10[%dma_wait3A_717, %dma_wait3A_718] : memref<10112x128xf32, #tpu.memory_space<vmem_shared>> -> memref<10112x128xf32, #tpu.memory_space<vmem_shared>>
          tpu.wait_indirect_dma semaphore(%run_scoped3A_699 : memref<!tpu.dma_semaphore, #tpu.memory_space<semaphore_mem>>) src(%dma_wait3A_713 : memref<64x128xf32, #tpu.memory_space<vmem>>) dst(%dma_wait3A_719 : memref<10112x128xf32, #tpu.memory_space<vmem_shared>>)
          tpu.yield
        }) : () -> ()
        %add3A_692 = arith.constant 4 : i32
        %add3A_693 = arith.addi %add3A_679, %add3A_692 : i32
        %lt3A_694 = arith.constant 40 : i32
        %lt3A_695 = arith.cmpi slt, %add3A_693, %lt3A_694 : i32
        %convert_element_type3A_696 = arith.extui %lt3A_695 : i1 to i32
        %cond3A_697 = arith.constant 0 : i32
        %cond3A_698 = arith.cmpi ne, %convert_element_type3A_696, %cond3A_697 : i32
        scf.if %cond3A_698 {
          %dma_start3A_699 = arith.constant 3 : i32
          %dma_start3A_700 = arith.constant 0 : i32
          %dma_start3A_701 = arith.constant 0 : i32
          %dma_start3A_702 = tpu.memref_slice %arg8[%dma_start3A_699, %dma_start3A_700, %dma_start3A_701] : memref<4x64x128xf32, #tpu.memory_space<vmem>> -> memref<1x64x128xf32, #tpu.memory_space<vmem>>
          %dma_start3A_703 = tpu.memref_squeeze %dma_start3A_702 : memref<1x64x128xf32, #tpu.memory_space<vmem>> -> memref<64x128xf32, #tpu.memory_space<vmem>>
          %dma_start3A_704 = arith.constant 0 : i32
          %dma_start3A_705 = tpu.memref_slice %arg6[%add3A_693, %dma_start3A_704] : memref<40x64xi32, #tpu.memory_space<vmem>> -> memref<1x64xi32, #tpu.memory_space<vmem>>
          %dma_start3A_706 = tpu.memref_squeeze %dma_start3A_705 : memref<1x64xi32, #tpu.memory_space<vmem>> -> memref<64xi32, #tpu.memory_space<vmem>>
          %dma_start3A_707 = arith.constant 0 : i32
          %dma_start3A_708 = arith.constant 0 : i32
          %dma_start3A_709 = tpu.memref_slice %arg2[%dma_start3A_707, %dma_start3A_708] : memref<10000x128xf32, #tpu.memory_space<hbm>> -> memref<10000x128xf32, #tpu.memory_space<hbm>>
          tpu.enqueue_indirect_dma source(%dma_start3A_709 : memref<10000x128xf32, #tpu.memory_space<hbm>>) target(%dma_start3A_703 : memref<64x128xf32, #tpu.memory_space<vmem>>) offsets(%dma_start3A_706 : memref<64xi32, #tpu.memory_space<vmem>>) semaphore(%arg15 : memref<!tpu.dma_semaphore, #tpu.memory_space<semaphore_mem>>)
        } else {
        }
      }
    }
    %while3A_542 = arith.constant 1 : i32
    scf.for %while3A_548 = %while3A_540 to %while3A_536 step %while3A_542  : i32 {
      %gt3A = arith.constant 0 : i32
      %gt3A_549 = arith.cmpi sgt, %while3A_548, %gt3A : i32
      %convert_element_type3A = arith.extui %gt3A_549 : i1 to i32
      %cond3A = arith.constant 0 : i32
      %cond3A_550 = arith.cmpi ne, %convert_element_type3A, %cond3A : i32
      scf.if %cond3A_550 {
        %mul3A_609 = arith.constant 40 : i32
        %mul3A_610 = arith.muli %while3A_548, %mul3A_609 : i32
        %multiple_of3A = tpu.assume_multiple %mul3A_610, 8 : i32
        "tpu.region"() ({
          %run_scoped3A = tpu.sem_alloc : memref<!tpu.dma_semaphore, #tpu.memory_space<semaphore_mem>>
          %dma_start3A_611 = arith.constant 0 : i32
          %dma_start3A_612 = arith.constant 0 : i32
          %dma_start3A_613 = tpu.memref_slice %arg3[%add3A, %dma_start3A_611, %dma_start3A_612] : memref<32x160x64xi32, #tpu.memory_space<hbm>> -> memref<1x160x64xi32, #tpu.memory_space<hbm>>
          %dma_start3A_614 = tpu.memref_squeeze %dma_start3A_613 : memref<1x160x64xi32, #tpu.memory_space<hbm>> -> memref<160x64xi32, #tpu.memory_space<hbm>>
          %dma_start3A_615 = arith.constant 0 : i32
          %dma_start3A_616 = tpu.memref_slice %dma_start3A_614[%multiple_of3A, %dma_start3A_615] : memref<160x64xi32, #tpu.memory_space<hbm>> -> memref<40x64xi32, #tpu.memory_space<hbm>>
          %dma_start3A_617 = arith.constant 0 : i32
          %dma_start3A_618 = arith.constant 0 : i32
          %dma_start3A_619 = tpu.memref_slice %arg3[%add3A, %dma_start3A_617, %dma_start3A_618] : memref<32x160x64xi32, #tpu.memory_space<hbm>> -> memref<1x160x64xi32, #tpu.memory_space<hbm>>
          %dma_start3A_620 = tpu.memref_squeeze %dma_start3A_619 : memref<1x160x64xi32, #tpu.memory_space<hbm>> -> memref<160x64xi32, #tpu.memory_space<hbm>>
          %dma_start3A_621 = arith.constant 0 : i32
          %dma_start3A_622 = tpu.memref_slice %dma_start3A_620[%multiple_of3A, %dma_start3A_621] : memref<160x64xi32, #tpu.memory_space<hbm>> -> memref<40x64xi32, #tpu.memory_space<hbm>>
          tpu.enqueue_dma source(%dma_start3A_622 : memref<40x64xi32, #tpu.memory_space<hbm>>) target(%arg6 : memref<40x64xi32, #tpu.memory_space<vmem>>) target_semaphore(%run_scoped3A : memref<!tpu.dma_semaphore, #tpu.memory_space<semaphore_mem>>)
          %dma_wait3A = arith.constant 0 : i32
          %dma_wait3A_623 = arith.constant 0 : i32
          %dma_wait3A_624 = tpu.memref_slice %arg3[%add3A, %dma_wait3A, %dma_wait3A_623] : memref<32x160x64xi32, #tpu.memory_space<hbm>> -> memref<1x160x64xi32, #tpu.memory_space<hbm>>
          %dma_wait3A_625 = tpu.memref_squeeze %dma_wait3A_624 : memref<1x160x64xi32, #tpu.memory_space<hbm>> -> memref<160x64xi32, #tpu.memory_space<hbm>>
          %dma_wait3A_626 = arith.constant 0 : i32
          %dma_wait3A_627 = tpu.memref_slice %dma_wait3A_625[%multiple_of3A, %dma_wait3A_626] : memref<160x64xi32, #tpu.memory_space<hbm>> -> memref<40x64xi32, #tpu.memory_space<hbm>>
          %dma_wait3A_628 = arith.constant 0 : i32
          %dma_wait3A_629 = arith.constant 0 : i32
          %dma_wait3A_630 = tpu.memref_slice %arg3[%add3A, %dma_wait3A_628, %dma_wait3A_629] : memref<32x160x64xi32, #tpu.memory_space<hbm>> -> memref<1x160x64xi32, #tpu.memory_space<hbm>>
          %dma_wait3A_631 = tpu.memref_squeeze %dma_wait3A_630 : memref<1x160x64xi32, #tpu.memory_space<hbm>> -> memref<160x64xi32, #tpu.memory_space<hbm>>
          %dma_wait3A_632 = arith.constant 0 : i32
          %dma_wait3A_633 = tpu.memref_slice %dma_wait3A_631[%multiple_of3A, %dma_wait3A_632] : memref<160x64xi32, #tpu.memory_space<hbm>> -> memref<40x64xi32, #tpu.memory_space<hbm>>
          tpu.wait_dma2 semaphore(%run_scoped3A : memref<!tpu.dma_semaphore, #tpu.memory_space<semaphore_mem>>) src(%dma_wait3A_633 : memref<40x64xi32, #tpu.memory_space<hbm>>) dst(%arg6 : memref<40x64xi32, #tpu.memory_space<vmem>>)
          tpu.yield
        }) : () -> ()
        "tpu.region"() ({
          %run_scoped3A = tpu.sem_alloc : memref<!tpu.dma_semaphore, #tpu.memory_space<semaphore_mem>>
          %dma_start3A_611 = arith.constant 0 : i32
          %dma_start3A_612 = arith.constant 0 : i32
          %dma_start3A_613 = tpu.memref_slice %arg4[%add3A, %dma_start3A_611, %dma_start3A_612] : memref<32x160x64xi32, #tpu.memory_space<hbm>> -> memref<1x160x64xi32, #tpu.memory_space<hbm>>
          %dma_start3A_614 = tpu.memref_squeeze %dma_start3A_613 : memref<1x160x64xi32, #tpu.memory_space<hbm>> -> memref<160x64xi32, #tpu.memory_space<hbm>>
          %dma_start3A_615 = arith.constant 0 : i32
          %dma_start3A_616 = tpu.memref_slice %dma_start3A_614[%multiple_of3A, %dma_start3A_615] : memref<160x64xi32, #tpu.memory_space<hbm>> -> memref<40x64xi32, #tpu.memory_space<hbm>>
          %dma_start3A_617 = arith.constant 0 : i32
          %dma_start3A_618 = arith.constant 0 : i32
          %dma_start3A_619 = tpu.memref_slice %arg4[%add3A, %dma_start3A_617, %dma_start3A_618] : memref<32x160x64xi32, #tpu.memory_space<hbm>> -> memref<1x160x64xi32, #tpu.memory_space<hbm>>
          %dma_start3A_620 = tpu.memref_squeeze %dma_start3A_619 : memref<1x160x64xi32, #tpu.memory_space<hbm>> -> memref<160x64xi32, #tpu.memory_space<hbm>>
          %dma_start3A_621 = arith.constant 0 : i32
          %dma_start3A_622 = tpu.memref_slice %dma_start3A_620[%multiple_of3A, %dma_start3A_621] : memref<160x64xi32, #tpu.memory_space<hbm>> -> memref<40x64xi32, #tpu.memory_space<hbm>>
          tpu.enqueue_dma source(%dma_start3A_622 : memref<40x64xi32, #tpu.memory_space<hbm>>) target(%arg7 : memref<40x64xi32, #tpu.memory_space<vmem>>) target_semaphore(%run_scoped3A : memref<!tpu.dma_semaphore, #tpu.memory_space<semaphore_mem>>)
          %dma_wait3A = arith.constant 0 : i32
          %dma_wait3A_623 = arith.constant 0 : i32
          %dma_wait3A_624 = tpu.memref_slice %arg4[%add3A, %dma_wait3A, %dma_wait3A_623] : memref<32x160x64xi32, #tpu.memory_space<hbm>> -> memref<1x160x64xi32, #tpu.memory_space<hbm>>
          %dma_wait3A_625 = tpu.memref_squeeze %dma_wait3A_624 : memref<1x160x64xi32, #tpu.memory_space<hbm>> -> memref<160x64xi32, #tpu.memory_space<hbm>>
          %dma_wait3A_626 = arith.constant 0 : i32
          %dma_wait3A_627 = tpu.memref_slice %dma_wait3A_625[%multiple_of3A, %dma_wait3A_626] : memref<160x64xi32, #tpu.memory_space<hbm>> -> memref<40x64xi32, #tpu.memory_space<hbm>>
          %dma_wait3A_628 = arith.constant 0 : i32
          %dma_wait3A_629 = arith.constant 0 : i32
          %dma_wait3A_630 = tpu.memref_slice %arg4[%add3A, %dma_wait3A_628, %dma_wait3A_629] : memref<32x160x64xi32, #tpu.memory_space<hbm>> -> memref<1x160x64xi32, #tpu.memory_space<hbm>>
          %dma_wait3A_631 = tpu.memref_squeeze %dma_wait3A_630 : memref<1x160x64xi32, #tpu.memory_space<hbm>> -> memref<160x64xi32, #tpu.memory_space<hbm>>
          %dma_wait3A_632 = arith.constant 0 : i32
          %dma_wait3A_633 = tpu.memref_slice %dma_wait3A_631[%multiple_of3A, %dma_wait3A_632] : memref<160x64xi32, #tpu.memory_space<hbm>> -> memref<40x64xi32, #tpu.memory_space<hbm>>
          tpu.wait_dma2 semaphore(%run_scoped3A : memref<!tpu.dma_semaphore, #tpu.memory_space<semaphore_mem>>) src(%dma_wait3A_633 : memref<40x64xi32, #tpu.memory_space<hbm>>) dst(%arg7 : memref<40x64xi32, #tpu.memory_space<vmem>>)
          tpu.yield
        }) : () -> ()
      } else {
      }
      %dma_start3A = arith.constant 0 : i32
      %dma_start3A_551 = arith.constant 0 : i32
      %dma_start3A_552 = arith.constant 0 : i32
      %dma_start3A_553 = arith.constant 0 : i32
      %dma_start3A_554 = tpu.memref_slice %arg8[%dma_start3A_551, %dma_start3A_552, %dma_start3A_553] : memref<4x64x128xf32, #tpu.memory_space<vmem>> -> memref<1x64x128xf32, #tpu.memory_space<vmem>>
      %dma_start3A_555 = tpu.memref_squeeze %dma_start3A_554 : memref<1x64x128xf32, #tpu.memory_space<vmem>> -> memref<64x128xf32, #tpu.memory_space<vmem>>
      %dma_start3A_556 = arith.constant 0 : i32
      %dma_start3A_557 = tpu.memref_slice %arg6[%dma_start3A, %dma_start3A_556] : memref<40x64xi32, #tpu.memory_space<vmem>> -> memref<1x64xi32, #tpu.memory_space<vmem>>
      %dma_start3A_558 = tpu.memref_squeeze %dma_start3A_557 : memref<1x64xi32, #tpu.memory_space<vmem>> -> memref<64xi32, #tpu.memory_space<vmem>>
      %dma_start3A_559 = arith.constant 0 : i32
      %dma_start3A_560 = arith.constant 0 : i32
      %dma_start3A_561 = tpu.memref_slice %arg2[%dma_start3A_559, %dma_start3A_560] : memref<10000x128xf32, #tpu.memory_space<hbm>> -> memref<10000x128xf32, #tpu.memory_space<hbm>>
      tpu.enqueue_indirect_dma source(%dma_start3A_561 : memref<10000x128xf32, #tpu.memory_space<hbm>>) target(%dma_start3A_555 : memref<64x128xf32, #tpu.memory_space<vmem>>) offsets(%dma_start3A_558 : memref<64xi32, #tpu.memory_space<vmem>>) semaphore(%arg12 : memref<!tpu.dma_semaphore, #tpu.memory_space<semaphore_mem>>)
      %dma_start3A_562 = arith.constant 1 : i32
      %dma_start3A_563 = arith.constant 1 : i32
      %dma_start3A_564 = arith.constant 0 : i32
      %dma_start3A_565 = arith.constant 0 : i32
      %dma_start3A_566 = tpu.memref_slice %arg8[%dma_start3A_563, %dma_start3A_564, %dma_start3A_565] : memref<4x64x128xf32, #tpu.memory_space<vmem>> -> memref<1x64x128xf32, #tpu.memory_space<vmem>>
      %dma_start3A_567 = tpu.memref_squeeze %dma_start3A_566 : memref<1x64x128xf32, #tpu.memory_space<vmem>> -> memref<64x128xf32, #tpu.memory_space<vmem>>
      %dma_start3A_568 = arith.constant 0 : i32
      %dma_start3A_569 = tpu.memref_slice %arg6[%dma_start3A_562, %dma_start3A_568] : memref<40x64xi32, #tpu.memory_space<vmem>> -> memref<1x64xi32, #tpu.memory_space<vmem>>
      %dma_start3A_570 = tpu.memref_squeeze %dma_start3A_569 : memref<1x64xi32, #tpu.memory_space<vmem>> -> memref<64xi32, #tpu.memory_space<vmem>>
      %dma_start3A_571 = arith.constant 0 : i32
      %dma_start3A_572 = arith.constant 0 : i32
      %dma_start3A_573 = tpu.memref_slice %arg2[%dma_start3A_571, %dma_start3A_572] : memref<10000x128xf32, #tpu.memory_space<hbm>> -> memref<10000x128xf32, #tpu.memory_space<hbm>>
      tpu.enqueue_indirect_dma source(%dma_start3A_573 : memref<10000x128xf32, #tpu.memory_space<hbm>>) target(%dma_start3A_567 : memref<64x128xf32, #tpu.memory_space<vmem>>) offsets(%dma_start3A_570 : memref<64xi32, #tpu.memory_space<vmem>>) semaphore(%arg13 : memref<!tpu.dma_semaphore, #tpu.memory_space<semaphore_mem>>)
      %dma_start3A_574 = arith.constant 2 : i32
      %dma_start3A_575 = arith.constant 2 : i32
      %dma_start3A_576 = arith.constant 0 : i32
      %dma_start3A_577 = arith.constant 0 : i32
      %dma_start3A_578 = tpu.memref_slice %arg8[%dma_start3A_575, %dma_start3A_576, %dma_start3A_577] : memref<4x64x128xf32, #tpu.memory_space<vmem>> -> memref<1x64x128xf32, #tpu.memory_space<vmem>>
      %dma_start3A_579 = tpu.memref_squeeze %dma_start3A_578 : memref<1x64x128xf32, #tpu.memory_space<vmem>> -> memref<64x128xf32, #tpu.memory_space<vmem>>
      %dma_start3A_580 = arith.constant 0 : i32
      %dma_start3A_581 = tpu.memref_slice %arg6[%dma_start3A_574, %dma_start3A_580] : memref<40x64xi32, #tpu.memory_space<vmem>> -> memref<1x64xi32, #tpu.memory_space<vmem>>
      %dma_start3A_582 = tpu.memref_squeeze %dma_start3A_581 : memref<1x64xi32, #tpu.memory_space<vmem>> -> memref<64xi32, #tpu.memory_space<vmem>>
      %dma_start3A_583 = arith.constant 0 : i32
      %dma_start3A_584 = arith.constant 0 : i32
      %dma_start3A_585 = tpu.memref_slice %arg2[%dma_start3A_583, %dma_start3A_584] : memref<10000x128xf32, #tpu.memory_space<hbm>> -> memref<10000x128xf32, #tpu.memory_space<hbm>>
      tpu.enqueue_indirect_dma source(%dma_start3A_585 : memref<10000x128xf32, #tpu.memory_space<hbm>>) target(%dma_start3A_579 : memref<64x128xf32, #tpu.memory_space<vmem>>) offsets(%dma_start3A_582 : memref<64xi32, #tpu.memory_space<vmem>>) semaphore(%arg14 : memref<!tpu.dma_semaphore, #tpu.memory_space<semaphore_mem>>)
      %dma_start3A_586 = arith.constant 3 : i32
      %dma_start3A_587 = arith.constant 3 : i32
      %dma_start3A_588 = arith.constant 0 : i32
      %dma_start3A_589 = arith.constant 0 : i32
      %dma_start3A_590 = tpu.memref_slice %arg8[%dma_start3A_587, %dma_start3A_588, %dma_start3A_589] : memref<4x64x128xf32, #tpu.memory_space<vmem>> -> memref<1x64x128xf32, #tpu.memory_space<vmem>>
      %dma_start3A_591 = tpu.memref_squeeze %dma_start3A_590 : memref<1x64x128xf32, #tpu.memory_space<vmem>> -> memref<64x128xf32, #tpu.memory_space<vmem>>
      %dma_start3A_592 = arith.constant 0 : i32
      %dma_start3A_593 = tpu.memref_slice %arg6[%dma_start3A_586, %dma_start3A_592] : memref<40x64xi32, #tpu.memory_space<vmem>> -> memref<1x64xi32, #tpu.memory_space<vmem>>
      %dma_start3A_594 = tpu.memref_squeeze %dma_start3A_593 : memref<1x64xi32, #tpu.memory_space<vmem>> -> memref<64xi32, #tpu.memory_space<vmem>>
      %dma_start3A_595 = arith.constant 0 : i32
      %dma_start3A_596 = arith.constant 0 : i32
      %dma_start3A_597 = tpu.memref_slice %arg2[%dma_start3A_595, %dma_start3A_596] : memref<10000x128xf32, #tpu.memory_space<hbm>> -> memref<10000x128xf32, #tpu.memory_space<hbm>>
      tpu.enqueue_indirect_dma source(%dma_start3A_597 : memref<10000x128xf32, #tpu.memory_space<hbm>>) target(%dma_start3A_591 : memref<64x128xf32, #tpu.memory_space<vmem>>) offsets(%dma_start3A_594 : memref<64xi32, #tpu.memory_space<vmem>>) semaphore(%arg15 : memref<!tpu.dma_semaphore, #tpu.memory_space<semaphore_mem>>)
      %while3A_598 = arith.constant 0 : i32
      %while3A_599 = arith.constant 0 : i32
      %while3A_600 = arith.constant 10 : i32
      %while3A_601 = arith.subi %while3A_600, %while3A_599 : i32
      %while3A_602 = arith.addi %while3A_599, %while3A_601 : i32
      %while3A_603 = arith.constant 1 : i32
      %while3A_604 = arith.divsi %while3A_601, %while3A_603 : i32
      %while3A_605 = arith.muli %while3A_604, %while3A_603 : i32
      %while3A_606 = arith.addi %while3A_599, %while3A_605 : i32
      %while3A_607 = arith.constant 1 : i32
      scf.for %while3A_609 = %while3A_599 to %while3A_606 step %while3A_607  : i32 {
        %mul3A_610 = arith.constant 4 : i32
        %mul3A_611 = arith.muli %while3A_609, %mul3A_610 : i32
        %add3A_612 = arith.constant 0 : i32
        %add3A_613 = arith.addi %mul3A_611, %add3A_612 : i32
        %dma_wait3A = arith.constant 0 : i32
        %dma_wait3A_614 = arith.constant 0 : i32
        %dma_wait3A_615 = arith.constant 0 : i32
        %dma_wait3A_616 = tpu.memref_slice %arg8[%dma_wait3A, %dma_wait3A_614, %dma_wait3A_615] : memref<4x64x128xf32, #tpu.memory_space<vmem>> -> memref<1x64x128xf32, #tpu.memory_space<vmem>>
        %dma_wait3A_617 = tpu.memref_squeeze %dma_wait3A_616 : memref<1x64x128xf32, #tpu.memory_space<vmem>> -> memref<64x128xf32, #tpu.memory_space<vmem>>
        %dma_wait3A_618 = arith.constant 0 : i32
        %dma_wait3A_619 = tpu.memref_slice %arg6[%add3A_613, %dma_wait3A_618] : memref<40x64xi32, #tpu.memory_space<vmem>> -> memref<1x64xi32, #tpu.memory_space<vmem>>
        %dma_wait3A_620 = tpu.memref_squeeze %dma_wait3A_619 : memref<1x64xi32, #tpu.memory_space<vmem>> -> memref<64xi32, #tpu.memory_space<vmem>>
        %dma_wait3A_621 = arith.constant 0 : i32
        %dma_wait3A_622 = arith.constant 0 : i32
        %dma_wait3A_623 = tpu.memref_slice %arg2[%dma_wait3A_621, %dma_wait3A_622] : memref<10000x128xf32, #tpu.memory_space<hbm>> -> memref<10000x128xf32, #tpu.memory_space<hbm>>
        tpu.wait_indirect_dma semaphore(%arg12 : memref<!tpu.dma_semaphore, #tpu.memory_space<semaphore_mem>>) src(%dma_wait3A_623 : memref<10000x128xf32, #tpu.memory_space<hbm>>) dst(%dma_wait3A_617 : memref<64x128xf32, #tpu.memory_space<vmem>>)
        %run_scoped3A = arith.constant 0 : i32
        "tpu.region"() ({
          %run_scoped3A_699 = tpu.sem_alloc : memref<!tpu.dma_semaphore, #tpu.memory_space<semaphore_mem>>
          %dma_start3A_700 = arith.constant 0 : i32
          %dma_start3A_701 = arith.constant 0 : i32
          %dma_start3A_702 = tpu.memref_slice %arg8[%run_scoped3A, %dma_start3A_700, %dma_start3A_701] : memref<4x64x128xf32, #tpu.memory_space<vmem>> -> memref<1x64x128xf32, #tpu.memory_space<vmem>>
          %dma_start3A_703 = tpu.memref_squeeze %dma_start3A_702 : memref<1x64x128xf32, #tpu.memory_space<vmem>> -> memref<64x128xf32, #tpu.memory_space<vmem>>
          %dma_start3A_704 = arith.constant 0 : i32
          %dma_start3A_705 = tpu.memref_slice %arg7[%add3A_613, %dma_start3A_704] : memref<40x64xi32, #tpu.memory_space<vmem>> -> memref<1x64xi32, #tpu.memory_space<vmem>>
          %dma_start3A_706 = tpu.memref_squeeze %dma_start3A_705 : memref<1x64xi32, #tpu.memory_space<vmem>> -> memref<64xi32, #tpu.memory_space<vmem>>
          %dma_start3A_707 = arith.constant 0 : i32
          %dma_start3A_708 = arith.constant 0 : i32
          %dma_start3A_709 = tpu.memref_slice %arg10[%dma_start3A_707, %dma_start3A_708] : memref<10112x128xf32, #tpu.memory_space<vmem_shared>> -> memref<10112x128xf32, #tpu.memory_space<vmem_shared>>
          tpu.enqueue_indirect_dma source(%dma_start3A_703 : memref<64x128xf32, #tpu.memory_space<vmem>>) target(%dma_start3A_709 : memref<10112x128xf32, #tpu.memory_space<vmem_shared>>) offsets(%dma_start3A_706 : memref<64xi32, #tpu.memory_space<vmem>>) semaphore(%run_scoped3A_699 : memref<!tpu.dma_semaphore, #tpu.memory_space<semaphore_mem>>) {add = true}
          %dma_wait3A_710 = arith.constant 0 : i32
          %dma_wait3A_711 = arith.constant 0 : i32
          %dma_wait3A_712 = tpu.memref_slice %arg8[%run_scoped3A, %dma_wait3A_710, %dma_wait3A_711] : memref<4x64x128xf32, #tpu.memory_space<vmem>> -> memref<1x64x128xf32, #tpu.memory_space<vmem>>
          %dma_wait3A_713 = tpu.memref_squeeze %dma_wait3A_712 : memref<1x64x128xf32, #tpu.memory_space<vmem>> -> memref<64x128xf32, #tpu.memory_space<vmem>>
          %dma_wait3A_714 = arith.constant 0 : i32
          %dma_wait3A_715 = tpu.memref_slice %arg7[%add3A_613, %dma_wait3A_714] : memref<40x64xi32, #tpu.memory_space<vmem>> -> memref<1x64xi32, #tpu.memory_space<vmem>>
          %dma_wait3A_716 = tpu.memref_squeeze %dma_wait3A_715 : memref<1x64xi32, #tpu.memory_space<vmem>> -> memref<64xi32, #tpu.memory_space<vmem>>
          %dma_wait3A_717 = arith.constant 0 : i32
          %dma_wait3A_718 = arith.constant 0 : i32
          %dma_wait3A_719 = tpu.memref_slice %arg10[%dma_wait3A_717, %dma_wait3A_718] : memref<10112x128xf32, #tpu.memory_space<vmem_shared>> -> memref<10112x128xf32, #tpu.memory_space<vmem_shared>>
          tpu.wait_indirect_dma semaphore(%run_scoped3A_699 : memref<!tpu.dma_semaphore, #tpu.memory_space<semaphore_mem>>) src(%dma_wait3A_713 : memref<64x128xf32, #tpu.memory_space<vmem>>) dst(%dma_wait3A_719 : memref<10112x128xf32, #tpu.memory_space<vmem_shared>>)
          tpu.yield
        }) : () -> ()
        %add3A_624 = arith.constant 4 : i32
        %add3A_625 = arith.addi %add3A_613, %add3A_624 : i32
        %lt3A = arith.constant 40 : i32
        %lt3A_626 = arith.cmpi slt, %add3A_625, %lt3A : i32
        %convert_element_type3A_627 = arith.extui %lt3A_626 : i1 to i32
        %cond3A_628 = arith.constant 0 : i32
        %cond3A_629 = arith.cmpi ne, %convert_element_type3A_627, %cond3A_628 : i32
        scf.if %cond3A_629 {
          %dma_start3A_699 = arith.constant 0 : i32
          %dma_start3A_700 = arith.constant 0 : i32
          %dma_start3A_701 = arith.constant 0 : i32
          %dma_start3A_702 = tpu.memref_slice %arg8[%dma_start3A_699, %dma_start3A_700, %dma_start3A_701] : memref<4x64x128xf32, #tpu.memory_space<vmem>> -> memref<1x64x128xf32, #tpu.memory_space<vmem>>
          %dma_start3A_703 = tpu.memref_squeeze %dma_start3A_702 : memref<1x64x128xf32, #tpu.memory_space<vmem>> -> memref<64x128xf32, #tpu.memory_space<vmem>>
          %dma_start3A_704 = arith.constant 0 : i32
          %dma_start3A_705 = tpu.memref_slice %arg6[%add3A_625, %dma_start3A_704] : memref<40x64xi32, #tpu.memory_space<vmem>> -> memref<1x64xi32, #tpu.memory_space<vmem>>
          %dma_start3A_706 = tpu.memref_squeeze %dma_start3A_705 : memref<1x64xi32, #tpu.memory_space<vmem>> -> memref<64xi32, #tpu.memory_space<vmem>>
          %dma_start3A_707 = arith.constant 0 : i32
          %dma_start3A_708 = arith.constant 0 : i32
          %dma_start3A_709 = tpu.memref_slice %arg2[%dma_start3A_707, %dma_start3A_708] : memref<10000x128xf32, #tpu.memory_space<hbm>> -> memref<10000x128xf32, #tpu.memory_space<hbm>>
          tpu.enqueue_indirect_dma source(%dma_start3A_709 : memref<10000x128xf32, #tpu.memory_space<hbm>>) target(%dma_start3A_703 : memref<64x128xf32, #tpu.memory_space<vmem>>) offsets(%dma_start3A_706 : memref<64xi32, #tpu.memory_space<vmem>>) semaphore(%arg12 : memref<!tpu.dma_semaphore, #tpu.memory_space<semaphore_mem>>)
        } else {
        }
        %mul3A_630 = arith.constant 4 : i32
        %mul3A_631 = arith.muli %while3A_609, %mul3A_630 : i32
        %add3A_632 = arith.constant 1 : i32
        %add3A_633 = arith.addi %mul3A_631, %add3A_632 : i32
        %dma_wait3A_634 = arith.constant 1 : i32
        %dma_wait3A_635 = arith.constant 0 : i32
        %dma_wait3A_636 = arith.constant 0 : i32
        %dma_wait3A_637 = tpu.memref_slice %arg8[%dma_wait3A_634, %dma_wait3A_635, %dma_wait3A_636] : memref<4x64x128xf32, #tpu.memory_space<vmem>> -> memref<1x64x128xf32, #tpu.memory_space<vmem>>
        %dma_wait3A_638 = tpu.memref_squeeze %dma_wait3A_637 : memref<1x64x128xf32, #tpu.memory_space<vmem>> -> memref<64x128xf32, #tpu.memory_space<vmem>>
        %dma_wait3A_639 = arith.constant 0 : i32
        %dma_wait3A_640 = tpu.memref_slice %arg6[%add3A_633, %dma_wait3A_639] : memref<40x64xi32, #tpu.memory_space<vmem>> -> memref<1x64xi32, #tpu.memory_space<vmem>>
        %dma_wait3A_641 = tpu.memref_squeeze %dma_wait3A_640 : memref<1x64xi32, #tpu.memory_space<vmem>> -> memref<64xi32, #tpu.memory_space<vmem>>
        %dma_wait3A_642 = arith.constant 0 : i32
        %dma_wait3A_643 = arith.constant 0 : i32
        %dma_wait3A_644 = tpu.memref_slice %arg2[%dma_wait3A_642, %dma_wait3A_643] : memref<10000x128xf32, #tpu.memory_space<hbm>> -> memref<10000x128xf32, #tpu.memory_space<hbm>>
        tpu.wait_indirect_dma semaphore(%arg13 : memref<!tpu.dma_semaphore, #tpu.memory_space<semaphore_mem>>) src(%dma_wait3A_644 : memref<10000x128xf32, #tpu.memory_space<hbm>>) dst(%dma_wait3A_638 : memref<64x128xf32, #tpu.memory_space<vmem>>)
        %run_scoped3A_645 = arith.constant 1 : i32
        "tpu.region"() ({
          %run_scoped3A_699 = tpu.sem_alloc : memref<!tpu.dma_semaphore, #tpu.memory_space<semaphore_mem>>
          %dma_start3A_700 = arith.constant 0 : i32
          %dma_start3A_701 = arith.constant 0 : i32
          %dma_start3A_702 = tpu.memref_slice %arg8[%run_scoped3A_645, %dma_start3A_700, %dma_start3A_701] : memref<4x64x128xf32, #tpu.memory_space<vmem>> -> memref<1x64x128xf32, #tpu.memory_space<vmem>>
          %dma_start3A_703 = tpu.memref_squeeze %dma_start3A_702 : memref<1x64x128xf32, #tpu.memory_space<vmem>> -> memref<64x128xf32, #tpu.memory_space<vmem>>
          %dma_start3A_704 = arith.constant 0 : i32
          %dma_start3A_705 = tpu.memref_slice %arg7[%add3A_633, %dma_start3A_704] : memref<40x64xi32, #tpu.memory_space<vmem>> -> memref<1x64xi32, #tpu.memory_space<vmem>>
          %dma_start3A_706 = tpu.memref_squeeze %dma_start3A_705 : memref<1x64xi32, #tpu.memory_space<vmem>> -> memref<64xi32, #tpu.memory_space<vmem>>
          %dma_start3A_707 = arith.constant 0 : i32
          %dma_start3A_708 = arith.constant 0 : i32
          %dma_start3A_709 = tpu.memref_slice %arg10[%dma_start3A_707, %dma_start3A_708] : memref<10112x128xf32, #tpu.memory_space<vmem_shared>> -> memref<10112x128xf32, #tpu.memory_space<vmem_shared>>
          tpu.enqueue_indirect_dma source(%dma_start3A_703 : memref<64x128xf32, #tpu.memory_space<vmem>>) target(%dma_start3A_709 : memref<10112x128xf32, #tpu.memory_space<vmem_shared>>) offsets(%dma_start3A_706 : memref<64xi32, #tpu.memory_space<vmem>>) semaphore(%run_scoped3A_699 : memref<!tpu.dma_semaphore, #tpu.memory_space<semaphore_mem>>) {add = true}
          %dma_wait3A_710 = arith.constant 0 : i32
          %dma_wait3A_711 = arith.constant 0 : i32
          %dma_wait3A_712 = tpu.memref_slice %arg8[%run_scoped3A_645, %dma_wait3A_710, %dma_wait3A_711] : memref<4x64x128xf32, #tpu.memory_space<vmem>> -> memref<1x64x128xf32, #tpu.memory_space<vmem>>
          %dma_wait3A_713 = tpu.memref_squeeze %dma_wait3A_712 : memref<1x64x128xf32, #tpu.memory_space<vmem>> -> memref<64x128xf32, #tpu.memory_space<vmem>>
          %dma_wait3A_714 = arith.constant 0 : i32
          %dma_wait3A_715 = tpu.memref_slice %arg7[%add3A_633, %dma_wait3A_714] : memref<40x64xi32, #tpu.memory_space<vmem>> -> memref<1x64xi32, #tpu.memory_space<vmem>>
          %dma_wait3A_716 = tpu.memref_squeeze %dma_wait3A_715 : memref<1x64xi32, #tpu.memory_space<vmem>> -> memref<64xi32, #tpu.memory_space<vmem>>
          %dma_wait3A_717 = arith.constant 0 : i32
          %dma_wait3A_718 = arith.constant 0 : i32
          %dma_wait3A_719 = tpu.memref_slice %arg10[%dma_wait3A_717, %dma_wait3A_718] : memref<10112x128xf32, #tpu.memory_space<vmem_shared>> -> memref<10112x128xf32, #tpu.memory_space<vmem_shared>>
          tpu.wait_indirect_dma semaphore(%run_scoped3A_699 : memref<!tpu.dma_semaphore, #tpu.memory_space<semaphore_mem>>) src(%dma_wait3A_713 : memref<64x128xf32, #tpu.memory_space<vmem>>) dst(%dma_wait3A_719 : memref<10112x128xf32, #tpu.memory_space<vmem_shared>>)
          tpu.yield
        }) : () -> ()
        %add3A_646 = arith.constant 4 : i32
        %add3A_647 = arith.addi %add3A_633, %add3A_646 : i32
        %lt3A_648 = arith.constant 40 : i32
        %lt3A_649 = arith.cmpi slt, %add3A_647, %lt3A_648 : i32
        %convert_element_type3A_650 = arith.extui %lt3A_649 : i1 to i32
        %cond3A_651 = arith.constant 0 : i32
        %cond3A_652 = arith.cmpi ne, %convert_element_type3A_650, %cond3A_651 : i32
        scf.if %cond3A_652 {
          %dma_start3A_699 = arith.constant 1 : i32
          %dma_start3A_700 = arith.constant 0 : i32
          %dma_start3A_701 = arith.constant 0 : i32
          %dma_start3A_702 = tpu.memref_slice %arg8[%dma_start3A_699, %dma_start3A_700, %dma_start3A_701] : memref<4x64x128xf32, #tpu.memory_space<vmem>> -> memref<1x64x128xf32, #tpu.memory_space<vmem>>
          %dma_start3A_703 = tpu.memref_squeeze %dma_start3A_702 : memref<1x64x128xf32, #tpu.memory_space<vmem>> -> memref<64x128xf32, #tpu.memory_space<vmem>>
          %dma_start3A_704 = arith.constant 0 : i32
          %dma_start3A_705 = tpu.memref_slice %arg6[%add3A_647, %dma_start3A_704] : memref<40x64xi32, #tpu.memory_space<vmem>> -> memref<1x64xi32, #tpu.memory_space<vmem>>
          %dma_start3A_706 = tpu.memref_squeeze %dma_start3A_705 : memref<1x64xi32, #tpu.memory_space<vmem>> -> memref<64xi32, #tpu.memory_space<vmem>>
          %dma_start3A_707 = arith.constant 0 : i32
          %dma_start3A_708 = arith.constant 0 : i32
          %dma_start3A_709 = tpu.memref_slice %arg2[%dma_start3A_707, %dma_start3A_708] : memref<10000x128xf32, #tpu.memory_space<hbm>> -> memref<10000x128xf32, #tpu.memory_space<hbm>>
          tpu.enqueue_indirect_dma source(%dma_start3A_709 : memref<10000x128xf32, #tpu.memory_space<hbm>>) target(%dma_start3A_703 : memref<64x128xf32, #tpu.memory_space<vmem>>) offsets(%dma_start3A_706 : memref<64xi32, #tpu.memory_space<vmem>>) semaphore(%arg13 : memref<!tpu.dma_semaphore, #tpu.memory_space<semaphore_mem>>)
        } else {
        }
        %mul3A_653 = arith.constant 4 : i32
        %mul3A_654 = arith.muli %while3A_609, %mul3A_653 : i32
        %add3A_655 = arith.constant 2 : i32
        %add3A_656 = arith.addi %mul3A_654, %add3A_655 : i32
        %dma_wait3A_657 = arith.constant 2 : i32
        %dma_wait3A_658 = arith.constant 0 : i32
        %dma_wait3A_659 = arith.constant 0 : i32
        %dma_wait3A_660 = tpu.memref_slice %arg8[%dma_wait3A_657, %dma_wait3A_658, %dma_wait3A_659] : memref<4x64x128xf32, #tpu.memory_space<vmem>> -> memref<1x64x128xf32, #tpu.memory_space<vmem>>
        %dma_wait3A_661 = tpu.memref_squeeze %dma_wait3A_660 : memref<1x64x128xf32, #tpu.memory_space<vmem>> -> memref<64x128xf32, #tpu.memory_space<vmem>>
        %dma_wait3A_662 = arith.constant 0 : i32
        %dma_wait3A_663 = tpu.memref_slice %arg6[%add3A_656, %dma_wait3A_662] : memref<40x64xi32, #tpu.memory_space<vmem>> -> memref<1x64xi32, #tpu.memory_space<vmem>>
        %dma_wait3A_664 = tpu.memref_squeeze %dma_wait3A_663 : memref<1x64xi32, #tpu.memory_space<vmem>> -> memref<64xi32, #tpu.memory_space<vmem>>
        %dma_wait3A_665 = arith.constant 0 : i32
        %dma_wait3A_666 = arith.constant 0 : i32
        %dma_wait3A_667 = tpu.memref_slice %arg2[%dma_wait3A_665, %dma_wait3A_666] : memref<10000x128xf32, #tpu.memory_space<hbm>> -> memref<10000x128xf32, #tpu.memory_space<hbm>>
        tpu.wait_indirect_dma semaphore(%arg14 : memref<!tpu.dma_semaphore, #tpu.memory_space<semaphore_mem>>) src(%dma_wait3A_667 : memref<10000x128xf32, #tpu.memory_space<hbm>>) dst(%dma_wait3A_661 : memref<64x128xf32, #tpu.memory_space<vmem>>)
        %run_scoped3A_668 = arith.constant 2 : i32
        "tpu.region"() ({
          %run_scoped3A_699 = tpu.sem_alloc : memref<!tpu.dma_semaphore, #tpu.memory_space<semaphore_mem>>
          %dma_start3A_700 = arith.constant 0 : i32
          %dma_start3A_701 = arith.constant 0 : i32
          %dma_start3A_702 = tpu.memref_slice %arg8[%run_scoped3A_668, %dma_start3A_700, %dma_start3A_701] : memref<4x64x128xf32, #tpu.memory_space<vmem>> -> memref<1x64x128xf32, #tpu.memory_space<vmem>>
          %dma_start3A_703 = tpu.memref_squeeze %dma_start3A_702 : memref<1x64x128xf32, #tpu.memory_space<vmem>> -> memref<64x128xf32, #tpu.memory_space<vmem>>
          %dma_start3A_704 = arith.constant 0 : i32
          %dma_start3A_705 = tpu.memref_slice %arg7[%add3A_656, %dma_start3A_704] : memref<40x64xi32, #tpu.memory_space<vmem>> -> memref<1x64xi32, #tpu.memory_space<vmem>>
          %dma_start3A_706 = tpu.memref_squeeze %dma_start3A_705 : memref<1x64xi32, #tpu.memory_space<vmem>> -> memref<64xi32, #tpu.memory_space<vmem>>
          %dma_start3A_707 = arith.constant 0 : i32
          %dma_start3A_708 = arith.constant 0 : i32
          %dma_start3A_709 = tpu.memref_slice %arg10[%dma_start3A_707, %dma_start3A_708] : memref<10112x128xf32, #tpu.memory_space<vmem_shared>> -> memref<10112x128xf32, #tpu.memory_space<vmem_shared>>
          tpu.enqueue_indirect_dma source(%dma_start3A_703 : memref<64x128xf32, #tpu.memory_space<vmem>>) target(%dma_start3A_709 : memref<10112x128xf32, #tpu.memory_space<vmem_shared>>) offsets(%dma_start3A_706 : memref<64xi32, #tpu.memory_space<vmem>>) semaphore(%run_scoped3A_699 : memref<!tpu.dma_semaphore, #tpu.memory_space<semaphore_mem>>) {add = true}
          %dma_wait3A_710 = arith.constant 0 : i32
          %dma_wait3A_711 = arith.constant 0 : i32
          %dma_wait3A_712 = tpu.memref_slice %arg8[%run_scoped3A_668, %dma_wait3A_710, %dma_wait3A_711] : memref<4x64x128xf32, #tpu.memory_space<vmem>> -> memref<1x64x128xf32, #tpu.memory_space<vmem>>
          %dma_wait3A_713 = tpu.memref_squeeze %dma_wait3A_712 : memref<1x64x128xf32, #tpu.memory_space<vmem>> -> memref<64x128xf32, #tpu.memory_space<vmem>>
          %dma_wait3A_714 = arith.constant 0 : i32
          %dma_wait3A_715 = tpu.memref_slice %arg7[%add3A_656, %dma_wait3A_714] : memref<40x64xi32, #tpu.memory_space<vmem>> -> memref<1x64xi32, #tpu.memory_space<vmem>>
          %dma_wait3A_716 = tpu.memref_squeeze %dma_wait3A_715 : memref<1x64xi32, #tpu.memory_space<vmem>> -> memref<64xi32, #tpu.memory_space<vmem>>
          %dma_wait3A_717 = arith.constant 0 : i32
          %dma_wait3A_718 = arith.constant 0 : i32
          %dma_wait3A_719 = tpu.memref_slice %arg10[%dma_wait3A_717, %dma_wait3A_718] : memref<10112x128xf32, #tpu.memory_space<vmem_shared>> -> memref<10112x128xf32, #tpu.memory_space<vmem_shared>>
          tpu.wait_indirect_dma semaphore(%run_scoped3A_699 : memref<!tpu.dma_semaphore, #tpu.memory_space<semaphore_mem>>) src(%dma_wait3A_713 : memref<64x128xf32, #tpu.memory_space<vmem>>) dst(%dma_wait3A_719 : memref<10112x128xf32, #tpu.memory_space<vmem_shared>>)
          tpu.yield
        }) : () -> ()
        %add3A_669 = arith.constant 4 : i32
        %add3A_670 = arith.addi %add3A_656, %add3A_669 : i32
        %lt3A_671 = arith.constant 40 : i32
        %lt3A_672 = arith.cmpi slt, %add3A_670, %lt3A_671 : i32
        %convert_element_type3A_673 = arith.extui %lt3A_672 : i1 to i32
        %cond3A_674 = arith.constant 0 : i32
        %cond3A_675 = arith.cmpi ne, %convert_element_type3A_673, %cond3A_674 : i32
        scf.if %cond3A_675 {
          %dma_start3A_699 = arith.constant 2 : i32
          %dma_start3A_700 = arith.constant 0 : i32
          %dma_start3A_701 = arith.constant 0 : i32
          %dma_start3A_702 = tpu.memref_slice %arg8[%dma_start3A_699, %dma_start3A_700, %dma_start3A_701] : memref<4x64x128xf32, #tpu.memory_space<vmem>> -> memref<1x64x128xf32, #tpu.memory_space<vmem>>
          %dma_start3A_703 = tpu.memref_squeeze %dma_start3A_702 : memref<1x64x128xf32, #tpu.memory_space<vmem>> -> memref<64x128xf32, #tpu.memory_space<vmem>>
          %dma_start3A_704 = arith.constant 0 : i32
          %dma_start3A_705 = tpu.memref_slice %arg6[%add3A_670, %dma_start3A_704] : memref<40x64xi32, #tpu.memory_space<vmem>> -> memref<1x64xi32, #tpu.memory_space<vmem>>
          %dma_start3A_706 = tpu.memref_squeeze %dma_start3A_705 : memref<1x64xi32, #tpu.memory_space<vmem>> -> memref<64xi32, #tpu.memory_space<vmem>>
          %dma_start3A_707 = arith.constant 0 : i32
          %dma_start3A_708 = arith.constant 0 : i32
          %dma_start3A_709 = tpu.memref_slice %arg2[%dma_start3A_707, %dma_start3A_708] : memref<10000x128xf32, #tpu.memory_space<hbm>> -> memref<10000x128xf32, #tpu.memory_space<hbm>>
          tpu.enqueue_indirect_dma source(%dma_start3A_709 : memref<10000x128xf32, #tpu.memory_space<hbm>>) target(%dma_start3A_703 : memref<64x128xf32, #tpu.memory_space<vmem>>) offsets(%dma_start3A_706 : memref<64xi32, #tpu.memory_space<vmem>>) semaphore(%arg14 : memref<!tpu.dma_semaphore, #tpu.memory_space<semaphore_mem>>)
        } else {
        }
        %mul3A_676 = arith.constant 4 : i32
        %mul3A_677 = arith.muli %while3A_609, %mul3A_676 : i32
        %add3A_678 = arith.constant 3 : i32
        %add3A_679 = arith.addi %mul3A_677, %add3A_678 : i32
        %dma_wait3A_680 = arith.constant 3 : i32
        %dma_wait3A_681 = arith.constant 0 : i32
        %dma_wait3A_682 = arith.constant 0 : i32
        %dma_wait3A_683 = tpu.memref_slice %arg8[%dma_wait3A_680, %dma_wait3A_681, %dma_wait3A_682] : memref<4x64x128xf32, #tpu.memory_space<vmem>> -> memref<1x64x128xf32, #tpu.memory_space<vmem>>
        %dma_wait3A_684 = tpu.memref_squeeze %dma_wait3A_683 : memref<1x64x128xf32, #tpu.memory_space<vmem>> -> memref<64x128xf32, #tpu.memory_space<vmem>>
        %dma_wait3A_685 = arith.constant 0 : i32
        %dma_wait3A_686 = tpu.memref_slice %arg6[%add3A_679, %dma_wait3A_685] : memref<40x64xi32, #tpu.memory_space<vmem>> -> memref<1x64xi32, #tpu.memory_space<vmem>>
        %dma_wait3A_687 = tpu.memref_squeeze %dma_wait3A_686 : memref<1x64xi32, #tpu.memory_space<vmem>> -> memref<64xi32, #tpu.memory_space<vmem>>
        %dma_wait3A_688 = arith.constant 0 : i32
        %dma_wait3A_689 = arith.constant 0 : i32
        %dma_wait3A_690 = tpu.memref_slice %arg2[%dma_wait3A_688, %dma_wait3A_689] : memref<10000x128xf32, #tpu.memory_space<hbm>> -> memref<10000x128xf32, #tpu.memory_space<hbm>>
        tpu.wait_indirect_dma semaphore(%arg15 : memref<!tpu.dma_semaphore, #tpu.memory_space<semaphore_mem>>) src(%dma_wait3A_690 : memref<10000x128xf32, #tpu.memory_space<hbm>>) dst(%dma_wait3A_684 : memref<64x128xf32, #tpu.memory_space<vmem>>)
        %run_scoped3A_691 = arith.constant 3 : i32
        "tpu.region"() ({
          %run_scoped3A_699 = tpu.sem_alloc : memref<!tpu.dma_semaphore, #tpu.memory_space<semaphore_mem>>
          %dma_start3A_700 = arith.constant 0 : i32
          %dma_start3A_701 = arith.constant 0 : i32
          %dma_start3A_702 = tpu.memref_slice %arg8[%run_scoped3A_691, %dma_start3A_700, %dma_start3A_701] : memref<4x64x128xf32, #tpu.memory_space<vmem>> -> memref<1x64x128xf32, #tpu.memory_space<vmem>>
          %dma_start3A_703 = tpu.memref_squeeze %dma_start3A_702 : memref<1x64x128xf32, #tpu.memory_space<vmem>> -> memref<64x128xf32, #tpu.memory_space<vmem>>
          %dma_start3A_704 = arith.constant 0 : i32
          %dma_start3A_705 = tpu.memref_slice %arg7[%add3A_679, %dma_start3A_704] : memref<40x64xi32, #tpu.memory_space<vmem>> -> memref<1x64xi32, #tpu.memory_space<vmem>>
          %dma_start3A_706 = tpu.memref_squeeze %dma_start3A_705 : memref<1x64xi32, #tpu.memory_space<vmem>> -> memref<64xi32, #tpu.memory_space<vmem>>
          %dma_start3A_707 = arith.constant 0 : i32
          %dma_start3A_708 = arith.constant 0 : i32
          %dma_start3A_709 = tpu.memref_slice %arg10[%dma_start3A_707, %dma_start3A_708] : memref<10112x128xf32, #tpu.memory_space<vmem_shared>> -> memref<10112x128xf32, #tpu.memory_space<vmem_shared>>
          tpu.enqueue_indirect_dma source(%dma_start3A_703 : memref<64x128xf32, #tpu.memory_space<vmem>>) target(%dma_start3A_709 : memref<10112x128xf32, #tpu.memory_space<vmem_shared>>) offsets(%dma_start3A_706 : memref<64xi32, #tpu.memory_space<vmem>>) semaphore(%run_scoped3A_699 : memref<!tpu.dma_semaphore, #tpu.memory_space<semaphore_mem>>) {add = true}
          %dma_wait3A_710 = arith.constant 0 : i32
          %dma_wait3A_711 = arith.constant 0 : i32
          %dma_wait3A_712 = tpu.memref_slice %arg8[%run_scoped3A_691, %dma_wait3A_710, %dma_wait3A_711] : memref<4x64x128xf32, #tpu.memory_space<vmem>> -> memref<1x64x128xf32, #tpu.memory_space<vmem>>
          %dma_wait3A_713 = tpu.memref_squeeze %dma_wait3A_712 : memref<1x64x128xf32, #tpu.memory_space<vmem>> -> memref<64x128xf32, #tpu.memory_space<vmem>>
          %dma_wait3A_714 = arith.constant 0 : i32
          %dma_wait3A_715 = tpu.memref_slice %arg7[%add3A_679, %dma_wait3A_714] : memref<40x64xi32, #tpu.memory_space<vmem>> -> memref<1x64xi32, #tpu.memory_space<vmem>>
          %dma_wait3A_716 = tpu.memref_squeeze %dma_wait3A_715 : memref<1x64xi32, #tpu.memory_space<vmem>> -> memref<64xi32, #tpu.memory_space<vmem>>
          %dma_wait3A_717 = arith.constant 0 : i32
          %dma_wait3A_718 = arith.constant 0 : i32
          %dma_wait3A_719 = tpu.memref_slice %arg10[%dma_wait3A_717, %dma_wait3A_718] : memref<10112x128xf32, #tpu.memory_space<vmem_shared>> -> memref<10112x128xf32, #tpu.memory_space<vmem_shared>>
          tpu.wait_indirect_dma semaphore(%run_scoped3A_699 : memref<!tpu.dma_semaphore, #tpu.memory_space<semaphore_mem>>) src(%dma_wait3A_713 : memref<64x128xf32, #tpu.memory_space<vmem>>) dst(%dma_wait3A_719 : memref<10112x128xf32, #tpu.memory_space<vmem_shared>>)
          tpu.yield
        }) : () -> ()
        %add3A_692 = arith.constant 4 : i32
        %add3A_693 = arith.addi %add3A_679, %add3A_692 : i32
        %lt3A_694 = arith.constant 40 : i32
        %lt3A_695 = arith.cmpi slt, %add3A_693, %lt3A_694 : i32
        %convert_element_type3A_696 = arith.extui %lt3A_695 : i1 to i32
        %cond3A_697 = arith.constant 0 : i32
        %cond3A_698 = arith.cmpi ne, %convert_element_type3A_696, %cond3A_697 : i32
        scf.if %cond3A_698 {
          %dma_start3A_699 = arith.constant 3 : i32
          %dma_start3A_700 = arith.constant 0 : i32
          %dma_start3A_701 = arith.constant 0 : i32
          %dma_start3A_702 = tpu.memref_slice %arg8[%dma_start3A_699, %dma_start3A_700, %dma_start3A_701] : memref<4x64x128xf32, #tpu.memory_space<vmem>> -> memref<1x64x128xf32, #tpu.memory_space<vmem>>
          %dma_start3A_703 = tpu.memref_squeeze %dma_start3A_702 : memref<1x64x128xf32, #tpu.memory_space<vmem>> -> memref<64x128xf32, #tpu.memory_space<vmem>>
          %dma_start3A_704 = arith.constant 0 : i32
          %dma_start3A_705 = tpu.memref_slice %arg6[%add3A_693, %dma_start3A_704] : memref<40x64xi32, #tpu.memory_space<vmem>> -> memref<1x64xi32, #tpu.memory_space<vmem>>
          %dma_start3A_706 = tpu.memref_squeeze %dma_start3A_705 : memref<1x64xi32, #tpu.memory_space<vmem>> -> memref<64xi32, #tpu.memory_space<vmem>>
          %dma_start3A_707 = arith.constant 0 : i32
          %dma_start3A_708 = arith.constant 0 : i32
          %dma_start3A_709 = tpu.memref_slice %arg2[%dma_start3A_707, %dma_start3A_708] : memref<10000x128xf32, #tpu.memory_space<hbm>> -> memref<10000x128xf32, #tpu.memory_space<hbm>>
          tpu.enqueue_indirect_dma source(%dma_start3A_709 : memref<10000x128xf32, #tpu.memory_space<hbm>>) target(%dma_start3A_703 : memref<64x128xf32, #tpu.memory_space<vmem>>) offsets(%dma_start3A_706 : memref<64xi32, #tpu.memory_space<vmem>>) semaphore(%arg15 : memref<!tpu.dma_semaphore, #tpu.memory_space<semaphore_mem>>)
        } else {
        }
      }
      %while3A_608 = arith.constant 1 : i32
      scf.for %while3A_609 = %while3A_606 to %while3A_602 step %while3A_608  : i32 {
        %mul3A_610 = arith.constant 4 : i32
        %mul3A_611 = arith.muli %while3A_609, %mul3A_610 : i32
        %add3A_612 = arith.constant 0 : i32
        %add3A_613 = arith.addi %mul3A_611, %add3A_612 : i32
        %dma_wait3A = arith.constant 0 : i32
        %dma_wait3A_614 = arith.constant 0 : i32
        %dma_wait3A_615 = arith.constant 0 : i32
        %dma_wait3A_616 = tpu.memref_slice %arg8[%dma_wait3A, %dma_wait3A_614, %dma_wait3A_615] : memref<4x64x128xf32, #tpu.memory_space<vmem>> -> memref<1x64x128xf32, #tpu.memory_space<vmem>>
        %dma_wait3A_617 = tpu.memref_squeeze %dma_wait3A_616 : memref<1x64x128xf32, #tpu.memory_space<vmem>> -> memref<64x128xf32, #tpu.memory_space<vmem>>
        %dma_wait3A_618 = arith.constant 0 : i32
        %dma_wait3A_619 = tpu.memref_slice %arg6[%add3A_613, %dma_wait3A_618] : memref<40x64xi32, #tpu.memory_space<vmem>> -> memref<1x64xi32, #tpu.memory_space<vmem>>
        %dma_wait3A_620 = tpu.memref_squeeze %dma_wait3A_619 : memref<1x64xi32, #tpu.memory_space<vmem>> -> memref<64xi32, #tpu.memory_space<vmem>>
        %dma_wait3A_621 = arith.constant 0 : i32
        %dma_wait3A_622 = arith.constant 0 : i32
        %dma_wait3A_623 = tpu.memref_slice %arg2[%dma_wait3A_621, %dma_wait3A_622] : memref<10000x128xf32, #tpu.memory_space<hbm>> -> memref<10000x128xf32, #tpu.memory_space<hbm>>
        tpu.wait_indirect_dma semaphore(%arg12 : memref<!tpu.dma_semaphore, #tpu.memory_space<semaphore_mem>>) src(%dma_wait3A_623 : memref<10000x128xf32, #tpu.memory_space<hbm>>) dst(%dma_wait3A_617 : memref<64x128xf32, #tpu.memory_space<vmem>>)
        %run_scoped3A = arith.constant 0 : i32
        "tpu.region"() ({
          %run_scoped3A_699 = tpu.sem_alloc : memref<!tpu.dma_semaphore, #tpu.memory_space<semaphore_mem>>
          %dma_start3A_700 = arith.constant 0 : i32
          %dma_start3A_701 = arith.constant 0 : i32
          %dma_start3A_702 = tpu.memref_slice %arg8[%run_scoped3A, %dma_start3A_700, %dma_start3A_701] : memref<4x64x128xf32, #tpu.memory_space<vmem>> -> memref<1x64x128xf32, #tpu.memory_space<vmem>>
          %dma_start3A_703 = tpu.memref_squeeze %dma_start3A_702 : memref<1x64x128xf32, #tpu.memory_space<vmem>> -> memref<64x128xf32, #tpu.memory_space<vmem>>
          %dma_start3A_704 = arith.constant 0 : i32
          %dma_start3A_705 = tpu.memref_slice %arg7[%add3A_613, %dma_start3A_704] : memref<40x64xi32, #tpu.memory_space<vmem>> -> memref<1x64xi32, #tpu.memory_space<vmem>>
          %dma_start3A_706 = tpu.memref_squeeze %dma_start3A_705 : memref<1x64xi32, #tpu.memory_space<vmem>> -> memref<64xi32, #tpu.memory_space<vmem>>
          %dma_start3A_707 = arith.constant 0 : i32
          %dma_start3A_708 = arith.constant 0 : i32
          %dma_start3A_709 = tpu.memref_slice %arg10[%dma_start3A_707, %dma_start3A_708] : memref<10112x128xf32, #tpu.memory_space<vmem_shared>> -> memref<10112x128xf32, #tpu.memory_space<vmem_shared>>
          tpu.enqueue_indirect_dma source(%dma_start3A_703 : memref<64x128xf32, #tpu.memory_space<vmem>>) target(%dma_start3A_709 : memref<10112x128xf32, #tpu.memory_space<vmem_shared>>) offsets(%dma_start3A_706 : memref<64xi32, #tpu.memory_space<vmem>>) semaphore(%run_scoped3A_699 : memref<!tpu.dma_semaphore, #tpu.memory_space<semaphore_mem>>) {add = true}
          %dma_wait3A_710 = arith.constant 0 : i32
          %dma_wait3A_711 = arith.constant 0 : i32
          %dma_wait3A_712 = tpu.memref_slice %arg8[%run_scoped3A, %dma_wait3A_710, %dma_wait3A_711] : memref<4x64x128xf32, #tpu.memory_space<vmem>> -> memref<1x64x128xf32, #tpu.memory_space<vmem>>
          %dma_wait3A_713 = tpu.memref_squeeze %dma_wait3A_712 : memref<1x64x128xf32, #tpu.memory_space<vmem>> -> memref<64x128xf32, #tpu.memory_space<vmem>>
          %dma_wait3A_714 = arith.constant 0 : i32
          %dma_wait3A_715 = tpu.memref_slice %arg7[%add3A_613, %dma_wait3A_714] : memref<40x64xi32, #tpu.memory_space<vmem>> -> memref<1x64xi32, #tpu.memory_space<vmem>>
          %dma_wait3A_716 = tpu.memref_squeeze %dma_wait3A_715 : memref<1x64xi32, #tpu.memory_space<vmem>> -> memref<64xi32, #tpu.memory_space<vmem>>
          %dma_wait3A_717 = arith.constant 0 : i32
          %dma_wait3A_718 = arith.constant 0 : i32
          %dma_wait3A_719 = tpu.memref_slice %arg10[%dma_wait3A_717, %dma_wait3A_718] : memref<10112x128xf32, #tpu.memory_space<vmem_shared>> -> memref<10112x128xf32, #tpu.memory_space<vmem_shared>>
          tpu.wait_indirect_dma semaphore(%run_scoped3A_699 : memref<!tpu.dma_semaphore, #tpu.memory_space<semaphore_mem>>) src(%dma_wait3A_713 : memref<64x128xf32, #tpu.memory_space<vmem>>) dst(%dma_wait3A_719 : memref<10112x128xf32, #tpu.memory_space<vmem_shared>>)
          tpu.yield
        }) : () -> ()
        %add3A_624 = arith.constant 4 : i32
        %add3A_625 = arith.addi %add3A_613, %add3A_624 : i32
        %lt3A = arith.constant 40 : i32
        %lt3A_626 = arith.cmpi slt, %add3A_625, %lt3A : i32
        %convert_element_type3A_627 = arith.extui %lt3A_626 : i1 to i32
        %cond3A_628 = arith.constant 0 : i32
        %cond3A_629 = arith.cmpi ne, %convert_element_type3A_627, %cond3A_628 : i32
        scf.if %cond3A_629 {
          %dma_start3A_699 = arith.constant 0 : i32
          %dma_start3A_700 = arith.constant 0 : i32
          %dma_start3A_701 = arith.constant 0 : i32
          %dma_start3A_702 = tpu.memref_slice %arg8[%dma_start3A_699, %dma_start3A_700, %dma_start3A_701] : memref<4x64x128xf32, #tpu.memory_space<vmem>> -> memref<1x64x128xf32, #tpu.memory_space<vmem>>
          %dma_start3A_703 = tpu.memref_squeeze %dma_start3A_702 : memref<1x64x128xf32, #tpu.memory_space<vmem>> -> memref<64x128xf32, #tpu.memory_space<vmem>>
          %dma_start3A_704 = arith.constant 0 : i32
          %dma_start3A_705 = tpu.memref_slice %arg6[%add3A_625, %dma_start3A_704] : memref<40x64xi32, #tpu.memory_space<vmem>> -> memref<1x64xi32, #tpu.memory_space<vmem>>
          %dma_start3A_706 = tpu.memref_squeeze %dma_start3A_705 : memref<1x64xi32, #tpu.memory_space<vmem>> -> memref<64xi32, #tpu.memory_space<vmem>>
          %dma_start3A_707 = arith.constant 0 : i32
          %dma_start3A_708 = arith.constant 0 : i32
          %dma_start3A_709 = tpu.memref_slice %arg2[%dma_start3A_707, %dma_start3A_708] : memref<10000x128xf32, #tpu.memory_space<hbm>> -> memref<10000x128xf32, #tpu.memory_space<hbm>>
          tpu.enqueue_indirect_dma source(%dma_start3A_709 : memref<10000x128xf32, #tpu.memory_space<hbm>>) target(%dma_start3A_703 : memref<64x128xf32, #tpu.memory_space<vmem>>) offsets(%dma_start3A_706 : memref<64xi32, #tpu.memory_space<vmem>>) semaphore(%arg12 : memref<!tpu.dma_semaphore, #tpu.memory_space<semaphore_mem>>)
        } else {
        }
        %mul3A_630 = arith.constant 4 : i32
        %mul3A_631 = arith.muli %while3A_609, %mul3A_630 : i32
        %add3A_632 = arith.constant 1 : i32
        %add3A_633 = arith.addi %mul3A_631, %add3A_632 : i32
        %dma_wait3A_634 = arith.constant 1 : i32
        %dma_wait3A_635 = arith.constant 0 : i32
        %dma_wait3A_636 = arith.constant 0 : i32
        %dma_wait3A_637 = tpu.memref_slice %arg8[%dma_wait3A_634, %dma_wait3A_635, %dma_wait3A_636] : memref<4x64x128xf32, #tpu.memory_space<vmem>> -> memref<1x64x128xf32, #tpu.memory_space<vmem>>
        %dma_wait3A_638 = tpu.memref_squeeze %dma_wait3A_637 : memref<1x64x128xf32, #tpu.memory_space<vmem>> -> memref<64x128xf32, #tpu.memory_space<vmem>>
        %dma_wait3A_639 = arith.constant 0 : i32
        %dma_wait3A_640 = tpu.memref_slice %arg6[%add3A_633, %dma_wait3A_639] : memref<40x64xi32, #tpu.memory_space<vmem>> -> memref<1x64xi32, #tpu.memory_space<vmem>>
        %dma_wait3A_641 = tpu.memref_squeeze %dma_wait3A_640 : memref<1x64xi32, #tpu.memory_space<vmem>> -> memref<64xi32, #tpu.memory_space<vmem>>
        %dma_wait3A_642 = arith.constant 0 : i32
        %dma_wait3A_643 = arith.constant 0 : i32
        %dma_wait3A_644 = tpu.memref_slice %arg2[%dma_wait3A_642, %dma_wait3A_643] : memref<10000x128xf32, #tpu.memory_space<hbm>> -> memref<10000x128xf32, #tpu.memory_space<hbm>>
        tpu.wait_indirect_dma semaphore(%arg13 : memref<!tpu.dma_semaphore, #tpu.memory_space<semaphore_mem>>) src(%dma_wait3A_644 : memref<10000x128xf32, #tpu.memory_space<hbm>>) dst(%dma_wait3A_638 : memref<64x128xf32, #tpu.memory_space<vmem>>)
        %run_scoped3A_645 = arith.constant 1 : i32
        "tpu.region"() ({
          %run_scoped3A_699 = tpu.sem_alloc : memref<!tpu.dma_semaphore, #tpu.memory_space<semaphore_mem>>
          %dma_start3A_700 = arith.constant 0 : i32
          %dma_start3A_701 = arith.constant 0 : i32
          %dma_start3A_702 = tpu.memref_slice %arg8[%run_scoped3A_645, %dma_start3A_700, %dma_start3A_701] : memref<4x64x128xf32, #tpu.memory_space<vmem>> -> memref<1x64x128xf32, #tpu.memory_space<vmem>>
          %dma_start3A_703 = tpu.memref_squeeze %dma_start3A_702 : memref<1x64x128xf32, #tpu.memory_space<vmem>> -> memref<64x128xf32, #tpu.memory_space<vmem>>
          %dma_start3A_704 = arith.constant 0 : i32
          %dma_start3A_705 = tpu.memref_slice %arg7[%add3A_633, %dma_start3A_704] : memref<40x64xi32, #tpu.memory_space<vmem>> -> memref<1x64xi32, #tpu.memory_space<vmem>>
          %dma_start3A_706 = tpu.memref_squeeze %dma_start3A_705 : memref<1x64xi32, #tpu.memory_space<vmem>> -> memref<64xi32, #tpu.memory_space<vmem>>
          %dma_start3A_707 = arith.constant 0 : i32
          %dma_start3A_708 = arith.constant 0 : i32
          %dma_start3A_709 = tpu.memref_slice %arg10[%dma_start3A_707, %dma_start3A_708] : memref<10112x128xf32, #tpu.memory_space<vmem_shared>> -> memref<10112x128xf32, #tpu.memory_space<vmem_shared>>
          tpu.enqueue_indirect_dma source(%dma_start3A_703 : memref<64x128xf32, #tpu.memory_space<vmem>>) target(%dma_start3A_709 : memref<10112x128xf32, #tpu.memory_space<vmem_shared>>) offsets(%dma_start3A_706 : memref<64xi32, #tpu.memory_space<vmem>>) semaphore(%run_scoped3A_699 : memref<!tpu.dma_semaphore, #tpu.memory_space<semaphore_mem>>) {add = true}
          %dma_wait3A_710 = arith.constant 0 : i32
          %dma_wait3A_711 = arith.constant 0 : i32
          %dma_wait3A_712 = tpu.memref_slice %arg8[%run_scoped3A_645, %dma_wait3A_710, %dma_wait3A_711] : memref<4x64x128xf32, #tpu.memory_space<vmem>> -> memref<1x64x128xf32, #tpu.memory_space<vmem>>
          %dma_wait3A_713 = tpu.memref_squeeze %dma_wait3A_712 : memref<1x64x128xf32, #tpu.memory_space<vmem>> -> memref<64x128xf32, #tpu.memory_space<vmem>>
          %dma_wait3A_714 = arith.constant 0 : i32
          %dma_wait3A_715 = tpu.memref_slice %arg7[%add3A_633, %dma_wait3A_714] : memref<40x64xi32, #tpu.memory_space<vmem>> -> memref<1x64xi32, #tpu.memory_space<vmem>>
          %dma_wait3A_716 = tpu.memref_squeeze %dma_wait3A_715 : memref<1x64xi32, #tpu.memory_space<vmem>> -> memref<64xi32, #tpu.memory_space<vmem>>
          %dma_wait3A_717 = arith.constant 0 : i32
          %dma_wait3A_718 = arith.constant 0 : i32
          %dma_wait3A_719 = tpu.memref_slice %arg10[%dma_wait3A_717, %dma_wait3A_718] : memref<10112x128xf32, #tpu.memory_space<vmem_shared>> -> memref<10112x128xf32, #tpu.memory_space<vmem_shared>>
          tpu.wait_indirect_dma semaphore(%run_scoped3A_699 : memref<!tpu.dma_semaphore, #tpu.memory_space<semaphore_mem>>) src(%dma_wait3A_713 : memref<64x128xf32, #tpu.memory_space<vmem>>) dst(%dma_wait3A_719 : memref<10112x128xf32, #tpu.memory_space<vmem_shared>>)
          tpu.yield
        }) : () -> ()
        %add3A_646 = arith.constant 4 : i32
        %add3A_647 = arith.addi %add3A_633, %add3A_646 : i32
        %lt3A_648 = arith.constant 40 : i32
        %lt3A_649 = arith.cmpi slt, %add3A_647, %lt3A_648 : i32
        %convert_element_type3A_650 = arith.extui %lt3A_649 : i1 to i32
        %cond3A_651 = arith.constant 0 : i32
        %cond3A_652 = arith.cmpi ne, %convert_element_type3A_650, %cond3A_651 : i32
        scf.if %cond3A_652 {
          %dma_start3A_699 = arith.constant 1 : i32
          %dma_start3A_700 = arith.constant 0 : i32
          %dma_start3A_701 = arith.constant 0 : i32
          %dma_start3A_702 = tpu.memref_slice %arg8[%dma_start3A_699, %dma_start3A_700, %dma_start3A_701] : memref<4x64x128xf32, #tpu.memory_space<vmem>> -> memref<1x64x128xf32, #tpu.memory_space<vmem>>
          %dma_start3A_703 = tpu.memref_squeeze %dma_start3A_702 : memref<1x64x128xf32, #tpu.memory_space<vmem>> -> memref<64x128xf32, #tpu.memory_space<vmem>>
          %dma_start3A_704 = arith.constant 0 : i32
          %dma_start3A_705 = tpu.memref_slice %arg6[%add3A_647, %dma_start3A_704] : memref<40x64xi32, #tpu.memory_space<vmem>> -> memref<1x64xi32, #tpu.memory_space<vmem>>
          %dma_start3A_706 = tpu.memref_squeeze %dma_start3A_705 : memref<1x64xi32, #tpu.memory_space<vmem>> -> memref<64xi32, #tpu.memory_space<vmem>>
          %dma_start3A_707 = arith.constant 0 : i32
          %dma_start3A_708 = arith.constant 0 : i32
          %dma_start3A_709 = tpu.memref_slice %arg2[%dma_start3A_707, %dma_start3A_708] : memref<10000x128xf32, #tpu.memory_space<hbm>> -> memref<10000x128xf32, #tpu.memory_space<hbm>>
          tpu.enqueue_indirect_dma source(%dma_start3A_709 : memref<10000x128xf32, #tpu.memory_space<hbm>>) target(%dma_start3A_703 : memref<64x128xf32, #tpu.memory_space<vmem>>) offsets(%dma_start3A_706 : memref<64xi32, #tpu.memory_space<vmem>>) semaphore(%arg13 : memref<!tpu.dma_semaphore, #tpu.memory_space<semaphore_mem>>)
        } else {
        }
        %mul3A_653 = arith.constant 4 : i32
        %mul3A_654 = arith.muli %while3A_609, %mul3A_653 : i32
        %add3A_655 = arith.constant 2 : i32
        %add3A_656 = arith.addi %mul3A_654, %add3A_655 : i32
        %dma_wait3A_657 = arith.constant 2 : i32
        %dma_wait3A_658 = arith.constant 0 : i32
        %dma_wait3A_659 = arith.constant 0 : i32
        %dma_wait3A_660 = tpu.memref_slice %arg8[%dma_wait3A_657, %dma_wait3A_658, %dma_wait3A_659] : memref<4x64x128xf32, #tpu.memory_space<vmem>> -> memref<1x64x128xf32, #tpu.memory_space<vmem>>
        %dma_wait3A_661 = tpu.memref_squeeze %dma_wait3A_660 : memref<1x64x128xf32, #tpu.memory_space<vmem>> -> memref<64x128xf32, #tpu.memory_space<vmem>>
        %dma_wait3A_662 = arith.constant 0 : i32
        %dma_wait3A_663 = tpu.memref_slice %arg6[%add3A_656, %dma_wait3A_662] : memref<40x64xi32, #tpu.memory_space<vmem>> -> memref<1x64xi32, #tpu.memory_space<vmem>>
        %dma_wait3A_664 = tpu.memref_squeeze %dma_wait3A_663 : memref<1x64xi32, #tpu.memory_space<vmem>> -> memref<64xi32, #tpu.memory_space<vmem>>
        %dma_wait3A_665 = arith.constant 0 : i32
        %dma_wait3A_666 = arith.constant 0 : i32
        %dma_wait3A_667 = tpu.memref_slice %arg2[%dma_wait3A_665, %dma_wait3A_666] : memref<10000x128xf32, #tpu.memory_space<hbm>> -> memref<10000x128xf32, #tpu.memory_space<hbm>>
        tpu.wait_indirect_dma semaphore(%arg14 : memref<!tpu.dma_semaphore, #tpu.memory_space<semaphore_mem>>) src(%dma_wait3A_667 : memref<10000x128xf32, #tpu.memory_space<hbm>>) dst(%dma_wait3A_661 : memref<64x128xf32, #tpu.memory_space<vmem>>)
        %run_scoped3A_668 = arith.constant 2 : i32
        "tpu.region"() ({
          %run_scoped3A_699 = tpu.sem_alloc : memref<!tpu.dma_semaphore, #tpu.memory_space<semaphore_mem>>
          %dma_start3A_700 = arith.constant 0 : i32
          %dma_start3A_701 = arith.constant 0 : i32
          %dma_start3A_702 = tpu.memref_slice %arg8[%run_scoped3A_668, %dma_start3A_700, %dma_start3A_701] : memref<4x64x128xf32, #tpu.memory_space<vmem>> -> memref<1x64x128xf32, #tpu.memory_space<vmem>>
          %dma_start3A_703 = tpu.memref_squeeze %dma_start3A_702 : memref<1x64x128xf32, #tpu.memory_space<vmem>> -> memref<64x128xf32, #tpu.memory_space<vmem>>
          %dma_start3A_704 = arith.constant 0 : i32
          %dma_start3A_705 = tpu.memref_slice %arg7[%add3A_656, %dma_start3A_704] : memref<40x64xi32, #tpu.memory_space<vmem>> -> memref<1x64xi32, #tpu.memory_space<vmem>>
          %dma_start3A_706 = tpu.memref_squeeze %dma_start3A_705 : memref<1x64xi32, #tpu.memory_space<vmem>> -> memref<64xi32, #tpu.memory_space<vmem>>
          %dma_start3A_707 = arith.constant 0 : i32
          %dma_start3A_708 = arith.constant 0 : i32
          %dma_start3A_709 = tpu.memref_slice %arg10[%dma_start3A_707, %dma_start3A_708] : memref<10112x128xf32, #tpu.memory_space<vmem_shared>> -> memref<10112x128xf32, #tpu.memory_space<vmem_shared>>
          tpu.enqueue_indirect_dma source(%dma_start3A_703 : memref<64x128xf32, #tpu.memory_space<vmem>>) target(%dma_start3A_709 : memref<10112x128xf32, #tpu.memory_space<vmem_shared>>) offsets(%dma_start3A_706 : memref<64xi32, #tpu.memory_space<vmem>>) semaphore(%run_scoped3A_699 : memref<!tpu.dma_semaphore, #tpu.memory_space<semaphore_mem>>) {add = true}
          %dma_wait3A_710 = arith.constant 0 : i32
          %dma_wait3A_711 = arith.constant 0 : i32
          %dma_wait3A_712 = tpu.memref_slice %arg8[%run_scoped3A_668, %dma_wait3A_710, %dma_wait3A_711] : memref<4x64x128xf32, #tpu.memory_space<vmem>> -> memref<1x64x128xf32, #tpu.memory_space<vmem>>
          %dma_wait3A_713 = tpu.memref_squeeze %dma_wait3A_712 : memref<1x64x128xf32, #tpu.memory_space<vmem>> -> memref<64x128xf32, #tpu.memory_space<vmem>>
          %dma_wait3A_714 = arith.constant 0 : i32
          %dma_wait3A_715 = tpu.memref_slice %arg7[%add3A_656, %dma_wait3A_714] : memref<40x64xi32, #tpu.memory_space<vmem>> -> memref<1x64xi32, #tpu.memory_space<vmem>>
          %dma_wait3A_716 = tpu.memref_squeeze %dma_wait3A_715 : memref<1x64xi32, #tpu.memory_space<vmem>> -> memref<64xi32, #tpu.memory_space<vmem>>
          %dma_wait3A_717 = arith.constant 0 : i32
          %dma_wait3A_718 = arith.constant 0 : i32
          %dma_wait3A_719 = tpu.memref_slice %arg10[%dma_wait3A_717, %dma_wait3A_718] : memref<10112x128xf32, #tpu.memory_space<vmem_shared>> -> memref<10112x128xf32, #tpu.memory_space<vmem_shared>>
          tpu.wait_indirect_dma semaphore(%run_scoped3A_699 : memref<!tpu.dma_semaphore, #tpu.memory_space<semaphore_mem>>) src(%dma_wait3A_713 : memref<64x128xf32, #tpu.memory_space<vmem>>) dst(%dma_wait3A_719 : memref<10112x128xf32, #tpu.memory_space<vmem_shared>>)
          tpu.yield
        }) : () -> ()
        %add3A_669 = arith.constant 4 : i32
        %add3A_670 = arith.addi %add3A_656, %add3A_669 : i32
        %lt3A_671 = arith.constant 40 : i32
        %lt3A_672 = arith.cmpi slt, %add3A_670, %lt3A_671 : i32
        %convert_element_type3A_673 = arith.extui %lt3A_672 : i1 to i32
        %cond3A_674 = arith.constant 0 : i32
        %cond3A_675 = arith.cmpi ne, %convert_element_type3A_673, %cond3A_674 : i32
        scf.if %cond3A_675 {
          %dma_start3A_699 = arith.constant 2 : i32
          %dma_start3A_700 = arith.constant 0 : i32
          %dma_start3A_701 = arith.constant 0 : i32
          %dma_start3A_702 = tpu.memref_slice %arg8[%dma_start3A_699, %dma_start3A_700, %dma_start3A_701] : memref<4x64x128xf32, #tpu.memory_space<vmem>> -> memref<1x64x128xf32, #tpu.memory_space<vmem>>
          %dma_start3A_703 = tpu.memref_squeeze %dma_start3A_702 : memref<1x64x128xf32, #tpu.memory_space<vmem>> -> memref<64x128xf32, #tpu.memory_space<vmem>>
          %dma_start3A_704 = arith.constant 0 : i32
          %dma_start3A_705 = tpu.memref_slice %arg6[%add3A_670, %dma_start3A_704] : memref<40x64xi32, #tpu.memory_space<vmem>> -> memref<1x64xi32, #tpu.memory_space<vmem>>
          %dma_start3A_706 = tpu.memref_squeeze %dma_start3A_705 : memref<1x64xi32, #tpu.memory_space<vmem>> -> memref<64xi32, #tpu.memory_space<vmem>>
          %dma_start3A_707 = arith.constant 0 : i32
          %dma_start3A_708 = arith.constant 0 : i32
          %dma_start3A_709 = tpu.memref_slice %arg2[%dma_start3A_707, %dma_start3A_708] : memref<10000x128xf32, #tpu.memory_space<hbm>> -> memref<10000x128xf32, #tpu.memory_space<hbm>>
          tpu.enqueue_indirect_dma source(%dma_start3A_709 : memref<10000x128xf32, #tpu.memory_space<hbm>>) target(%dma_start3A_703 : memref<64x128xf32, #tpu.memory_space<vmem>>) offsets(%dma_start3A_706 : memref<64xi32, #tpu.memory_space<vmem>>) semaphore(%arg14 : memref<!tpu.dma_semaphore, #tpu.memory_space<semaphore_mem>>)
        } else {
        }
        %mul3A_676 = arith.constant 4 : i32
        %mul3A_677 = arith.muli %while3A_609, %mul3A_676 : i32
        %add3A_678 = arith.constant 3 : i32
        %add3A_679 = arith.addi %mul3A_677, %add3A_678 : i32
        %dma_wait3A_680 = arith.constant 3 : i32
        %dma_wait3A_681 = arith.constant 0 : i32
        %dma_wait3A_682 = arith.constant 0 : i32
        %dma_wait3A_683 = tpu.memref_slice %arg8[%dma_wait3A_680, %dma_wait3A_681, %dma_wait3A_682] : memref<4x64x128xf32, #tpu.memory_space<vmem>> -> memref<1x64x128xf32, #tpu.memory_space<vmem>>
        %dma_wait3A_684 = tpu.memref_squeeze %dma_wait3A_683 : memref<1x64x128xf32, #tpu.memory_space<vmem>> -> memref<64x128xf32, #tpu.memory_space<vmem>>
        %dma_wait3A_685 = arith.constant 0 : i32
        %dma_wait3A_686 = tpu.memref_slice %arg6[%add3A_679, %dma_wait3A_685] : memref<40x64xi32, #tpu.memory_space<vmem>> -> memref<1x64xi32, #tpu.memory_space<vmem>>
        %dma_wait3A_687 = tpu.memref_squeeze %dma_wait3A_686 : memref<1x64xi32, #tpu.memory_space<vmem>> -> memref<64xi32, #tpu.memory_space<vmem>>
        %dma_wait3A_688 = arith.constant 0 : i32
        %dma_wait3A_689 = arith.constant 0 : i32
        %dma_wait3A_690 = tpu.memref_slice %arg2[%dma_wait3A_688, %dma_wait3A_689] : memref<10000x128xf32, #tpu.memory_space<hbm>> -> memref<10000x128xf32, #tpu.memory_space<hbm>>
        tpu.wait_indirect_dma semaphore(%arg15 : memref<!tpu.dma_semaphore, #tpu.memory_space<semaphore_mem>>) src(%dma_wait3A_690 : memref<10000x128xf32, #tpu.memory_space<hbm>>) dst(%dma_wait3A_684 : memref<64x128xf32, #tpu.memory_space<vmem>>)
        %run_scoped3A_691 = arith.constant 3 : i32
        "tpu.region"() ({
          %run_scoped3A_699 = tpu.sem_alloc : memref<!tpu.dma_semaphore, #tpu.memory_space<semaphore_mem>>
          %dma_start3A_700 = arith.constant 0 : i32
          %dma_start3A_701 = arith.constant 0 : i32
          %dma_start3A_702 = tpu.memref_slice %arg8[%run_scoped3A_691, %dma_start3A_700, %dma_start3A_701] : memref<4x64x128xf32, #tpu.memory_space<vmem>> -> memref<1x64x128xf32, #tpu.memory_space<vmem>>
          %dma_start3A_703 = tpu.memref_squeeze %dma_start3A_702 : memref<1x64x128xf32, #tpu.memory_space<vmem>> -> memref<64x128xf32, #tpu.memory_space<vmem>>
          %dma_start3A_704 = arith.constant 0 : i32
          %dma_start3A_705 = tpu.memref_slice %arg7[%add3A_679, %dma_start3A_704] : memref<40x64xi32, #tpu.memory_space<vmem>> -> memref<1x64xi32, #tpu.memory_space<vmem>>
          %dma_start3A_706 = tpu.memref_squeeze %dma_start3A_705 : memref<1x64xi32, #tpu.memory_space<vmem>> -> memref<64xi32, #tpu.memory_space<vmem>>
          %dma_start3A_707 = arith.constant 0 : i32
          %dma_start3A_708 = arith.constant 0 : i32
          %dma_start3A_709 = tpu.memref_slice %arg10[%dma_start3A_707, %dma_start3A_708] : memref<10112x128xf32, #tpu.memory_space<vmem_shared>> -> memref<10112x128xf32, #tpu.memory_space<vmem_shared>>
          tpu.enqueue_indirect_dma source(%dma_start3A_703 : memref<64x128xf32, #tpu.memory_space<vmem>>) target(%dma_start3A_709 : memref<10112x128xf32, #tpu.memory_space<vmem_shared>>) offsets(%dma_start3A_706 : memref<64xi32, #tpu.memory_space<vmem>>) semaphore(%run_scoped3A_699 : memref<!tpu.dma_semaphore, #tpu.memory_space<semaphore_mem>>) {add = true}
          %dma_wait3A_710 = arith.constant 0 : i32
          %dma_wait3A_711 = arith.constant 0 : i32
          %dma_wait3A_712 = tpu.memref_slice %arg8[%run_scoped3A_691, %dma_wait3A_710, %dma_wait3A_711] : memref<4x64x128xf32, #tpu.memory_space<vmem>> -> memref<1x64x128xf32, #tpu.memory_space<vmem>>
          %dma_wait3A_713 = tpu.memref_squeeze %dma_wait3A_712 : memref<1x64x128xf32, #tpu.memory_space<vmem>> -> memref<64x128xf32, #tpu.memory_space<vmem>>
          %dma_wait3A_714 = arith.constant 0 : i32
          %dma_wait3A_715 = tpu.memref_slice %arg7[%add3A_679, %dma_wait3A_714] : memref<40x64xi32, #tpu.memory_space<vmem>> -> memref<1x64xi32, #tpu.memory_space<vmem>>
          %dma_wait3A_716 = tpu.memref_squeeze %dma_wait3A_715 : memref<1x64xi32, #tpu.memory_space<vmem>> -> memref<64xi32, #tpu.memory_space<vmem>>
          %dma_wait3A_717 = arith.constant 0 : i32
          %dma_wait3A_718 = arith.constant 0 : i32
          %dma_wait3A_719 = tpu.memref_slice %arg10[%dma_wait3A_717, %dma_wait3A_718] : memref<10112x128xf32, #tpu.memory_space<vmem_shared>> -> memref<10112x128xf32, #tpu.memory_space<vmem_shared>>
          tpu.wait_indirect_dma semaphore(%run_scoped3A_699 : memref<!tpu.dma_semaphore, #tpu.memory_space<semaphore_mem>>) src(%dma_wait3A_713 : memref<64x128xf32, #tpu.memory_space<vmem>>) dst(%dma_wait3A_719 : memref<10112x128xf32, #tpu.memory_space<vmem_shared>>)
          tpu.yield
        }) : () -> ()
        %add3A_692 = arith.constant 4 : i32
        %add3A_693 = arith.addi %add3A_679, %add3A_692 : i32
        %lt3A_694 = arith.constant 40 : i32
        %lt3A_695 = arith.cmpi slt, %add3A_693, %lt3A_694 : i32
        %convert_element_type3A_696 = arith.extui %lt3A_695 : i1 to i32
        %cond3A_697 = arith.constant 0 : i32
        %cond3A_698 = arith.cmpi ne, %convert_element_type3A_696, %cond3A_697 : i32
        scf.if %cond3A_698 {
          %dma_start3A_699 = arith.constant 3 : i32
          %dma_start3A_700 = arith.constant 0 : i32
          %dma_start3A_701 = arith.constant 0 : i32
          %dma_start3A_702 = tpu.memref_slice %arg8[%dma_start3A_699, %dma_start3A_700, %dma_start3A_701] : memref<4x64x128xf32, #tpu.memory_space<vmem>> -> memref<1x64x128xf32, #tpu.memory_space<vmem>>
          %dma_start3A_703 = tpu.memref_squeeze %dma_start3A_702 : memref<1x64x128xf32, #tpu.memory_space<vmem>> -> memref<64x128xf32, #tpu.memory_space<vmem>>
          %dma_start3A_704 = arith.constant 0 : i32
          %dma_start3A_705 = tpu.memref_slice %arg6[%add3A_693, %dma_start3A_704] : memref<40x64xi32, #tpu.memory_space<vmem>> -> memref<1x64xi32, #tpu.memory_space<vmem>>
          %dma_start3A_706 = tpu.memref_squeeze %dma_start3A_705 : memref<1x64xi32, #tpu.memory_space<vmem>> -> memref<64xi32, #tpu.memory_space<vmem>>
          %dma_start3A_707 = arith.constant 0 : i32
          %dma_start3A_708 = arith.constant 0 : i32
          %dma_start3A_709 = tpu.memref_slice %arg2[%dma_start3A_707, %dma_start3A_708] : memref<10000x128xf32, #tpu.memory_space<hbm>> -> memref<10000x128xf32, #tpu.memory_space<hbm>>
          tpu.enqueue_indirect_dma source(%dma_start3A_709 : memref<10000x128xf32, #tpu.memory_space<hbm>>) target(%dma_start3A_703 : memref<64x128xf32, #tpu.memory_space<vmem>>) offsets(%dma_start3A_706 : memref<64xi32, #tpu.memory_space<vmem>>) semaphore(%arg15 : memref<!tpu.dma_semaphore, #tpu.memory_space<semaphore_mem>>)
        } else {
        }
      }
    }
    %barrier3A_543 = arith.constant 0 : index
    tpu.barrier barrier_id(%barrier3A_543)
    %mul3A_544 = arith.constant 632 : i32
    %mul3A_545 = arith.muli %arg1, %mul3A_544 : i32
    %mul3A_546 = arith.constant 632 : i32
    %mul3A_547 = arith.muli %arg1, %mul3A_546 : i32
    "tpu.region"() ({
      %run_scoped3A = tpu.sem_alloc : memref<!tpu.dma_semaphore, #tpu.memory_space<semaphore_mem>>
      %dma_start3A = arith.constant 0 : i32
      %dma_start3A_548 = arith.constant 0 : i32
      %dma_start3A_549 = tpu.memref_slice %arg5[%arg0, %dma_start3A, %dma_start3A_548] : memref<2x10112x128xf32, #tpu.memory_space<hbm>> -> memref<1x10112x128xf32, #tpu.memory_space<hbm>>
      %dma_start3A_550 = tpu.memref_squeeze %dma_start3A_549 : memref<1x10112x128xf32, #tpu.memory_space<hbm>> -> memref<10112x128xf32, #tpu.memory_space<hbm>>
      %dma_start3A_551 = arith.constant 0 : i32
      %dma_start3A_552 = tpu.memref_slice %dma_start3A_550[%mul3A_547, %dma_start3A_551] : memref<10112x128xf32, #tpu.memory_space<hbm>> -> memref<632x128xf32, #tpu.memory_space<hbm>>
      %dma_start3A_553 = arith.constant 0 : i32
      %dma_start3A_554 = tpu.memref_slice %arg10[%mul3A_545, %dma_start3A_553] : memref<10112x128xf32, #tpu.memory_space<vmem_shared>> -> memref<632x128xf32, #tpu.memory_space<vmem_shared>>
      tpu.enqueue_dma source(%dma_start3A_554 : memref<632x128xf32, #tpu.memory_space<vmem_shared>>) target(%dma_start3A_552 : memref<632x128xf32, #tpu.memory_space<hbm>>) target_semaphore(%run_scoped3A : memref<!tpu.dma_semaphore, #tpu.memory_space<semaphore_mem>>)
      %dma_wait3A = arith.constant 0 : i32
      %dma_wait3A_555 = arith.constant 0 : i32
      %dma_wait3A_556 = tpu.memref_slice %arg5[%arg0, %dma_wait3A, %dma_wait3A_555] : memref<2x10112x128xf32, #tpu.memory_space<hbm>> -> memref<1x10112x128xf32, #tpu.memory_space<hbm>>
      %dma_wait3A_557 = tpu.memref_squeeze %dma_wait3A_556 : memref<1x10112x128xf32, #tpu.memory_space<hbm>> -> memref<10112x128xf32, #tpu.memory_space<hbm>>
      %dma_wait3A_558 = arith.constant 0 : i32
      %dma_wait3A_559 = tpu.memref_slice %dma_wait3A_557[%mul3A_547, %dma_wait3A_558] : memref<10112x128xf32, #tpu.memory_space<hbm>> -> memref<632x128xf32, #tpu.memory_space<hbm>>
      %dma_wait3A_560 = arith.constant 0 : i32
      %dma_wait3A_561 = tpu.memref_slice %arg10[%mul3A_545, %dma_wait3A_560] : memref<10112x128xf32, #tpu.memory_space<vmem_shared>> -> memref<632x128xf32, #tpu.memory_space<vmem_shared>>
      tpu.wait_dma2 semaphore(%run_scoped3A : memref<!tpu.dma_semaphore, #tpu.memory_space<semaphore_mem>>) src(%dma_wait3A_561 : memref<632x128xf32, #tpu.memory_space<vmem_shared>>) dst(%dma_wait3A_559 : memref<632x128xf32, #tpu.memory_space<hbm>>)
      tpu.yield
    }) : () -> ()
    return
  }
}

#map = affine_map<(d0, d1) -> (0, 0)>
#map1 = affine_map<(d0, d1) -> (0, 0, 0)>
module attributes {stable_mosaic.version = 14 : i64} {
  func.func @_sc_seg_body(%arg0: i32, %arg1: i32, %arg2: memref<10000x128xf32, #tpu.memory_space<hbm>>, %arg3: memref<32x160x64xi32, #tpu.memory_space<hbm>>, %arg4: memref<32x160x64xi32, #tpu.memory_space<hbm>>, %arg5: memref<2x10112x128xf32, #tpu.memory_space<hbm>>, %arg6: memref<40x64xi32, #tpu.memory_space<vmem>>, %arg7: memref<40x64xi32, #tpu.memory_space<vmem>>, %arg8: memref<4x64x128xf32, #tpu.memory_space<vmem>>, %arg9: memref<8x128xf32, #tpu.memory_space<vmem>>, %arg10: memref<10112x128xf32, #tpu.memory_space<vmem_shared>>, %arg11: memref<!tpu.dma_semaphore, #tpu.memory_space<semaphore_mem>>, %arg12: memref<!tpu.dma_semaphore, #tpu.memory_space<semaphore_mem>>, %arg13: memref<!tpu.dma_semaphore, #tpu.memory_space<semaphore_mem>>, %arg14: memref<!tpu.dma_semaphore, #tpu.memory_space<semaphore_mem>>, %arg15: memref<!tpu.dma_semaphore, #tpu.memory_space<semaphore_mem>>) attributes {dimension_semantics = [#tpu.dimension_semantics<core_parallel>, #tpu.dimension_semantics<subcore_parallel>], iteration_bounds = array<i64: 2, 16>, scalar_prefetch = 0 : i64, scratch_operands = 10 : i64, tpu.core_type = #tpu.core_type<sc_vector_subcore>, window_params = [{transform_indices = #map}, {transform_indices = #map1}, {transform_indices = #map1}, {transform_indices = #map1}]} {
    %mul3A = arith.constant 16 : i32
    %mul3A_0 = arith.muli %arg0, %mul3A : i32
    %add3A = arith.addi %mul3A_0, %arg1 : i32
    %broadcast_in_dim3A = arith.constant 0.000000e+00 : f32
    %broadcast_in_dim3A_1 = vector.broadcast %broadcast_in_dim3A : f32 to vector<16xf32>
    %swap3A = arith.constant 0 : i32
    %swap3A_2 = arith.index_cast %swap3A : i32 to index
    %swap3A_3 = arith.constant 0 : index
    %swap3A_4 = tpu.vector_load %arg9[%swap3A_2, %swap3A_3] {strides = array<i32>} : memref<8x128xf32, #tpu.memory_space<vmem>>, vector<1x16xf32>,
    %swap3A_5 = vector.shape_cast %swap3A_4 : vector<1x16xf32> to vector<16xf32>
    %swap3A_6 = vector.shape_cast %broadcast_in_dim3A_1 : vector<16xf32> to vector<1x16xf32>
    tpu.vector_store %arg9[%swap3A_2, %swap3A_3], %swap3A_6 {strides = array<i32>} : memref<8x128xf32, #tpu.memory_space<vmem>>, vector<1x16xf32>,
    %broadcast_in_dim3A_7 = arith.constant 0.000000e+00 : f32
    %broadcast_in_dim3A_8 = vector.broadcast %broadcast_in_dim3A_7 : f32 to vector<16xf32>
    %swap3A_9 = arith.constant 0 : i32
    %swap3A_10 = arith.index_cast %swap3A_9 : i32 to index
    %swap3A_11 = arith.constant 16 : index
    %swap3A_12 = tpu.vector_load %arg9[%swap3A_10, %swap3A_11] {strides = array<i32>} : memref<8x128xf32, #tpu.memory_space<vmem>>, vector<1x16xf32>,
    %swap3A_13 = vector.shape_cast %swap3A_12 : vector<1x16xf32> to vector<16xf32>
    %swap3A_14 = vector.shape_cast %broadcast_in_dim3A_8 : vector<16xf32> to vector<1x16xf32>
    tpu.vector_store %arg9[%swap3A_10, %swap3A_11], %swap3A_14 {strides = array<i32>} : memref<8x128xf32, #tpu.memory_space<vmem>>, vector<1x16xf32>,
    %broadcast_in_dim3A_15 = arith.constant 0.000000e+00 : f32
    %broadcast_in_dim3A_16 = vector.broadcast %broadcast_in_dim3A_15 : f32 to vector<16xf32>
    %swap3A_17 = arith.constant 0 : i32
    %swap3A_18 = arith.index_cast %swap3A_17 : i32 to index
    %swap3A_19 = arith.constant 32 : index
    %swap3A_20 = tpu.vector_load %arg9[%swap3A_18, %swap3A_19] {strides = array<i32>} : memref<8x128xf32, #tpu.memory_space<vmem>>, vector<1x16xf32>,
    %swap3A_21 = vector.shape_cast %swap3A_20 : vector<1x16xf32> to vector<16xf32>
    %swap3A_22 = vector.shape_cast %broadcast_in_dim3A_16 : vector<16xf32> to vector<1x16xf32>
    tpu.vector_store %arg9[%swap3A_18, %swap3A_19], %swap3A_22 {strides = array<i32>} : memref<8x128xf32, #tpu.memory_space<vmem>>, vector<1x16xf32>,
    %broadcast_in_dim3A_23 = arith.constant 0.000000e+00 : f32
    %broadcast_in_dim3A_24 = vector.broadcast %broadcast_in_dim3A_23 : f32 to vector<16xf32>
    %swap3A_25 = arith.constant 0 : i32
    %swap3A_26 = arith.index_cast %swap3A_25 : i32 to index
    %swap3A_27 = arith.constant 48 : index
    %swap3A_28 = tpu.vector_load %arg9[%swap3A_26, %swap3A_27] {strides = array<i32>} : memref<8x128xf32, #tpu.memory_space<vmem>>, vector<1x16xf32>,
    %swap3A_29 = vector.shape_cast %swap3A_28 : vector<1x16xf32> to vector<16xf32>
    %swap3A_30 = vector.shape_cast %broadcast_in_dim3A_24 : vector<16xf32> to vector<1x16xf32>
    tpu.vector_store %arg9[%swap3A_26, %swap3A_27], %swap3A_30 {strides = array<i32>} : memref<8x128xf32, #tpu.memory_space<vmem>>, vector<1x16xf32>,
    %broadcast_in_dim3A_31 = arith.constant 0.000000e+00 : f32
    %broadcast_in_dim3A_32 = vector.broadcast %broadcast_in_dim3A_31 : f32 to vector<16xf32>
    %swap3A_33 = arith.constant 0 : i32
    %swap3A_34 = arith.index_cast %swap3A_33 : i32 to index
    %swap3A_35 = arith.constant 64 : index
    %swap3A_36 = tpu.vector_load %arg9[%swap3A_34, %swap3A_35] {strides = array<i32>} : memref<8x128xf32, #tpu.memory_space<vmem>>, vector<1x16xf32>,
    %swap3A_37 = vector.shape_cast %swap3A_36 : vector<1x16xf32> to vector<16xf32>
    %swap3A_38 = vector.shape_cast %broadcast_in_dim3A_32 : vector<16xf32> to vector<1x16xf32>
    tpu.vector_store %arg9[%swap3A_34, %swap3A_35], %swap3A_38 {strides = array<i32>} : memref<8x128xf32, #tpu.memory_space<vmem>>, vector<1x16xf32>,
    %broadcast_in_dim3A_39 = arith.constant 0.000000e+00 : f32
    %broadcast_in_dim3A_40 = vector.broadcast %broadcast_in_dim3A_39 : f32 to vector<16xf32>
    %swap3A_41 = arith.constant 0 : i32
    %swap3A_42 = arith.index_cast %swap3A_41 : i32 to index
    %swap3A_43 = arith.constant 80 : index
    %swap3A_44 = tpu.vector_load %arg9[%swap3A_42, %swap3A_43] {strides = array<i32>} : memref<8x128xf32, #tpu.memory_space<vmem>>, vector<1x16xf32>,
    %swap3A_45 = vector.shape_cast %swap3A_44 : vector<1x16xf32> to vector<16xf32>
    %swap3A_46 = vector.shape_cast %broadcast_in_dim3A_40 : vector<16xf32> to vector<1x16xf32>
    tpu.vector_store %arg9[%swap3A_42, %swap3A_43], %swap3A_46 {strides = array<i32>} : memref<8x128xf32, #tpu.memory_space<vmem>>, vector<1x16xf32>,
    %broadcast_in_dim3A_47 = arith.constant 0.000000e+00 : f32
    %broadcast_in_dim3A_48 = vector.broadcast %broadcast_in_dim3A_47 : f32 to vector<16xf32>
    %swap3A_49 = arith.constant 0 : i32
    %swap3A_50 = arith.index_cast %swap3A_49 : i32 to index
    %swap3A_51 = arith.constant 96 : index
    %swap3A_52 = tpu.vector_load %arg9[%swap3A_50, %swap3A_51] {strides = array<i32>} : memref<8x128xf32, #tpu.memory_space<vmem>>, vector<1x16xf32>,
    %swap3A_53 = vector.shape_cast %swap3A_52 : vector<1x16xf32> to vector<16xf32>
    %swap3A_54 = vector.shape_cast %broadcast_in_dim3A_48 : vector<16xf32> to vector<1x16xf32>
    tpu.vector_store %arg9[%swap3A_50, %swap3A_51], %swap3A_54 {strides = array<i32>} : memref<8x128xf32, #tpu.memory_space<vmem>>, vector<1x16xf32>,
    %broadcast_in_dim3A_55 = arith.constant 0.000000e+00 : f32
    %broadcast_in_dim3A_56 = vector.broadcast %broadcast_in_dim3A_55 : f32 to vector<16xf32>
    %swap3A_57 = arith.constant 0 : i32
    %swap3A_58 = arith.index_cast %swap3A_57 : i32 to index
    %swap3A_59 = arith.constant 112 : index
    %swap3A_60 = tpu.vector_load %arg9[%swap3A_58, %swap3A_59] {strides = array<i32>} : memref<8x128xf32, #tpu.memory_space<vmem>>, vector<1x16xf32>,
    %swap3A_61 = vector.shape_cast %swap3A_60 : vector<1x16xf32> to vector<16xf32>
    %swap3A_62 = vector.shape_cast %broadcast_in_dim3A_56 : vector<16xf32> to vector<1x16xf32>
    tpu.vector_store %arg9[%swap3A_58, %swap3A_59], %swap3A_62 {strides = array<i32>} : memref<8x128xf32, #tpu.memory_space<vmem>>, vector<1x16xf32>,
    %broadcast_in_dim3A_63 = arith.constant 0.000000e+00 : f32
    %broadcast_in_dim3A_64 = vector.broadcast %broadcast_in_dim3A_63 : f32 to vector<16xf32>
    %swap3A_65 = arith.constant 1 : i32
    %swap3A_66 = arith.index_cast %swap3A_65 : i32 to index
    %swap3A_67 = arith.constant 0 : index
    %swap3A_68 = tpu.vector_load %arg9[%swap3A_66, %swap3A_67] {strides = array<i32>} : memref<8x128xf32, #tpu.memory_space<vmem>>, vector<1x16xf32>,
    %swap3A_69 = vector.shape_cast %swap3A_68 : vector<1x16xf32> to vector<16xf32>
    %swap3A_70 = vector.shape_cast %broadcast_in_dim3A_64 : vector<16xf32> to vector<1x16xf32>
    tpu.vector_store %arg9[%swap3A_66, %swap3A_67], %swap3A_70 {strides = array<i32>} : memref<8x128xf32, #tpu.memory_space<vmem>>, vector<1x16xf32>,
    %broadcast_in_dim3A_71 = arith.constant 0.000000e+00 : f32
    %broadcast_in_dim3A_72 = vector.broadcast %broadcast_in_dim3A_71 : f32 to vector<16xf32>
    %swap3A_73 = arith.constant 1 : i32
    %swap3A_74 = arith.index_cast %swap3A_73 : i32 to index
    %swap3A_75 = arith.constant 16 : index
    %swap3A_76 = tpu.vector_load %arg9[%swap3A_74, %swap3A_75] {strides = array<i32>} : memref<8x128xf32, #tpu.memory_space<vmem>>, vector<1x16xf32>,
    %swap3A_77 = vector.shape_cast %swap3A_76 : vector<1x16xf32> to vector<16xf32>
    %swap3A_78 = vector.shape_cast %broadcast_in_dim3A_72 : vector<16xf32> to vector<1x16xf32>
    tpu.vector_store %arg9[%swap3A_74, %swap3A_75], %swap3A_78 {strides = array<i32>} : memref<8x128xf32, #tpu.memory_space<vmem>>, vector<1x16xf32>,
    %broadcast_in_dim3A_79 = arith.constant 0.000000e+00 : f32
    %broadcast_in_dim3A_80 = vector.broadcast %broadcast_in_dim3A_79 : f32 to vector<16xf32>
    %swap3A_81 = arith.constant 1 : i32
    %swap3A_82 = arith.index_cast %swap3A_81 : i32 to index
    %swap3A_83 = arith.constant 32 : index
    %swap3A_84 = tpu.vector_load %arg9[%swap3A_82, %swap3A_83] {strides = array<i32>} : memref<8x128xf32, #tpu.memory_space<vmem>>, vector<1x16xf32>,
    %swap3A_85 = vector.shape_cast %swap3A_84 : vector<1x16xf32> to vector<16xf32>
    %swap3A_86 = vector.shape_cast %broadcast_in_dim3A_80 : vector<16xf32> to vector<1x16xf32>
    tpu.vector_store %arg9[%swap3A_82, %swap3A_83], %swap3A_86 {strides = array<i32>} : memref<8x128xf32, #tpu.memory_space<vmem>>, vector<1x16xf32>,
    %broadcast_in_dim3A_87 = arith.constant 0.000000e+00 : f32
    %broadcast_in_dim3A_88 = vector.broadcast %broadcast_in_dim3A_87 : f32 to vector<16xf32>
    %swap3A_89 = arith.constant 1 : i32
    %swap3A_90 = arith.index_cast %swap3A_89 : i32 to index
    %swap3A_91 = arith.constant 48 : index
    %swap3A_92 = tpu.vector_load %arg9[%swap3A_90, %swap3A_91] {strides = array<i32>} : memref<8x128xf32, #tpu.memory_space<vmem>>, vector<1x16xf32>,
    %swap3A_93 = vector.shape_cast %swap3A_92 : vector<1x16xf32> to vector<16xf32>
    %swap3A_94 = vector.shape_cast %broadcast_in_dim3A_88 : vector<16xf32> to vector<1x16xf32>
    tpu.vector_store %arg9[%swap3A_90, %swap3A_91], %swap3A_94 {strides = array<i32>} : memref<8x128xf32, #tpu.memory_space<vmem>>, vector<1x16xf32>,
    %broadcast_in_dim3A_95 = arith.constant 0.000000e+00 : f32
    %broadcast_in_dim3A_96 = vector.broadcast %broadcast_in_dim3A_95 : f32 to vector<16xf32>
    %swap3A_97 = arith.constant 1 : i32
    %swap3A_98 = arith.index_cast %swap3A_97 : i32 to index
    %swap3A_99 = arith.constant 64 : index
    %swap3A_100 = tpu.vector_load %arg9[%swap3A_98, %swap3A_99] {strides = array<i32>} : memref<8x128xf32, #tpu.memory_space<vmem>>, vector<1x16xf32>,
    %swap3A_101 = vector.shape_cast %swap3A_100 : vector<1x16xf32> to vector<16xf32>
    %swap3A_102 = vector.shape_cast %broadcast_in_dim3A_96 : vector<16xf32> to vector<1x16xf32>
    tpu.vector_store %arg9[%swap3A_98, %swap3A_99], %swap3A_102 {strides = array<i32>} : memref<8x128xf32, #tpu.memory_space<vmem>>, vector<1x16xf32>,
    %broadcast_in_dim3A_103 = arith.constant 0.000000e+00 : f32
    %broadcast_in_dim3A_104 = vector.broadcast %broadcast_in_dim3A_103 : f32 to vector<16xf32>
    %swap3A_105 = arith.constant 1 : i32
    %swap3A_106 = arith.index_cast %swap3A_105 : i32 to index
    %swap3A_107 = arith.constant 80 : index
    %swap3A_108 = tpu.vector_load %arg9[%swap3A_106, %swap3A_107] {strides = array<i32>} : memref<8x128xf32, #tpu.memory_space<vmem>>, vector<1x16xf32>,
    %swap3A_109 = vector.shape_cast %swap3A_108 : vector<1x16xf32> to vector<16xf32>
    %swap3A_110 = vector.shape_cast %broadcast_in_dim3A_104 : vector<16xf32> to vector<1x16xf32>
    tpu.vector_store %arg9[%swap3A_106, %swap3A_107], %swap3A_110 {strides = array<i32>} : memref<8x128xf32, #tpu.memory_space<vmem>>, vector<1x16xf32>,
    %broadcast_in_dim3A_111 = arith.constant 0.000000e+00 : f32
    %broadcast_in_dim3A_112 = vector.broadcast %broadcast_in_dim3A_111 : f32 to vector<16xf32>
    %swap3A_113 = arith.constant 1 : i32
    %swap3A_114 = arith.index_cast %swap3A_113 : i32 to index
    %swap3A_115 = arith.constant 96 : index
    %swap3A_116 = tpu.vector_load %arg9[%swap3A_114, %swap3A_115] {strides = array<i32>} : memref<8x128xf32, #tpu.memory_space<vmem>>, vector<1x16xf32>,
    %swap3A_117 = vector.shape_cast %swap3A_116 : vector<1x16xf32> to vector<16xf32>
    %swap3A_118 = vector.shape_cast %broadcast_in_dim3A_112 : vector<16xf32> to vector<1x16xf32>
    tpu.vector_store %arg9[%swap3A_114, %swap3A_115], %swap3A_118 {strides = array<i32>} : memref<8x128xf32, #tpu.memory_space<vmem>>, vector<1x16xf32>,
    %broadcast_in_dim3A_119 = arith.constant 0.000000e+00 : f32
    %broadcast_in_dim3A_120 = vector.broadcast %broadcast_in_dim3A_119 : f32 to vector<16xf32>
    %swap3A_121 = arith.constant 1 : i32
    %swap3A_122 = arith.index_cast %swap3A_121 : i32 to index
    %swap3A_123 = arith.constant 112 : index
    %swap3A_124 = tpu.vector_load %arg9[%swap3A_122, %swap3A_123] {strides = array<i32>} : memref<8x128xf32, #tpu.memory_space<vmem>>, vector<1x16xf32>,
    %swap3A_125 = vector.shape_cast %swap3A_124 : vector<1x16xf32> to vector<16xf32>
    %swap3A_126 = vector.shape_cast %broadcast_in_dim3A_120 : vector<16xf32> to vector<1x16xf32>
    tpu.vector_store %arg9[%swap3A_122, %swap3A_123], %swap3A_126 {strides = array<i32>} : memref<8x128xf32, #tpu.memory_space<vmem>>, vector<1x16xf32>,
    %broadcast_in_dim3A_127 = arith.constant 0.000000e+00 : f32
    %broadcast_in_dim3A_128 = vector.broadcast %broadcast_in_dim3A_127 : f32 to vector<16xf32>
    %swap3A_129 = arith.constant 2 : i32
    %swap3A_130 = arith.index_cast %swap3A_129 : i32 to index
    %swap3A_131 = arith.constant 0 : index
    %swap3A_132 = tpu.vector_load %arg9[%swap3A_130, %swap3A_131] {strides = array<i32>} : memref<8x128xf32, #tpu.memory_space<vmem>>, vector<1x16xf32>,
    %swap3A_133 = vector.shape_cast %swap3A_132 : vector<1x16xf32> to vector<16xf32>
    %swap3A_134 = vector.shape_cast %broadcast_in_dim3A_128 : vector<16xf32> to vector<1x16xf32>
    tpu.vector_store %arg9[%swap3A_130, %swap3A_131], %swap3A_134 {strides = array<i32>} : memref<8x128xf32, #tpu.memory_space<vmem>>, vector<1x16xf32>,
    %broadcast_in_dim3A_135 = arith.constant 0.000000e+00 : f32
    %broadcast_in_dim3A_136 = vector.broadcast %broadcast_in_dim3A_135 : f32 to vector<16xf32>
    %swap3A_137 = arith.constant 2 : i32
    %swap3A_138 = arith.index_cast %swap3A_137 : i32 to index
    %swap3A_139 = arith.constant 16 : index
    %swap3A_140 = tpu.vector_load %arg9[%swap3A_138, %swap3A_139] {strides = array<i32>} : memref<8x128xf32, #tpu.memory_space<vmem>>, vector<1x16xf32>,
    %swap3A_141 = vector.shape_cast %swap3A_140 : vector<1x16xf32> to vector<16xf32>
    %swap3A_142 = vector.shape_cast %broadcast_in_dim3A_136 : vector<16xf32> to vector<1x16xf32>
    tpu.vector_store %arg9[%swap3A_138, %swap3A_139], %swap3A_142 {strides = array<i32>} : memref<8x128xf32, #tpu.memory_space<vmem>>, vector<1x16xf32>,
    %broadcast_in_dim3A_143 = arith.constant 0.000000e+00 : f32
    %broadcast_in_dim3A_144 = vector.broadcast %broadcast_in_dim3A_143 : f32 to vector<16xf32>
    %swap3A_145 = arith.constant 2 : i32
    %swap3A_146 = arith.index_cast %swap3A_145 : i32 to index
    %swap3A_147 = arith.constant 32 : index
    %swap3A_148 = tpu.vector_load %arg9[%swap3A_146, %swap3A_147] {strides = array<i32>} : memref<8x128xf32, #tpu.memory_space<vmem>>, vector<1x16xf32>,
    %swap3A_149 = vector.shape_cast %swap3A_148 : vector<1x16xf32> to vector<16xf32>
    %swap3A_150 = vector.shape_cast %broadcast_in_dim3A_144 : vector<16xf32> to vector<1x16xf32>
    tpu.vector_store %arg9[%swap3A_146, %swap3A_147], %swap3A_150 {strides = array<i32>} : memref<8x128xf32, #tpu.memory_space<vmem>>, vector<1x16xf32>,
    %broadcast_in_dim3A_151 = arith.constant 0.000000e+00 : f32
    %broadcast_in_dim3A_152 = vector.broadcast %broadcast_in_dim3A_151 : f32 to vector<16xf32>
    %swap3A_153 = arith.constant 2 : i32
    %swap3A_154 = arith.index_cast %swap3A_153 : i32 to index
    %swap3A_155 = arith.constant 48 : index
    %swap3A_156 = tpu.vector_load %arg9[%swap3A_154, %swap3A_155] {strides = array<i32>} : memref<8x128xf32, #tpu.memory_space<vmem>>, vector<1x16xf32>,
    %swap3A_157 = vector.shape_cast %swap3A_156 : vector<1x16xf32> to vector<16xf32>
    %swap3A_158 = vector.shape_cast %broadcast_in_dim3A_152 : vector<16xf32> to vector<1x16xf32>
    tpu.vector_store %arg9[%swap3A_154, %swap3A_155], %swap3A_158 {strides = array<i32>} : memref<8x128xf32, #tpu.memory_space<vmem>>, vector<1x16xf32>,
    %broadcast_in_dim3A_159 = arith.constant 0.000000e+00 : f32
    %broadcast_in_dim3A_160 = vector.broadcast %broadcast_in_dim3A_159 : f32 to vector<16xf32>
    %swap3A_161 = arith.constant 2 : i32
    %swap3A_162 = arith.index_cast %swap3A_161 : i32 to index
    %swap3A_163 = arith.constant 64 : index
    %swap3A_164 = tpu.vector_load %arg9[%swap3A_162, %swap3A_163] {strides = array<i32>} : memref<8x128xf32, #tpu.memory_space<vmem>>, vector<1x16xf32>,
    %swap3A_165 = vector.shape_cast %swap3A_164 : vector<1x16xf32> to vector<16xf32>
    %swap3A_166 = vector.shape_cast %broadcast_in_dim3A_160 : vector<16xf32> to vector<1x16xf32>
    tpu.vector_store %arg9[%swap3A_162, %swap3A_163], %swap3A_166 {strides = array<i32>} : memref<8x128xf32, #tpu.memory_space<vmem>>, vector<1x16xf32>,
    %broadcast_in_dim3A_167 = arith.constant 0.000000e+00 : f32
    %broadcast_in_dim3A_168 = vector.broadcast %broadcast_in_dim3A_167 : f32 to vector<16xf32>
    %swap3A_169 = arith.constant 2 : i32
    %swap3A_170 = arith.index_cast %swap3A_169 : i32 to index
    %swap3A_171 = arith.constant 80 : index
    %swap3A_172 = tpu.vector_load %arg9[%swap3A_170, %swap3A_171] {strides = array<i32>} : memref<8x128xf32, #tpu.memory_space<vmem>>, vector<1x16xf32>,
    %swap3A_173 = vector.shape_cast %swap3A_172 : vector<1x16xf32> to vector<16xf32>
    %swap3A_174 = vector.shape_cast %broadcast_in_dim3A_168 : vector<16xf32> to vector<1x16xf32>
    tpu.vector_store %arg9[%swap3A_170, %swap3A_171], %swap3A_174 {strides = array<i32>} : memref<8x128xf32, #tpu.memory_space<vmem>>, vector<1x16xf32>,
    %broadcast_in_dim3A_175 = arith.constant 0.000000e+00 : f32
    %broadcast_in_dim3A_176 = vector.broadcast %broadcast_in_dim3A_175 : f32 to vector<16xf32>
    %swap3A_177 = arith.constant 2 : i32
    %swap3A_178 = arith.index_cast %swap3A_177 : i32 to index
    %swap3A_179 = arith.constant 96 : index
    %swap3A_180 = tpu.vector_load %arg9[%swap3A_178, %swap3A_179] {strides = array<i32>} : memref<8x128xf32, #tpu.memory_space<vmem>>, vector<1x16xf32>,
    %swap3A_181 = vector.shape_cast %swap3A_180 : vector<1x16xf32> to vector<16xf32>
    %swap3A_182 = vector.shape_cast %broadcast_in_dim3A_176 : vector<16xf32> to vector<1x16xf32>
    tpu.vector_store %arg9[%swap3A_178, %swap3A_179], %swap3A_182 {strides = array<i32>} : memref<8x128xf32, #tpu.memory_space<vmem>>, vector<1x16xf32>,
    %broadcast_in_dim3A_183 = arith.constant 0.000000e+00 : f32
    %broadcast_in_dim3A_184 = vector.broadcast %broadcast_in_dim3A_183 : f32 to vector<16xf32>
    %swap3A_185 = arith.constant 2 : i32
    %swap3A_186 = arith.index_cast %swap3A_185 : i32 to index
    %swap3A_187 = arith.constant 112 : index
    %swap3A_188 = tpu.vector_load %arg9[%swap3A_186, %swap3A_187] {strides = array<i32>} : memref<8x128xf32, #tpu.memory_space<vmem>>, vector<1x16xf32>,
    %swap3A_189 = vector.shape_cast %swap3A_188 : vector<1x16xf32> to vector<16xf32>
    %swap3A_190 = vector.shape_cast %broadcast_in_dim3A_184 : vector<16xf32> to vector<1x16xf32>
    tpu.vector_store %arg9[%swap3A_186, %swap3A_187], %swap3A_190 {strides = array<i32>} : memref<8x128xf32, #tpu.memory_space<vmem>>, vector<1x16xf32>,
    %broadcast_in_dim3A_191 = arith.constant 0.000000e+00 : f32
    %broadcast_in_dim3A_192 = vector.broadcast %broadcast_in_dim3A_191 : f32 to vector<16xf32>
    %swap3A_193 = arith.constant 3 : i32
    %swap3A_194 = arith.index_cast %swap3A_193 : i32 to index
    %swap3A_195 = arith.constant 0 : index
    %swap3A_196 = tpu.vector_load %arg9[%swap3A_194, %swap3A_195] {strides = array<i32>} : memref<8x128xf32, #tpu.memory_space<vmem>>, vector<1x16xf32>,
    %swap3A_197 = vector.shape_cast %swap3A_196 : vector<1x16xf32> to vector<16xf32>
    %swap3A_198 = vector.shape_cast %broadcast_in_dim3A_192 : vector<16xf32> to vector<1x16xf32>
    tpu.vector_store %arg9[%swap3A_194, %swap3A_195], %swap3A_198 {strides = array<i32>} : memref<8x128xf32, #tpu.memory_space<vmem>>, vector<1x16xf32>,
    %broadcast_in_dim3A_199 = arith.constant 0.000000e+00 : f32
    %broadcast_in_dim3A_200 = vector.broadcast %broadcast_in_dim3A_199 : f32 to vector<16xf32>
    %swap3A_201 = arith.constant 3 : i32
    %swap3A_202 = arith.index_cast %swap3A_201 : i32 to index
    %swap3A_203 = arith.constant 16 : index
    %swap3A_204 = tpu.vector_load %arg9[%swap3A_202, %swap3A_203] {strides = array<i32>} : memref<8x128xf32, #tpu.memory_space<vmem>>, vector<1x16xf32>,
    %swap3A_205 = vector.shape_cast %swap3A_204 : vector<1x16xf32> to vector<16xf32>
    %swap3A_206 = vector.shape_cast %broadcast_in_dim3A_200 : vector<16xf32> to vector<1x16xf32>
    tpu.vector_store %arg9[%swap3A_202, %swap3A_203], %swap3A_206 {strides = array<i32>} : memref<8x128xf32, #tpu.memory_space<vmem>>, vector<1x16xf32>,
    %broadcast_in_dim3A_207 = arith.constant 0.000000e+00 : f32
    %broadcast_in_dim3A_208 = vector.broadcast %broadcast_in_dim3A_207 : f32 to vector<16xf32>
    %swap3A_209 = arith.constant 3 : i32
    %swap3A_210 = arith.index_cast %swap3A_209 : i32 to index
    %swap3A_211 = arith.constant 32 : index
    %swap3A_212 = tpu.vector_load %arg9[%swap3A_210, %swap3A_211] {strides = array<i32>} : memref<8x128xf32, #tpu.memory_space<vmem>>, vector<1x16xf32>,
    %swap3A_213 = vector.shape_cast %swap3A_212 : vector<1x16xf32> to vector<16xf32>
    %swap3A_214 = vector.shape_cast %broadcast_in_dim3A_208 : vector<16xf32> to vector<1x16xf32>
    tpu.vector_store %arg9[%swap3A_210, %swap3A_211], %swap3A_214 {strides = array<i32>} : memref<8x128xf32, #tpu.memory_space<vmem>>, vector<1x16xf32>,
    %broadcast_in_dim3A_215 = arith.constant 0.000000e+00 : f32
    %broadcast_in_dim3A_216 = vector.broadcast %broadcast_in_dim3A_215 : f32 to vector<16xf32>
    %swap3A_217 = arith.constant 3 : i32
    %swap3A_218 = arith.index_cast %swap3A_217 : i32 to index
    %swap3A_219 = arith.constant 48 : index
    %swap3A_220 = tpu.vector_load %arg9[%swap3A_218, %swap3A_219] {strides = array<i32>} : memref<8x128xf32, #tpu.memory_space<vmem>>, vector<1x16xf32>,
    %swap3A_221 = vector.shape_cast %swap3A_220 : vector<1x16xf32> to vector<16xf32>
    %swap3A_222 = vector.shape_cast %broadcast_in_dim3A_216 : vector<16xf32> to vector<1x16xf32>
    tpu.vector_store %arg9[%swap3A_218, %swap3A_219], %swap3A_222 {strides = array<i32>} : memref<8x128xf32, #tpu.memory_space<vmem>>, vector<1x16xf32>,
    %broadcast_in_dim3A_223 = arith.constant 0.000000e+00 : f32
    %broadcast_in_dim3A_224 = vector.broadcast %broadcast_in_dim3A_223 : f32 to vector<16xf32>
    %swap3A_225 = arith.constant 3 : i32
    %swap3A_226 = arith.index_cast %swap3A_225 : i32 to index
    %swap3A_227 = arith.constant 64 : index
    %swap3A_228 = tpu.vector_load %arg9[%swap3A_226, %swap3A_227] {strides = array<i32>} : memref<8x128xf32, #tpu.memory_space<vmem>>, vector<1x16xf32>,
    %swap3A_229 = vector.shape_cast %swap3A_228 : vector<1x16xf32> to vector<16xf32>
    %swap3A_230 = vector.shape_cast %broadcast_in_dim3A_224 : vector<16xf32> to vector<1x16xf32>
    tpu.vector_store %arg9[%swap3A_226, %swap3A_227], %swap3A_230 {strides = array<i32>} : memref<8x128xf32, #tpu.memory_space<vmem>>, vector<1x16xf32>,
    %broadcast_in_dim3A_231 = arith.constant 0.000000e+00 : f32
    %broadcast_in_dim3A_232 = vector.broadcast %broadcast_in_dim3A_231 : f32 to vector<16xf32>
    %swap3A_233 = arith.constant 3 : i32
    %swap3A_234 = arith.index_cast %swap3A_233 : i32 to index
    %swap3A_235 = arith.constant 80 : index
    %swap3A_236 = tpu.vector_load %arg9[%swap3A_234, %swap3A_235] {strides = array<i32>} : memref<8x128xf32, #tpu.memory_space<vmem>>, vector<1x16xf32>,
    %swap3A_237 = vector.shape_cast %swap3A_236 : vector<1x16xf32> to vector<16xf32>
    %swap3A_238 = vector.shape_cast %broadcast_in_dim3A_232 : vector<16xf32> to vector<1x16xf32>
    tpu.vector_store %arg9[%swap3A_234, %swap3A_235], %swap3A_238 {strides = array<i32>} : memref<8x128xf32, #tpu.memory_space<vmem>>, vector<1x16xf32>,
    %broadcast_in_dim3A_239 = arith.constant 0.000000e+00 : f32
    %broadcast_in_dim3A_240 = vector.broadcast %broadcast_in_dim3A_239 : f32 to vector<16xf32>
    %swap3A_241 = arith.constant 3 : i32
    %swap3A_242 = arith.index_cast %swap3A_241 : i32 to index
    %swap3A_243 = arith.constant 96 : index
    %swap3A_244 = tpu.vector_load %arg9[%swap3A_242, %swap3A_243] {strides = array<i32>} : memref<8x128xf32, #tpu.memory_space<vmem>>, vector<1x16xf32>,
    %swap3A_245 = vector.shape_cast %swap3A_244 : vector<1x16xf32> to vector<16xf32>
    %swap3A_246 = vector.shape_cast %broadcast_in_dim3A_240 : vector<16xf32> to vector<1x16xf32>
    tpu.vector_store %arg9[%swap3A_242, %swap3A_243], %swap3A_246 {strides = array<i32>} : memref<8x128xf32, #tpu.memory_space<vmem>>, vector<1x16xf32>,
    %broadcast_in_dim3A_247 = arith.constant 0.000000e+00 : f32
    %broadcast_in_dim3A_248 = vector.broadcast %broadcast_in_dim3A_247 : f32 to vector<16xf32>
    %swap3A_249 = arith.constant 3 : i32
    %swap3A_250 = arith.index_cast %swap3A_249 : i32 to index
    %swap3A_251 = arith.constant 112 : index
    %swap3A_252 = tpu.vector_load %arg9[%swap3A_250, %swap3A_251] {strides = array<i32>} : memref<8x128xf32, #tpu.memory_space<vmem>>, vector<1x16xf32>,
    %swap3A_253 = vector.shape_cast %swap3A_252 : vector<1x16xf32> to vector<16xf32>
    %swap3A_254 = vector.shape_cast %broadcast_in_dim3A_248 : vector<16xf32> to vector<1x16xf32>
    tpu.vector_store %arg9[%swap3A_250, %swap3A_251], %swap3A_254 {strides = array<i32>} : memref<8x128xf32, #tpu.memory_space<vmem>>, vector<1x16xf32>,
    %broadcast_in_dim3A_255 = arith.constant 0.000000e+00 : f32
    %broadcast_in_dim3A_256 = vector.broadcast %broadcast_in_dim3A_255 : f32 to vector<16xf32>
    %swap3A_257 = arith.constant 4 : i32
    %swap3A_258 = arith.index_cast %swap3A_257 : i32 to index
    %swap3A_259 = arith.constant 0 : index
    %swap3A_260 = tpu.vector_load %arg9[%swap3A_258, %swap3A_259] {strides = array<i32>} : memref<8x128xf32, #tpu.memory_space<vmem>>, vector<1x16xf32>,
    %swap3A_261 = vector.shape_cast %swap3A_260 : vector<1x16xf32> to vector<16xf32>
    %swap3A_262 = vector.shape_cast %broadcast_in_dim3A_256 : vector<16xf32> to vector<1x16xf32>
    tpu.vector_store %arg9[%swap3A_258, %swap3A_259], %swap3A_262 {strides = array<i32>} : memref<8x128xf32, #tpu.memory_space<vmem>>, vector<1x16xf32>,
    %broadcast_in_dim3A_263 = arith.constant 0.000000e+00 : f32
    %broadcast_in_dim3A_264 = vector.broadcast %broadcast_in_dim3A_263 : f32 to vector<16xf32>
    %swap3A_265 = arith.constant 4 : i32
    %swap3A_266 = arith.index_cast %swap3A_265 : i32 to index
    %swap3A_267 = arith.constant 16 : index
    %swap3A_268 = tpu.vector_load %arg9[%swap3A_266, %swap3A_267] {strides = array<i32>} : memref<8x128xf32, #tpu.memory_space<vmem>>, vector<1x16xf32>,
    %swap3A_269 = vector.shape_cast %swap3A_268 : vector<1x16xf32> to vector<16xf32>
    %swap3A_270 = vector.shape_cast %broadcast_in_dim3A_264 : vector<16xf32> to vector<1x16xf32>
    tpu.vector_store %arg9[%swap3A_266, %swap3A_267], %swap3A_270 {strides = array<i32>} : memref<8x128xf32, #tpu.memory_space<vmem>>, vector<1x16xf32>,
    %broadcast_in_dim3A_271 = arith.constant 0.000000e+00 : f32
    %broadcast_in_dim3A_272 = vector.broadcast %broadcast_in_dim3A_271 : f32 to vector<16xf32>
    %swap3A_273 = arith.constant 4 : i32
    %swap3A_274 = arith.index_cast %swap3A_273 : i32 to index
    %swap3A_275 = arith.constant 32 : index
    %swap3A_276 = tpu.vector_load %arg9[%swap3A_274, %swap3A_275] {strides = array<i32>} : memref<8x128xf32, #tpu.memory_space<vmem>>, vector<1x16xf32>,
    %swap3A_277 = vector.shape_cast %swap3A_276 : vector<1x16xf32> to vector<16xf32>
    %swap3A_278 = vector.shape_cast %broadcast_in_dim3A_272 : vector<16xf32> to vector<1x16xf32>
    tpu.vector_store %arg9[%swap3A_274, %swap3A_275], %swap3A_278 {strides = array<i32>} : memref<8x128xf32, #tpu.memory_space<vmem>>, vector<1x16xf32>,
    %broadcast_in_dim3A_279 = arith.constant 0.000000e+00 : f32
    %broadcast_in_dim3A_280 = vector.broadcast %broadcast_in_dim3A_279 : f32 to vector<16xf32>
    %swap3A_281 = arith.constant 4 : i32
    %swap3A_282 = arith.index_cast %swap3A_281 : i32 to index
    %swap3A_283 = arith.constant 48 : index
    %swap3A_284 = tpu.vector_load %arg9[%swap3A_282, %swap3A_283] {strides = array<i32>} : memref<8x128xf32, #tpu.memory_space<vmem>>, vector<1x16xf32>,
    %swap3A_285 = vector.shape_cast %swap3A_284 : vector<1x16xf32> to vector<16xf32>
    %swap3A_286 = vector.shape_cast %broadcast_in_dim3A_280 : vector<16xf32> to vector<1x16xf32>
    tpu.vector_store %arg9[%swap3A_282, %swap3A_283], %swap3A_286 {strides = array<i32>} : memref<8x128xf32, #tpu.memory_space<vmem>>, vector<1x16xf32>,
    %broadcast_in_dim3A_287 = arith.constant 0.000000e+00 : f32
    %broadcast_in_dim3A_288 = vector.broadcast %broadcast_in_dim3A_287 : f32 to vector<16xf32>
    %swap3A_289 = arith.constant 4 : i32
    %swap3A_290 = arith.index_cast %swap3A_289 : i32 to index
    %swap3A_291 = arith.constant 64 : index
    %swap3A_292 = tpu.vector_load %arg9[%swap3A_290, %swap3A_291] {strides = array<i32>} : memref<8x128xf32, #tpu.memory_space<vmem>>, vector<1x16xf32>,
    %swap3A_293 = vector.shape_cast %swap3A_292 : vector<1x16xf32> to vector<16xf32>
    %swap3A_294 = vector.shape_cast %broadcast_in_dim3A_288 : vector<16xf32> to vector<1x16xf32>
    tpu.vector_store %arg9[%swap3A_290, %swap3A_291], %swap3A_294 {strides = array<i32>} : memref<8x128xf32, #tpu.memory_space<vmem>>, vector<1x16xf32>,
    %broadcast_in_dim3A_295 = arith.constant 0.000000e+00 : f32
    %broadcast_in_dim3A_296 = vector.broadcast %broadcast_in_dim3A_295 : f32 to vector<16xf32>
    %swap3A_297 = arith.constant 4 : i32
    %swap3A_298 = arith.index_cast %swap3A_297 : i32 to index
    %swap3A_299 = arith.constant 80 : index
    %swap3A_300 = tpu.vector_load %arg9[%swap3A_298, %swap3A_299] {strides = array<i32>} : memref<8x128xf32, #tpu.memory_space<vmem>>, vector<1x16xf32>,
    %swap3A_301 = vector.shape_cast %swap3A_300 : vector<1x16xf32> to vector<16xf32>
    %swap3A_302 = vector.shape_cast %broadcast_in_dim3A_296 : vector<16xf32> to vector<1x16xf32>
    tpu.vector_store %arg9[%swap3A_298, %swap3A_299], %swap3A_302 {strides = array<i32>} : memref<8x128xf32, #tpu.memory_space<vmem>>, vector<1x16xf32>,
    %broadcast_in_dim3A_303 = arith.constant 0.000000e+00 : f32
    %broadcast_in_dim3A_304 = vector.broadcast %broadcast_in_dim3A_303 : f32 to vector<16xf32>
    %swap3A_305 = arith.constant 4 : i32
    %swap3A_306 = arith.index_cast %swap3A_305 : i32 to index
    %swap3A_307 = arith.constant 96 : index
    %swap3A_308 = tpu.vector_load %arg9[%swap3A_306, %swap3A_307] {strides = array<i32>} : memref<8x128xf32, #tpu.memory_space<vmem>>, vector<1x16xf32>,
    %swap3A_309 = vector.shape_cast %swap3A_308 : vector<1x16xf32> to vector<16xf32>
    %swap3A_310 = vector.shape_cast %broadcast_in_dim3A_304 : vector<16xf32> to vector<1x16xf32>
    tpu.vector_store %arg9[%swap3A_306, %swap3A_307], %swap3A_310 {strides = array<i32>} : memref<8x128xf32, #tpu.memory_space<vmem>>, vector<1x16xf32>,
    %broadcast_in_dim3A_311 = arith.constant 0.000000e+00 : f32
    %broadcast_in_dim3A_312 = vector.broadcast %broadcast_in_dim3A_311 : f32 to vector<16xf32>
    %swap3A_313 = arith.constant 4 : i32
    %swap3A_314 = arith.index_cast %swap3A_313 : i32 to index
    %swap3A_315 = arith.constant 112 : index
    %swap3A_316 = tpu.vector_load %arg9[%swap3A_314, %swap3A_315] {strides = array<i32>} : memref<8x128xf32, #tpu.memory_space<vmem>>, vector<1x16xf32>,
    %swap3A_317 = vector.shape_cast %swap3A_316 : vector<1x16xf32> to vector<16xf32>
    %swap3A_318 = vector.shape_cast %broadcast_in_dim3A_312 : vector<16xf32> to vector<1x16xf32>
    tpu.vector_store %arg9[%swap3A_314, %swap3A_315], %swap3A_318 {strides = array<i32>} : memref<8x128xf32, #tpu.memory_space<vmem>>, vector<1x16xf32>,
    %broadcast_in_dim3A_319 = arith.constant 0.000000e+00 : f32
    %broadcast_in_dim3A_320 = vector.broadcast %broadcast_in_dim3A_319 : f32 to vector<16xf32>
    %swap3A_321 = arith.constant 5 : i32
    %swap3A_322 = arith.index_cast %swap3A_321 : i32 to index
    %swap3A_323 = arith.constant 0 : index
    %swap3A_324 = tpu.vector_load %arg9[%swap3A_322, %swap3A_323] {strides = array<i32>} : memref<8x128xf32, #tpu.memory_space<vmem>>, vector<1x16xf32>,
    %swap3A_325 = vector.shape_cast %swap3A_324 : vector<1x16xf32> to vector<16xf32>
    %swap3A_326 = vector.shape_cast %broadcast_in_dim3A_320 : vector<16xf32> to vector<1x16xf32>
    tpu.vector_store %arg9[%swap3A_322, %swap3A_323], %swap3A_326 {strides = array<i32>} : memref<8x128xf32, #tpu.memory_space<vmem>>, vector<1x16xf32>,
    %broadcast_in_dim3A_327 = arith.constant 0.000000e+00 : f32
    %broadcast_in_dim3A_328 = vector.broadcast %broadcast_in_dim3A_327 : f32 to vector<16xf32>
    %swap3A_329 = arith.constant 5 : i32
    %swap3A_330 = arith.index_cast %swap3A_329 : i32 to index
    %swap3A_331 = arith.constant 16 : index
    %swap3A_332 = tpu.vector_load %arg9[%swap3A_330, %swap3A_331] {strides = array<i32>} : memref<8x128xf32, #tpu.memory_space<vmem>>, vector<1x16xf32>,
    %swap3A_333 = vector.shape_cast %swap3A_332 : vector<1x16xf32> to vector<16xf32>
    %swap3A_334 = vector.shape_cast %broadcast_in_dim3A_328 : vector<16xf32> to vector<1x16xf32>
    tpu.vector_store %arg9[%swap3A_330, %swap3A_331], %swap3A_334 {strides = array<i32>} : memref<8x128xf32, #tpu.memory_space<vmem>>, vector<1x16xf32>,
    %broadcast_in_dim3A_335 = arith.constant 0.000000e+00 : f32
    %broadcast_in_dim3A_336 = vector.broadcast %broadcast_in_dim3A_335 : f32 to vector<16xf32>
    %swap3A_337 = arith.constant 5 : i32
    %swap3A_338 = arith.index_cast %swap3A_337 : i32 to index
    %swap3A_339 = arith.constant 32 : index
    %swap3A_340 = tpu.vector_load %arg9[%swap3A_338, %swap3A_339] {strides = array<i32>} : memref<8x128xf32, #tpu.memory_space<vmem>>, vector<1x16xf32>,
    %swap3A_341 = vector.shape_cast %swap3A_340 : vector<1x16xf32> to vector<16xf32>
    %swap3A_342 = vector.shape_cast %broadcast_in_dim3A_336 : vector<16xf32> to vector<1x16xf32>
    tpu.vector_store %arg9[%swap3A_338, %swap3A_339], %swap3A_342 {strides = array<i32>} : memref<8x128xf32, #tpu.memory_space<vmem>>, vector<1x16xf32>,
    %broadcast_in_dim3A_343 = arith.constant 0.000000e+00 : f32
    %broadcast_in_dim3A_344 = vector.broadcast %broadcast_in_dim3A_343 : f32 to vector<16xf32>
    %swap3A_345 = arith.constant 5 : i32
    %swap3A_346 = arith.index_cast %swap3A_345 : i32 to index
    %swap3A_347 = arith.constant 48 : index
    %swap3A_348 = tpu.vector_load %arg9[%swap3A_346, %swap3A_347] {strides = array<i32>} : memref<8x128xf32, #tpu.memory_space<vmem>>, vector<1x16xf32>,
    %swap3A_349 = vector.shape_cast %swap3A_348 : vector<1x16xf32> to vector<16xf32>
    %swap3A_350 = vector.shape_cast %broadcast_in_dim3A_344 : vector<16xf32> to vector<1x16xf32>
    tpu.vector_store %arg9[%swap3A_346, %swap3A_347], %swap3A_350 {strides = array<i32>} : memref<8x128xf32, #tpu.memory_space<vmem>>, vector<1x16xf32>,
    %broadcast_in_dim3A_351 = arith.constant 0.000000e+00 : f32
    %broadcast_in_dim3A_352 = vector.broadcast %broadcast_in_dim3A_351 : f32 to vector<16xf32>
    %swap3A_353 = arith.constant 5 : i32
    %swap3A_354 = arith.index_cast %swap3A_353 : i32 to index
    %swap3A_355 = arith.constant 64 : index
    %swap3A_356 = tpu.vector_load %arg9[%swap3A_354, %swap3A_355] {strides = array<i32>} : memref<8x128xf32, #tpu.memory_space<vmem>>, vector<1x16xf32>,
    %swap3A_357 = vector.shape_cast %swap3A_356 : vector<1x16xf32> to vector<16xf32>
    %swap3A_358 = vector.shape_cast %broadcast_in_dim3A_352 : vector<16xf32> to vector<1x16xf32>
    tpu.vector_store %arg9[%swap3A_354, %swap3A_355], %swap3A_358 {strides = array<i32>} : memref<8x128xf32, #tpu.memory_space<vmem>>, vector<1x16xf32>,
    %broadcast_in_dim3A_359 = arith.constant 0.000000e+00 : f32
    %broadcast_in_dim3A_360 = vector.broadcast %broadcast_in_dim3A_359 : f32 to vector<16xf32>
    %swap3A_361 = arith.constant 5 : i32
    %swap3A_362 = arith.index_cast %swap3A_361 : i32 to index
    %swap3A_363 = arith.constant 80 : index
    %swap3A_364 = tpu.vector_load %arg9[%swap3A_362, %swap3A_363] {strides = array<i32>} : memref<8x128xf32, #tpu.memory_space<vmem>>, vector<1x16xf32>,
    %swap3A_365 = vector.shape_cast %swap3A_364 : vector<1x16xf32> to vector<16xf32>
    %swap3A_366 = vector.shape_cast %broadcast_in_dim3A_360 : vector<16xf32> to vector<1x16xf32>
    tpu.vector_store %arg9[%swap3A_362, %swap3A_363], %swap3A_366 {strides = array<i32>} : memref<8x128xf32, #tpu.memory_space<vmem>>, vector<1x16xf32>,
    %broadcast_in_dim3A_367 = arith.constant 0.000000e+00 : f32
    %broadcast_in_dim3A_368 = vector.broadcast %broadcast_in_dim3A_367 : f32 to vector<16xf32>
    %swap3A_369 = arith.constant 5 : i32
    %swap3A_370 = arith.index_cast %swap3A_369 : i32 to index
    %swap3A_371 = arith.constant 96 : index
    %swap3A_372 = tpu.vector_load %arg9[%swap3A_370, %swap3A_371] {strides = array<i32>} : memref<8x128xf32, #tpu.memory_space<vmem>>, vector<1x16xf32>,
    %swap3A_373 = vector.shape_cast %swap3A_372 : vector<1x16xf32> to vector<16xf32>
    %swap3A_374 = vector.shape_cast %broadcast_in_dim3A_368 : vector<16xf32> to vector<1x16xf32>
    tpu.vector_store %arg9[%swap3A_370, %swap3A_371], %swap3A_374 {strides = array<i32>} : memref<8x128xf32, #tpu.memory_space<vmem>>, vector<1x16xf32>,
    %broadcast_in_dim3A_375 = arith.constant 0.000000e+00 : f32
    %broadcast_in_dim3A_376 = vector.broadcast %broadcast_in_dim3A_375 : f32 to vector<16xf32>
    %swap3A_377 = arith.constant 5 : i32
    %swap3A_378 = arith.index_cast %swap3A_377 : i32 to index
    %swap3A_379 = arith.constant 112 : index
    %swap3A_380 = tpu.vector_load %arg9[%swap3A_378, %swap3A_379] {strides = array<i32>} : memref<8x128xf32, #tpu.memory_space<vmem>>, vector<1x16xf32>,
    %swap3A_381 = vector.shape_cast %swap3A_380 : vector<1x16xf32> to vector<16xf32>
    %swap3A_382 = vector.shape_cast %broadcast_in_dim3A_376 : vector<16xf32> to vector<1x16xf32>
    tpu.vector_store %arg9[%swap3A_378, %swap3A_379], %swap3A_382 {strides = array<i32>} : memref<8x128xf32, #tpu.memory_space<vmem>>, vector<1x16xf32>,
    %broadcast_in_dim3A_383 = arith.constant 0.000000e+00 : f32
    %broadcast_in_dim3A_384 = vector.broadcast %broadcast_in_dim3A_383 : f32 to vector<16xf32>
    %swap3A_385 = arith.constant 6 : i32
    %swap3A_386 = arith.index_cast %swap3A_385 : i32 to index
    %swap3A_387 = arith.constant 0 : index
    %swap3A_388 = tpu.vector_load %arg9[%swap3A_386, %swap3A_387] {strides = array<i32>} : memref<8x128xf32, #tpu.memory_space<vmem>>, vector<1x16xf32>,
    %swap3A_389 = vector.shape_cast %swap3A_388 : vector<1x16xf32> to vector<16xf32>
    %swap3A_390 = vector.shape_cast %broadcast_in_dim3A_384 : vector<16xf32> to vector<1x16xf32>
    tpu.vector_store %arg9[%swap3A_386, %swap3A_387], %swap3A_390 {strides = array<i32>} : memref<8x128xf32, #tpu.memory_space<vmem>>, vector<1x16xf32>,
    %broadcast_in_dim3A_391 = arith.constant 0.000000e+00 : f32
    %broadcast_in_dim3A_392 = vector.broadcast %broadcast_in_dim3A_391 : f32 to vector<16xf32>
    %swap3A_393 = arith.constant 6 : i32
    %swap3A_394 = arith.index_cast %swap3A_393 : i32 to index
    %swap3A_395 = arith.constant 16 : index
    %swap3A_396 = tpu.vector_load %arg9[%swap3A_394, %swap3A_395] {strides = array<i32>} : memref<8x128xf32, #tpu.memory_space<vmem>>, vector<1x16xf32>,
    %swap3A_397 = vector.shape_cast %swap3A_396 : vector<1x16xf32> to vector<16xf32>
    %swap3A_398 = vector.shape_cast %broadcast_in_dim3A_392 : vector<16xf32> to vector<1x16xf32>
    tpu.vector_store %arg9[%swap3A_394, %swap3A_395], %swap3A_398 {strides = array<i32>} : memref<8x128xf32, #tpu.memory_space<vmem>>, vector<1x16xf32>,
    %broadcast_in_dim3A_399 = arith.constant 0.000000e+00 : f32
    %broadcast_in_dim3A_400 = vector.broadcast %broadcast_in_dim3A_399 : f32 to vector<16xf32>
    %swap3A_401 = arith.constant 6 : i32
    %swap3A_402 = arith.index_cast %swap3A_401 : i32 to index
    %swap3A_403 = arith.constant 32 : index
    %swap3A_404 = tpu.vector_load %arg9[%swap3A_402, %swap3A_403] {strides = array<i32>} : memref<8x128xf32, #tpu.memory_space<vmem>>, vector<1x16xf32>,
    %swap3A_405 = vector.shape_cast %swap3A_404 : vector<1x16xf32> to vector<16xf32>
    %swap3A_406 = vector.shape_cast %broadcast_in_dim3A_400 : vector<16xf32> to vector<1x16xf32>
    tpu.vector_store %arg9[%swap3A_402, %swap3A_403], %swap3A_406 {strides = array<i32>} : memref<8x128xf32, #tpu.memory_space<vmem>>, vector<1x16xf32>,
    %broadcast_in_dim3A_407 = arith.constant 0.000000e+00 : f32
    %broadcast_in_dim3A_408 = vector.broadcast %broadcast_in_dim3A_407 : f32 to vector<16xf32>
    %swap3A_409 = arith.constant 6 : i32
    %swap3A_410 = arith.index_cast %swap3A_409 : i32 to index
    %swap3A_411 = arith.constant 48 : index
    %swap3A_412 = tpu.vector_load %arg9[%swap3A_410, %swap3A_411] {strides = array<i32>} : memref<8x128xf32, #tpu.memory_space<vmem>>, vector<1x16xf32>,
    %swap3A_413 = vector.shape_cast %swap3A_412 : vector<1x16xf32> to vector<16xf32>
    %swap3A_414 = vector.shape_cast %broadcast_in_dim3A_408 : vector<16xf32> to vector<1x16xf32>
    tpu.vector_store %arg9[%swap3A_410, %swap3A_411], %swap3A_414 {strides = array<i32>} : memref<8x128xf32, #tpu.memory_space<vmem>>, vector<1x16xf32>,
    %broadcast_in_dim3A_415 = arith.constant 0.000000e+00 : f32
    %broadcast_in_dim3A_416 = vector.broadcast %broadcast_in_dim3A_415 : f32 to vector<16xf32>
    %swap3A_417 = arith.constant 6 : i32
    %swap3A_418 = arith.index_cast %swap3A_417 : i32 to index
    %swap3A_419 = arith.constant 64 : index
    %swap3A_420 = tpu.vector_load %arg9[%swap3A_418, %swap3A_419] {strides = array<i32>} : memref<8x128xf32, #tpu.memory_space<vmem>>, vector<1x16xf32>,
    %swap3A_421 = vector.shape_cast %swap3A_420 : vector<1x16xf32> to vector<16xf32>
    %swap3A_422 = vector.shape_cast %broadcast_in_dim3A_416 : vector<16xf32> to vector<1x16xf32>
    tpu.vector_store %arg9[%swap3A_418, %swap3A_419], %swap3A_422 {strides = array<i32>} : memref<8x128xf32, #tpu.memory_space<vmem>>, vector<1x16xf32>,
    %broadcast_in_dim3A_423 = arith.constant 0.000000e+00 : f32
    %broadcast_in_dim3A_424 = vector.broadcast %broadcast_in_dim3A_423 : f32 to vector<16xf32>
    %swap3A_425 = arith.constant 6 : i32
    %swap3A_426 = arith.index_cast %swap3A_425 : i32 to index
    %swap3A_427 = arith.constant 80 : index
    %swap3A_428 = tpu.vector_load %arg9[%swap3A_426, %swap3A_427] {strides = array<i32>} : memref<8x128xf32, #tpu.memory_space<vmem>>, vector<1x16xf32>,
    %swap3A_429 = vector.shape_cast %swap3A_428 : vector<1x16xf32> to vector<16xf32>
    %swap3A_430 = vector.shape_cast %broadcast_in_dim3A_424 : vector<16xf32> to vector<1x16xf32>
    tpu.vector_store %arg9[%swap3A_426, %swap3A_427], %swap3A_430 {strides = array<i32>} : memref<8x128xf32, #tpu.memory_space<vmem>>, vector<1x16xf32>,
    %broadcast_in_dim3A_431 = arith.constant 0.000000e+00 : f32
    %broadcast_in_dim3A_432 = vector.broadcast %broadcast_in_dim3A_431 : f32 to vector<16xf32>
    %swap3A_433 = arith.constant 6 : i32
    %swap3A_434 = arith.index_cast %swap3A_433 : i32 to index
    %swap3A_435 = arith.constant 96 : index
    %swap3A_436 = tpu.vector_load %arg9[%swap3A_434, %swap3A_435] {strides = array<i32>} : memref<8x128xf32, #tpu.memory_space<vmem>>, vector<1x16xf32>,
    %swap3A_437 = vector.shape_cast %swap3A_436 : vector<1x16xf32> to vector<16xf32>
    %swap3A_438 = vector.shape_cast %broadcast_in_dim3A_432 : vector<16xf32> to vector<1x16xf32>
    tpu.vector_store %arg9[%swap3A_434, %swap3A_435], %swap3A_438 {strides = array<i32>} : memref<8x128xf32, #tpu.memory_space<vmem>>, vector<1x16xf32>,
    %broadcast_in_dim3A_439 = arith.constant 0.000000e+00 : f32
    %broadcast_in_dim3A_440 = vector.broadcast %broadcast_in_dim3A_439 : f32 to vector<16xf32>
    %swap3A_441 = arith.constant 6 : i32
    %swap3A_442 = arith.index_cast %swap3A_441 : i32 to index
    %swap3A_443 = arith.constant 112 : index
    %swap3A_444 = tpu.vector_load %arg9[%swap3A_442, %swap3A_443] {strides = array<i32>} : memref<8x128xf32, #tpu.memory_space<vmem>>, vector<1x16xf32>,
    %swap3A_445 = vector.shape_cast %swap3A_444 : vector<1x16xf32> to vector<16xf32>
    %swap3A_446 = vector.shape_cast %broadcast_in_dim3A_440 : vector<16xf32> to vector<1x16xf32>
    tpu.vector_store %arg9[%swap3A_442, %swap3A_443], %swap3A_446 {strides = array<i32>} : memref<8x128xf32, #tpu.memory_space<vmem>>, vector<1x16xf32>,
    %broadcast_in_dim3A_447 = arith.constant 0.000000e+00 : f32
    %broadcast_in_dim3A_448 = vector.broadcast %broadcast_in_dim3A_447 : f32 to vector<16xf32>
    %swap3A_449 = arith.constant 7 : i32
    %swap3A_450 = arith.index_cast %swap3A_449 : i32 to index
    %swap3A_451 = arith.constant 0 : index
    %swap3A_452 = tpu.vector_load %arg9[%swap3A_450, %swap3A_451] {strides = array<i32>} : memref<8x128xf32, #tpu.memory_space<vmem>>, vector<1x16xf32>,
    %swap3A_453 = vector.shape_cast %swap3A_452 : vector<1x16xf32> to vector<16xf32>
    %swap3A_454 = vector.shape_cast %broadcast_in_dim3A_448 : vector<16xf32> to vector<1x16xf32>
    tpu.vector_store %arg9[%swap3A_450, %swap3A_451], %swap3A_454 {strides = array<i32>} : memref<8x128xf32, #tpu.memory_space<vmem>>, vector<1x16xf32>,
    %broadcast_in_dim3A_455 = arith.constant 0.000000e+00 : f32
    %broadcast_in_dim3A_456 = vector.broadcast %broadcast_in_dim3A_455 : f32 to vector<16xf32>
    %swap3A_457 = arith.constant 7 : i32
    %swap3A_458 = arith.index_cast %swap3A_457 : i32 to index
    %swap3A_459 = arith.constant 16 : index
    %swap3A_460 = tpu.vector_load %arg9[%swap3A_458, %swap3A_459] {strides = array<i32>} : memref<8x128xf32, #tpu.memory_space<vmem>>, vector<1x16xf32>,
    %swap3A_461 = vector.shape_cast %swap3A_460 : vector<1x16xf32> to vector<16xf32>
    %swap3A_462 = vector.shape_cast %broadcast_in_dim3A_456 : vector<16xf32> to vector<1x16xf32>
    tpu.vector_store %arg9[%swap3A_458, %swap3A_459], %swap3A_462 {strides = array<i32>} : memref<8x128xf32, #tpu.memory_space<vmem>>, vector<1x16xf32>,
    %broadcast_in_dim3A_463 = arith.constant 0.000000e+00 : f32
    %broadcast_in_dim3A_464 = vector.broadcast %broadcast_in_dim3A_463 : f32 to vector<16xf32>
    %swap3A_465 = arith.constant 7 : i32
    %swap3A_466 = arith.index_cast %swap3A_465 : i32 to index
    %swap3A_467 = arith.constant 32 : index
    %swap3A_468 = tpu.vector_load %arg9[%swap3A_466, %swap3A_467] {strides = array<i32>} : memref<8x128xf32, #tpu.memory_space<vmem>>, vector<1x16xf32>,
    %swap3A_469 = vector.shape_cast %swap3A_468 : vector<1x16xf32> to vector<16xf32>
    %swap3A_470 = vector.shape_cast %broadcast_in_dim3A_464 : vector<16xf32> to vector<1x16xf32>
    tpu.vector_store %arg9[%swap3A_466, %swap3A_467], %swap3A_470 {strides = array<i32>} : memref<8x128xf32, #tpu.memory_space<vmem>>, vector<1x16xf32>,
    %broadcast_in_dim3A_471 = arith.constant 0.000000e+00 : f32
    %broadcast_in_dim3A_472 = vector.broadcast %broadcast_in_dim3A_471 : f32 to vector<16xf32>
    %swap3A_473 = arith.constant 7 : i32
    %swap3A_474 = arith.index_cast %swap3A_473 : i32 to index
    %swap3A_475 = arith.constant 48 : index
    %swap3A_476 = tpu.vector_load %arg9[%swap3A_474, %swap3A_475] {strides = array<i32>} : memref<8x128xf32, #tpu.memory_space<vmem>>, vector<1x16xf32>,
    %swap3A_477 = vector.shape_cast %swap3A_476 : vector<1x16xf32> to vector<16xf32>
    %swap3A_478 = vector.shape_cast %broadcast_in_dim3A_472 : vector<16xf32> to vector<1x16xf32>
    tpu.vector_store %arg9[%swap3A_474, %swap3A_475], %swap3A_478 {strides = array<i32>} : memref<8x128xf32, #tpu.memory_space<vmem>>, vector<1x16xf32>,
    %broadcast_in_dim3A_479 = arith.constant 0.000000e+00 : f32
    %broadcast_in_dim3A_480 = vector.broadcast %broadcast_in_dim3A_479 : f32 to vector<16xf32>
    %swap3A_481 = arith.constant 7 : i32
    %swap3A_482 = arith.index_cast %swap3A_481 : i32 to index
    %swap3A_483 = arith.constant 64 : index
    %swap3A_484 = tpu.vector_load %arg9[%swap3A_482, %swap3A_483] {strides = array<i32>} : memref<8x128xf32, #tpu.memory_space<vmem>>, vector<1x16xf32>,
    %swap3A_485 = vector.shape_cast %swap3A_484 : vector<1x16xf32> to vector<16xf32>
    %swap3A_486 = vector.shape_cast %broadcast_in_dim3A_480 : vector<16xf32> to vector<1x16xf32>
    tpu.vector_store %arg9[%swap3A_482, %swap3A_483], %swap3A_486 {strides = array<i32>} : memref<8x128xf32, #tpu.memory_space<vmem>>, vector<1x16xf32>,
    %broadcast_in_dim3A_487 = arith.constant 0.000000e+00 : f32
    %broadcast_in_dim3A_488 = vector.broadcast %broadcast_in_dim3A_487 : f32 to vector<16xf32>
    %swap3A_489 = arith.constant 7 : i32
    %swap3A_490 = arith.index_cast %swap3A_489 : i32 to index
    %swap3A_491 = arith.constant 80 : index
    %swap3A_492 = tpu.vector_load %arg9[%swap3A_490, %swap3A_491] {strides = array<i32>} : memref<8x128xf32, #tpu.memory_space<vmem>>, vector<1x16xf32>,
    %swap3A_493 = vector.shape_cast %swap3A_492 : vector<1x16xf32> to vector<16xf32>
    %swap3A_494 = vector.shape_cast %broadcast_in_dim3A_488 : vector<16xf32> to vector<1x16xf32>
    tpu.vector_store %arg9[%swap3A_490, %swap3A_491], %swap3A_494 {strides = array<i32>} : memref<8x128xf32, #tpu.memory_space<vmem>>, vector<1x16xf32>,
    %broadcast_in_dim3A_495 = arith.constant 0.000000e+00 : f32
    %broadcast_in_dim3A_496 = vector.broadcast %broadcast_in_dim3A_495 : f32 to vector<16xf32>
    %swap3A_497 = arith.constant 7 : i32
    %swap3A_498 = arith.index_cast %swap3A_497 : i32 to index
    %swap3A_499 = arith.constant 96 : index
    %swap3A_500 = tpu.vector_load %arg9[%swap3A_498, %swap3A_499] {strides = array<i32>} : memref<8x128xf32, #tpu.memory_space<vmem>>, vector<1x16xf32>,
    %swap3A_501 = vector.shape_cast %swap3A_500 : vector<1x16xf32> to vector<16xf32>
    %swap3A_502 = vector.shape_cast %broadcast_in_dim3A_496 : vector<16xf32> to vector<1x16xf32>
    tpu.vector_store %arg9[%swap3A_498, %swap3A_499], %swap3A_502 {strides = array<i32>} : memref<8x128xf32, #tpu.memory_space<vmem>>, vector<1x16xf32>,
    %broadcast_in_dim3A_503 = arith.constant 0.000000e+00 : f32
    %broadcast_in_dim3A_504 = vector.broadcast %broadcast_in_dim3A_503 : f32 to vector<16xf32>
    %swap3A_505 = arith.constant 7 : i32
    %swap3A_506 = arith.index_cast %swap3A_505 : i32 to index
    %swap3A_507 = arith.constant 112 : index
    %swap3A_508 = tpu.vector_load %arg9[%swap3A_506, %swap3A_507] {strides = array<i32>} : memref<8x128xf32, #tpu.memory_space<vmem>>, vector<1x16xf32>,
    %swap3A_509 = vector.shape_cast %swap3A_508 : vector<1x16xf32> to vector<16xf32>
    %swap3A_510 = vector.shape_cast %broadcast_in_dim3A_504 : vector<16xf32> to vector<1x16xf32>
    tpu.vector_store %arg9[%swap3A_506, %swap3A_507], %swap3A_510 {strides = array<i32>} : memref<8x128xf32, #tpu.memory_space<vmem>>, vector<1x16xf32>,
    %while3A = arith.constant 0 : i32
    %while3A_511 = arith.constant 0 : i32
    %while3A_512 = arith.constant 79 : i32
    %while3A_513 = arith.subi %while3A_512, %while3A_511 : i32
    %while3A_514 = arith.addi %while3A_511, %while3A_513 : i32
    %while3A_515 = arith.constant 1 : i32
    %while3A_516 = arith.divsi %while3A_513, %while3A_515 : i32
    %while3A_517 = arith.muli %while3A_516, %while3A_515 : i32
    %while3A_518 = arith.addi %while3A_511, %while3A_517 : i32
    %while3A_519 = arith.constant 1 : i32
    scf.for %while3A_548 = %while3A_511 to %while3A_518 step %while3A_519  : i32 {
      %mul3A_549 = arith.constant 632 : i32
      %mul3A_550 = arith.muli %arg1, %mul3A_549 : i32
      %mul3A_551 = arith.constant 8 : i32
      %mul3A_552 = arith.muli %while3A_548, %mul3A_551 : i32
      %add3A_553 = arith.addi %mul3A_550, %mul3A_552 : i32
      %multiple_of3A = tpu.assume_multiple %add3A_553, 8 : i32
      %dma_start3A = arith.constant 0 : i32
      %dma_start3A_554 = tpu.memref_slice %arg10[%multiple_of3A, %dma_start3A] : memref<10112x128xf32, #tpu.memory_space<vmem_shared>> -> memref<8x128xf32, #tpu.memory_space<vmem_shared>>
      %dma_start3A_555 = arith.constant 0 : i32
      %dma_start3A_556 = tpu.memref_slice %arg10[%multiple_of3A, %dma_start3A_555] : memref<10112x128xf32, #tpu.memory_space<vmem_shared>> -> memref<8x128xf32, #tpu.memory_space<vmem_shared>>
      tpu.enqueue_dma source(%arg9 : memref<8x128xf32, #tpu.memory_space<vmem>>) target(%dma_start3A_556 : memref<8x128xf32, #tpu.memory_space<vmem_shared>>) target_semaphore(%arg11 : memref<!tpu.dma_semaphore, #tpu.memory_space<semaphore_mem>>)
    }
    %while3A_520 = arith.constant 1 : i32
    scf.for %while3A_548 = %while3A_518 to %while3A_514 step %while3A_520  : i32 {
      %mul3A_549 = arith.constant 632 : i32
      %mul3A_550 = arith.muli %arg1, %mul3A_549 : i32
      %mul3A_551 = arith.constant 8 : i32
      %mul3A_552 = arith.muli %while3A_548, %mul3A_551 : i32
      %add3A_553 = arith.addi %mul3A_550, %mul3A_552 : i32
      %multiple_of3A = tpu.assume_multiple %add3A_553, 8 : i32
      %dma_start3A = arith.constant 0 : i32
      %dma_start3A_554 = tpu.memref_slice %arg10[%multiple_of3A, %dma_start3A] : memref<10112x128xf32, #tpu.memory_space<vmem_shared>> -> memref<8x128xf32, #tpu.memory_space<vmem_shared>>
      %dma_start3A_555 = arith.constant 0 : i32
      %dma_start3A_556 = tpu.memref_slice %arg10[%multiple_of3A, %dma_start3A_555] : memref<10112x128xf32, #tpu.memory_space<vmem_shared>> -> memref<8x128xf32, #tpu.memory_space<vmem_shared>>
      tpu.enqueue_dma source(%arg9 : memref<8x128xf32, #tpu.memory_space<vmem>>) target(%dma_start3A_556 : memref<8x128xf32, #tpu.memory_space<vmem_shared>>) target_semaphore(%arg11 : memref<!tpu.dma_semaphore, #tpu.memory_space<semaphore_mem>>)
    }
    "tpu.region"() ({
      %run_scoped3A = tpu.sem_alloc : memref<!tpu.dma_semaphore, #tpu.memory_space<semaphore_mem>>
      %dma_start3A = arith.constant 0 : i32
      %dma_start3A_548 = arith.constant 0 : i32
      %dma_start3A_549 = tpu.memref_slice %arg3[%add3A, %dma_start3A, %dma_start3A_548] : memref<32x160x64xi32, #tpu.memory_space<hbm>> -> memref<1x160x64xi32, #tpu.memory_space<hbm>>
      %dma_start3A_550 = tpu.memref_squeeze %dma_start3A_549 : memref<1x160x64xi32, #tpu.memory_space<hbm>> -> memref<160x64xi32, #tpu.memory_space<hbm>>
      %dma_start3A_551 = arith.constant 0 : i32
      %dma_start3A_552 = arith.constant 0 : i32
      %dma_start3A_553 = tpu.memref_slice %dma_start3A_550[%dma_start3A_551, %dma_start3A_552] : memref<160x64xi32, #tpu.memory_space<hbm>> -> memref<40x64xi32, #tpu.memory_space<hbm>>
      %dma_start3A_554 = arith.constant 0 : i32
      %dma_start3A_555 = arith.constant 0 : i32
      %dma_start3A_556 = tpu.memref_slice %arg3[%add3A, %dma_start3A_554, %dma_start3A_555] : memref<32x160x64xi32, #tpu.memory_space<hbm>> -> memref<1x160x64xi32, #tpu.memory_space<hbm>>
      %dma_start3A_557 = tpu.memref_squeeze %dma_start3A_556 : memref<1x160x64xi32, #tpu.memory_space<hbm>> -> memref<160x64xi32, #tpu.memory_space<hbm>>
      %dma_start3A_558 = arith.constant 0 : i32
      %dma_start3A_559 = arith.constant 0 : i32
      %dma_start3A_560 = tpu.memref_slice %dma_start3A_557[%dma_start3A_558, %dma_start3A_559] : memref<160x64xi32, #tpu.memory_space<hbm>> -> memref<40x64xi32, #tpu.memory_space<hbm>>
      tpu.enqueue_dma source(%dma_start3A_560 : memref<40x64xi32, #tpu.memory_space<hbm>>) target(%arg6 : memref<40x64xi32, #tpu.memory_space<vmem>>) target_semaphore(%run_scoped3A : memref<!tpu.dma_semaphore, #tpu.memory_space<semaphore_mem>>)
      %dma_wait3A = arith.constant 0 : i32
      %dma_wait3A_561 = arith.constant 0 : i32
      %dma_wait3A_562 = tpu.memref_slice %arg3[%add3A, %dma_wait3A, %dma_wait3A_561] : memref<32x160x64xi32, #tpu.memory_space<hbm>> -> memref<1x160x64xi32, #tpu.memory_space<hbm>>
      %dma_wait3A_563 = tpu.memref_squeeze %dma_wait3A_562 : memref<1x160x64xi32, #tpu.memory_space<hbm>> -> memref<160x64xi32, #tpu.memory_space<hbm>>
      %dma_wait3A_564 = arith.constant 0 : i32
      %dma_wait3A_565 = arith.constant 0 : i32
      %dma_wait3A_566 = tpu.memref_slice %dma_wait3A_563[%dma_wait3A_564, %dma_wait3A_565] : memref<160x64xi32, #tpu.memory_space<hbm>> -> memref<40x64xi32, #tpu.memory_space<hbm>>
      %dma_wait3A_567 = arith.constant 0 : i32
      %dma_wait3A_568 = arith.constant 0 : i32
      %dma_wait3A_569 = tpu.memref_slice %arg3[%add3A, %dma_wait3A_567, %dma_wait3A_568] : memref<32x160x64xi32, #tpu.memory_space<hbm>> -> memref<1x160x64xi32, #tpu.memory_space<hbm>>
      %dma_wait3A_570 = tpu.memref_squeeze %dma_wait3A_569 : memref<1x160x64xi32, #tpu.memory_space<hbm>> -> memref<160x64xi32, #tpu.memory_space<hbm>>
      %dma_wait3A_571 = arith.constant 0 : i32
      %dma_wait3A_572 = arith.constant 0 : i32
      %dma_wait3A_573 = tpu.memref_slice %dma_wait3A_570[%dma_wait3A_571, %dma_wait3A_572] : memref<160x64xi32, #tpu.memory_space<hbm>> -> memref<40x64xi32, #tpu.memory_space<hbm>>
      tpu.wait_dma2 semaphore(%run_scoped3A : memref<!tpu.dma_semaphore, #tpu.memory_space<semaphore_mem>>) src(%dma_wait3A_573 : memref<40x64xi32, #tpu.memory_space<hbm>>) dst(%arg6 : memref<40x64xi32, #tpu.memory_space<vmem>>)
      tpu.yield
    }) : () -> ()
    "tpu.region"() ({
      %run_scoped3A = tpu.sem_alloc : memref<!tpu.dma_semaphore, #tpu.memory_space<semaphore_mem>>
      %dma_start3A = arith.constant 0 : i32
      %dma_start3A_548 = arith.constant 0 : i32
      %dma_start3A_549 = tpu.memref_slice %arg4[%add3A, %dma_start3A, %dma_start3A_548] : memref<32x160x64xi32, #tpu.memory_space<hbm>> -> memref<1x160x64xi32, #tpu.memory_space<hbm>>
      %dma_start3A_550 = tpu.memref_squeeze %dma_start3A_549 : memref<1x160x64xi32, #tpu.memory_space<hbm>> -> memref<160x64xi32, #tpu.memory_space<hbm>>
      %dma_start3A_551 = arith.constant 0 : i32
      %dma_start3A_552 = arith.constant 0 : i32
      %dma_start3A_553 = tpu.memref_slice %dma_start3A_550[%dma_start3A_551, %dma_start3A_552] : memref<160x64xi32, #tpu.memory_space<hbm>> -> memref<40x64xi32, #tpu.memory_space<hbm>>
      %dma_start3A_554 = arith.constant 0 : i32
      %dma_start3A_555 = arith.constant 0 : i32
      %dma_start3A_556 = tpu.memref_slice %arg4[%add3A, %dma_start3A_554, %dma_start3A_555] : memref<32x160x64xi32, #tpu.memory_space<hbm>> -> memref<1x160x64xi32, #tpu.memory_space<hbm>>
      %dma_start3A_557 = tpu.memref_squeeze %dma_start3A_556 : memref<1x160x64xi32, #tpu.memory_space<hbm>> -> memref<160x64xi32, #tpu.memory_space<hbm>>
      %dma_start3A_558 = arith.constant 0 : i32
      %dma_start3A_559 = arith.constant 0 : i32
      %dma_start3A_560 = tpu.memref_slice %dma_start3A_557[%dma_start3A_558, %dma_start3A_559] : memref<160x64xi32, #tpu.memory_space<hbm>> -> memref<40x64xi32, #tpu.memory_space<hbm>>
      tpu.enqueue_dma source(%dma_start3A_560 : memref<40x64xi32, #tpu.memory_space<hbm>>) target(%arg7 : memref<40x64xi32, #tpu.memory_space<vmem>>) target_semaphore(%run_scoped3A : memref<!tpu.dma_semaphore, #tpu.memory_space<semaphore_mem>>)
      %dma_wait3A = arith.constant 0 : i32
      %dma_wait3A_561 = arith.constant 0 : i32
      %dma_wait3A_562 = tpu.memref_slice %arg4[%add3A, %dma_wait3A, %dma_wait3A_561] : memref<32x160x64xi32, #tpu.memory_space<hbm>> -> memref<1x160x64xi32, #tpu.memory_space<hbm>>
      %dma_wait3A_563 = tpu.memref_squeeze %dma_wait3A_562 : memref<1x160x64xi32, #tpu.memory_space<hbm>> -> memref<160x64xi32, #tpu.memory_space<hbm>>
      %dma_wait3A_564 = arith.constant 0 : i32
      %dma_wait3A_565 = arith.constant 0 : i32
      %dma_wait3A_566 = tpu.memref_slice %dma_wait3A_563[%dma_wait3A_564, %dma_wait3A_565] : memref<160x64xi32, #tpu.memory_space<hbm>> -> memref<40x64xi32, #tpu.memory_space<hbm>>
      %dma_wait3A_567 = arith.constant 0 : i32
      %dma_wait3A_568 = arith.constant 0 : i32
      %dma_wait3A_569 = tpu.memref_slice %arg4[%add3A, %dma_wait3A_567, %dma_wait3A_568] : memref<32x160x64xi32, #tpu.memory_space<hbm>> -> memref<1x160x64xi32, #tpu.memory_space<hbm>>
      %dma_wait3A_570 = tpu.memref_squeeze %dma_wait3A_569 : memref<1x160x64xi32, #tpu.memory_space<hbm>> -> memref<160x64xi32, #tpu.memory_space<hbm>>
      %dma_wait3A_571 = arith.constant 0 : i32
      %dma_wait3A_572 = arith.constant 0 : i32
      %dma_wait3A_573 = tpu.memref_slice %dma_wait3A_570[%dma_wait3A_571, %dma_wait3A_572] : memref<160x64xi32, #tpu.memory_space<hbm>> -> memref<40x64xi32, #tpu.memory_space<hbm>>
      tpu.wait_dma2 semaphore(%run_scoped3A : memref<!tpu.dma_semaphore, #tpu.memory_space<semaphore_mem>>) src(%dma_wait3A_573 : memref<40x64xi32, #tpu.memory_space<hbm>>) dst(%arg7 : memref<40x64xi32, #tpu.memory_space<vmem>>)
      tpu.yield
    }) : () -> ()
    %while3A_521 = arith.constant 0 : i32
    %while3A_522 = arith.constant 0 : i32
    %while3A_523 = arith.constant 79 : i32
    %while3A_524 = arith.subi %while3A_523, %while3A_522 : i32
    %while3A_525 = arith.addi %while3A_522, %while3A_524 : i32
    %while3A_526 = arith.constant 1 : i32
    %while3A_527 = arith.divsi %while3A_524, %while3A_526 : i32
    %while3A_528 = arith.muli %while3A_527, %while3A_526 : i32
    %while3A_529 = arith.addi %while3A_522, %while3A_528 : i32
    %while3A_530 = arith.constant 1 : i32
    scf.for %while3A_548 = %while3A_522 to %while3A_529 step %while3A_530  : i32 {
      %mul3A_549 = arith.constant 632 : i32
      %mul3A_550 = arith.muli %arg1, %mul3A_549 : i32
      %mul3A_551 = arith.constant 8 : i32
      %mul3A_552 = arith.muli %while3A_548, %mul3A_551 : i32
      %add3A_553 = arith.addi %mul3A_550, %mul3A_552 : i32
      %multiple_of3A = tpu.assume_multiple %add3A_553, 8 : i32
      %dma_wait3A = arith.constant 0 : i32
      %dma_wait3A_554 = tpu.memref_slice %arg10[%multiple_of3A, %dma_wait3A] : memref<10112x128xf32, #tpu.memory_space<vmem_shared>> -> memref<8x128xf32, #tpu.memory_space<vmem_shared>>
      %dma_wait3A_555 = arith.constant 0 : i32
      %dma_wait3A_556 = tpu.memref_slice %arg10[%multiple_of3A, %dma_wait3A_555] : memref<10112x128xf32, #tpu.memory_space<vmem_shared>> -> memref<8x128xf32, #tpu.memory_space<vmem_shared>>
      tpu.wait_dma2 semaphore(%arg11 : memref<!tpu.dma_semaphore, #tpu.memory_space<semaphore_mem>>) src(%arg9 : memref<8x128xf32, #tpu.memory_space<vmem>>) dst(%dma_wait3A_556 : memref<8x128xf32, #tpu.memory_space<vmem_shared>>)
    }
    %while3A_531 = arith.constant 1 : i32
    scf.for %while3A_548 = %while3A_529 to %while3A_525 step %while3A_531  : i32 {
      %mul3A_549 = arith.constant 632 : i32
      %mul3A_550 = arith.muli %arg1, %mul3A_549 : i32
      %mul3A_551 = arith.constant 8 : i32
      %mul3A_552 = arith.muli %while3A_548, %mul3A_551 : i32
      %add3A_553 = arith.addi %mul3A_550, %mul3A_552 : i32
      %multiple_of3A = tpu.assume_multiple %add3A_553, 8 : i32
      %dma_wait3A = arith.constant 0 : i32
      %dma_wait3A_554 = tpu.memref_slice %arg10[%multiple_of3A, %dma_wait3A] : memref<10112x128xf32, #tpu.memory_space<vmem_shared>> -> memref<8x128xf32, #tpu.memory_space<vmem_shared>>
      %dma_wait3A_555 = arith.constant 0 : i32
      %dma_wait3A_556 = tpu.memref_slice %arg10[%multiple_of3A, %dma_wait3A_555] : memref<10112x128xf32, #tpu.memory_space<vmem_shared>> -> memref<8x128xf32, #tpu.memory_space<vmem_shared>>
      tpu.wait_dma2 semaphore(%arg11 : memref<!tpu.dma_semaphore, #tpu.memory_space<semaphore_mem>>) src(%arg9 : memref<8x128xf32, #tpu.memory_space<vmem>>) dst(%dma_wait3A_556 : memref<8x128xf32, #tpu.memory_space<vmem_shared>>)
    }
    %barrier3A = arith.constant 0 : index
    tpu.barrier barrier_id(%barrier3A)
    %while3A_532 = arith.constant 0 : i32
    %while3A_533 = arith.constant 0 : i32
    %while3A_534 = arith.constant 4 : i32
    %while3A_535 = arith.subi %while3A_534, %while3A_533 : i32
    %while3A_536 = arith.addi %while3A_533, %while3A_535 : i32
    %while3A_537 = arith.constant 1 : i32
    %while3A_538 = arith.divsi %while3A_535, %while3A_537 : i32
    %while3A_539 = arith.muli %while3A_538, %while3A_537 : i32
    %while3A_540 = arith.addi %while3A_533, %while3A_539 : i32
    %while3A_541 = arith.constant 1 : i32
    scf.for %while3A_548 = %while3A_533 to %while3A_540 step %while3A_541  : i32 {
      %gt3A = arith.constant 0 : i32
      %gt3A_549 = arith.cmpi sgt, %while3A_548, %gt3A : i32
      %convert_element_type3A = arith.extui %gt3A_549 : i1 to i32
      %cond3A = arith.constant 0 : i32
      %cond3A_550 = arith.cmpi ne, %convert_element_type3A, %cond3A : i32
      scf.if %cond3A_550 {
        %mul3A_609 = arith.constant 40 : i32
        %mul3A_610 = arith.muli %while3A_548, %mul3A_609 : i32
        %multiple_of3A = tpu.assume_multiple %mul3A_610, 8 : i32
        "tpu.region"() ({
          %run_scoped3A = tpu.sem_alloc : memref<!tpu.dma_semaphore, #tpu.memory_space<semaphore_mem>>
          %dma_start3A_611 = arith.constant 0 : i32
          %dma_start3A_612 = arith.constant 0 : i32
          %dma_start3A_613 = tpu.memref_slice %arg3[%add3A, %dma_start3A_611, %dma_start3A_612] : memref<32x160x64xi32, #tpu.memory_space<hbm>> -> memref<1x160x64xi32, #tpu.memory_space<hbm>>
          %dma_start3A_614 = tpu.memref_squeeze %dma_start3A_613 : memref<1x160x64xi32, #tpu.memory_space<hbm>> -> memref<160x64xi32, #tpu.memory_space<hbm>>
          %dma_start3A_615 = arith.constant 0 : i32
          %dma_start3A_616 = tpu.memref_slice %dma_start3A_614[%multiple_of3A, %dma_start3A_615] : memref<160x64xi32, #tpu.memory_space<hbm>> -> memref<40x64xi32, #tpu.memory_space<hbm>>
          %dma_start3A_617 = arith.constant 0 : i32
          %dma_start3A_618 = arith.constant 0 : i32
          %dma_start3A_619 = tpu.memref_slice %arg3[%add3A, %dma_start3A_617, %dma_start3A_618] : memref<32x160x64xi32, #tpu.memory_space<hbm>> -> memref<1x160x64xi32, #tpu.memory_space<hbm>>
          %dma_start3A_620 = tpu.memref_squeeze %dma_start3A_619 : memref<1x160x64xi32, #tpu.memory_space<hbm>> -> memref<160x64xi32, #tpu.memory_space<hbm>>
          %dma_start3A_621 = arith.constant 0 : i32
          %dma_start3A_622 = tpu.memref_slice %dma_start3A_620[%multiple_of3A, %dma_start3A_621] : memref<160x64xi32, #tpu.memory_space<hbm>> -> memref<40x64xi32, #tpu.memory_space<hbm>>
          tpu.enqueue_dma source(%dma_start3A_622 : memref<40x64xi32, #tpu.memory_space<hbm>>) target(%arg6 : memref<40x64xi32, #tpu.memory_space<vmem>>) target_semaphore(%run_scoped3A : memref<!tpu.dma_semaphore, #tpu.memory_space<semaphore_mem>>)
          %dma_wait3A = arith.constant 0 : i32
          %dma_wait3A_623 = arith.constant 0 : i32
          %dma_wait3A_624 = tpu.memref_slice %arg3[%add3A, %dma_wait3A, %dma_wait3A_623] : memref<32x160x64xi32, #tpu.memory_space<hbm>> -> memref<1x160x64xi32, #tpu.memory_space<hbm>>
          %dma_wait3A_625 = tpu.memref_squeeze %dma_wait3A_624 : memref<1x160x64xi32, #tpu.memory_space<hbm>> -> memref<160x64xi32, #tpu.memory_space<hbm>>
          %dma_wait3A_626 = arith.constant 0 : i32
          %dma_wait3A_627 = tpu.memref_slice %dma_wait3A_625[%multiple_of3A, %dma_wait3A_626] : memref<160x64xi32, #tpu.memory_space<hbm>> -> memref<40x64xi32, #tpu.memory_space<hbm>>
          %dma_wait3A_628 = arith.constant 0 : i32
          %dma_wait3A_629 = arith.constant 0 : i32
          %dma_wait3A_630 = tpu.memref_slice %arg3[%add3A, %dma_wait3A_628, %dma_wait3A_629] : memref<32x160x64xi32, #tpu.memory_space<hbm>> -> memref<1x160x64xi32, #tpu.memory_space<hbm>>
          %dma_wait3A_631 = tpu.memref_squeeze %dma_wait3A_630 : memref<1x160x64xi32, #tpu.memory_space<hbm>> -> memref<160x64xi32, #tpu.memory_space<hbm>>
          %dma_wait3A_632 = arith.constant 0 : i32
          %dma_wait3A_633 = tpu.memref_slice %dma_wait3A_631[%multiple_of3A, %dma_wait3A_632] : memref<160x64xi32, #tpu.memory_space<hbm>> -> memref<40x64xi32, #tpu.memory_space<hbm>>
          tpu.wait_dma2 semaphore(%run_scoped3A : memref<!tpu.dma_semaphore, #tpu.memory_space<semaphore_mem>>) src(%dma_wait3A_633 : memref<40x64xi32, #tpu.memory_space<hbm>>) dst(%arg6 : memref<40x64xi32, #tpu.memory_space<vmem>>)
          tpu.yield
        }) : () -> ()
        "tpu.region"() ({
          %run_scoped3A = tpu.sem_alloc : memref<!tpu.dma_semaphore, #tpu.memory_space<semaphore_mem>>
          %dma_start3A_611 = arith.constant 0 : i32
          %dma_start3A_612 = arith.constant 0 : i32
          %dma_start3A_613 = tpu.memref_slice %arg4[%add3A, %dma_start3A_611, %dma_start3A_612] : memref<32x160x64xi32, #tpu.memory_space<hbm>> -> memref<1x160x64xi32, #tpu.memory_space<hbm>>
          %dma_start3A_614 = tpu.memref_squeeze %dma_start3A_613 : memref<1x160x64xi32, #tpu.memory_space<hbm>> -> memref<160x64xi32, #tpu.memory_space<hbm>>
          %dma_start3A_615 = arith.constant 0 : i32
          %dma_start3A_616 = tpu.memref_slice %dma_start3A_614[%multiple_of3A, %dma_start3A_615] : memref<160x64xi32, #tpu.memory_space<hbm>> -> memref<40x64xi32, #tpu.memory_space<hbm>>
          %dma_start3A_617 = arith.constant 0 : i32
          %dma_start3A_618 = arith.constant 0 : i32
          %dma_start3A_619 = tpu.memref_slice %arg4[%add3A, %dma_start3A_617, %dma_start3A_618] : memref<32x160x64xi32, #tpu.memory_space<hbm>> -> memref<1x160x64xi32, #tpu.memory_space<hbm>>
          %dma_start3A_620 = tpu.memref_squeeze %dma_start3A_619 : memref<1x160x64xi32, #tpu.memory_space<hbm>> -> memref<160x64xi32, #tpu.memory_space<hbm>>
          %dma_start3A_621 = arith.constant 0 : i32
          %dma_start3A_622 = tpu.memref_slice %dma_start3A_620[%multiple_of3A, %dma_start3A_621] : memref<160x64xi32, #tpu.memory_space<hbm>> -> memref<40x64xi32, #tpu.memory_space<hbm>>
          tpu.enqueue_dma source(%dma_start3A_622 : memref<40x64xi32, #tpu.memory_space<hbm>>) target(%arg7 : memref<40x64xi32, #tpu.memory_space<vmem>>) target_semaphore(%run_scoped3A : memref<!tpu.dma_semaphore, #tpu.memory_space<semaphore_mem>>)
          %dma_wait3A = arith.constant 0 : i32
          %dma_wait3A_623 = arith.constant 0 : i32
          %dma_wait3A_624 = tpu.memref_slice %arg4[%add3A, %dma_wait3A, %dma_wait3A_623] : memref<32x160x64xi32, #tpu.memory_space<hbm>> -> memref<1x160x64xi32, #tpu.memory_space<hbm>>
          %dma_wait3A_625 = tpu.memref_squeeze %dma_wait3A_624 : memref<1x160x64xi32, #tpu.memory_space<hbm>> -> memref<160x64xi32, #tpu.memory_space<hbm>>
          %dma_wait3A_626 = arith.constant 0 : i32
          %dma_wait3A_627 = tpu.memref_slice %dma_wait3A_625[%multiple_of3A, %dma_wait3A_626] : memref<160x64xi32, #tpu.memory_space<hbm>> -> memref<40x64xi32, #tpu.memory_space<hbm>>
          %dma_wait3A_628 = arith.constant 0 : i32
          %dma_wait3A_629 = arith.constant 0 : i32
          %dma_wait3A_630 = tpu.memref_slice %arg4[%add3A, %dma_wait3A_628, %dma_wait3A_629] : memref<32x160x64xi32, #tpu.memory_space<hbm>> -> memref<1x160x64xi32, #tpu.memory_space<hbm>>
          %dma_wait3A_631 = tpu.memref_squeeze %dma_wait3A_630 : memref<1x160x64xi32, #tpu.memory_space<hbm>> -> memref<160x64xi32, #tpu.memory_space<hbm>>
          %dma_wait3A_632 = arith.constant 0 : i32
          %dma_wait3A_633 = tpu.memref_slice %dma_wait3A_631[%multiple_of3A, %dma_wait3A_632] : memref<160x64xi32, #tpu.memory_space<hbm>> -> memref<40x64xi32, #tpu.memory_space<hbm>>
          tpu.wait_dma2 semaphore(%run_scoped3A : memref<!tpu.dma_semaphore, #tpu.memory_space<semaphore_mem>>) src(%dma_wait3A_633 : memref<40x64xi32, #tpu.memory_space<hbm>>) dst(%arg7 : memref<40x64xi32, #tpu.memory_space<vmem>>)
          tpu.yield
        }) : () -> ()
      } else {
      }
      %dma_start3A = arith.constant 0 : i32
      %dma_start3A_551 = arith.constant 0 : i32
      %dma_start3A_552 = arith.constant 0 : i32
      %dma_start3A_553 = arith.constant 0 : i32
      %dma_start3A_554 = tpu.memref_slice %arg8[%dma_start3A_551, %dma_start3A_552, %dma_start3A_553] : memref<4x64x128xf32, #tpu.memory_space<vmem>> -> memref<1x64x128xf32, #tpu.memory_space<vmem>>
      %dma_start3A_555 = tpu.memref_squeeze %dma_start3A_554 : memref<1x64x128xf32, #tpu.memory_space<vmem>> -> memref<64x128xf32, #tpu.memory_space<vmem>>
      %dma_start3A_556 = arith.constant 0 : i32
      %dma_start3A_557 = tpu.memref_slice %arg6[%dma_start3A, %dma_start3A_556] : memref<40x64xi32, #tpu.memory_space<vmem>> -> memref<1x64xi32, #tpu.memory_space<vmem>>
      %dma_start3A_558 = tpu.memref_squeeze %dma_start3A_557 : memref<1x64xi32, #tpu.memory_space<vmem>> -> memref<64xi32, #tpu.memory_space<vmem>>
      %dma_start3A_559 = arith.constant 0 : i32
      %dma_start3A_560 = arith.constant 0 : i32
      %dma_start3A_561 = tpu.memref_slice %arg2[%dma_start3A_559, %dma_start3A_560] : memref<10000x128xf32, #tpu.memory_space<hbm>> -> memref<10000x128xf32, #tpu.memory_space<hbm>>
      tpu.enqueue_indirect_dma source(%dma_start3A_561 : memref<10000x128xf32, #tpu.memory_space<hbm>>) target(%dma_start3A_555 : memref<64x128xf32, #tpu.memory_space<vmem>>) offsets(%dma_start3A_558 : memref<64xi32, #tpu.memory_space<vmem>>) semaphore(%arg12 : memref<!tpu.dma_semaphore, #tpu.memory_space<semaphore_mem>>)
      %dma_start3A_562 = arith.constant 1 : i32
      %dma_start3A_563 = arith.constant 1 : i32
      %dma_start3A_564 = arith.constant 0 : i32
      %dma_start3A_565 = arith.constant 0 : i32
      %dma_start3A_566 = tpu.memref_slice %arg8[%dma_start3A_563, %dma_start3A_564, %dma_start3A_565] : memref<4x64x128xf32, #tpu.memory_space<vmem>> -> memref<1x64x128xf32, #tpu.memory_space<vmem>>
      %dma_start3A_567 = tpu.memref_squeeze %dma_start3A_566 : memref<1x64x128xf32, #tpu.memory_space<vmem>> -> memref<64x128xf32, #tpu.memory_space<vmem>>
      %dma_start3A_568 = arith.constant 0 : i32
      %dma_start3A_569 = tpu.memref_slice %arg6[%dma_start3A_562, %dma_start3A_568] : memref<40x64xi32, #tpu.memory_space<vmem>> -> memref<1x64xi32, #tpu.memory_space<vmem>>
      %dma_start3A_570 = tpu.memref_squeeze %dma_start3A_569 : memref<1x64xi32, #tpu.memory_space<vmem>> -> memref<64xi32, #tpu.memory_space<vmem>>
      %dma_start3A_571 = arith.constant 0 : i32
      %dma_start3A_572 = arith.constant 0 : i32
      %dma_start3A_573 = tpu.memref_slice %arg2[%dma_start3A_571, %dma_start3A_572] : memref<10000x128xf32, #tpu.memory_space<hbm>> -> memref<10000x128xf32, #tpu.memory_space<hbm>>
      tpu.enqueue_indirect_dma source(%dma_start3A_573 : memref<10000x128xf32, #tpu.memory_space<hbm>>) target(%dma_start3A_567 : memref<64x128xf32, #tpu.memory_space<vmem>>) offsets(%dma_start3A_570 : memref<64xi32, #tpu.memory_space<vmem>>) semaphore(%arg13 : memref<!tpu.dma_semaphore, #tpu.memory_space<semaphore_mem>>)
      %dma_start3A_574 = arith.constant 2 : i32
      %dma_start3A_575 = arith.constant 2 : i32
      %dma_start3A_576 = arith.constant 0 : i32
      %dma_start3A_577 = arith.constant 0 : i32
      %dma_start3A_578 = tpu.memref_slice %arg8[%dma_start3A_575, %dma_start3A_576, %dma_start3A_577] : memref<4x64x128xf32, #tpu.memory_space<vmem>> -> memref<1x64x128xf32, #tpu.memory_space<vmem>>
      %dma_start3A_579 = tpu.memref_squeeze %dma_start3A_578 : memref<1x64x128xf32, #tpu.memory_space<vmem>> -> memref<64x128xf32, #tpu.memory_space<vmem>>
      %dma_start3A_580 = arith.constant 0 : i32
      %dma_start3A_581 = tpu.memref_slice %arg6[%dma_start3A_574, %dma_start3A_580] : memref<40x64xi32, #tpu.memory_space<vmem>> -> memref<1x64xi32, #tpu.memory_space<vmem>>
      %dma_start3A_582 = tpu.memref_squeeze %dma_start3A_581 : memref<1x64xi32, #tpu.memory_space<vmem>> -> memref<64xi32, #tpu.memory_space<vmem>>
      %dma_start3A_583 = arith.constant 0 : i32
      %dma_start3A_584 = arith.constant 0 : i32
      %dma_start3A_585 = tpu.memref_slice %arg2[%dma_start3A_583, %dma_start3A_584] : memref<10000x128xf32, #tpu.memory_space<hbm>> -> memref<10000x128xf32, #tpu.memory_space<hbm>>
      tpu.enqueue_indirect_dma source(%dma_start3A_585 : memref<10000x128xf32, #tpu.memory_space<hbm>>) target(%dma_start3A_579 : memref<64x128xf32, #tpu.memory_space<vmem>>) offsets(%dma_start3A_582 : memref<64xi32, #tpu.memory_space<vmem>>) semaphore(%arg14 : memref<!tpu.dma_semaphore, #tpu.memory_space<semaphore_mem>>)
      %dma_start3A_586 = arith.constant 3 : i32
      %dma_start3A_587 = arith.constant 3 : i32
      %dma_start3A_588 = arith.constant 0 : i32
      %dma_start3A_589 = arith.constant 0 : i32
      %dma_start3A_590 = tpu.memref_slice %arg8[%dma_start3A_587, %dma_start3A_588, %dma_start3A_589] : memref<4x64x128xf32, #tpu.memory_space<vmem>> -> memref<1x64x128xf32, #tpu.memory_space<vmem>>
      %dma_start3A_591 = tpu.memref_squeeze %dma_start3A_590 : memref<1x64x128xf32, #tpu.memory_space<vmem>> -> memref<64x128xf32, #tpu.memory_space<vmem>>
      %dma_start3A_592 = arith.constant 0 : i32
      %dma_start3A_593 = tpu.memref_slice %arg6[%dma_start3A_586, %dma_start3A_592] : memref<40x64xi32, #tpu.memory_space<vmem>> -> memref<1x64xi32, #tpu.memory_space<vmem>>
      %dma_start3A_594 = tpu.memref_squeeze %dma_start3A_593 : memref<1x64xi32, #tpu.memory_space<vmem>> -> memref<64xi32, #tpu.memory_space<vmem>>
      %dma_start3A_595 = arith.constant 0 : i32
      %dma_start3A_596 = arith.constant 0 : i32
      %dma_start3A_597 = tpu.memref_slice %arg2[%dma_start3A_595, %dma_start3A_596] : memref<10000x128xf32, #tpu.memory_space<hbm>> -> memref<10000x128xf32, #tpu.memory_space<hbm>>
      tpu.enqueue_indirect_dma source(%dma_start3A_597 : memref<10000x128xf32, #tpu.memory_space<hbm>>) target(%dma_start3A_591 : memref<64x128xf32, #tpu.memory_space<vmem>>) offsets(%dma_start3A_594 : memref<64xi32, #tpu.memory_space<vmem>>) semaphore(%arg15 : memref<!tpu.dma_semaphore, #tpu.memory_space<semaphore_mem>>)
      %while3A_598 = arith.constant 0 : i32
      %while3A_599 = arith.constant 0 : i32
      %while3A_600 = arith.constant 10 : i32
      %while3A_601 = arith.subi %while3A_600, %while3A_599 : i32
      %while3A_602 = arith.addi %while3A_599, %while3A_601 : i32
      %while3A_603 = arith.constant 1 : i32
      %while3A_604 = arith.divsi %while3A_601, %while3A_603 : i32
      %while3A_605 = arith.muli %while3A_604, %while3A_603 : i32
      %while3A_606 = arith.addi %while3A_599, %while3A_605 : i32
      %while3A_607 = arith.constant 1 : i32
      scf.for %while3A_609 = %while3A_599 to %while3A_606 step %while3A_607  : i32 {
        %mul3A_610 = arith.constant 4 : i32
        %mul3A_611 = arith.muli %while3A_609, %mul3A_610 : i32
        %add3A_612 = arith.constant 0 : i32
        %add3A_613 = arith.addi %mul3A_611, %add3A_612 : i32
        %dma_wait3A = arith.constant 0 : i32
        %dma_wait3A_614 = arith.constant 0 : i32
        %dma_wait3A_615 = arith.constant 0 : i32
        %dma_wait3A_616 = tpu.memref_slice %arg8[%dma_wait3A, %dma_wait3A_614, %dma_wait3A_615] : memref<4x64x128xf32, #tpu.memory_space<vmem>> -> memref<1x64x128xf32, #tpu.memory_space<vmem>>
        %dma_wait3A_617 = tpu.memref_squeeze %dma_wait3A_616 : memref<1x64x128xf32, #tpu.memory_space<vmem>> -> memref<64x128xf32, #tpu.memory_space<vmem>>
        %dma_wait3A_618 = arith.constant 0 : i32
        %dma_wait3A_619 = tpu.memref_slice %arg6[%add3A_613, %dma_wait3A_618] : memref<40x64xi32, #tpu.memory_space<vmem>> -> memref<1x64xi32, #tpu.memory_space<vmem>>
        %dma_wait3A_620 = tpu.memref_squeeze %dma_wait3A_619 : memref<1x64xi32, #tpu.memory_space<vmem>> -> memref<64xi32, #tpu.memory_space<vmem>>
        %dma_wait3A_621 = arith.constant 0 : i32
        %dma_wait3A_622 = arith.constant 0 : i32
        %dma_wait3A_623 = tpu.memref_slice %arg2[%dma_wait3A_621, %dma_wait3A_622] : memref<10000x128xf32, #tpu.memory_space<hbm>> -> memref<10000x128xf32, #tpu.memory_space<hbm>>
        tpu.wait_indirect_dma semaphore(%arg12 : memref<!tpu.dma_semaphore, #tpu.memory_space<semaphore_mem>>) src(%dma_wait3A_623 : memref<10000x128xf32, #tpu.memory_space<hbm>>) dst(%dma_wait3A_617 : memref<64x128xf32, #tpu.memory_space<vmem>>)
        %run_scoped3A = arith.constant 0 : i32
        "tpu.region"() ({
          %run_scoped3A_699 = tpu.sem_alloc : memref<!tpu.dma_semaphore, #tpu.memory_space<semaphore_mem>>
          %dma_start3A_700 = arith.constant 0 : i32
          %dma_start3A_701 = arith.constant 0 : i32
          %dma_start3A_702 = tpu.memref_slice %arg8[%run_scoped3A, %dma_start3A_700, %dma_start3A_701] : memref<4x64x128xf32, #tpu.memory_space<vmem>> -> memref<1x64x128xf32, #tpu.memory_space<vmem>>
          %dma_start3A_703 = tpu.memref_squeeze %dma_start3A_702 : memref<1x64x128xf32, #tpu.memory_space<vmem>> -> memref<64x128xf32, #tpu.memory_space<vmem>>
          %dma_start3A_704 = arith.constant 0 : i32
          %dma_start3A_705 = tpu.memref_slice %arg7[%add3A_613, %dma_start3A_704] : memref<40x64xi32, #tpu.memory_space<vmem>> -> memref<1x64xi32, #tpu.memory_space<vmem>>
          %dma_start3A_706 = tpu.memref_squeeze %dma_start3A_705 : memref<1x64xi32, #tpu.memory_space<vmem>> -> memref<64xi32, #tpu.memory_space<vmem>>
          %dma_start3A_707 = arith.constant 0 : i32
          %dma_start3A_708 = arith.constant 0 : i32
          %dma_start3A_709 = tpu.memref_slice %arg10[%dma_start3A_707, %dma_start3A_708] : memref<10112x128xf32, #tpu.memory_space<vmem_shared>> -> memref<10112x128xf32, #tpu.memory_space<vmem_shared>>
          tpu.enqueue_indirect_dma source(%dma_start3A_703 : memref<64x128xf32, #tpu.memory_space<vmem>>) target(%dma_start3A_709 : memref<10112x128xf32, #tpu.memory_space<vmem_shared>>) offsets(%dma_start3A_706 : memref<64xi32, #tpu.memory_space<vmem>>) semaphore(%run_scoped3A_699 : memref<!tpu.dma_semaphore, #tpu.memory_space<semaphore_mem>>) {add = true}
          %dma_wait3A_710 = arith.constant 0 : i32
          %dma_wait3A_711 = arith.constant 0 : i32
          %dma_wait3A_712 = tpu.memref_slice %arg8[%run_scoped3A, %dma_wait3A_710, %dma_wait3A_711] : memref<4x64x128xf32, #tpu.memory_space<vmem>> -> memref<1x64x128xf32, #tpu.memory_space<vmem>>
          %dma_wait3A_713 = tpu.memref_squeeze %dma_wait3A_712 : memref<1x64x128xf32, #tpu.memory_space<vmem>> -> memref<64x128xf32, #tpu.memory_space<vmem>>
          %dma_wait3A_714 = arith.constant 0 : i32
          %dma_wait3A_715 = tpu.memref_slice %arg7[%add3A_613, %dma_wait3A_714] : memref<40x64xi32, #tpu.memory_space<vmem>> -> memref<1x64xi32, #tpu.memory_space<vmem>>
          %dma_wait3A_716 = tpu.memref_squeeze %dma_wait3A_715 : memref<1x64xi32, #tpu.memory_space<vmem>> -> memref<64xi32, #tpu.memory_space<vmem>>
          %dma_wait3A_717 = arith.constant 0 : i32
          %dma_wait3A_718 = arith.constant 0 : i32
          %dma_wait3A_719 = tpu.memref_slice %arg10[%dma_wait3A_717, %dma_wait3A_718] : memref<10112x128xf32, #tpu.memory_space<vmem_shared>> -> memref<10112x128xf32, #tpu.memory_space<vmem_shared>>
          tpu.wait_indirect_dma semaphore(%run_scoped3A_699 : memref<!tpu.dma_semaphore, #tpu.memory_space<semaphore_mem>>) src(%dma_wait3A_713 : memref<64x128xf32, #tpu.memory_space<vmem>>) dst(%dma_wait3A_719 : memref<10112x128xf32, #tpu.memory_space<vmem_shared>>)
          tpu.yield
        }) : () -> ()
        %add3A_624 = arith.constant 4 : i32
        %add3A_625 = arith.addi %add3A_613, %add3A_624 : i32
        %lt3A = arith.constant 40 : i32
        %lt3A_626 = arith.cmpi slt, %add3A_625, %lt3A : i32
        %convert_element_type3A_627 = arith.extui %lt3A_626 : i1 to i32
        %cond3A_628 = arith.constant 0 : i32
        %cond3A_629 = arith.cmpi ne, %convert_element_type3A_627, %cond3A_628 : i32
        scf.if %cond3A_629 {
          %dma_start3A_699 = arith.constant 0 : i32
          %dma_start3A_700 = arith.constant 0 : i32
          %dma_start3A_701 = arith.constant 0 : i32
          %dma_start3A_702 = tpu.memref_slice %arg8[%dma_start3A_699, %dma_start3A_700, %dma_start3A_701] : memref<4x64x128xf32, #tpu.memory_space<vmem>> -> memref<1x64x128xf32, #tpu.memory_space<vmem>>
          %dma_start3A_703 = tpu.memref_squeeze %dma_start3A_702 : memref<1x64x128xf32, #tpu.memory_space<vmem>> -> memref<64x128xf32, #tpu.memory_space<vmem>>
          %dma_start3A_704 = arith.constant 0 : i32
          %dma_start3A_705 = tpu.memref_slice %arg6[%add3A_625, %dma_start3A_704] : memref<40x64xi32, #tpu.memory_space<vmem>> -> memref<1x64xi32, #tpu.memory_space<vmem>>
          %dma_start3A_706 = tpu.memref_squeeze %dma_start3A_705 : memref<1x64xi32, #tpu.memory_space<vmem>> -> memref<64xi32, #tpu.memory_space<vmem>>
          %dma_start3A_707 = arith.constant 0 : i32
          %dma_start3A_708 = arith.constant 0 : i32
          %dma_start3A_709 = tpu.memref_slice %arg2[%dma_start3A_707, %dma_start3A_708] : memref<10000x128xf32, #tpu.memory_space<hbm>> -> memref<10000x128xf32, #tpu.memory_space<hbm>>
          tpu.enqueue_indirect_dma source(%dma_start3A_709 : memref<10000x128xf32, #tpu.memory_space<hbm>>) target(%dma_start3A_703 : memref<64x128xf32, #tpu.memory_space<vmem>>) offsets(%dma_start3A_706 : memref<64xi32, #tpu.memory_space<vmem>>) semaphore(%arg12 : memref<!tpu.dma_semaphore, #tpu.memory_space<semaphore_mem>>)
        } else {
        }
        %mul3A_630 = arith.constant 4 : i32
        %mul3A_631 = arith.muli %while3A_609, %mul3A_630 : i32
        %add3A_632 = arith.constant 1 : i32
        %add3A_633 = arith.addi %mul3A_631, %add3A_632 : i32
        %dma_wait3A_634 = arith.constant 1 : i32
        %dma_wait3A_635 = arith.constant 0 : i32
        %dma_wait3A_636 = arith.constant 0 : i32
        %dma_wait3A_637 = tpu.memref_slice %arg8[%dma_wait3A_634, %dma_wait3A_635, %dma_wait3A_636] : memref<4x64x128xf32, #tpu.memory_space<vmem>> -> memref<1x64x128xf32, #tpu.memory_space<vmem>>
        %dma_wait3A_638 = tpu.memref_squeeze %dma_wait3A_637 : memref<1x64x128xf32, #tpu.memory_space<vmem>> -> memref<64x128xf32, #tpu.memory_space<vmem>>
        %dma_wait3A_639 = arith.constant 0 : i32
        %dma_wait3A_640 = tpu.memref_slice %arg6[%add3A_633, %dma_wait3A_639] : memref<40x64xi32, #tpu.memory_space<vmem>> -> memref<1x64xi32, #tpu.memory_space<vmem>>
        %dma_wait3A_641 = tpu.memref_squeeze %dma_wait3A_640 : memref<1x64xi32, #tpu.memory_space<vmem>> -> memref<64xi32, #tpu.memory_space<vmem>>
        %dma_wait3A_642 = arith.constant 0 : i32
        %dma_wait3A_643 = arith.constant 0 : i32
        %dma_wait3A_644 = tpu.memref_slice %arg2[%dma_wait3A_642, %dma_wait3A_643] : memref<10000x128xf32, #tpu.memory_space<hbm>> -> memref<10000x128xf32, #tpu.memory_space<hbm>>
        tpu.wait_indirect_dma semaphore(%arg13 : memref<!tpu.dma_semaphore, #tpu.memory_space<semaphore_mem>>) src(%dma_wait3A_644 : memref<10000x128xf32, #tpu.memory_space<hbm>>) dst(%dma_wait3A_638 : memref<64x128xf32, #tpu.memory_space<vmem>>)
        %run_scoped3A_645 = arith.constant 1 : i32
        "tpu.region"() ({
          %run_scoped3A_699 = tpu.sem_alloc : memref<!tpu.dma_semaphore, #tpu.memory_space<semaphore_mem>>
          %dma_start3A_700 = arith.constant 0 : i32
          %dma_start3A_701 = arith.constant 0 : i32
          %dma_start3A_702 = tpu.memref_slice %arg8[%run_scoped3A_645, %dma_start3A_700, %dma_start3A_701] : memref<4x64x128xf32, #tpu.memory_space<vmem>> -> memref<1x64x128xf32, #tpu.memory_space<vmem>>
          %dma_start3A_703 = tpu.memref_squeeze %dma_start3A_702 : memref<1x64x128xf32, #tpu.memory_space<vmem>> -> memref<64x128xf32, #tpu.memory_space<vmem>>
          %dma_start3A_704 = arith.constant 0 : i32
          %dma_start3A_705 = tpu.memref_slice %arg7[%add3A_633, %dma_start3A_704] : memref<40x64xi32, #tpu.memory_space<vmem>> -> memref<1x64xi32, #tpu.memory_space<vmem>>
          %dma_start3A_706 = tpu.memref_squeeze %dma_start3A_705 : memref<1x64xi32, #tpu.memory_space<vmem>> -> memref<64xi32, #tpu.memory_space<vmem>>
          %dma_start3A_707 = arith.constant 0 : i32
          %dma_start3A_708 = arith.constant 0 : i32
          %dma_start3A_709 = tpu.memref_slice %arg10[%dma_start3A_707, %dma_start3A_708] : memref<10112x128xf32, #tpu.memory_space<vmem_shared>> -> memref<10112x128xf32, #tpu.memory_space<vmem_shared>>
          tpu.enqueue_indirect_dma source(%dma_start3A_703 : memref<64x128xf32, #tpu.memory_space<vmem>>) target(%dma_start3A_709 : memref<10112x128xf32, #tpu.memory_space<vmem_shared>>) offsets(%dma_start3A_706 : memref<64xi32, #tpu.memory_space<vmem>>) semaphore(%run_scoped3A_699 : memref<!tpu.dma_semaphore, #tpu.memory_space<semaphore_mem>>) {add = true}
          %dma_wait3A_710 = arith.constant 0 : i32
          %dma_wait3A_711 = arith.constant 0 : i32
          %dma_wait3A_712 = tpu.memref_slice %arg8[%run_scoped3A_645, %dma_wait3A_710, %dma_wait3A_711] : memref<4x64x128xf32, #tpu.memory_space<vmem>> -> memref<1x64x128xf32, #tpu.memory_space<vmem>>
          %dma_wait3A_713 = tpu.memref_squeeze %dma_wait3A_712 : memref<1x64x128xf32, #tpu.memory_space<vmem>> -> memref<64x128xf32, #tpu.memory_space<vmem>>
          %dma_wait3A_714 = arith.constant 0 : i32
          %dma_wait3A_715 = tpu.memref_slice %arg7[%add3A_633, %dma_wait3A_714] : memref<40x64xi32, #tpu.memory_space<vmem>> -> memref<1x64xi32, #tpu.memory_space<vmem>>
          %dma_wait3A_716 = tpu.memref_squeeze %dma_wait3A_715 : memref<1x64xi32, #tpu.memory_space<vmem>> -> memref<64xi32, #tpu.memory_space<vmem>>
          %dma_wait3A_717 = arith.constant 0 : i32
          %dma_wait3A_718 = arith.constant 0 : i32
          %dma_wait3A_719 = tpu.memref_slice %arg10[%dma_wait3A_717, %dma_wait3A_718] : memref<10112x128xf32, #tpu.memory_space<vmem_shared>> -> memref<10112x128xf32, #tpu.memory_space<vmem_shared>>
          tpu.wait_indirect_dma semaphore(%run_scoped3A_699 : memref<!tpu.dma_semaphore, #tpu.memory_space<semaphore_mem>>) src(%dma_wait3A_713 : memref<64x128xf32, #tpu.memory_space<vmem>>) dst(%dma_wait3A_719 : memref<10112x128xf32, #tpu.memory_space<vmem_shared>>)
          tpu.yield
        }) : () -> ()
        %add3A_646 = arith.constant 4 : i32
        %add3A_647 = arith.addi %add3A_633, %add3A_646 : i32
        %lt3A_648 = arith.constant 40 : i32
        %lt3A_649 = arith.cmpi slt, %add3A_647, %lt3A_648 : i32
        %convert_element_type3A_650 = arith.extui %lt3A_649 : i1 to i32
        %cond3A_651 = arith.constant 0 : i32
        %cond3A_652 = arith.cmpi ne, %convert_element_type3A_650, %cond3A_651 : i32
        scf.if %cond3A_652 {
          %dma_start3A_699 = arith.constant 1 : i32
          %dma_start3A_700 = arith.constant 0 : i32
          %dma_start3A_701 = arith.constant 0 : i32
          %dma_start3A_702 = tpu.memref_slice %arg8[%dma_start3A_699, %dma_start3A_700, %dma_start3A_701] : memref<4x64x128xf32, #tpu.memory_space<vmem>> -> memref<1x64x128xf32, #tpu.memory_space<vmem>>
          %dma_start3A_703 = tpu.memref_squeeze %dma_start3A_702 : memref<1x64x128xf32, #tpu.memory_space<vmem>> -> memref<64x128xf32, #tpu.memory_space<vmem>>
          %dma_start3A_704 = arith.constant 0 : i32
          %dma_start3A_705 = tpu.memref_slice %arg6[%add3A_647, %dma_start3A_704] : memref<40x64xi32, #tpu.memory_space<vmem>> -> memref<1x64xi32, #tpu.memory_space<vmem>>
          %dma_start3A_706 = tpu.memref_squeeze %dma_start3A_705 : memref<1x64xi32, #tpu.memory_space<vmem>> -> memref<64xi32, #tpu.memory_space<vmem>>
          %dma_start3A_707 = arith.constant 0 : i32
          %dma_start3A_708 = arith.constant 0 : i32
          %dma_start3A_709 = tpu.memref_slice %arg2[%dma_start3A_707, %dma_start3A_708] : memref<10000x128xf32, #tpu.memory_space<hbm>> -> memref<10000x128xf32, #tpu.memory_space<hbm>>
          tpu.enqueue_indirect_dma source(%dma_start3A_709 : memref<10000x128xf32, #tpu.memory_space<hbm>>) target(%dma_start3A_703 : memref<64x128xf32, #tpu.memory_space<vmem>>) offsets(%dma_start3A_706 : memref<64xi32, #tpu.memory_space<vmem>>) semaphore(%arg13 : memref<!tpu.dma_semaphore, #tpu.memory_space<semaphore_mem>>)
        } else {
        }
        %mul3A_653 = arith.constant 4 : i32
        %mul3A_654 = arith.muli %while3A_609, %mul3A_653 : i32
        %add3A_655 = arith.constant 2 : i32
        %add3A_656 = arith.addi %mul3A_654, %add3A_655 : i32
        %dma_wait3A_657 = arith.constant 2 : i32
        %dma_wait3A_658 = arith.constant 0 : i32
        %dma_wait3A_659 = arith.constant 0 : i32
        %dma_wait3A_660 = tpu.memref_slice %arg8[%dma_wait3A_657, %dma_wait3A_658, %dma_wait3A_659] : memref<4x64x128xf32, #tpu.memory_space<vmem>> -> memref<1x64x128xf32, #tpu.memory_space<vmem>>
        %dma_wait3A_661 = tpu.memref_squeeze %dma_wait3A_660 : memref<1x64x128xf32, #tpu.memory_space<vmem>> -> memref<64x128xf32, #tpu.memory_space<vmem>>
        %dma_wait3A_662 = arith.constant 0 : i32
        %dma_wait3A_663 = tpu.memref_slice %arg6[%add3A_656, %dma_wait3A_662] : memref<40x64xi32, #tpu.memory_space<vmem>> -> memref<1x64xi32, #tpu.memory_space<vmem>>
        %dma_wait3A_664 = tpu.memref_squeeze %dma_wait3A_663 : memref<1x64xi32, #tpu.memory_space<vmem>> -> memref<64xi32, #tpu.memory_space<vmem>>
        %dma_wait3A_665 = arith.constant 0 : i32
        %dma_wait3A_666 = arith.constant 0 : i32
        %dma_wait3A_667 = tpu.memref_slice %arg2[%dma_wait3A_665, %dma_wait3A_666] : memref<10000x128xf32, #tpu.memory_space<hbm>> -> memref<10000x128xf32, #tpu.memory_space<hbm>>
        tpu.wait_indirect_dma semaphore(%arg14 : memref<!tpu.dma_semaphore, #tpu.memory_space<semaphore_mem>>) src(%dma_wait3A_667 : memref<10000x128xf32, #tpu.memory_space<hbm>>) dst(%dma_wait3A_661 : memref<64x128xf32, #tpu.memory_space<vmem>>)
        %run_scoped3A_668 = arith.constant 2 : i32
        "tpu.region"() ({
          %run_scoped3A_699 = tpu.sem_alloc : memref<!tpu.dma_semaphore, #tpu.memory_space<semaphore_mem>>
          %dma_start3A_700 = arith.constant 0 : i32
          %dma_start3A_701 = arith.constant 0 : i32
          %dma_start3A_702 = tpu.memref_slice %arg8[%run_scoped3A_668, %dma_start3A_700, %dma_start3A_701] : memref<4x64x128xf32, #tpu.memory_space<vmem>> -> memref<1x64x128xf32, #tpu.memory_space<vmem>>
          %dma_start3A_703 = tpu.memref_squeeze %dma_start3A_702 : memref<1x64x128xf32, #tpu.memory_space<vmem>> -> memref<64x128xf32, #tpu.memory_space<vmem>>
          %dma_start3A_704 = arith.constant 0 : i32
          %dma_start3A_705 = tpu.memref_slice %arg7[%add3A_656, %dma_start3A_704] : memref<40x64xi32, #tpu.memory_space<vmem>> -> memref<1x64xi32, #tpu.memory_space<vmem>>
          %dma_start3A_706 = tpu.memref_squeeze %dma_start3A_705 : memref<1x64xi32, #tpu.memory_space<vmem>> -> memref<64xi32, #tpu.memory_space<vmem>>
          %dma_start3A_707 = arith.constant 0 : i32
          %dma_start3A_708 = arith.constant 0 : i32
          %dma_start3A_709 = tpu.memref_slice %arg10[%dma_start3A_707, %dma_start3A_708] : memref<10112x128xf32, #tpu.memory_space<vmem_shared>> -> memref<10112x128xf32, #tpu.memory_space<vmem_shared>>
          tpu.enqueue_indirect_dma source(%dma_start3A_703 : memref<64x128xf32, #tpu.memory_space<vmem>>) target(%dma_start3A_709 : memref<10112x128xf32, #tpu.memory_space<vmem_shared>>) offsets(%dma_start3A_706 : memref<64xi32, #tpu.memory_space<vmem>>) semaphore(%run_scoped3A_699 : memref<!tpu.dma_semaphore, #tpu.memory_space<semaphore_mem>>) {add = true}
          %dma_wait3A_710 = arith.constant 0 : i32
          %dma_wait3A_711 = arith.constant 0 : i32
          %dma_wait3A_712 = tpu.memref_slice %arg8[%run_scoped3A_668, %dma_wait3A_710, %dma_wait3A_711] : memref<4x64x128xf32, #tpu.memory_space<vmem>> -> memref<1x64x128xf32, #tpu.memory_space<vmem>>
          %dma_wait3A_713 = tpu.memref_squeeze %dma_wait3A_712 : memref<1x64x128xf32, #tpu.memory_space<vmem>> -> memref<64x128xf32, #tpu.memory_space<vmem>>
          %dma_wait3A_714 = arith.constant 0 : i32
          %dma_wait3A_715 = tpu.memref_slice %arg7[%add3A_656, %dma_wait3A_714] : memref<40x64xi32, #tpu.memory_space<vmem>> -> memref<1x64xi32, #tpu.memory_space<vmem>>
          %dma_wait3A_716 = tpu.memref_squeeze %dma_wait3A_715 : memref<1x64xi32, #tpu.memory_space<vmem>> -> memref<64xi32, #tpu.memory_space<vmem>>
          %dma_wait3A_717 = arith.constant 0 : i32
          %dma_wait3A_718 = arith.constant 0 : i32
          %dma_wait3A_719 = tpu.memref_slice %arg10[%dma_wait3A_717, %dma_wait3A_718] : memref<10112x128xf32, #tpu.memory_space<vmem_shared>> -> memref<10112x128xf32, #tpu.memory_space<vmem_shared>>
          tpu.wait_indirect_dma semaphore(%run_scoped3A_699 : memref<!tpu.dma_semaphore, #tpu.memory_space<semaphore_mem>>) src(%dma_wait3A_713 : memref<64x128xf32, #tpu.memory_space<vmem>>) dst(%dma_wait3A_719 : memref<10112x128xf32, #tpu.memory_space<vmem_shared>>)
          tpu.yield
        }) : () -> ()
        %add3A_669 = arith.constant 4 : i32
        %add3A_670 = arith.addi %add3A_656, %add3A_669 : i32
        %lt3A_671 = arith.constant 40 : i32
        %lt3A_672 = arith.cmpi slt, %add3A_670, %lt3A_671 : i32
        %convert_element_type3A_673 = arith.extui %lt3A_672 : i1 to i32
        %cond3A_674 = arith.constant 0 : i32
        %cond3A_675 = arith.cmpi ne, %convert_element_type3A_673, %cond3A_674 : i32
        scf.if %cond3A_675 {
          %dma_start3A_699 = arith.constant 2 : i32
          %dma_start3A_700 = arith.constant 0 : i32
          %dma_start3A_701 = arith.constant 0 : i32
          %dma_start3A_702 = tpu.memref_slice %arg8[%dma_start3A_699, %dma_start3A_700, %dma_start3A_701] : memref<4x64x128xf32, #tpu.memory_space<vmem>> -> memref<1x64x128xf32, #tpu.memory_space<vmem>>
          %dma_start3A_703 = tpu.memref_squeeze %dma_start3A_702 : memref<1x64x128xf32, #tpu.memory_space<vmem>> -> memref<64x128xf32, #tpu.memory_space<vmem>>
          %dma_start3A_704 = arith.constant 0 : i32
          %dma_start3A_705 = tpu.memref_slice %arg6[%add3A_670, %dma_start3A_704] : memref<40x64xi32, #tpu.memory_space<vmem>> -> memref<1x64xi32, #tpu.memory_space<vmem>>
          %dma_start3A_706 = tpu.memref_squeeze %dma_start3A_705 : memref<1x64xi32, #tpu.memory_space<vmem>> -> memref<64xi32, #tpu.memory_space<vmem>>
          %dma_start3A_707 = arith.constant 0 : i32
          %dma_start3A_708 = arith.constant 0 : i32
          %dma_start3A_709 = tpu.memref_slice %arg2[%dma_start3A_707, %dma_start3A_708] : memref<10000x128xf32, #tpu.memory_space<hbm>> -> memref<10000x128xf32, #tpu.memory_space<hbm>>
          tpu.enqueue_indirect_dma source(%dma_start3A_709 : memref<10000x128xf32, #tpu.memory_space<hbm>>) target(%dma_start3A_703 : memref<64x128xf32, #tpu.memory_space<vmem>>) offsets(%dma_start3A_706 : memref<64xi32, #tpu.memory_space<vmem>>) semaphore(%arg14 : memref<!tpu.dma_semaphore, #tpu.memory_space<semaphore_mem>>)
        } else {
        }
        %mul3A_676 = arith.constant 4 : i32
        %mul3A_677 = arith.muli %while3A_609, %mul3A_676 : i32
        %add3A_678 = arith.constant 3 : i32
        %add3A_679 = arith.addi %mul3A_677, %add3A_678 : i32
        %dma_wait3A_680 = arith.constant 3 : i32
        %dma_wait3A_681 = arith.constant 0 : i32
        %dma_wait3A_682 = arith.constant 0 : i32
        %dma_wait3A_683 = tpu.memref_slice %arg8[%dma_wait3A_680, %dma_wait3A_681, %dma_wait3A_682] : memref<4x64x128xf32, #tpu.memory_space<vmem>> -> memref<1x64x128xf32, #tpu.memory_space<vmem>>
        %dma_wait3A_684 = tpu.memref_squeeze %dma_wait3A_683 : memref<1x64x128xf32, #tpu.memory_space<vmem>> -> memref<64x128xf32, #tpu.memory_space<vmem>>
        %dma_wait3A_685 = arith.constant 0 : i32
        %dma_wait3A_686 = tpu.memref_slice %arg6[%add3A_679, %dma_wait3A_685] : memref<40x64xi32, #tpu.memory_space<vmem>> -> memref<1x64xi32, #tpu.memory_space<vmem>>
        %dma_wait3A_687 = tpu.memref_squeeze %dma_wait3A_686 : memref<1x64xi32, #tpu.memory_space<vmem>> -> memref<64xi32, #tpu.memory_space<vmem>>
        %dma_wait3A_688 = arith.constant 0 : i32
        %dma_wait3A_689 = arith.constant 0 : i32
        %dma_wait3A_690 = tpu.memref_slice %arg2[%dma_wait3A_688, %dma_wait3A_689] : memref<10000x128xf32, #tpu.memory_space<hbm>> -> memref<10000x128xf32, #tpu.memory_space<hbm>>
        tpu.wait_indirect_dma semaphore(%arg15 : memref<!tpu.dma_semaphore, #tpu.memory_space<semaphore_mem>>) src(%dma_wait3A_690 : memref<10000x128xf32, #tpu.memory_space<hbm>>) dst(%dma_wait3A_684 : memref<64x128xf32, #tpu.memory_space<vmem>>)
        %run_scoped3A_691 = arith.constant 3 : i32
        "tpu.region"() ({
          %run_scoped3A_699 = tpu.sem_alloc : memref<!tpu.dma_semaphore, #tpu.memory_space<semaphore_mem>>
          %dma_start3A_700 = arith.constant 0 : i32
          %dma_start3A_701 = arith.constant 0 : i32
          %dma_start3A_702 = tpu.memref_slice %arg8[%run_scoped3A_691, %dma_start3A_700, %dma_start3A_701] : memref<4x64x128xf32, #tpu.memory_space<vmem>> -> memref<1x64x128xf32, #tpu.memory_space<vmem>>
          %dma_start3A_703 = tpu.memref_squeeze %dma_start3A_702 : memref<1x64x128xf32, #tpu.memory_space<vmem>> -> memref<64x128xf32, #tpu.memory_space<vmem>>
          %dma_start3A_704 = arith.constant 0 : i32
          %dma_start3A_705 = tpu.memref_slice %arg7[%add3A_679, %dma_start3A_704] : memref<40x64xi32, #tpu.memory_space<vmem>> -> memref<1x64xi32, #tpu.memory_space<vmem>>
          %dma_start3A_706 = tpu.memref_squeeze %dma_start3A_705 : memref<1x64xi32, #tpu.memory_space<vmem>> -> memref<64xi32, #tpu.memory_space<vmem>>
          %dma_start3A_707 = arith.constant 0 : i32
          %dma_start3A_708 = arith.constant 0 : i32
          %dma_start3A_709 = tpu.memref_slice %arg10[%dma_start3A_707, %dma_start3A_708] : memref<10112x128xf32, #tpu.memory_space<vmem_shared>> -> memref<10112x128xf32, #tpu.memory_space<vmem_shared>>
          tpu.enqueue_indirect_dma source(%dma_start3A_703 : memref<64x128xf32, #tpu.memory_space<vmem>>) target(%dma_start3A_709 : memref<10112x128xf32, #tpu.memory_space<vmem_shared>>) offsets(%dma_start3A_706 : memref<64xi32, #tpu.memory_space<vmem>>) semaphore(%run_scoped3A_699 : memref<!tpu.dma_semaphore, #tpu.memory_space<semaphore_mem>>) {add = true}
          %dma_wait3A_710 = arith.constant 0 : i32
          %dma_wait3A_711 = arith.constant 0 : i32
          %dma_wait3A_712 = tpu.memref_slice %arg8[%run_scoped3A_691, %dma_wait3A_710, %dma_wait3A_711] : memref<4x64x128xf32, #tpu.memory_space<vmem>> -> memref<1x64x128xf32, #tpu.memory_space<vmem>>
          %dma_wait3A_713 = tpu.memref_squeeze %dma_wait3A_712 : memref<1x64x128xf32, #tpu.memory_space<vmem>> -> memref<64x128xf32, #tpu.memory_space<vmem>>
          %dma_wait3A_714 = arith.constant 0 : i32
          %dma_wait3A_715 = tpu.memref_slice %arg7[%add3A_679, %dma_wait3A_714] : memref<40x64xi32, #tpu.memory_space<vmem>> -> memref<1x64xi32, #tpu.memory_space<vmem>>
          %dma_wait3A_716 = tpu.memref_squeeze %dma_wait3A_715 : memref<1x64xi32, #tpu.memory_space<vmem>> -> memref<64xi32, #tpu.memory_space<vmem>>
          %dma_wait3A_717 = arith.constant 0 : i32
          %dma_wait3A_718 = arith.constant 0 : i32
          %dma_wait3A_719 = tpu.memref_slice %arg10[%dma_wait3A_717, %dma_wait3A_718] : memref<10112x128xf32, #tpu.memory_space<vmem_shared>> -> memref<10112x128xf32, #tpu.memory_space<vmem_shared>>
          tpu.wait_indirect_dma semaphore(%run_scoped3A_699 : memref<!tpu.dma_semaphore, #tpu.memory_space<semaphore_mem>>) src(%dma_wait3A_713 : memref<64x128xf32, #tpu.memory_space<vmem>>) dst(%dma_wait3A_719 : memref<10112x128xf32, #tpu.memory_space<vmem_shared>>)
          tpu.yield
        }) : () -> ()
        %add3A_692 = arith.constant 4 : i32
        %add3A_693 = arith.addi %add3A_679, %add3A_692 : i32
        %lt3A_694 = arith.constant 40 : i32
        %lt3A_695 = arith.cmpi slt, %add3A_693, %lt3A_694 : i32
        %convert_element_type3A_696 = arith.extui %lt3A_695 : i1 to i32
        %cond3A_697 = arith.constant 0 : i32
        %cond3A_698 = arith.cmpi ne, %convert_element_type3A_696, %cond3A_697 : i32
        scf.if %cond3A_698 {
          %dma_start3A_699 = arith.constant 3 : i32
          %dma_start3A_700 = arith.constant 0 : i32
          %dma_start3A_701 = arith.constant 0 : i32
          %dma_start3A_702 = tpu.memref_slice %arg8[%dma_start3A_699, %dma_start3A_700, %dma_start3A_701] : memref<4x64x128xf32, #tpu.memory_space<vmem>> -> memref<1x64x128xf32, #tpu.memory_space<vmem>>
          %dma_start3A_703 = tpu.memref_squeeze %dma_start3A_702 : memref<1x64x128xf32, #tpu.memory_space<vmem>> -> memref<64x128xf32, #tpu.memory_space<vmem>>
          %dma_start3A_704 = arith.constant 0 : i32
          %dma_start3A_705 = tpu.memref_slice %arg6[%add3A_693, %dma_start3A_704] : memref<40x64xi32, #tpu.memory_space<vmem>> -> memref<1x64xi32, #tpu.memory_space<vmem>>
          %dma_start3A_706 = tpu.memref_squeeze %dma_start3A_705 : memref<1x64xi32, #tpu.memory_space<vmem>> -> memref<64xi32, #tpu.memory_space<vmem>>
          %dma_start3A_707 = arith.constant 0 : i32
          %dma_start3A_708 = arith.constant 0 : i32
          %dma_start3A_709 = tpu.memref_slice %arg2[%dma_start3A_707, %dma_start3A_708] : memref<10000x128xf32, #tpu.memory_space<hbm>> -> memref<10000x128xf32, #tpu.memory_space<hbm>>
          tpu.enqueue_indirect_dma source(%dma_start3A_709 : memref<10000x128xf32, #tpu.memory_space<hbm>>) target(%dma_start3A_703 : memref<64x128xf32, #tpu.memory_space<vmem>>) offsets(%dma_start3A_706 : memref<64xi32, #tpu.memory_space<vmem>>) semaphore(%arg15 : memref<!tpu.dma_semaphore, #tpu.memory_space<semaphore_mem>>)
        } else {
        }
      }
      %while3A_608 = arith.constant 1 : i32
      scf.for %while3A_609 = %while3A_606 to %while3A_602 step %while3A_608  : i32 {
        %mul3A_610 = arith.constant 4 : i32
        %mul3A_611 = arith.muli %while3A_609, %mul3A_610 : i32
        %add3A_612 = arith.constant 0 : i32
        %add3A_613 = arith.addi %mul3A_611, %add3A_612 : i32
        %dma_wait3A = arith.constant 0 : i32
        %dma_wait3A_614 = arith.constant 0 : i32
        %dma_wait3A_615 = arith.constant 0 : i32
        %dma_wait3A_616 = tpu.memref_slice %arg8[%dma_wait3A, %dma_wait3A_614, %dma_wait3A_615] : memref<4x64x128xf32, #tpu.memory_space<vmem>> -> memref<1x64x128xf32, #tpu.memory_space<vmem>>
        %dma_wait3A_617 = tpu.memref_squeeze %dma_wait3A_616 : memref<1x64x128xf32, #tpu.memory_space<vmem>> -> memref<64x128xf32, #tpu.memory_space<vmem>>
        %dma_wait3A_618 = arith.constant 0 : i32
        %dma_wait3A_619 = tpu.memref_slice %arg6[%add3A_613, %dma_wait3A_618] : memref<40x64xi32, #tpu.memory_space<vmem>> -> memref<1x64xi32, #tpu.memory_space<vmem>>
        %dma_wait3A_620 = tpu.memref_squeeze %dma_wait3A_619 : memref<1x64xi32, #tpu.memory_space<vmem>> -> memref<64xi32, #tpu.memory_space<vmem>>
        %dma_wait3A_621 = arith.constant 0 : i32
        %dma_wait3A_622 = arith.constant 0 : i32
        %dma_wait3A_623 = tpu.memref_slice %arg2[%dma_wait3A_621, %dma_wait3A_622] : memref<10000x128xf32, #tpu.memory_space<hbm>> -> memref<10000x128xf32, #tpu.memory_space<hbm>>
        tpu.wait_indirect_dma semaphore(%arg12 : memref<!tpu.dma_semaphore, #tpu.memory_space<semaphore_mem>>) src(%dma_wait3A_623 : memref<10000x128xf32, #tpu.memory_space<hbm>>) dst(%dma_wait3A_617 : memref<64x128xf32, #tpu.memory_space<vmem>>)
        %run_scoped3A = arith.constant 0 : i32
        "tpu.region"() ({
          %run_scoped3A_699 = tpu.sem_alloc : memref<!tpu.dma_semaphore, #tpu.memory_space<semaphore_mem>>
          %dma_start3A_700 = arith.constant 0 : i32
          %dma_start3A_701 = arith.constant 0 : i32
          %dma_start3A_702 = tpu.memref_slice %arg8[%run_scoped3A, %dma_start3A_700, %dma_start3A_701] : memref<4x64x128xf32, #tpu.memory_space<vmem>> -> memref<1x64x128xf32, #tpu.memory_space<vmem>>
          %dma_start3A_703 = tpu.memref_squeeze %dma_start3A_702 : memref<1x64x128xf32, #tpu.memory_space<vmem>> -> memref<64x128xf32, #tpu.memory_space<vmem>>
          %dma_start3A_704 = arith.constant 0 : i32
          %dma_start3A_705 = tpu.memref_slice %arg7[%add3A_613, %dma_start3A_704] : memref<40x64xi32, #tpu.memory_space<vmem>> -> memref<1x64xi32, #tpu.memory_space<vmem>>
          %dma_start3A_706 = tpu.memref_squeeze %dma_start3A_705 : memref<1x64xi32, #tpu.memory_space<vmem>> -> memref<64xi32, #tpu.memory_space<vmem>>
          %dma_start3A_707 = arith.constant 0 : i32
          %dma_start3A_708 = arith.constant 0 : i32
          %dma_start3A_709 = tpu.memref_slice %arg10[%dma_start3A_707, %dma_start3A_708] : memref<10112x128xf32, #tpu.memory_space<vmem_shared>> -> memref<10112x128xf32, #tpu.memory_space<vmem_shared>>
          tpu.enqueue_indirect_dma source(%dma_start3A_703 : memref<64x128xf32, #tpu.memory_space<vmem>>) target(%dma_start3A_709 : memref<10112x128xf32, #tpu.memory_space<vmem_shared>>) offsets(%dma_start3A_706 : memref<64xi32, #tpu.memory_space<vmem>>) semaphore(%run_scoped3A_699 : memref<!tpu.dma_semaphore, #tpu.memory_space<semaphore_mem>>) {add = true}
          %dma_wait3A_710 = arith.constant 0 : i32
          %dma_wait3A_711 = arith.constant 0 : i32
          %dma_wait3A_712 = tpu.memref_slice %arg8[%run_scoped3A, %dma_wait3A_710, %dma_wait3A_711] : memref<4x64x128xf32, #tpu.memory_space<vmem>> -> memref<1x64x128xf32, #tpu.memory_space<vmem>>
          %dma_wait3A_713 = tpu.memref_squeeze %dma_wait3A_712 : memref<1x64x128xf32, #tpu.memory_space<vmem>> -> memref<64x128xf32, #tpu.memory_space<vmem>>
          %dma_wait3A_714 = arith.constant 0 : i32
          %dma_wait3A_715 = tpu.memref_slice %arg7[%add3A_613, %dma_wait3A_714] : memref<40x64xi32, #tpu.memory_space<vmem>> -> memref<1x64xi32, #tpu.memory_space<vmem>>
          %dma_wait3A_716 = tpu.memref_squeeze %dma_wait3A_715 : memref<1x64xi32, #tpu.memory_space<vmem>> -> memref<64xi32, #tpu.memory_space<vmem>>
          %dma_wait3A_717 = arith.constant 0 : i32
          %dma_wait3A_718 = arith.constant 0 : i32
          %dma_wait3A_719 = tpu.memref_slice %arg10[%dma_wait3A_717, %dma_wait3A_718] : memref<10112x128xf32, #tpu.memory_space<vmem_shared>> -> memref<10112x128xf32, #tpu.memory_space<vmem_shared>>
          tpu.wait_indirect_dma semaphore(%run_scoped3A_699 : memref<!tpu.dma_semaphore, #tpu.memory_space<semaphore_mem>>) src(%dma_wait3A_713 : memref<64x128xf32, #tpu.memory_space<vmem>>) dst(%dma_wait3A_719 : memref<10112x128xf32, #tpu.memory_space<vmem_shared>>)
          tpu.yield
        }) : () -> ()
        %add3A_624 = arith.constant 4 : i32
        %add3A_625 = arith.addi %add3A_613, %add3A_624 : i32
        %lt3A = arith.constant 40 : i32
        %lt3A_626 = arith.cmpi slt, %add3A_625, %lt3A : i32
        %convert_element_type3A_627 = arith.extui %lt3A_626 : i1 to i32
        %cond3A_628 = arith.constant 0 : i32
        %cond3A_629 = arith.cmpi ne, %convert_element_type3A_627, %cond3A_628 : i32
        scf.if %cond3A_629 {
          %dma_start3A_699 = arith.constant 0 : i32
          %dma_start3A_700 = arith.constant 0 : i32
          %dma_start3A_701 = arith.constant 0 : i32
          %dma_start3A_702 = tpu.memref_slice %arg8[%dma_start3A_699, %dma_start3A_700, %dma_start3A_701] : memref<4x64x128xf32, #tpu.memory_space<vmem>> -> memref<1x64x128xf32, #tpu.memory_space<vmem>>
          %dma_start3A_703 = tpu.memref_squeeze %dma_start3A_702 : memref<1x64x128xf32, #tpu.memory_space<vmem>> -> memref<64x128xf32, #tpu.memory_space<vmem>>
          %dma_start3A_704 = arith.constant 0 : i32
          %dma_start3A_705 = tpu.memref_slice %arg6[%add3A_625, %dma_start3A_704] : memref<40x64xi32, #tpu.memory_space<vmem>> -> memref<1x64xi32, #tpu.memory_space<vmem>>
          %dma_start3A_706 = tpu.memref_squeeze %dma_start3A_705 : memref<1x64xi32, #tpu.memory_space<vmem>> -> memref<64xi32, #tpu.memory_space<vmem>>
          %dma_start3A_707 = arith.constant 0 : i32
          %dma_start3A_708 = arith.constant 0 : i32
          %dma_start3A_709 = tpu.memref_slice %arg2[%dma_start3A_707, %dma_start3A_708] : memref<10000x128xf32, #tpu.memory_space<hbm>> -> memref<10000x128xf32, #tpu.memory_space<hbm>>
          tpu.enqueue_indirect_dma source(%dma_start3A_709 : memref<10000x128xf32, #tpu.memory_space<hbm>>) target(%dma_start3A_703 : memref<64x128xf32, #tpu.memory_space<vmem>>) offsets(%dma_start3A_706 : memref<64xi32, #tpu.memory_space<vmem>>) semaphore(%arg12 : memref<!tpu.dma_semaphore, #tpu.memory_space<semaphore_mem>>)
        } else {
        }
        %mul3A_630 = arith.constant 4 : i32
        %mul3A_631 = arith.muli %while3A_609, %mul3A_630 : i32
        %add3A_632 = arith.constant 1 : i32
        %add3A_633 = arith.addi %mul3A_631, %add3A_632 : i32
        %dma_wait3A_634 = arith.constant 1 : i32
        %dma_wait3A_635 = arith.constant 0 : i32
        %dma_wait3A_636 = arith.constant 0 : i32
        %dma_wait3A_637 = tpu.memref_slice %arg8[%dma_wait3A_634, %dma_wait3A_635, %dma_wait3A_636] : memref<4x64x128xf32, #tpu.memory_space<vmem>> -> memref<1x64x128xf32, #tpu.memory_space<vmem>>
        %dma_wait3A_638 = tpu.memref_squeeze %dma_wait3A_637 : memref<1x64x128xf32, #tpu.memory_space<vmem>> -> memref<64x128xf32, #tpu.memory_space<vmem>>
        %dma_wait3A_639 = arith.constant 0 : i32
        %dma_wait3A_640 = tpu.memref_slice %arg6[%add3A_633, %dma_wait3A_639] : memref<40x64xi32, #tpu.memory_space<vmem>> -> memref<1x64xi32, #tpu.memory_space<vmem>>
        %dma_wait3A_641 = tpu.memref_squeeze %dma_wait3A_640 : memref<1x64xi32, #tpu.memory_space<vmem>> -> memref<64xi32, #tpu.memory_space<vmem>>
        %dma_wait3A_642 = arith.constant 0 : i32
        %dma_wait3A_643 = arith.constant 0 : i32
        %dma_wait3A_644 = tpu.memref_slice %arg2[%dma_wait3A_642, %dma_wait3A_643] : memref<10000x128xf32, #tpu.memory_space<hbm>> -> memref<10000x128xf32, #tpu.memory_space<hbm>>
        tpu.wait_indirect_dma semaphore(%arg13 : memref<!tpu.dma_semaphore, #tpu.memory_space<semaphore_mem>>) src(%dma_wait3A_644 : memref<10000x128xf32, #tpu.memory_space<hbm>>) dst(%dma_wait3A_638 : memref<64x128xf32, #tpu.memory_space<vmem>>)
        %run_scoped3A_645 = arith.constant 1 : i32
        "tpu.region"() ({
          %run_scoped3A_699 = tpu.sem_alloc : memref<!tpu.dma_semaphore, #tpu.memory_space<semaphore_mem>>
          %dma_start3A_700 = arith.constant 0 : i32
          %dma_start3A_701 = arith.constant 0 : i32
          %dma_start3A_702 = tpu.memref_slice %arg8[%run_scoped3A_645, %dma_start3A_700, %dma_start3A_701] : memref<4x64x128xf32, #tpu.memory_space<vmem>> -> memref<1x64x128xf32, #tpu.memory_space<vmem>>
          %dma_start3A_703 = tpu.memref_squeeze %dma_start3A_702 : memref<1x64x128xf32, #tpu.memory_space<vmem>> -> memref<64x128xf32, #tpu.memory_space<vmem>>
          %dma_start3A_704 = arith.constant 0 : i32
          %dma_start3A_705 = tpu.memref_slice %arg7[%add3A_633, %dma_start3A_704] : memref<40x64xi32, #tpu.memory_space<vmem>> -> memref<1x64xi32, #tpu.memory_space<vmem>>
          %dma_start3A_706 = tpu.memref_squeeze %dma_start3A_705 : memref<1x64xi32, #tpu.memory_space<vmem>> -> memref<64xi32, #tpu.memory_space<vmem>>
          %dma_start3A_707 = arith.constant 0 : i32
          %dma_start3A_708 = arith.constant 0 : i32
          %dma_start3A_709 = tpu.memref_slice %arg10[%dma_start3A_707, %dma_start3A_708] : memref<10112x128xf32, #tpu.memory_space<vmem_shared>> -> memref<10112x128xf32, #tpu.memory_space<vmem_shared>>
          tpu.enqueue_indirect_dma source(%dma_start3A_703 : memref<64x128xf32, #tpu.memory_space<vmem>>) target(%dma_start3A_709 : memref<10112x128xf32, #tpu.memory_space<vmem_shared>>) offsets(%dma_start3A_706 : memref<64xi32, #tpu.memory_space<vmem>>) semaphore(%run_scoped3A_699 : memref<!tpu.dma_semaphore, #tpu.memory_space<semaphore_mem>>) {add = true}
          %dma_wait3A_710 = arith.constant 0 : i32
          %dma_wait3A_711 = arith.constant 0 : i32
          %dma_wait3A_712 = tpu.memref_slice %arg8[%run_scoped3A_645, %dma_wait3A_710, %dma_wait3A_711] : memref<4x64x128xf32, #tpu.memory_space<vmem>> -> memref<1x64x128xf32, #tpu.memory_space<vmem>>
          %dma_wait3A_713 = tpu.memref_squeeze %dma_wait3A_712 : memref<1x64x128xf32, #tpu.memory_space<vmem>> -> memref<64x128xf32, #tpu.memory_space<vmem>>
          %dma_wait3A_714 = arith.constant 0 : i32
          %dma_wait3A_715 = tpu.memref_slice %arg7[%add3A_633, %dma_wait3A_714] : memref<40x64xi32, #tpu.memory_space<vmem>> -> memref<1x64xi32, #tpu.memory_space<vmem>>
          %dma_wait3A_716 = tpu.memref_squeeze %dma_wait3A_715 : memref<1x64xi32, #tpu.memory_space<vmem>> -> memref<64xi32, #tpu.memory_space<vmem>>
          %dma_wait3A_717 = arith.constant 0 : i32
          %dma_wait3A_718 = arith.constant 0 : i32
          %dma_wait3A_719 = tpu.memref_slice %arg10[%dma_wait3A_717, %dma_wait3A_718] : memref<10112x128xf32, #tpu.memory_space<vmem_shared>> -> memref<10112x128xf32, #tpu.memory_space<vmem_shared>>
          tpu.wait_indirect_dma semaphore(%run_scoped3A_699 : memref<!tpu.dma_semaphore, #tpu.memory_space<semaphore_mem>>) src(%dma_wait3A_713 : memref<64x128xf32, #tpu.memory_space<vmem>>) dst(%dma_wait3A_719 : memref<10112x128xf32, #tpu.memory_space<vmem_shared>>)
          tpu.yield
        }) : () -> ()
        %add3A_646 = arith.constant 4 : i32
        %add3A_647 = arith.addi %add3A_633, %add3A_646 : i32
        %lt3A_648 = arith.constant 40 : i32
        %lt3A_649 = arith.cmpi slt, %add3A_647, %lt3A_648 : i32
        %convert_element_type3A_650 = arith.extui %lt3A_649 : i1 to i32
        %cond3A_651 = arith.constant 0 : i32
        %cond3A_652 = arith.cmpi ne, %convert_element_type3A_650, %cond3A_651 : i32
        scf.if %cond3A_652 {
          %dma_start3A_699 = arith.constant 1 : i32
          %dma_start3A_700 = arith.constant 0 : i32
          %dma_start3A_701 = arith.constant 0 : i32
          %dma_start3A_702 = tpu.memref_slice %arg8[%dma_start3A_699, %dma_start3A_700, %dma_start3A_701] : memref<4x64x128xf32, #tpu.memory_space<vmem>> -> memref<1x64x128xf32, #tpu.memory_space<vmem>>
          %dma_start3A_703 = tpu.memref_squeeze %dma_start3A_702 : memref<1x64x128xf32, #tpu.memory_space<vmem>> -> memref<64x128xf32, #tpu.memory_space<vmem>>
          %dma_start3A_704 = arith.constant 0 : i32
          %dma_start3A_705 = tpu.memref_slice %arg6[%add3A_647, %dma_start3A_704] : memref<40x64xi32, #tpu.memory_space<vmem>> -> memref<1x64xi32, #tpu.memory_space<vmem>>
          %dma_start3A_706 = tpu.memref_squeeze %dma_start3A_705 : memref<1x64xi32, #tpu.memory_space<vmem>> -> memref<64xi32, #tpu.memory_space<vmem>>
          %dma_start3A_707 = arith.constant 0 : i32
          %dma_start3A_708 = arith.constant 0 : i32
          %dma_start3A_709 = tpu.memref_slice %arg2[%dma_start3A_707, %dma_start3A_708] : memref<10000x128xf32, #tpu.memory_space<hbm>> -> memref<10000x128xf32, #tpu.memory_space<hbm>>
          tpu.enqueue_indirect_dma source(%dma_start3A_709 : memref<10000x128xf32, #tpu.memory_space<hbm>>) target(%dma_start3A_703 : memref<64x128xf32, #tpu.memory_space<vmem>>) offsets(%dma_start3A_706 : memref<64xi32, #tpu.memory_space<vmem>>) semaphore(%arg13 : memref<!tpu.dma_semaphore, #tpu.memory_space<semaphore_mem>>)
        } else {
        }
        %mul3A_653 = arith.constant 4 : i32
        %mul3A_654 = arith.muli %while3A_609, %mul3A_653 : i32
        %add3A_655 = arith.constant 2 : i32
        %add3A_656 = arith.addi %mul3A_654, %add3A_655 : i32
        %dma_wait3A_657 = arith.constant 2 : i32
        %dma_wait3A_658 = arith.constant 0 : i32
        %dma_wait3A_659 = arith.constant 0 : i32
        %dma_wait3A_660 = tpu.memref_slice %arg8[%dma_wait3A_657, %dma_wait3A_658, %dma_wait3A_659] : memref<4x64x128xf32, #tpu.memory_space<vmem>> -> memref<1x64x128xf32, #tpu.memory_space<vmem>>
        %dma_wait3A_661 = tpu.memref_squeeze %dma_wait3A_660 : memref<1x64x128xf32, #tpu.memory_space<vmem>> -> memref<64x128xf32, #tpu.memory_space<vmem>>
        %dma_wait3A_662 = arith.constant 0 : i32
        %dma_wait3A_663 = tpu.memref_slice %arg6[%add3A_656, %dma_wait3A_662] : memref<40x64xi32, #tpu.memory_space<vmem>> -> memref<1x64xi32, #tpu.memory_space<vmem>>
        %dma_wait3A_664 = tpu.memref_squeeze %dma_wait3A_663 : memref<1x64xi32, #tpu.memory_space<vmem>> -> memref<64xi32, #tpu.memory_space<vmem>>
        %dma_wait3A_665 = arith.constant 0 : i32
        %dma_wait3A_666 = arith.constant 0 : i32
        %dma_wait3A_667 = tpu.memref_slice %arg2[%dma_wait3A_665, %dma_wait3A_666] : memref<10000x128xf32, #tpu.memory_space<hbm>> -> memref<10000x128xf32, #tpu.memory_space<hbm>>
        tpu.wait_indirect_dma semaphore(%arg14 : memref<!tpu.dma_semaphore, #tpu.memory_space<semaphore_mem>>) src(%dma_wait3A_667 : memref<10000x128xf32, #tpu.memory_space<hbm>>) dst(%dma_wait3A_661 : memref<64x128xf32, #tpu.memory_space<vmem>>)
        %run_scoped3A_668 = arith.constant 2 : i32
        "tpu.region"() ({
          %run_scoped3A_699 = tpu.sem_alloc : memref<!tpu.dma_semaphore, #tpu.memory_space<semaphore_mem>>
          %dma_start3A_700 = arith.constant 0 : i32
          %dma_start3A_701 = arith.constant 0 : i32
          %dma_start3A_702 = tpu.memref_slice %arg8[%run_scoped3A_668, %dma_start3A_700, %dma_start3A_701] : memref<4x64x128xf32, #tpu.memory_space<vmem>> -> memref<1x64x128xf32, #tpu.memory_space<vmem>>
          %dma_start3A_703 = tpu.memref_squeeze %dma_start3A_702 : memref<1x64x128xf32, #tpu.memory_space<vmem>> -> memref<64x128xf32, #tpu.memory_space<vmem>>
          %dma_start3A_704 = arith.constant 0 : i32
          %dma_start3A_705 = tpu.memref_slice %arg7[%add3A_656, %dma_start3A_704] : memref<40x64xi32, #tpu.memory_space<vmem>> -> memref<1x64xi32, #tpu.memory_space<vmem>>
          %dma_start3A_706 = tpu.memref_squeeze %dma_start3A_705 : memref<1x64xi32, #tpu.memory_space<vmem>> -> memref<64xi32, #tpu.memory_space<vmem>>
          %dma_start3A_707 = arith.constant 0 : i32
          %dma_start3A_708 = arith.constant 0 : i32
          %dma_start3A_709 = tpu.memref_slice %arg10[%dma_start3A_707, %dma_start3A_708] : memref<10112x128xf32, #tpu.memory_space<vmem_shared>> -> memref<10112x128xf32, #tpu.memory_space<vmem_shared>>
          tpu.enqueue_indirect_dma source(%dma_start3A_703 : memref<64x128xf32, #tpu.memory_space<vmem>>) target(%dma_start3A_709 : memref<10112x128xf32, #tpu.memory_space<vmem_shared>>) offsets(%dma_start3A_706 : memref<64xi32, #tpu.memory_space<vmem>>) semaphore(%run_scoped3A_699 : memref<!tpu.dma_semaphore, #tpu.memory_space<semaphore_mem>>) {add = true}
          %dma_wait3A_710 = arith.constant 0 : i32
          %dma_wait3A_711 = arith.constant 0 : i32
          %dma_wait3A_712 = tpu.memref_slice %arg8[%run_scoped3A_668, %dma_wait3A_710, %dma_wait3A_711] : memref<4x64x128xf32, #tpu.memory_space<vmem>> -> memref<1x64x128xf32, #tpu.memory_space<vmem>>
          %dma_wait3A_713 = tpu.memref_squeeze %dma_wait3A_712 : memref<1x64x128xf32, #tpu.memory_space<vmem>> -> memref<64x128xf32, #tpu.memory_space<vmem>>
          %dma_wait3A_714 = arith.constant 0 : i32
          %dma_wait3A_715 = tpu.memref_slice %arg7[%add3A_656, %dma_wait3A_714] : memref<40x64xi32, #tpu.memory_space<vmem>> -> memref<1x64xi32, #tpu.memory_space<vmem>>
          %dma_wait3A_716 = tpu.memref_squeeze %dma_wait3A_715 : memref<1x64xi32, #tpu.memory_space<vmem>> -> memref<64xi32, #tpu.memory_space<vmem>>
          %dma_wait3A_717 = arith.constant 0 : i32
          %dma_wait3A_718 = arith.constant 0 : i32
          %dma_wait3A_719 = tpu.memref_slice %arg10[%dma_wait3A_717, %dma_wait3A_718] : memref<10112x128xf32, #tpu.memory_space<vmem_shared>> -> memref<10112x128xf32, #tpu.memory_space<vmem_shared>>
          tpu.wait_indirect_dma semaphore(%run_scoped3A_699 : memref<!tpu.dma_semaphore, #tpu.memory_space<semaphore_mem>>) src(%dma_wait3A_713 : memref<64x128xf32, #tpu.memory_space<vmem>>) dst(%dma_wait3A_719 : memref<10112x128xf32, #tpu.memory_space<vmem_shared>>)
          tpu.yield
        }) : () -> ()
        %add3A_669 = arith.constant 4 : i32
        %add3A_670 = arith.addi %add3A_656, %add3A_669 : i32
        %lt3A_671 = arith.constant 40 : i32
        %lt3A_672 = arith.cmpi slt, %add3A_670, %lt3A_671 : i32
        %convert_element_type3A_673 = arith.extui %lt3A_672 : i1 to i32
        %cond3A_674 = arith.constant 0 : i32
        %cond3A_675 = arith.cmpi ne, %convert_element_type3A_673, %cond3A_674 : i32
        scf.if %cond3A_675 {
          %dma_start3A_699 = arith.constant 2 : i32
          %dma_start3A_700 = arith.constant 0 : i32
          %dma_start3A_701 = arith.constant 0 : i32
          %dma_start3A_702 = tpu.memref_slice %arg8[%dma_start3A_699, %dma_start3A_700, %dma_start3A_701] : memref<4x64x128xf32, #tpu.memory_space<vmem>> -> memref<1x64x128xf32, #tpu.memory_space<vmem>>
          %dma_start3A_703 = tpu.memref_squeeze %dma_start3A_702 : memref<1x64x128xf32, #tpu.memory_space<vmem>> -> memref<64x128xf32, #tpu.memory_space<vmem>>
          %dma_start3A_704 = arith.constant 0 : i32
          %dma_start3A_705 = tpu.memref_slice %arg6[%add3A_670, %dma_start3A_704] : memref<40x64xi32, #tpu.memory_space<vmem>> -> memref<1x64xi32, #tpu.memory_space<vmem>>
          %dma_start3A_706 = tpu.memref_squeeze %dma_start3A_705 : memref<1x64xi32, #tpu.memory_space<vmem>> -> memref<64xi32, #tpu.memory_space<vmem>>
          %dma_start3A_707 = arith.constant 0 : i32
          %dma_start3A_708 = arith.constant 0 : i32
          %dma_start3A_709 = tpu.memref_slice %arg2[%dma_start3A_707, %dma_start3A_708] : memref<10000x128xf32, #tpu.memory_space<hbm>> -> memref<10000x128xf32, #tpu.memory_space<hbm>>
          tpu.enqueue_indirect_dma source(%dma_start3A_709 : memref<10000x128xf32, #tpu.memory_space<hbm>>) target(%dma_start3A_703 : memref<64x128xf32, #tpu.memory_space<vmem>>) offsets(%dma_start3A_706 : memref<64xi32, #tpu.memory_space<vmem>>) semaphore(%arg14 : memref<!tpu.dma_semaphore, #tpu.memory_space<semaphore_mem>>)
        } else {
        }
        %mul3A_676 = arith.constant 4 : i32
        %mul3A_677 = arith.muli %while3A_609, %mul3A_676 : i32
        %add3A_678 = arith.constant 3 : i32
        %add3A_679 = arith.addi %mul3A_677, %add3A_678 : i32
        %dma_wait3A_680 = arith.constant 3 : i32
        %dma_wait3A_681 = arith.constant 0 : i32
        %dma_wait3A_682 = arith.constant 0 : i32
        %dma_wait3A_683 = tpu.memref_slice %arg8[%dma_wait3A_680, %dma_wait3A_681, %dma_wait3A_682] : memref<4x64x128xf32, #tpu.memory_space<vmem>> -> memref<1x64x128xf32, #tpu.memory_space<vmem>>
        %dma_wait3A_684 = tpu.memref_squeeze %dma_wait3A_683 : memref<1x64x128xf32, #tpu.memory_space<vmem>> -> memref<64x128xf32, #tpu.memory_space<vmem>>
        %dma_wait3A_685 = arith.constant 0 : i32
        %dma_wait3A_686 = tpu.memref_slice %arg6[%add3A_679, %dma_wait3A_685] : memref<40x64xi32, #tpu.memory_space<vmem>> -> memref<1x64xi32, #tpu.memory_space<vmem>>
        %dma_wait3A_687 = tpu.memref_squeeze %dma_wait3A_686 : memref<1x64xi32, #tpu.memory_space<vmem>> -> memref<64xi32, #tpu.memory_space<vmem>>
        %dma_wait3A_688 = arith.constant 0 : i32
        %dma_wait3A_689 = arith.constant 0 : i32
        %dma_wait3A_690 = tpu.memref_slice %arg2[%dma_wait3A_688, %dma_wait3A_689] : memref<10000x128xf32, #tpu.memory_space<hbm>> -> memref<10000x128xf32, #tpu.memory_space<hbm>>
        tpu.wait_indirect_dma semaphore(%arg15 : memref<!tpu.dma_semaphore, #tpu.memory_space<semaphore_mem>>) src(%dma_wait3A_690 : memref<10000x128xf32, #tpu.memory_space<hbm>>) dst(%dma_wait3A_684 : memref<64x128xf32, #tpu.memory_space<vmem>>)
        %run_scoped3A_691 = arith.constant 3 : i32
        "tpu.region"() ({
          %run_scoped3A_699 = tpu.sem_alloc : memref<!tpu.dma_semaphore, #tpu.memory_space<semaphore_mem>>
          %dma_start3A_700 = arith.constant 0 : i32
          %dma_start3A_701 = arith.constant 0 : i32
          %dma_start3A_702 = tpu.memref_slice %arg8[%run_scoped3A_691, %dma_start3A_700, %dma_start3A_701] : memref<4x64x128xf32, #tpu.memory_space<vmem>> -> memref<1x64x128xf32, #tpu.memory_space<vmem>>
          %dma_start3A_703 = tpu.memref_squeeze %dma_start3A_702 : memref<1x64x128xf32, #tpu.memory_space<vmem>> -> memref<64x128xf32, #tpu.memory_space<vmem>>
          %dma_start3A_704 = arith.constant 0 : i32
          %dma_start3A_705 = tpu.memref_slice %arg7[%add3A_679, %dma_start3A_704] : memref<40x64xi32, #tpu.memory_space<vmem>> -> memref<1x64xi32, #tpu.memory_space<vmem>>
          %dma_start3A_706 = tpu.memref_squeeze %dma_start3A_705 : memref<1x64xi32, #tpu.memory_space<vmem>> -> memref<64xi32, #tpu.memory_space<vmem>>
          %dma_start3A_707 = arith.constant 0 : i32
          %dma_start3A_708 = arith.constant 0 : i32
          %dma_start3A_709 = tpu.memref_slice %arg10[%dma_start3A_707, %dma_start3A_708] : memref<10112x128xf32, #tpu.memory_space<vmem_shared>> -> memref<10112x128xf32, #tpu.memory_space<vmem_shared>>
          tpu.enqueue_indirect_dma source(%dma_start3A_703 : memref<64x128xf32, #tpu.memory_space<vmem>>) target(%dma_start3A_709 : memref<10112x128xf32, #tpu.memory_space<vmem_shared>>) offsets(%dma_start3A_706 : memref<64xi32, #tpu.memory_space<vmem>>) semaphore(%run_scoped3A_699 : memref<!tpu.dma_semaphore, #tpu.memory_space<semaphore_mem>>) {add = true}
          %dma_wait3A_710 = arith.constant 0 : i32
          %dma_wait3A_711 = arith.constant 0 : i32
          %dma_wait3A_712 = tpu.memref_slice %arg8[%run_scoped3A_691, %dma_wait3A_710, %dma_wait3A_711] : memref<4x64x128xf32, #tpu.memory_space<vmem>> -> memref<1x64x128xf32, #tpu.memory_space<vmem>>
          %dma_wait3A_713 = tpu.memref_squeeze %dma_wait3A_712 : memref<1x64x128xf32, #tpu.memory_space<vmem>> -> memref<64x128xf32, #tpu.memory_space<vmem>>
          %dma_wait3A_714 = arith.constant 0 : i32
          %dma_wait3A_715 = tpu.memref_slice %arg7[%add3A_679, %dma_wait3A_714] : memref<40x64xi32, #tpu.memory_space<vmem>> -> memref<1x64xi32, #tpu.memory_space<vmem>>
          %dma_wait3A_716 = tpu.memref_squeeze %dma_wait3A_715 : memref<1x64xi32, #tpu.memory_space<vmem>> -> memref<64xi32, #tpu.memory_space<vmem>>
          %dma_wait3A_717 = arith.constant 0 : i32
          %dma_wait3A_718 = arith.constant 0 : i32
          %dma_wait3A_719 = tpu.memref_slice %arg10[%dma_wait3A_717, %dma_wait3A_718] : memref<10112x128xf32, #tpu.memory_space<vmem_shared>> -> memref<10112x128xf32, #tpu.memory_space<vmem_shared>>
          tpu.wait_indirect_dma semaphore(%run_scoped3A_699 : memref<!tpu.dma_semaphore, #tpu.memory_space<semaphore_mem>>) src(%dma_wait3A_713 : memref<64x128xf32, #tpu.memory_space<vmem>>) dst(%dma_wait3A_719 : memref<10112x128xf32, #tpu.memory_space<vmem_shared>>)
          tpu.yield
        }) : () -> ()
        %add3A_692 = arith.constant 4 : i32
        %add3A_693 = arith.addi %add3A_679, %add3A_692 : i32
        %lt3A_694 = arith.constant 40 : i32
        %lt3A_695 = arith.cmpi slt, %add3A_693, %lt3A_694 : i32
        %convert_element_type3A_696 = arith.extui %lt3A_695 : i1 to i32
        %cond3A_697 = arith.constant 0 : i32
        %cond3A_698 = arith.cmpi ne, %convert_element_type3A_696, %cond3A_697 : i32
        scf.if %cond3A_698 {
          %dma_start3A_699 = arith.constant 3 : i32
          %dma_start3A_700 = arith.constant 0 : i32
          %dma_start3A_701 = arith.constant 0 : i32
          %dma_start3A_702 = tpu.memref_slice %arg8[%dma_start3A_699, %dma_start3A_700, %dma_start3A_701] : memref<4x64x128xf32, #tpu.memory_space<vmem>> -> memref<1x64x128xf32, #tpu.memory_space<vmem>>
          %dma_start3A_703 = tpu.memref_squeeze %dma_start3A_702 : memref<1x64x128xf32, #tpu.memory_space<vmem>> -> memref<64x128xf32, #tpu.memory_space<vmem>>
          %dma_start3A_704 = arith.constant 0 : i32
          %dma_start3A_705 = tpu.memref_slice %arg6[%add3A_693, %dma_start3A_704] : memref<40x64xi32, #tpu.memory_space<vmem>> -> memref<1x64xi32, #tpu.memory_space<vmem>>
          %dma_start3A_706 = tpu.memref_squeeze %dma_start3A_705 : memref<1x64xi32, #tpu.memory_space<vmem>> -> memref<64xi32, #tpu.memory_space<vmem>>
          %dma_start3A_707 = arith.constant 0 : i32
          %dma_start3A_708 = arith.constant 0 : i32
          %dma_start3A_709 = tpu.memref_slice %arg2[%dma_start3A_707, %dma_start3A_708] : memref<10000x128xf32, #tpu.memory_space<hbm>> -> memref<10000x128xf32, #tpu.memory_space<hbm>>
          tpu.enqueue_indirect_dma source(%dma_start3A_709 : memref<10000x128xf32, #tpu.memory_space<hbm>>) target(%dma_start3A_703 : memref<64x128xf32, #tpu.memory_space<vmem>>) offsets(%dma_start3A_706 : memref<64xi32, #tpu.memory_space<vmem>>) semaphore(%arg15 : memref<!tpu.dma_semaphore, #tpu.memory_space<semaphore_mem>>)
        } else {
        }
      }
    }
    %while3A_542 = arith.constant 1 : i32
    scf.for %while3A_548 = %while3A_540 to %while3A_536 step %while3A_542  : i32 {
      %gt3A = arith.constant 0 : i32
      %gt3A_549 = arith.cmpi sgt, %while3A_548, %gt3A : i32
      %convert_element_type3A = arith.extui %gt3A_549 : i1 to i32
      %cond3A = arith.constant 0 : i32
      %cond3A_550 = arith.cmpi ne, %convert_element_type3A, %cond3A : i32
      scf.if %cond3A_550 {
        %mul3A_609 = arith.constant 40 : i32
        %mul3A_610 = arith.muli %while3A_548, %mul3A_609 : i32
        %multiple_of3A = tpu.assume_multiple %mul3A_610, 8 : i32
        "tpu.region"() ({
          %run_scoped3A = tpu.sem_alloc : memref<!tpu.dma_semaphore, #tpu.memory_space<semaphore_mem>>
          %dma_start3A_611 = arith.constant 0 : i32
          %dma_start3A_612 = arith.constant 0 : i32
          %dma_start3A_613 = tpu.memref_slice %arg3[%add3A, %dma_start3A_611, %dma_start3A_612] : memref<32x160x64xi32, #tpu.memory_space<hbm>> -> memref<1x160x64xi32, #tpu.memory_space<hbm>>
          %dma_start3A_614 = tpu.memref_squeeze %dma_start3A_613 : memref<1x160x64xi32, #tpu.memory_space<hbm>> -> memref<160x64xi32, #tpu.memory_space<hbm>>
          %dma_start3A_615 = arith.constant 0 : i32
          %dma_start3A_616 = tpu.memref_slice %dma_start3A_614[%multiple_of3A, %dma_start3A_615] : memref<160x64xi32, #tpu.memory_space<hbm>> -> memref<40x64xi32, #tpu.memory_space<hbm>>
          %dma_start3A_617 = arith.constant 0 : i32
          %dma_start3A_618 = arith.constant 0 : i32
          %dma_start3A_619 = tpu.memref_slice %arg3[%add3A, %dma_start3A_617, %dma_start3A_618] : memref<32x160x64xi32, #tpu.memory_space<hbm>> -> memref<1x160x64xi32, #tpu.memory_space<hbm>>
          %dma_start3A_620 = tpu.memref_squeeze %dma_start3A_619 : memref<1x160x64xi32, #tpu.memory_space<hbm>> -> memref<160x64xi32, #tpu.memory_space<hbm>>
          %dma_start3A_621 = arith.constant 0 : i32
          %dma_start3A_622 = tpu.memref_slice %dma_start3A_620[%multiple_of3A, %dma_start3A_621] : memref<160x64xi32, #tpu.memory_space<hbm>> -> memref<40x64xi32, #tpu.memory_space<hbm>>
          tpu.enqueue_dma source(%dma_start3A_622 : memref<40x64xi32, #tpu.memory_space<hbm>>) target(%arg6 : memref<40x64xi32, #tpu.memory_space<vmem>>) target_semaphore(%run_scoped3A : memref<!tpu.dma_semaphore, #tpu.memory_space<semaphore_mem>>)
          %dma_wait3A = arith.constant 0 : i32
          %dma_wait3A_623 = arith.constant 0 : i32
          %dma_wait3A_624 = tpu.memref_slice %arg3[%add3A, %dma_wait3A, %dma_wait3A_623] : memref<32x160x64xi32, #tpu.memory_space<hbm>> -> memref<1x160x64xi32, #tpu.memory_space<hbm>>
          %dma_wait3A_625 = tpu.memref_squeeze %dma_wait3A_624 : memref<1x160x64xi32, #tpu.memory_space<hbm>> -> memref<160x64xi32, #tpu.memory_space<hbm>>
          %dma_wait3A_626 = arith.constant 0 : i32
          %dma_wait3A_627 = tpu.memref_slice %dma_wait3A_625[%multiple_of3A, %dma_wait3A_626] : memref<160x64xi32, #tpu.memory_space<hbm>> -> memref<40x64xi32, #tpu.memory_space<hbm>>
          %dma_wait3A_628 = arith.constant 0 : i32
          %dma_wait3A_629 = arith.constant 0 : i32
          %dma_wait3A_630 = tpu.memref_slice %arg3[%add3A, %dma_wait3A_628, %dma_wait3A_629] : memref<32x160x64xi32, #tpu.memory_space<hbm>> -> memref<1x160x64xi32, #tpu.memory_space<hbm>>
          %dma_wait3A_631 = tpu.memref_squeeze %dma_wait3A_630 : memref<1x160x64xi32, #tpu.memory_space<hbm>> -> memref<160x64xi32, #tpu.memory_space<hbm>>
          %dma_wait3A_632 = arith.constant 0 : i32
          %dma_wait3A_633 = tpu.memref_slice %dma_wait3A_631[%multiple_of3A, %dma_wait3A_632] : memref<160x64xi32, #tpu.memory_space<hbm>> -> memref<40x64xi32, #tpu.memory_space<hbm>>
          tpu.wait_dma2 semaphore(%run_scoped3A : memref<!tpu.dma_semaphore, #tpu.memory_space<semaphore_mem>>) src(%dma_wait3A_633 : memref<40x64xi32, #tpu.memory_space<hbm>>) dst(%arg6 : memref<40x64xi32, #tpu.memory_space<vmem>>)
          tpu.yield
        }) : () -> ()
        "tpu.region"() ({
          %run_scoped3A = tpu.sem_alloc : memref<!tpu.dma_semaphore, #tpu.memory_space<semaphore_mem>>
          %dma_start3A_611 = arith.constant 0 : i32
          %dma_start3A_612 = arith.constant 0 : i32
          %dma_start3A_613 = tpu.memref_slice %arg4[%add3A, %dma_start3A_611, %dma_start3A_612] : memref<32x160x64xi32, #tpu.memory_space<hbm>> -> memref<1x160x64xi32, #tpu.memory_space<hbm>>
          %dma_start3A_614 = tpu.memref_squeeze %dma_start3A_613 : memref<1x160x64xi32, #tpu.memory_space<hbm>> -> memref<160x64xi32, #tpu.memory_space<hbm>>
          %dma_start3A_615 = arith.constant 0 : i32
          %dma_start3A_616 = tpu.memref_slice %dma_start3A_614[%multiple_of3A, %dma_start3A_615] : memref<160x64xi32, #tpu.memory_space<hbm>> -> memref<40x64xi32, #tpu.memory_space<hbm>>
          %dma_start3A_617 = arith.constant 0 : i32
          %dma_start3A_618 = arith.constant 0 : i32
          %dma_start3A_619 = tpu.memref_slice %arg4[%add3A, %dma_start3A_617, %dma_start3A_618] : memref<32x160x64xi32, #tpu.memory_space<hbm>> -> memref<1x160x64xi32, #tpu.memory_space<hbm>>
          %dma_start3A_620 = tpu.memref_squeeze %dma_start3A_619 : memref<1x160x64xi32, #tpu.memory_space<hbm>> -> memref<160x64xi32, #tpu.memory_space<hbm>>
          %dma_start3A_621 = arith.constant 0 : i32
          %dma_start3A_622 = tpu.memref_slice %dma_start3A_620[%multiple_of3A, %dma_start3A_621] : memref<160x64xi32, #tpu.memory_space<hbm>> -> memref<40x64xi32, #tpu.memory_space<hbm>>
          tpu.enqueue_dma source(%dma_start3A_622 : memref<40x64xi32, #tpu.memory_space<hbm>>) target(%arg7 : memref<40x64xi32, #tpu.memory_space<vmem>>) target_semaphore(%run_scoped3A : memref<!tpu.dma_semaphore, #tpu.memory_space<semaphore_mem>>)
          %dma_wait3A = arith.constant 0 : i32
          %dma_wait3A_623 = arith.constant 0 : i32
          %dma_wait3A_624 = tpu.memref_slice %arg4[%add3A, %dma_wait3A, %dma_wait3A_623] : memref<32x160x64xi32, #tpu.memory_space<hbm>> -> memref<1x160x64xi32, #tpu.memory_space<hbm>>
          %dma_wait3A_625 = tpu.memref_squeeze %dma_wait3A_624 : memref<1x160x64xi32, #tpu.memory_space<hbm>> -> memref<160x64xi32, #tpu.memory_space<hbm>>
          %dma_wait3A_626 = arith.constant 0 : i32
          %dma_wait3A_627 = tpu.memref_slice %dma_wait3A_625[%multiple_of3A, %dma_wait3A_626] : memref<160x64xi32, #tpu.memory_space<hbm>> -> memref<40x64xi32, #tpu.memory_space<hbm>>
          %dma_wait3A_628 = arith.constant 0 : i32
          %dma_wait3A_629 = arith.constant 0 : i32
          %dma_wait3A_630 = tpu.memref_slice %arg4[%add3A, %dma_wait3A_628, %dma_wait3A_629] : memref<32x160x64xi32, #tpu.memory_space<hbm>> -> memref<1x160x64xi32, #tpu.memory_space<hbm>>
          %dma_wait3A_631 = tpu.memref_squeeze %dma_wait3A_630 : memref<1x160x64xi32, #tpu.memory_space<hbm>> -> memref<160x64xi32, #tpu.memory_space<hbm>>
          %dma_wait3A_632 = arith.constant 0 : i32
          %dma_wait3A_633 = tpu.memref_slice %dma_wait3A_631[%multiple_of3A, %dma_wait3A_632] : memref<160x64xi32, #tpu.memory_space<hbm>> -> memref<40x64xi32, #tpu.memory_space<hbm>>
          tpu.wait_dma2 semaphore(%run_scoped3A : memref<!tpu.dma_semaphore, #tpu.memory_space<semaphore_mem>>) src(%dma_wait3A_633 : memref<40x64xi32, #tpu.memory_space<hbm>>) dst(%arg7 : memref<40x64xi32, #tpu.memory_space<vmem>>)
          tpu.yield
        }) : () -> ()
      } else {
      }
      %dma_start3A = arith.constant 0 : i32
      %dma_start3A_551 = arith.constant 0 : i32
      %dma_start3A_552 = arith.constant 0 : i32
      %dma_start3A_553 = arith.constant 0 : i32
      %dma_start3A_554 = tpu.memref_slice %arg8[%dma_start3A_551, %dma_start3A_552, %dma_start3A_553] : memref<4x64x128xf32, #tpu.memory_space<vmem>> -> memref<1x64x128xf32, #tpu.memory_space<vmem>>
      %dma_start3A_555 = tpu.memref_squeeze %dma_start3A_554 : memref<1x64x128xf32, #tpu.memory_space<vmem>> -> memref<64x128xf32, #tpu.memory_space<vmem>>
      %dma_start3A_556 = arith.constant 0 : i32
      %dma_start3A_557 = tpu.memref_slice %arg6[%dma_start3A, %dma_start3A_556] : memref<40x64xi32, #tpu.memory_space<vmem>> -> memref<1x64xi32, #tpu.memory_space<vmem>>
      %dma_start3A_558 = tpu.memref_squeeze %dma_start3A_557 : memref<1x64xi32, #tpu.memory_space<vmem>> -> memref<64xi32, #tpu.memory_space<vmem>>
      %dma_start3A_559 = arith.constant 0 : i32
      %dma_start3A_560 = arith.constant 0 : i32
      %dma_start3A_561 = tpu.memref_slice %arg2[%dma_start3A_559, %dma_start3A_560] : memref<10000x128xf32, #tpu.memory_space<hbm>> -> memref<10000x128xf32, #tpu.memory_space<hbm>>
      tpu.enqueue_indirect_dma source(%dma_start3A_561 : memref<10000x128xf32, #tpu.memory_space<hbm>>) target(%dma_start3A_555 : memref<64x128xf32, #tpu.memory_space<vmem>>) offsets(%dma_start3A_558 : memref<64xi32, #tpu.memory_space<vmem>>) semaphore(%arg12 : memref<!tpu.dma_semaphore, #tpu.memory_space<semaphore_mem>>)
      %dma_start3A_562 = arith.constant 1 : i32
      %dma_start3A_563 = arith.constant 1 : i32
      %dma_start3A_564 = arith.constant 0 : i32
      %dma_start3A_565 = arith.constant 0 : i32
      %dma_start3A_566 = tpu.memref_slice %arg8[%dma_start3A_563, %dma_start3A_564, %dma_start3A_565] : memref<4x64x128xf32, #tpu.memory_space<vmem>> -> memref<1x64x128xf32, #tpu.memory_space<vmem>>
      %dma_start3A_567 = tpu.memref_squeeze %dma_start3A_566 : memref<1x64x128xf32, #tpu.memory_space<vmem>> -> memref<64x128xf32, #tpu.memory_space<vmem>>
      %dma_start3A_568 = arith.constant 0 : i32
      %dma_start3A_569 = tpu.memref_slice %arg6[%dma_start3A_562, %dma_start3A_568] : memref<40x64xi32, #tpu.memory_space<vmem>> -> memref<1x64xi32, #tpu.memory_space<vmem>>
      %dma_start3A_570 = tpu.memref_squeeze %dma_start3A_569 : memref<1x64xi32, #tpu.memory_space<vmem>> -> memref<64xi32, #tpu.memory_space<vmem>>
      %dma_start3A_571 = arith.constant 0 : i32
      %dma_start3A_572 = arith.constant 0 : i32
      %dma_start3A_573 = tpu.memref_slice %arg2[%dma_start3A_571, %dma_start3A_572] : memref<10000x128xf32, #tpu.memory_space<hbm>> -> memref<10000x128xf32, #tpu.memory_space<hbm>>
      tpu.enqueue_indirect_dma source(%dma_start3A_573 : memref<10000x128xf32, #tpu.memory_space<hbm>>) target(%dma_start3A_567 : memref<64x128xf32, #tpu.memory_space<vmem>>) offsets(%dma_start3A_570 : memref<64xi32, #tpu.memory_space<vmem>>) semaphore(%arg13 : memref<!tpu.dma_semaphore, #tpu.memory_space<semaphore_mem>>)
      %dma_start3A_574 = arith.constant 2 : i32
      %dma_start3A_575 = arith.constant 2 : i32
      %dma_start3A_576 = arith.constant 0 : i32
      %dma_start3A_577 = arith.constant 0 : i32
      %dma_start3A_578 = tpu.memref_slice %arg8[%dma_start3A_575, %dma_start3A_576, %dma_start3A_577] : memref<4x64x128xf32, #tpu.memory_space<vmem>> -> memref<1x64x128xf32, #tpu.memory_space<vmem>>
      %dma_start3A_579 = tpu.memref_squeeze %dma_start3A_578 : memref<1x64x128xf32, #tpu.memory_space<vmem>> -> memref<64x128xf32, #tpu.memory_space<vmem>>
      %dma_start3A_580 = arith.constant 0 : i32
      %dma_start3A_581 = tpu.memref_slice %arg6[%dma_start3A_574, %dma_start3A_580] : memref<40x64xi32, #tpu.memory_space<vmem>> -> memref<1x64xi32, #tpu.memory_space<vmem>>
      %dma_start3A_582 = tpu.memref_squeeze %dma_start3A_581 : memref<1x64xi32, #tpu.memory_space<vmem>> -> memref<64xi32, #tpu.memory_space<vmem>>
      %dma_start3A_583 = arith.constant 0 : i32
      %dma_start3A_584 = arith.constant 0 : i32
      %dma_start3A_585 = tpu.memref_slice %arg2[%dma_start3A_583, %dma_start3A_584] : memref<10000x128xf32, #tpu.memory_space<hbm>> -> memref<10000x128xf32, #tpu.memory_space<hbm>>
      tpu.enqueue_indirect_dma source(%dma_start3A_585 : memref<10000x128xf32, #tpu.memory_space<hbm>>) target(%dma_start3A_579 : memref<64x128xf32, #tpu.memory_space<vmem>>) offsets(%dma_start3A_582 : memref<64xi32, #tpu.memory_space<vmem>>) semaphore(%arg14 : memref<!tpu.dma_semaphore, #tpu.memory_space<semaphore_mem>>)
      %dma_start3A_586 = arith.constant 3 : i32
      %dma_start3A_587 = arith.constant 3 : i32
      %dma_start3A_588 = arith.constant 0 : i32
      %dma_start3A_589 = arith.constant 0 : i32
      %dma_start3A_590 = tpu.memref_slice %arg8[%dma_start3A_587, %dma_start3A_588, %dma_start3A_589] : memref<4x64x128xf32, #tpu.memory_space<vmem>> -> memref<1x64x128xf32, #tpu.memory_space<vmem>>
      %dma_start3A_591 = tpu.memref_squeeze %dma_start3A_590 : memref<1x64x128xf32, #tpu.memory_space<vmem>> -> memref<64x128xf32, #tpu.memory_space<vmem>>
      %dma_start3A_592 = arith.constant 0 : i32
      %dma_start3A_593 = tpu.memref_slice %arg6[%dma_start3A_586, %dma_start3A_592] : memref<40x64xi32, #tpu.memory_space<vmem>> -> memref<1x64xi32, #tpu.memory_space<vmem>>
      %dma_start3A_594 = tpu.memref_squeeze %dma_start3A_593 : memref<1x64xi32, #tpu.memory_space<vmem>> -> memref<64xi32, #tpu.memory_space<vmem>>
      %dma_start3A_595 = arith.constant 0 : i32
      %dma_start3A_596 = arith.constant 0 : i32
      %dma_start3A_597 = tpu.memref_slice %arg2[%dma_start3A_595, %dma_start3A_596] : memref<10000x128xf32, #tpu.memory_space<hbm>> -> memref<10000x128xf32, #tpu.memory_space<hbm>>
      tpu.enqueue_indirect_dma source(%dma_start3A_597 : memref<10000x128xf32, #tpu.memory_space<hbm>>) target(%dma_start3A_591 : memref<64x128xf32, #tpu.memory_space<vmem>>) offsets(%dma_start3A_594 : memref<64xi32, #tpu.memory_space<vmem>>) semaphore(%arg15 : memref<!tpu.dma_semaphore, #tpu.memory_space<semaphore_mem>>)
      %while3A_598 = arith.constant 0 : i32
      %while3A_599 = arith.constant 0 : i32
      %while3A_600 = arith.constant 10 : i32
      %while3A_601 = arith.subi %while3A_600, %while3A_599 : i32
      %while3A_602 = arith.addi %while3A_599, %while3A_601 : i32
      %while3A_603 = arith.constant 1 : i32
      %while3A_604 = arith.divsi %while3A_601, %while3A_603 : i32
      %while3A_605 = arith.muli %while3A_604, %while3A_603 : i32
      %while3A_606 = arith.addi %while3A_599, %while3A_605 : i32
      %while3A_607 = arith.constant 1 : i32
      scf.for %while3A_609 = %while3A_599 to %while3A_606 step %while3A_607  : i32 {
        %mul3A_610 = arith.constant 4 : i32
        %mul3A_611 = arith.muli %while3A_609, %mul3A_610 : i32
        %add3A_612 = arith.constant 0 : i32
        %add3A_613 = arith.addi %mul3A_611, %add3A_612 : i32
        %dma_wait3A = arith.constant 0 : i32
        %dma_wait3A_614 = arith.constant 0 : i32
        %dma_wait3A_615 = arith.constant 0 : i32
        %dma_wait3A_616 = tpu.memref_slice %arg8[%dma_wait3A, %dma_wait3A_614, %dma_wait3A_615] : memref<4x64x128xf32, #tpu.memory_space<vmem>> -> memref<1x64x128xf32, #tpu.memory_space<vmem>>
        %dma_wait3A_617 = tpu.memref_squeeze %dma_wait3A_616 : memref<1x64x128xf32, #tpu.memory_space<vmem>> -> memref<64x128xf32, #tpu.memory_space<vmem>>
        %dma_wait3A_618 = arith.constant 0 : i32
        %dma_wait3A_619 = tpu.memref_slice %arg6[%add3A_613, %dma_wait3A_618] : memref<40x64xi32, #tpu.memory_space<vmem>> -> memref<1x64xi32, #tpu.memory_space<vmem>>
        %dma_wait3A_620 = tpu.memref_squeeze %dma_wait3A_619 : memref<1x64xi32, #tpu.memory_space<vmem>> -> memref<64xi32, #tpu.memory_space<vmem>>
        %dma_wait3A_621 = arith.constant 0 : i32
        %dma_wait3A_622 = arith.constant 0 : i32
        %dma_wait3A_623 = tpu.memref_slice %arg2[%dma_wait3A_621, %dma_wait3A_622] : memref<10000x128xf32, #tpu.memory_space<hbm>> -> memref<10000x128xf32, #tpu.memory_space<hbm>>
        tpu.wait_indirect_dma semaphore(%arg12 : memref<!tpu.dma_semaphore, #tpu.memory_space<semaphore_mem>>) src(%dma_wait3A_623 : memref<10000x128xf32, #tpu.memory_space<hbm>>) dst(%dma_wait3A_617 : memref<64x128xf32, #tpu.memory_space<vmem>>)
        %run_scoped3A = arith.constant 0 : i32
        "tpu.region"() ({
          %run_scoped3A_699 = tpu.sem_alloc : memref<!tpu.dma_semaphore, #tpu.memory_space<semaphore_mem>>
          %dma_start3A_700 = arith.constant 0 : i32
          %dma_start3A_701 = arith.constant 0 : i32
          %dma_start3A_702 = tpu.memref_slice %arg8[%run_scoped3A, %dma_start3A_700, %dma_start3A_701] : memref<4x64x128xf32, #tpu.memory_space<vmem>> -> memref<1x64x128xf32, #tpu.memory_space<vmem>>
          %dma_start3A_703 = tpu.memref_squeeze %dma_start3A_702 : memref<1x64x128xf32, #tpu.memory_space<vmem>> -> memref<64x128xf32, #tpu.memory_space<vmem>>
          %dma_start3A_704 = arith.constant 0 : i32
          %dma_start3A_705 = tpu.memref_slice %arg7[%add3A_613, %dma_start3A_704] : memref<40x64xi32, #tpu.memory_space<vmem>> -> memref<1x64xi32, #tpu.memory_space<vmem>>
          %dma_start3A_706 = tpu.memref_squeeze %dma_start3A_705 : memref<1x64xi32, #tpu.memory_space<vmem>> -> memref<64xi32, #tpu.memory_space<vmem>>
          %dma_start3A_707 = arith.constant 0 : i32
          %dma_start3A_708 = arith.constant 0 : i32
          %dma_start3A_709 = tpu.memref_slice %arg10[%dma_start3A_707, %dma_start3A_708] : memref<10112x128xf32, #tpu.memory_space<vmem_shared>> -> memref<10112x128xf32, #tpu.memory_space<vmem_shared>>
          tpu.enqueue_indirect_dma source(%dma_start3A_703 : memref<64x128xf32, #tpu.memory_space<vmem>>) target(%dma_start3A_709 : memref<10112x128xf32, #tpu.memory_space<vmem_shared>>) offsets(%dma_start3A_706 : memref<64xi32, #tpu.memory_space<vmem>>) semaphore(%run_scoped3A_699 : memref<!tpu.dma_semaphore, #tpu.memory_space<semaphore_mem>>) {add = true}
          %dma_wait3A_710 = arith.constant 0 : i32
          %dma_wait3A_711 = arith.constant 0 : i32
          %dma_wait3A_712 = tpu.memref_slice %arg8[%run_scoped3A, %dma_wait3A_710, %dma_wait3A_711] : memref<4x64x128xf32, #tpu.memory_space<vmem>> -> memref<1x64x128xf32, #tpu.memory_space<vmem>>
          %dma_wait3A_713 = tpu.memref_squeeze %dma_wait3A_712 : memref<1x64x128xf32, #tpu.memory_space<vmem>> -> memref<64x128xf32, #tpu.memory_space<vmem>>
          %dma_wait3A_714 = arith.constant 0 : i32
          %dma_wait3A_715 = tpu.memref_slice %arg7[%add3A_613, %dma_wait3A_714] : memref<40x64xi32, #tpu.memory_space<vmem>> -> memref<1x64xi32, #tpu.memory_space<vmem>>
          %dma_wait3A_716 = tpu.memref_squeeze %dma_wait3A_715 : memref<1x64xi32, #tpu.memory_space<vmem>> -> memref<64xi32, #tpu.memory_space<vmem>>
          %dma_wait3A_717 = arith.constant 0 : i32
          %dma_wait3A_718 = arith.constant 0 : i32
          %dma_wait3A_719 = tpu.memref_slice %arg10[%dma_wait3A_717, %dma_wait3A_718] : memref<10112x128xf32, #tpu.memory_space<vmem_shared>> -> memref<10112x128xf32, #tpu.memory_space<vmem_shared>>
          tpu.wait_indirect_dma semaphore(%run_scoped3A_699 : memref<!tpu.dma_semaphore, #tpu.memory_space<semaphore_mem>>) src(%dma_wait3A_713 : memref<64x128xf32, #tpu.memory_space<vmem>>) dst(%dma_wait3A_719 : memref<10112x128xf32, #tpu.memory_space<vmem_shared>>)
          tpu.yield
        }) : () -> ()
        %add3A_624 = arith.constant 4 : i32
        %add3A_625 = arith.addi %add3A_613, %add3A_624 : i32
        %lt3A = arith.constant 40 : i32
        %lt3A_626 = arith.cmpi slt, %add3A_625, %lt3A : i32
        %convert_element_type3A_627 = arith.extui %lt3A_626 : i1 to i32
        %cond3A_628 = arith.constant 0 : i32
        %cond3A_629 = arith.cmpi ne, %convert_element_type3A_627, %cond3A_628 : i32
        scf.if %cond3A_629 {
          %dma_start3A_699 = arith.constant 0 : i32
          %dma_start3A_700 = arith.constant 0 : i32
          %dma_start3A_701 = arith.constant 0 : i32
          %dma_start3A_702 = tpu.memref_slice %arg8[%dma_start3A_699, %dma_start3A_700, %dma_start3A_701] : memref<4x64x128xf32, #tpu.memory_space<vmem>> -> memref<1x64x128xf32, #tpu.memory_space<vmem>>
          %dma_start3A_703 = tpu.memref_squeeze %dma_start3A_702 : memref<1x64x128xf32, #tpu.memory_space<vmem>> -> memref<64x128xf32, #tpu.memory_space<vmem>>
          %dma_start3A_704 = arith.constant 0 : i32
          %dma_start3A_705 = tpu.memref_slice %arg6[%add3A_625, %dma_start3A_704] : memref<40x64xi32, #tpu.memory_space<vmem>> -> memref<1x64xi32, #tpu.memory_space<vmem>>
          %dma_start3A_706 = tpu.memref_squeeze %dma_start3A_705 : memref<1x64xi32, #tpu.memory_space<vmem>> -> memref<64xi32, #tpu.memory_space<vmem>>
          %dma_start3A_707 = arith.constant 0 : i32
          %dma_start3A_708 = arith.constant 0 : i32
          %dma_start3A_709 = tpu.memref_slice %arg2[%dma_start3A_707, %dma_start3A_708] : memref<10000x128xf32, #tpu.memory_space<hbm>> -> memref<10000x128xf32, #tpu.memory_space<hbm>>
          tpu.enqueue_indirect_dma source(%dma_start3A_709 : memref<10000x128xf32, #tpu.memory_space<hbm>>) target(%dma_start3A_703 : memref<64x128xf32, #tpu.memory_space<vmem>>) offsets(%dma_start3A_706 : memref<64xi32, #tpu.memory_space<vmem>>) semaphore(%arg12 : memref<!tpu.dma_semaphore, #tpu.memory_space<semaphore_mem>>)
        } else {
        }
        %mul3A_630 = arith.constant 4 : i32
        %mul3A_631 = arith.muli %while3A_609, %mul3A_630 : i32
        %add3A_632 = arith.constant 1 : i32
        %add3A_633 = arith.addi %mul3A_631, %add3A_632 : i32
        %dma_wait3A_634 = arith.constant 1 : i32
        %dma_wait3A_635 = arith.constant 0 : i32
        %dma_wait3A_636 = arith.constant 0 : i32
        %dma_wait3A_637 = tpu.memref_slice %arg8[%dma_wait3A_634, %dma_wait3A_635, %dma_wait3A_636] : memref<4x64x128xf32, #tpu.memory_space<vmem>> -> memref<1x64x128xf32, #tpu.memory_space<vmem>>
        %dma_wait3A_638 = tpu.memref_squeeze %dma_wait3A_637 : memref<1x64x128xf32, #tpu.memory_space<vmem>> -> memref<64x128xf32, #tpu.memory_space<vmem>>
        %dma_wait3A_639 = arith.constant 0 : i32
        %dma_wait3A_640 = tpu.memref_slice %arg6[%add3A_633, %dma_wait3A_639] : memref<40x64xi32, #tpu.memory_space<vmem>> -> memref<1x64xi32, #tpu.memory_space<vmem>>
        %dma_wait3A_641 = tpu.memref_squeeze %dma_wait3A_640 : memref<1x64xi32, #tpu.memory_space<vmem>> -> memref<64xi32, #tpu.memory_space<vmem>>
        %dma_wait3A_642 = arith.constant 0 : i32
        %dma_wait3A_643 = arith.constant 0 : i32
        %dma_wait3A_644 = tpu.memref_slice %arg2[%dma_wait3A_642, %dma_wait3A_643] : memref<10000x128xf32, #tpu.memory_space<hbm>> -> memref<10000x128xf32, #tpu.memory_space<hbm>>
        tpu.wait_indirect_dma semaphore(%arg13 : memref<!tpu.dma_semaphore, #tpu.memory_space<semaphore_mem>>) src(%dma_wait3A_644 : memref<10000x128xf32, #tpu.memory_space<hbm>>) dst(%dma_wait3A_638 : memref<64x128xf32, #tpu.memory_space<vmem>>)
        %run_scoped3A_645 = arith.constant 1 : i32
        "tpu.region"() ({
          %run_scoped3A_699 = tpu.sem_alloc : memref<!tpu.dma_semaphore, #tpu.memory_space<semaphore_mem>>
          %dma_start3A_700 = arith.constant 0 : i32
          %dma_start3A_701 = arith.constant 0 : i32
          %dma_start3A_702 = tpu.memref_slice %arg8[%run_scoped3A_645, %dma_start3A_700, %dma_start3A_701] : memref<4x64x128xf32, #tpu.memory_space<vmem>> -> memref<1x64x128xf32, #tpu.memory_space<vmem>>
          %dma_start3A_703 = tpu.memref_squeeze %dma_start3A_702 : memref<1x64x128xf32, #tpu.memory_space<vmem>> -> memref<64x128xf32, #tpu.memory_space<vmem>>
          %dma_start3A_704 = arith.constant 0 : i32
          %dma_start3A_705 = tpu.memref_slice %arg7[%add3A_633, %dma_start3A_704] : memref<40x64xi32, #tpu.memory_space<vmem>> -> memref<1x64xi32, #tpu.memory_space<vmem>>
          %dma_start3A_706 = tpu.memref_squeeze %dma_start3A_705 : memref<1x64xi32, #tpu.memory_space<vmem>> -> memref<64xi32, #tpu.memory_space<vmem>>
          %dma_start3A_707 = arith.constant 0 : i32
          %dma_start3A_708 = arith.constant 0 : i32
          %dma_start3A_709 = tpu.memref_slice %arg10[%dma_start3A_707, %dma_start3A_708] : memref<10112x128xf32, #tpu.memory_space<vmem_shared>> -> memref<10112x128xf32, #tpu.memory_space<vmem_shared>>
          tpu.enqueue_indirect_dma source(%dma_start3A_703 : memref<64x128xf32, #tpu.memory_space<vmem>>) target(%dma_start3A_709 : memref<10112x128xf32, #tpu.memory_space<vmem_shared>>) offsets(%dma_start3A_706 : memref<64xi32, #tpu.memory_space<vmem>>) semaphore(%run_scoped3A_699 : memref<!tpu.dma_semaphore, #tpu.memory_space<semaphore_mem>>) {add = true}
          %dma_wait3A_710 = arith.constant 0 : i32
          %dma_wait3A_711 = arith.constant 0 : i32
          %dma_wait3A_712 = tpu.memref_slice %arg8[%run_scoped3A_645, %dma_wait3A_710, %dma_wait3A_711] : memref<4x64x128xf32, #tpu.memory_space<vmem>> -> memref<1x64x128xf32, #tpu.memory_space<vmem>>
          %dma_wait3A_713 = tpu.memref_squeeze %dma_wait3A_712 : memref<1x64x128xf32, #tpu.memory_space<vmem>> -> memref<64x128xf32, #tpu.memory_space<vmem>>
          %dma_wait3A_714 = arith.constant 0 : i32
          %dma_wait3A_715 = tpu.memref_slice %arg7[%add3A_633, %dma_wait3A_714] : memref<40x64xi32, #tpu.memory_space<vmem>> -> memref<1x64xi32, #tpu.memory_space<vmem>>
          %dma_wait3A_716 = tpu.memref_squeeze %dma_wait3A_715 : memref<1x64xi32, #tpu.memory_space<vmem>> -> memref<64xi32, #tpu.memory_space<vmem>>
          %dma_wait3A_717 = arith.constant 0 : i32
          %dma_wait3A_718 = arith.constant 0 : i32
          %dma_wait3A_719 = tpu.memref_slice %arg10[%dma_wait3A_717, %dma_wait3A_718] : memref<10112x128xf32, #tpu.memory_space<vmem_shared>> -> memref<10112x128xf32, #tpu.memory_space<vmem_shared>>
          tpu.wait_indirect_dma semaphore(%run_scoped3A_699 : memref<!tpu.dma_semaphore, #tpu.memory_space<semaphore_mem>>) src(%dma_wait3A_713 : memref<64x128xf32, #tpu.memory_space<vmem>>) dst(%dma_wait3A_719 : memref<10112x128xf32, #tpu.memory_space<vmem_shared>>)
          tpu.yield
        }) : () -> ()
        %add3A_646 = arith.constant 4 : i32
        %add3A_647 = arith.addi %add3A_633, %add3A_646 : i32
        %lt3A_648 = arith.constant 40 : i32
        %lt3A_649 = arith.cmpi slt, %add3A_647, %lt3A_648 : i32
        %convert_element_type3A_650 = arith.extui %lt3A_649 : i1 to i32
        %cond3A_651 = arith.constant 0 : i32
        %cond3A_652 = arith.cmpi ne, %convert_element_type3A_650, %cond3A_651 : i32
        scf.if %cond3A_652 {
          %dma_start3A_699 = arith.constant 1 : i32
          %dma_start3A_700 = arith.constant 0 : i32
          %dma_start3A_701 = arith.constant 0 : i32
          %dma_start3A_702 = tpu.memref_slice %arg8[%dma_start3A_699, %dma_start3A_700, %dma_start3A_701] : memref<4x64x128xf32, #tpu.memory_space<vmem>> -> memref<1x64x128xf32, #tpu.memory_space<vmem>>
          %dma_start3A_703 = tpu.memref_squeeze %dma_start3A_702 : memref<1x64x128xf32, #tpu.memory_space<vmem>> -> memref<64x128xf32, #tpu.memory_space<vmem>>
          %dma_start3A_704 = arith.constant 0 : i32
          %dma_start3A_705 = tpu.memref_slice %arg6[%add3A_647, %dma_start3A_704] : memref<40x64xi32, #tpu.memory_space<vmem>> -> memref<1x64xi32, #tpu.memory_space<vmem>>
          %dma_start3A_706 = tpu.memref_squeeze %dma_start3A_705 : memref<1x64xi32, #tpu.memory_space<vmem>> -> memref<64xi32, #tpu.memory_space<vmem>>
          %dma_start3A_707 = arith.constant 0 : i32
          %dma_start3A_708 = arith.constant 0 : i32
          %dma_start3A_709 = tpu.memref_slice %arg2[%dma_start3A_707, %dma_start3A_708] : memref<10000x128xf32, #tpu.memory_space<hbm>> -> memref<10000x128xf32, #tpu.memory_space<hbm>>
          tpu.enqueue_indirect_dma source(%dma_start3A_709 : memref<10000x128xf32, #tpu.memory_space<hbm>>) target(%dma_start3A_703 : memref<64x128xf32, #tpu.memory_space<vmem>>) offsets(%dma_start3A_706 : memref<64xi32, #tpu.memory_space<vmem>>) semaphore(%arg13 : memref<!tpu.dma_semaphore, #tpu.memory_space<semaphore_mem>>)
        } else {
        }
        %mul3A_653 = arith.constant 4 : i32
        %mul3A_654 = arith.muli %while3A_609, %mul3A_653 : i32
        %add3A_655 = arith.constant 2 : i32
        %add3A_656 = arith.addi %mul3A_654, %add3A_655 : i32
        %dma_wait3A_657 = arith.constant 2 : i32
        %dma_wait3A_658 = arith.constant 0 : i32
        %dma_wait3A_659 = arith.constant 0 : i32
        %dma_wait3A_660 = tpu.memref_slice %arg8[%dma_wait3A_657, %dma_wait3A_658, %dma_wait3A_659] : memref<4x64x128xf32, #tpu.memory_space<vmem>> -> memref<1x64x128xf32, #tpu.memory_space<vmem>>
        %dma_wait3A_661 = tpu.memref_squeeze %dma_wait3A_660 : memref<1x64x128xf32, #tpu.memory_space<vmem>> -> memref<64x128xf32, #tpu.memory_space<vmem>>
        %dma_wait3A_662 = arith.constant 0 : i32
        %dma_wait3A_663 = tpu.memref_slice %arg6[%add3A_656, %dma_wait3A_662] : memref<40x64xi32, #tpu.memory_space<vmem>> -> memref<1x64xi32, #tpu.memory_space<vmem>>
        %dma_wait3A_664 = tpu.memref_squeeze %dma_wait3A_663 : memref<1x64xi32, #tpu.memory_space<vmem>> -> memref<64xi32, #tpu.memory_space<vmem>>
        %dma_wait3A_665 = arith.constant 0 : i32
        %dma_wait3A_666 = arith.constant 0 : i32
        %dma_wait3A_667 = tpu.memref_slice %arg2[%dma_wait3A_665, %dma_wait3A_666] : memref<10000x128xf32, #tpu.memory_space<hbm>> -> memref<10000x128xf32, #tpu.memory_space<hbm>>
        tpu.wait_indirect_dma semaphore(%arg14 : memref<!tpu.dma_semaphore, #tpu.memory_space<semaphore_mem>>) src(%dma_wait3A_667 : memref<10000x128xf32, #tpu.memory_space<hbm>>) dst(%dma_wait3A_661 : memref<64x128xf32, #tpu.memory_space<vmem>>)
        %run_scoped3A_668 = arith.constant 2 : i32
        "tpu.region"() ({
          %run_scoped3A_699 = tpu.sem_alloc : memref<!tpu.dma_semaphore, #tpu.memory_space<semaphore_mem>>
          %dma_start3A_700 = arith.constant 0 : i32
          %dma_start3A_701 = arith.constant 0 : i32
          %dma_start3A_702 = tpu.memref_slice %arg8[%run_scoped3A_668, %dma_start3A_700, %dma_start3A_701] : memref<4x64x128xf32, #tpu.memory_space<vmem>> -> memref<1x64x128xf32, #tpu.memory_space<vmem>>
          %dma_start3A_703 = tpu.memref_squeeze %dma_start3A_702 : memref<1x64x128xf32, #tpu.memory_space<vmem>> -> memref<64x128xf32, #tpu.memory_space<vmem>>
          %dma_start3A_704 = arith.constant 0 : i32
          %dma_start3A_705 = tpu.memref_slice %arg7[%add3A_656, %dma_start3A_704] : memref<40x64xi32, #tpu.memory_space<vmem>> -> memref<1x64xi32, #tpu.memory_space<vmem>>
          %dma_start3A_706 = tpu.memref_squeeze %dma_start3A_705 : memref<1x64xi32, #tpu.memory_space<vmem>> -> memref<64xi32, #tpu.memory_space<vmem>>
          %dma_start3A_707 = arith.constant 0 : i32
          %dma_start3A_708 = arith.constant 0 : i32
          %dma_start3A_709 = tpu.memref_slice %arg10[%dma_start3A_707, %dma_start3A_708] : memref<10112x128xf32, #tpu.memory_space<vmem_shared>> -> memref<10112x128xf32, #tpu.memory_space<vmem_shared>>
          tpu.enqueue_indirect_dma source(%dma_start3A_703 : memref<64x128xf32, #tpu.memory_space<vmem>>) target(%dma_start3A_709 : memref<10112x128xf32, #tpu.memory_space<vmem_shared>>) offsets(%dma_start3A_706 : memref<64xi32, #tpu.memory_space<vmem>>) semaphore(%run_scoped3A_699 : memref<!tpu.dma_semaphore, #tpu.memory_space<semaphore_mem>>) {add = true}
          %dma_wait3A_710 = arith.constant 0 : i32
          %dma_wait3A_711 = arith.constant 0 : i32
          %dma_wait3A_712 = tpu.memref_slice %arg8[%run_scoped3A_668, %dma_wait3A_710, %dma_wait3A_711] : memref<4x64x128xf32, #tpu.memory_space<vmem>> -> memref<1x64x128xf32, #tpu.memory_space<vmem>>
          %dma_wait3A_713 = tpu.memref_squeeze %dma_wait3A_712 : memref<1x64x128xf32, #tpu.memory_space<vmem>> -> memref<64x128xf32, #tpu.memory_space<vmem>>
          %dma_wait3A_714 = arith.constant 0 : i32
          %dma_wait3A_715 = tpu.memref_slice %arg7[%add3A_656, %dma_wait3A_714] : memref<40x64xi32, #tpu.memory_space<vmem>> -> memref<1x64xi32, #tpu.memory_space<vmem>>
          %dma_wait3A_716 = tpu.memref_squeeze %dma_wait3A_715 : memref<1x64xi32, #tpu.memory_space<vmem>> -> memref<64xi32, #tpu.memory_space<vmem>>
          %dma_wait3A_717 = arith.constant 0 : i32
          %dma_wait3A_718 = arith.constant 0 : i32
          %dma_wait3A_719 = tpu.memref_slice %arg10[%dma_wait3A_717, %dma_wait3A_718] : memref<10112x128xf32, #tpu.memory_space<vmem_shared>> -> memref<10112x128xf32, #tpu.memory_space<vmem_shared>>
          tpu.wait_indirect_dma semaphore(%run_scoped3A_699 : memref<!tpu.dma_semaphore, #tpu.memory_space<semaphore_mem>>) src(%dma_wait3A_713 : memref<64x128xf32, #tpu.memory_space<vmem>>) dst(%dma_wait3A_719 : memref<10112x128xf32, #tpu.memory_space<vmem_shared>>)
          tpu.yield
        }) : () -> ()
        %add3A_669 = arith.constant 4 : i32
        %add3A_670 = arith.addi %add3A_656, %add3A_669 : i32
        %lt3A_671 = arith.constant 40 : i32
        %lt3A_672 = arith.cmpi slt, %add3A_670, %lt3A_671 : i32
        %convert_element_type3A_673 = arith.extui %lt3A_672 : i1 to i32
        %cond3A_674 = arith.constant 0 : i32
        %cond3A_675 = arith.cmpi ne, %convert_element_type3A_673, %cond3A_674 : i32
        scf.if %cond3A_675 {
          %dma_start3A_699 = arith.constant 2 : i32
          %dma_start3A_700 = arith.constant 0 : i32
          %dma_start3A_701 = arith.constant 0 : i32
          %dma_start3A_702 = tpu.memref_slice %arg8[%dma_start3A_699, %dma_start3A_700, %dma_start3A_701] : memref<4x64x128xf32, #tpu.memory_space<vmem>> -> memref<1x64x128xf32, #tpu.memory_space<vmem>>
          %dma_start3A_703 = tpu.memref_squeeze %dma_start3A_702 : memref<1x64x128xf32, #tpu.memory_space<vmem>> -> memref<64x128xf32, #tpu.memory_space<vmem>>
          %dma_start3A_704 = arith.constant 0 : i32
          %dma_start3A_705 = tpu.memref_slice %arg6[%add3A_670, %dma_start3A_704] : memref<40x64xi32, #tpu.memory_space<vmem>> -> memref<1x64xi32, #tpu.memory_space<vmem>>
          %dma_start3A_706 = tpu.memref_squeeze %dma_start3A_705 : memref<1x64xi32, #tpu.memory_space<vmem>> -> memref<64xi32, #tpu.memory_space<vmem>>
          %dma_start3A_707 = arith.constant 0 : i32
          %dma_start3A_708 = arith.constant 0 : i32
          %dma_start3A_709 = tpu.memref_slice %arg2[%dma_start3A_707, %dma_start3A_708] : memref<10000x128xf32, #tpu.memory_space<hbm>> -> memref<10000x128xf32, #tpu.memory_space<hbm>>
          tpu.enqueue_indirect_dma source(%dma_start3A_709 : memref<10000x128xf32, #tpu.memory_space<hbm>>) target(%dma_start3A_703 : memref<64x128xf32, #tpu.memory_space<vmem>>) offsets(%dma_start3A_706 : memref<64xi32, #tpu.memory_space<vmem>>) semaphore(%arg14 : memref<!tpu.dma_semaphore, #tpu.memory_space<semaphore_mem>>)
        } else {
        }
        %mul3A_676 = arith.constant 4 : i32
        %mul3A_677 = arith.muli %while3A_609, %mul3A_676 : i32
        %add3A_678 = arith.constant 3 : i32
        %add3A_679 = arith.addi %mul3A_677, %add3A_678 : i32
        %dma_wait3A_680 = arith.constant 3 : i32
        %dma_wait3A_681 = arith.constant 0 : i32
        %dma_wait3A_682 = arith.constant 0 : i32
        %dma_wait3A_683 = tpu.memref_slice %arg8[%dma_wait3A_680, %dma_wait3A_681, %dma_wait3A_682] : memref<4x64x128xf32, #tpu.memory_space<vmem>> -> memref<1x64x128xf32, #tpu.memory_space<vmem>>
        %dma_wait3A_684 = tpu.memref_squeeze %dma_wait3A_683 : memref<1x64x128xf32, #tpu.memory_space<vmem>> -> memref<64x128xf32, #tpu.memory_space<vmem>>
        %dma_wait3A_685 = arith.constant 0 : i32
        %dma_wait3A_686 = tpu.memref_slice %arg6[%add3A_679, %dma_wait3A_685] : memref<40x64xi32, #tpu.memory_space<vmem>> -> memref<1x64xi32, #tpu.memory_space<vmem>>
        %dma_wait3A_687 = tpu.memref_squeeze %dma_wait3A_686 : memref<1x64xi32, #tpu.memory_space<vmem>> -> memref<64xi32, #tpu.memory_space<vmem>>
        %dma_wait3A_688 = arith.constant 0 : i32
        %dma_wait3A_689 = arith.constant 0 : i32
        %dma_wait3A_690 = tpu.memref_slice %arg2[%dma_wait3A_688, %dma_wait3A_689] : memref<10000x128xf32, #tpu.memory_space<hbm>> -> memref<10000x128xf32, #tpu.memory_space<hbm>>
        tpu.wait_indirect_dma semaphore(%arg15 : memref<!tpu.dma_semaphore, #tpu.memory_space<semaphore_mem>>) src(%dma_wait3A_690 : memref<10000x128xf32, #tpu.memory_space<hbm>>) dst(%dma_wait3A_684 : memref<64x128xf32, #tpu.memory_space<vmem>>)
        %run_scoped3A_691 = arith.constant 3 : i32
        "tpu.region"() ({
          %run_scoped3A_699 = tpu.sem_alloc : memref<!tpu.dma_semaphore, #tpu.memory_space<semaphore_mem>>
          %dma_start3A_700 = arith.constant 0 : i32
          %dma_start3A_701 = arith.constant 0 : i32
          %dma_start3A_702 = tpu.memref_slice %arg8[%run_scoped3A_691, %dma_start3A_700, %dma_start3A_701] : memref<4x64x128xf32, #tpu.memory_space<vmem>> -> memref<1x64x128xf32, #tpu.memory_space<vmem>>
          %dma_start3A_703 = tpu.memref_squeeze %dma_start3A_702 : memref<1x64x128xf32, #tpu.memory_space<vmem>> -> memref<64x128xf32, #tpu.memory_space<vmem>>
          %dma_start3A_704 = arith.constant 0 : i32
          %dma_start3A_705 = tpu.memref_slice %arg7[%add3A_679, %dma_start3A_704] : memref<40x64xi32, #tpu.memory_space<vmem>> -> memref<1x64xi32, #tpu.memory_space<vmem>>
          %dma_start3A_706 = tpu.memref_squeeze %dma_start3A_705 : memref<1x64xi32, #tpu.memory_space<vmem>> -> memref<64xi32, #tpu.memory_space<vmem>>
          %dma_start3A_707 = arith.constant 0 : i32
          %dma_start3A_708 = arith.constant 0 : i32
          %dma_start3A_709 = tpu.memref_slice %arg10[%dma_start3A_707, %dma_start3A_708] : memref<10112x128xf32, #tpu.memory_space<vmem_shared>> -> memref<10112x128xf32, #tpu.memory_space<vmem_shared>>
          tpu.enqueue_indirect_dma source(%dma_start3A_703 : memref<64x128xf32, #tpu.memory_space<vmem>>) target(%dma_start3A_709 : memref<10112x128xf32, #tpu.memory_space<vmem_shared>>) offsets(%dma_start3A_706 : memref<64xi32, #tpu.memory_space<vmem>>) semaphore(%run_scoped3A_699 : memref<!tpu.dma_semaphore, #tpu.memory_space<semaphore_mem>>) {add = true}
          %dma_wait3A_710 = arith.constant 0 : i32
          %dma_wait3A_711 = arith.constant 0 : i32
          %dma_wait3A_712 = tpu.memref_slice %arg8[%run_scoped3A_691, %dma_wait3A_710, %dma_wait3A_711] : memref<4x64x128xf32, #tpu.memory_space<vmem>> -> memref<1x64x128xf32, #tpu.memory_space<vmem>>
          %dma_wait3A_713 = tpu.memref_squeeze %dma_wait3A_712 : memref<1x64x128xf32, #tpu.memory_space<vmem>> -> memref<64x128xf32, #tpu.memory_space<vmem>>
          %dma_wait3A_714 = arith.constant 0 : i32
          %dma_wait3A_715 = tpu.memref_slice %arg7[%add3A_679, %dma_wait3A_714] : memref<40x64xi32, #tpu.memory_space<vmem>> -> memref<1x64xi32, #tpu.memory_space<vmem>>
          %dma_wait3A_716 = tpu.memref_squeeze %dma_wait3A_715 : memref<1x64xi32, #tpu.memory_space<vmem>> -> memref<64xi32, #tpu.memory_space<vmem>>
          %dma_wait3A_717 = arith.constant 0 : i32
          %dma_wait3A_718 = arith.constant 0 : i32
          %dma_wait3A_719 = tpu.memref_slice %arg10[%dma_wait3A_717, %dma_wait3A_718] : memref<10112x128xf32, #tpu.memory_space<vmem_shared>> -> memref<10112x128xf32, #tpu.memory_space<vmem_shared>>
          tpu.wait_indirect_dma semaphore(%run_scoped3A_699 : memref<!tpu.dma_semaphore, #tpu.memory_space<semaphore_mem>>) src(%dma_wait3A_713 : memref<64x128xf32, #tpu.memory_space<vmem>>) dst(%dma_wait3A_719 : memref<10112x128xf32, #tpu.memory_space<vmem_shared>>)
          tpu.yield
        }) : () -> ()
        %add3A_692 = arith.constant 4 : i32
        %add3A_693 = arith.addi %add3A_679, %add3A_692 : i32
        %lt3A_694 = arith.constant 40 : i32
        %lt3A_695 = arith.cmpi slt, %add3A_693, %lt3A_694 : i32
        %convert_element_type3A_696 = arith.extui %lt3A_695 : i1 to i32
        %cond3A_697 = arith.constant 0 : i32
        %cond3A_698 = arith.cmpi ne, %convert_element_type3A_696, %cond3A_697 : i32
        scf.if %cond3A_698 {
          %dma_start3A_699 = arith.constant 3 : i32
          %dma_start3A_700 = arith.constant 0 : i32
          %dma_start3A_701 = arith.constant 0 : i32
          %dma_start3A_702 = tpu.memref_slice %arg8[%dma_start3A_699, %dma_start3A_700, %dma_start3A_701] : memref<4x64x128xf32, #tpu.memory_space<vmem>> -> memref<1x64x128xf32, #tpu.memory_space<vmem>>
          %dma_start3A_703 = tpu.memref_squeeze %dma_start3A_702 : memref<1x64x128xf32, #tpu.memory_space<vmem>> -> memref<64x128xf32, #tpu.memory_space<vmem>>
          %dma_start3A_704 = arith.constant 0 : i32
          %dma_start3A_705 = tpu.memref_slice %arg6[%add3A_693, %dma_start3A_704] : memref<40x64xi32, #tpu.memory_space<vmem>> -> memref<1x64xi32, #tpu.memory_space<vmem>>
          %dma_start3A_706 = tpu.memref_squeeze %dma_start3A_705 : memref<1x64xi32, #tpu.memory_space<vmem>> -> memref<64xi32, #tpu.memory_space<vmem>>
          %dma_start3A_707 = arith.constant 0 : i32
          %dma_start3A_708 = arith.constant 0 : i32
          %dma_start3A_709 = tpu.memref_slice %arg2[%dma_start3A_707, %dma_start3A_708] : memref<10000x128xf32, #tpu.memory_space<hbm>> -> memref<10000x128xf32, #tpu.memory_space<hbm>>
          tpu.enqueue_indirect_dma source(%dma_start3A_709 : memref<10000x128xf32, #tpu.memory_space<hbm>>) target(%dma_start3A_703 : memref<64x128xf32, #tpu.memory_space<vmem>>) offsets(%dma_start3A_706 : memref<64xi32, #tpu.memory_space<vmem>>) semaphore(%arg15 : memref<!tpu.dma_semaphore, #tpu.memory_space<semaphore_mem>>)
        } else {
        }
      }
      %while3A_608 = arith.constant 1 : i32
      scf.for %while3A_609 = %while3A_606 to %while3A_602 step %while3A_608  : i32 {
        %mul3A_610 = arith.constant 4 : i32
        %mul3A_611 = arith.muli %while3A_609, %mul3A_610 : i32
        %add3A_612 = arith.constant 0 : i32
        %add3A_613 = arith.addi %mul3A_611, %add3A_612 : i32
        %dma_wait3A = arith.constant 0 : i32
        %dma_wait3A_614 = arith.constant 0 : i32
        %dma_wait3A_615 = arith.constant 0 : i32
        %dma_wait3A_616 = tpu.memref_slice %arg8[%dma_wait3A, %dma_wait3A_614, %dma_wait3A_615] : memref<4x64x128xf32, #tpu.memory_space<vmem>> -> memref<1x64x128xf32, #tpu.memory_space<vmem>>
        %dma_wait3A_617 = tpu.memref_squeeze %dma_wait3A_616 : memref<1x64x128xf32, #tpu.memory_space<vmem>> -> memref<64x128xf32, #tpu.memory_space<vmem>>
        %dma_wait3A_618 = arith.constant 0 : i32
        %dma_wait3A_619 = tpu.memref_slice %arg6[%add3A_613, %dma_wait3A_618] : memref<40x64xi32, #tpu.memory_space<vmem>> -> memref<1x64xi32, #tpu.memory_space<vmem>>
        %dma_wait3A_620 = tpu.memref_squeeze %dma_wait3A_619 : memref<1x64xi32, #tpu.memory_space<vmem>> -> memref<64xi32, #tpu.memory_space<vmem>>
        %dma_wait3A_621 = arith.constant 0 : i32
        %dma_wait3A_622 = arith.constant 0 : i32
        %dma_wait3A_623 = tpu.memref_slice %arg2[%dma_wait3A_621, %dma_wait3A_622] : memref<10000x128xf32, #tpu.memory_space<hbm>> -> memref<10000x128xf32, #tpu.memory_space<hbm>>
        tpu.wait_indirect_dma semaphore(%arg12 : memref<!tpu.dma_semaphore, #tpu.memory_space<semaphore_mem>>) src(%dma_wait3A_623 : memref<10000x128xf32, #tpu.memory_space<hbm>>) dst(%dma_wait3A_617 : memref<64x128xf32, #tpu.memory_space<vmem>>)
        %run_scoped3A = arith.constant 0 : i32
        "tpu.region"() ({
          %run_scoped3A_699 = tpu.sem_alloc : memref<!tpu.dma_semaphore, #tpu.memory_space<semaphore_mem>>
          %dma_start3A_700 = arith.constant 0 : i32
          %dma_start3A_701 = arith.constant 0 : i32
          %dma_start3A_702 = tpu.memref_slice %arg8[%run_scoped3A, %dma_start3A_700, %dma_start3A_701] : memref<4x64x128xf32, #tpu.memory_space<vmem>> -> memref<1x64x128xf32, #tpu.memory_space<vmem>>
          %dma_start3A_703 = tpu.memref_squeeze %dma_start3A_702 : memref<1x64x128xf32, #tpu.memory_space<vmem>> -> memref<64x128xf32, #tpu.memory_space<vmem>>
          %dma_start3A_704 = arith.constant 0 : i32
          %dma_start3A_705 = tpu.memref_slice %arg7[%add3A_613, %dma_start3A_704] : memref<40x64xi32, #tpu.memory_space<vmem>> -> memref<1x64xi32, #tpu.memory_space<vmem>>
          %dma_start3A_706 = tpu.memref_squeeze %dma_start3A_705 : memref<1x64xi32, #tpu.memory_space<vmem>> -> memref<64xi32, #tpu.memory_space<vmem>>
          %dma_start3A_707 = arith.constant 0 : i32
          %dma_start3A_708 = arith.constant 0 : i32
          %dma_start3A_709 = tpu.memref_slice %arg10[%dma_start3A_707, %dma_start3A_708] : memref<10112x128xf32, #tpu.memory_space<vmem_shared>> -> memref<10112x128xf32, #tpu.memory_space<vmem_shared>>
          tpu.enqueue_indirect_dma source(%dma_start3A_703 : memref<64x128xf32, #tpu.memory_space<vmem>>) target(%dma_start3A_709 : memref<10112x128xf32, #tpu.memory_space<vmem_shared>>) offsets(%dma_start3A_706 : memref<64xi32, #tpu.memory_space<vmem>>) semaphore(%run_scoped3A_699 : memref<!tpu.dma_semaphore, #tpu.memory_space<semaphore_mem>>) {add = true}
          %dma_wait3A_710 = arith.constant 0 : i32
          %dma_wait3A_711 = arith.constant 0 : i32
          %dma_wait3A_712 = tpu.memref_slice %arg8[%run_scoped3A, %dma_wait3A_710, %dma_wait3A_711] : memref<4x64x128xf32, #tpu.memory_space<vmem>> -> memref<1x64x128xf32, #tpu.memory_space<vmem>>
          %dma_wait3A_713 = tpu.memref_squeeze %dma_wait3A_712 : memref<1x64x128xf32, #tpu.memory_space<vmem>> -> memref<64x128xf32, #tpu.memory_space<vmem>>
          %dma_wait3A_714 = arith.constant 0 : i32
          %dma_wait3A_715 = tpu.memref_slice %arg7[%add3A_613, %dma_wait3A_714] : memref<40x64xi32, #tpu.memory_space<vmem>> -> memref<1x64xi32, #tpu.memory_space<vmem>>
          %dma_wait3A_716 = tpu.memref_squeeze %dma_wait3A_715 : memref<1x64xi32, #tpu.memory_space<vmem>> -> memref<64xi32, #tpu.memory_space<vmem>>
          %dma_wait3A_717 = arith.constant 0 : i32
          %dma_wait3A_718 = arith.constant 0 : i32
          %dma_wait3A_719 = tpu.memref_slice %arg10[%dma_wait3A_717, %dma_wait3A_718] : memref<10112x128xf32, #tpu.memory_space<vmem_shared>> -> memref<10112x128xf32, #tpu.memory_space<vmem_shared>>
          tpu.wait_indirect_dma semaphore(%run_scoped3A_699 : memref<!tpu.dma_semaphore, #tpu.memory_space<semaphore_mem>>) src(%dma_wait3A_713 : memref<64x128xf32, #tpu.memory_space<vmem>>) dst(%dma_wait3A_719 : memref<10112x128xf32, #tpu.memory_space<vmem_shared>>)
          tpu.yield
        }) : () -> ()
        %add3A_624 = arith.constant 4 : i32
        %add3A_625 = arith.addi %add3A_613, %add3A_624 : i32
        %lt3A = arith.constant 40 : i32
        %lt3A_626 = arith.cmpi slt, %add3A_625, %lt3A : i32
        %convert_element_type3A_627 = arith.extui %lt3A_626 : i1 to i32
        %cond3A_628 = arith.constant 0 : i32
        %cond3A_629 = arith.cmpi ne, %convert_element_type3A_627, %cond3A_628 : i32
        scf.if %cond3A_629 {
          %dma_start3A_699 = arith.constant 0 : i32
          %dma_start3A_700 = arith.constant 0 : i32
          %dma_start3A_701 = arith.constant 0 : i32
          %dma_start3A_702 = tpu.memref_slice %arg8[%dma_start3A_699, %dma_start3A_700, %dma_start3A_701] : memref<4x64x128xf32, #tpu.memory_space<vmem>> -> memref<1x64x128xf32, #tpu.memory_space<vmem>>
          %dma_start3A_703 = tpu.memref_squeeze %dma_start3A_702 : memref<1x64x128xf32, #tpu.memory_space<vmem>> -> memref<64x128xf32, #tpu.memory_space<vmem>>
          %dma_start3A_704 = arith.constant 0 : i32
          %dma_start3A_705 = tpu.memref_slice %arg6[%add3A_625, %dma_start3A_704] : memref<40x64xi32, #tpu.memory_space<vmem>> -> memref<1x64xi32, #tpu.memory_space<vmem>>
          %dma_start3A_706 = tpu.memref_squeeze %dma_start3A_705 : memref<1x64xi32, #tpu.memory_space<vmem>> -> memref<64xi32, #tpu.memory_space<vmem>>
          %dma_start3A_707 = arith.constant 0 : i32
          %dma_start3A_708 = arith.constant 0 : i32
          %dma_start3A_709 = tpu.memref_slice %arg2[%dma_start3A_707, %dma_start3A_708] : memref<10000x128xf32, #tpu.memory_space<hbm>> -> memref<10000x128xf32, #tpu.memory_space<hbm>>
          tpu.enqueue_indirect_dma source(%dma_start3A_709 : memref<10000x128xf32, #tpu.memory_space<hbm>>) target(%dma_start3A_703 : memref<64x128xf32, #tpu.memory_space<vmem>>) offsets(%dma_start3A_706 : memref<64xi32, #tpu.memory_space<vmem>>) semaphore(%arg12 : memref<!tpu.dma_semaphore, #tpu.memory_space<semaphore_mem>>)
        } else {
        }
        %mul3A_630 = arith.constant 4 : i32
        %mul3A_631 = arith.muli %while3A_609, %mul3A_630 : i32
        %add3A_632 = arith.constant 1 : i32
        %add3A_633 = arith.addi %mul3A_631, %add3A_632 : i32
        %dma_wait3A_634 = arith.constant 1 : i32
        %dma_wait3A_635 = arith.constant 0 : i32
        %dma_wait3A_636 = arith.constant 0 : i32
        %dma_wait3A_637 = tpu.memref_slice %arg8[%dma_wait3A_634, %dma_wait3A_635, %dma_wait3A_636] : memref<4x64x128xf32, #tpu.memory_space<vmem>> -> memref<1x64x128xf32, #tpu.memory_space<vmem>>
        %dma_wait3A_638 = tpu.memref_squeeze %dma_wait3A_637 : memref<1x64x128xf32, #tpu.memory_space<vmem>> -> memref<64x128xf32, #tpu.memory_space<vmem>>
        %dma_wait3A_639 = arith.constant 0 : i32
        %dma_wait3A_640 = tpu.memref_slice %arg6[%add3A_633, %dma_wait3A_639] : memref<40x64xi32, #tpu.memory_space<vmem>> -> memref<1x64xi32, #tpu.memory_space<vmem>>
        %dma_wait3A_641 = tpu.memref_squeeze %dma_wait3A_640 : memref<1x64xi32, #tpu.memory_space<vmem>> -> memref<64xi32, #tpu.memory_space<vmem>>
        %dma_wait3A_642 = arith.constant 0 : i32
        %dma_wait3A_643 = arith.constant 0 : i32
        %dma_wait3A_644 = tpu.memref_slice %arg2[%dma_wait3A_642, %dma_wait3A_643] : memref<10000x128xf32, #tpu.memory_space<hbm>> -> memref<10000x128xf32, #tpu.memory_space<hbm>>
        tpu.wait_indirect_dma semaphore(%arg13 : memref<!tpu.dma_semaphore, #tpu.memory_space<semaphore_mem>>) src(%dma_wait3A_644 : memref<10000x128xf32, #tpu.memory_space<hbm>>) dst(%dma_wait3A_638 : memref<64x128xf32, #tpu.memory_space<vmem>>)
        %run_scoped3A_645 = arith.constant 1 : i32
        "tpu.region"() ({
          %run_scoped3A_699 = tpu.sem_alloc : memref<!tpu.dma_semaphore, #tpu.memory_space<semaphore_mem>>
          %dma_start3A_700 = arith.constant 0 : i32
          %dma_start3A_701 = arith.constant 0 : i32
          %dma_start3A_702 = tpu.memref_slice %arg8[%run_scoped3A_645, %dma_start3A_700, %dma_start3A_701] : memref<4x64x128xf32, #tpu.memory_space<vmem>> -> memref<1x64x128xf32, #tpu.memory_space<vmem>>
          %dma_start3A_703 = tpu.memref_squeeze %dma_start3A_702 : memref<1x64x128xf32, #tpu.memory_space<vmem>> -> memref<64x128xf32, #tpu.memory_space<vmem>>
          %dma_start3A_704 = arith.constant 0 : i32
          %dma_start3A_705 = tpu.memref_slice %arg7[%add3A_633, %dma_start3A_704] : memref<40x64xi32, #tpu.memory_space<vmem>> -> memref<1x64xi32, #tpu.memory_space<vmem>>
          %dma_start3A_706 = tpu.memref_squeeze %dma_start3A_705 : memref<1x64xi32, #tpu.memory_space<vmem>> -> memref<64xi32, #tpu.memory_space<vmem>>
          %dma_start3A_707 = arith.constant 0 : i32
          %dma_start3A_708 = arith.constant 0 : i32
          %dma_start3A_709 = tpu.memref_slice %arg10[%dma_start3A_707, %dma_start3A_708] : memref<10112x128xf32, #tpu.memory_space<vmem_shared>> -> memref<10112x128xf32, #tpu.memory_space<vmem_shared>>
          tpu.enqueue_indirect_dma source(%dma_start3A_703 : memref<64x128xf32, #tpu.memory_space<vmem>>) target(%dma_start3A_709 : memref<10112x128xf32, #tpu.memory_space<vmem_shared>>) offsets(%dma_start3A_706 : memref<64xi32, #tpu.memory_space<vmem>>) semaphore(%run_scoped3A_699 : memref<!tpu.dma_semaphore, #tpu.memory_space<semaphore_mem>>) {add = true}
          %dma_wait3A_710 = arith.constant 0 : i32
          %dma_wait3A_711 = arith.constant 0 : i32
          %dma_wait3A_712 = tpu.memref_slice %arg8[%run_scoped3A_645, %dma_wait3A_710, %dma_wait3A_711] : memref<4x64x128xf32, #tpu.memory_space<vmem>> -> memref<1x64x128xf32, #tpu.memory_space<vmem>>
          %dma_wait3A_713 = tpu.memref_squeeze %dma_wait3A_712 : memref<1x64x128xf32, #tpu.memory_space<vmem>> -> memref<64x128xf32, #tpu.memory_space<vmem>>
          %dma_wait3A_714 = arith.constant 0 : i32
          %dma_wait3A_715 = tpu.memref_slice %arg7[%add3A_633, %dma_wait3A_714] : memref<40x64xi32, #tpu.memory_space<vmem>> -> memref<1x64xi32, #tpu.memory_space<vmem>>
          %dma_wait3A_716 = tpu.memref_squeeze %dma_wait3A_715 : memref<1x64xi32, #tpu.memory_space<vmem>> -> memref<64xi32, #tpu.memory_space<vmem>>
          %dma_wait3A_717 = arith.constant 0 : i32
          %dma_wait3A_718 = arith.constant 0 : i32
          %dma_wait3A_719 = tpu.memref_slice %arg10[%dma_wait3A_717, %dma_wait3A_718] : memref<10112x128xf32, #tpu.memory_space<vmem_shared>> -> memref<10112x128xf32, #tpu.memory_space<vmem_shared>>
          tpu.wait_indirect_dma semaphore(%run_scoped3A_699 : memref<!tpu.dma_semaphore, #tpu.memory_space<semaphore_mem>>) src(%dma_wait3A_713 : memref<64x128xf32, #tpu.memory_space<vmem>>) dst(%dma_wait3A_719 : memref<10112x128xf32, #tpu.memory_space<vmem_shared>>)
          tpu.yield
        }) : () -> ()
        %add3A_646 = arith.constant 4 : i32
        %add3A_647 = arith.addi %add3A_633, %add3A_646 : i32
        %lt3A_648 = arith.constant 40 : i32
        %lt3A_649 = arith.cmpi slt, %add3A_647, %lt3A_648 : i32
        %convert_element_type3A_650 = arith.extui %lt3A_649 : i1 to i32
        %cond3A_651 = arith.constant 0 : i32
        %cond3A_652 = arith.cmpi ne, %convert_element_type3A_650, %cond3A_651 : i32
        scf.if %cond3A_652 {
          %dma_start3A_699 = arith.constant 1 : i32
          %dma_start3A_700 = arith.constant 0 : i32
          %dma_start3A_701 = arith.constant 0 : i32
          %dma_start3A_702 = tpu.memref_slice %arg8[%dma_start3A_699, %dma_start3A_700, %dma_start3A_701] : memref<4x64x128xf32, #tpu.memory_space<vmem>> -> memref<1x64x128xf32, #tpu.memory_space<vmem>>
          %dma_start3A_703 = tpu.memref_squeeze %dma_start3A_702 : memref<1x64x128xf32, #tpu.memory_space<vmem>> -> memref<64x128xf32, #tpu.memory_space<vmem>>
          %dma_start3A_704 = arith.constant 0 : i32
          %dma_start3A_705 = tpu.memref_slice %arg6[%add3A_647, %dma_start3A_704] : memref<40x64xi32, #tpu.memory_space<vmem>> -> memref<1x64xi32, #tpu.memory_space<vmem>>
          %dma_start3A_706 = tpu.memref_squeeze %dma_start3A_705 : memref<1x64xi32, #tpu.memory_space<vmem>> -> memref<64xi32, #tpu.memory_space<vmem>>
          %dma_start3A_707 = arith.constant 0 : i32
          %dma_start3A_708 = arith.constant 0 : i32
          %dma_start3A_709 = tpu.memref_slice %arg2[%dma_start3A_707, %dma_start3A_708] : memref<10000x128xf32, #tpu.memory_space<hbm>> -> memref<10000x128xf32, #tpu.memory_space<hbm>>
          tpu.enqueue_indirect_dma source(%dma_start3A_709 : memref<10000x128xf32, #tpu.memory_space<hbm>>) target(%dma_start3A_703 : memref<64x128xf32, #tpu.memory_space<vmem>>) offsets(%dma_start3A_706 : memref<64xi32, #tpu.memory_space<vmem>>) semaphore(%arg13 : memref<!tpu.dma_semaphore, #tpu.memory_space<semaphore_mem>>)
        } else {
        }
        %mul3A_653 = arith.constant 4 : i32
        %mul3A_654 = arith.muli %while3A_609, %mul3A_653 : i32
        %add3A_655 = arith.constant 2 : i32
        %add3A_656 = arith.addi %mul3A_654, %add3A_655 : i32
        %dma_wait3A_657 = arith.constant 2 : i32
        %dma_wait3A_658 = arith.constant 0 : i32
        %dma_wait3A_659 = arith.constant 0 : i32
        %dma_wait3A_660 = tpu.memref_slice %arg8[%dma_wait3A_657, %dma_wait3A_658, %dma_wait3A_659] : memref<4x64x128xf32, #tpu.memory_space<vmem>> -> memref<1x64x128xf32, #tpu.memory_space<vmem>>
        %dma_wait3A_661 = tpu.memref_squeeze %dma_wait3A_660 : memref<1x64x128xf32, #tpu.memory_space<vmem>> -> memref<64x128xf32, #tpu.memory_space<vmem>>
        %dma_wait3A_662 = arith.constant 0 : i32
        %dma_wait3A_663 = tpu.memref_slice %arg6[%add3A_656, %dma_wait3A_662] : memref<40x64xi32, #tpu.memory_space<vmem>> -> memref<1x64xi32, #tpu.memory_space<vmem>>
        %dma_wait3A_664 = tpu.memref_squeeze %dma_wait3A_663 : memref<1x64xi32, #tpu.memory_space<vmem>> -> memref<64xi32, #tpu.memory_space<vmem>>
        %dma_wait3A_665 = arith.constant 0 : i32
        %dma_wait3A_666 = arith.constant 0 : i32
        %dma_wait3A_667 = tpu.memref_slice %arg2[%dma_wait3A_665, %dma_wait3A_666] : memref<10000x128xf32, #tpu.memory_space<hbm>> -> memref<10000x128xf32, #tpu.memory_space<hbm>>
        tpu.wait_indirect_dma semaphore(%arg14 : memref<!tpu.dma_semaphore, #tpu.memory_space<semaphore_mem>>) src(%dma_wait3A_667 : memref<10000x128xf32, #tpu.memory_space<hbm>>) dst(%dma_wait3A_661 : memref<64x128xf32, #tpu.memory_space<vmem>>)
        %run_scoped3A_668 = arith.constant 2 : i32
        "tpu.region"() ({
          %run_scoped3A_699 = tpu.sem_alloc : memref<!tpu.dma_semaphore, #tpu.memory_space<semaphore_mem>>
          %dma_start3A_700 = arith.constant 0 : i32
          %dma_start3A_701 = arith.constant 0 : i32
          %dma_start3A_702 = tpu.memref_slice %arg8[%run_scoped3A_668, %dma_start3A_700, %dma_start3A_701] : memref<4x64x128xf32, #tpu.memory_space<vmem>> -> memref<1x64x128xf32, #tpu.memory_space<vmem>>
          %dma_start3A_703 = tpu.memref_squeeze %dma_start3A_702 : memref<1x64x128xf32, #tpu.memory_space<vmem>> -> memref<64x128xf32, #tpu.memory_space<vmem>>
          %dma_start3A_704 = arith.constant 0 : i32
          %dma_start3A_705 = tpu.memref_slice %arg7[%add3A_656, %dma_start3A_704] : memref<40x64xi32, #tpu.memory_space<vmem>> -> memref<1x64xi32, #tpu.memory_space<vmem>>
          %dma_start3A_706 = tpu.memref_squeeze %dma_start3A_705 : memref<1x64xi32, #tpu.memory_space<vmem>> -> memref<64xi32, #tpu.memory_space<vmem>>
          %dma_start3A_707 = arith.constant 0 : i32
          %dma_start3A_708 = arith.constant 0 : i32
          %dma_start3A_709 = tpu.memref_slice %arg10[%dma_start3A_707, %dma_start3A_708] : memref<10112x128xf32, #tpu.memory_space<vmem_shared>> -> memref<10112x128xf32, #tpu.memory_space<vmem_shared>>
          tpu.enqueue_indirect_dma source(%dma_start3A_703 : memref<64x128xf32, #tpu.memory_space<vmem>>) target(%dma_start3A_709 : memref<10112x128xf32, #tpu.memory_space<vmem_shared>>) offsets(%dma_start3A_706 : memref<64xi32, #tpu.memory_space<vmem>>) semaphore(%run_scoped3A_699 : memref<!tpu.dma_semaphore, #tpu.memory_space<semaphore_mem>>) {add = true}
          %dma_wait3A_710 = arith.constant 0 : i32
          %dma_wait3A_711 = arith.constant 0 : i32
          %dma_wait3A_712 = tpu.memref_slice %arg8[%run_scoped3A_668, %dma_wait3A_710, %dma_wait3A_711] : memref<4x64x128xf32, #tpu.memory_space<vmem>> -> memref<1x64x128xf32, #tpu.memory_space<vmem>>
          %dma_wait3A_713 = tpu.memref_squeeze %dma_wait3A_712 : memref<1x64x128xf32, #tpu.memory_space<vmem>> -> memref<64x128xf32, #tpu.memory_space<vmem>>
          %dma_wait3A_714 = arith.constant 0 : i32
          %dma_wait3A_715 = tpu.memref_slice %arg7[%add3A_656, %dma_wait3A_714] : memref<40x64xi32, #tpu.memory_space<vmem>> -> memref<1x64xi32, #tpu.memory_space<vmem>>
          %dma_wait3A_716 = tpu.memref_squeeze %dma_wait3A_715 : memref<1x64xi32, #tpu.memory_space<vmem>> -> memref<64xi32, #tpu.memory_space<vmem>>
          %dma_wait3A_717 = arith.constant 0 : i32
          %dma_wait3A_718 = arith.constant 0 : i32
          %dma_wait3A_719 = tpu.memref_slice %arg10[%dma_wait3A_717, %dma_wait3A_718] : memref<10112x128xf32, #tpu.memory_space<vmem_shared>> -> memref<10112x128xf32, #tpu.memory_space<vmem_shared>>
          tpu.wait_indirect_dma semaphore(%run_scoped3A_699 : memref<!tpu.dma_semaphore, #tpu.memory_space<semaphore_mem>>) src(%dma_wait3A_713 : memref<64x128xf32, #tpu.memory_space<vmem>>) dst(%dma_wait3A_719 : memref<10112x128xf32, #tpu.memory_space<vmem_shared>>)
          tpu.yield
        }) : () -> ()
        %add3A_669 = arith.constant 4 : i32
        %add3A_670 = arith.addi %add3A_656, %add3A_669 : i32
        %lt3A_671 = arith.constant 40 : i32
        %lt3A_672 = arith.cmpi slt, %add3A_670, %lt3A_671 : i32
        %convert_element_type3A_673 = arith.extui %lt3A_672 : i1 to i32
        %cond3A_674 = arith.constant 0 : i32
        %cond3A_675 = arith.cmpi ne, %convert_element_type3A_673, %cond3A_674 : i32
        scf.if %cond3A_675 {
          %dma_start3A_699 = arith.constant 2 : i32
          %dma_start3A_700 = arith.constant 0 : i32
          %dma_start3A_701 = arith.constant 0 : i32
          %dma_start3A_702 = tpu.memref_slice %arg8[%dma_start3A_699, %dma_start3A_700, %dma_start3A_701] : memref<4x64x128xf32, #tpu.memory_space<vmem>> -> memref<1x64x128xf32, #tpu.memory_space<vmem>>
          %dma_start3A_703 = tpu.memref_squeeze %dma_start3A_702 : memref<1x64x128xf32, #tpu.memory_space<vmem>> -> memref<64x128xf32, #tpu.memory_space<vmem>>
          %dma_start3A_704 = arith.constant 0 : i32
          %dma_start3A_705 = tpu.memref_slice %arg6[%add3A_670, %dma_start3A_704] : memref<40x64xi32, #tpu.memory_space<vmem>> -> memref<1x64xi32, #tpu.memory_space<vmem>>
          %dma_start3A_706 = tpu.memref_squeeze %dma_start3A_705 : memref<1x64xi32, #tpu.memory_space<vmem>> -> memref<64xi32, #tpu.memory_space<vmem>>
          %dma_start3A_707 = arith.constant 0 : i32
          %dma_start3A_708 = arith.constant 0 : i32
          %dma_start3A_709 = tpu.memref_slice %arg2[%dma_start3A_707, %dma_start3A_708] : memref<10000x128xf32, #tpu.memory_space<hbm>> -> memref<10000x128xf32, #tpu.memory_space<hbm>>
          tpu.enqueue_indirect_dma source(%dma_start3A_709 : memref<10000x128xf32, #tpu.memory_space<hbm>>) target(%dma_start3A_703 : memref<64x128xf32, #tpu.memory_space<vmem>>) offsets(%dma_start3A_706 : memref<64xi32, #tpu.memory_space<vmem>>) semaphore(%arg14 : memref<!tpu.dma_semaphore, #tpu.memory_space<semaphore_mem>>)
        } else {
        }
        %mul3A_676 = arith.constant 4 : i32
        %mul3A_677 = arith.muli %while3A_609, %mul3A_676 : i32
        %add3A_678 = arith.constant 3 : i32
        %add3A_679 = arith.addi %mul3A_677, %add3A_678 : i32
        %dma_wait3A_680 = arith.constant 3 : i32
        %dma_wait3A_681 = arith.constant 0 : i32
        %dma_wait3A_682 = arith.constant 0 : i32
        %dma_wait3A_683 = tpu.memref_slice %arg8[%dma_wait3A_680, %dma_wait3A_681, %dma_wait3A_682] : memref<4x64x128xf32, #tpu.memory_space<vmem>> -> memref<1x64x128xf32, #tpu.memory_space<vmem>>
        %dma_wait3A_684 = tpu.memref_squeeze %dma_wait3A_683 : memref<1x64x128xf32, #tpu.memory_space<vmem>> -> memref<64x128xf32, #tpu.memory_space<vmem>>
        %dma_wait3A_685 = arith.constant 0 : i32
        %dma_wait3A_686 = tpu.memref_slice %arg6[%add3A_679, %dma_wait3A_685] : memref<40x64xi32, #tpu.memory_space<vmem>> -> memref<1x64xi32, #tpu.memory_space<vmem>>
        %dma_wait3A_687 = tpu.memref_squeeze %dma_wait3A_686 : memref<1x64xi32, #tpu.memory_space<vmem>> -> memref<64xi32, #tpu.memory_space<vmem>>
        %dma_wait3A_688 = arith.constant 0 : i32
        %dma_wait3A_689 = arith.constant 0 : i32
        %dma_wait3A_690 = tpu.memref_slice %arg2[%dma_wait3A_688, %dma_wait3A_689] : memref<10000x128xf32, #tpu.memory_space<hbm>> -> memref<10000x128xf32, #tpu.memory_space<hbm>>
        tpu.wait_indirect_dma semaphore(%arg15 : memref<!tpu.dma_semaphore, #tpu.memory_space<semaphore_mem>>) src(%dma_wait3A_690 : memref<10000x128xf32, #tpu.memory_space<hbm>>) dst(%dma_wait3A_684 : memref<64x128xf32, #tpu.memory_space<vmem>>)
        %run_scoped3A_691 = arith.constant 3 : i32
        "tpu.region"() ({
          %run_scoped3A_699 = tpu.sem_alloc : memref<!tpu.dma_semaphore, #tpu.memory_space<semaphore_mem>>
          %dma_start3A_700 = arith.constant 0 : i32
          %dma_start3A_701 = arith.constant 0 : i32
          %dma_start3A_702 = tpu.memref_slice %arg8[%run_scoped3A_691, %dma_start3A_700, %dma_start3A_701] : memref<4x64x128xf32, #tpu.memory_space<vmem>> -> memref<1x64x128xf32, #tpu.memory_space<vmem>>
          %dma_start3A_703 = tpu.memref_squeeze %dma_start3A_702 : memref<1x64x128xf32, #tpu.memory_space<vmem>> -> memref<64x128xf32, #tpu.memory_space<vmem>>
          %dma_start3A_704 = arith.constant 0 : i32
          %dma_start3A_705 = tpu.memref_slice %arg7[%add3A_679, %dma_start3A_704] : memref<40x64xi32, #tpu.memory_space<vmem>> -> memref<1x64xi32, #tpu.memory_space<vmem>>
          %dma_start3A_706 = tpu.memref_squeeze %dma_start3A_705 : memref<1x64xi32, #tpu.memory_space<vmem>> -> memref<64xi32, #tpu.memory_space<vmem>>
          %dma_start3A_707 = arith.constant 0 : i32
          %dma_start3A_708 = arith.constant 0 : i32
          %dma_start3A_709 = tpu.memref_slice %arg10[%dma_start3A_707, %dma_start3A_708] : memref<10112x128xf32, #tpu.memory_space<vmem_shared>> -> memref<10112x128xf32, #tpu.memory_space<vmem_shared>>
          tpu.enqueue_indirect_dma source(%dma_start3A_703 : memref<64x128xf32, #tpu.memory_space<vmem>>) target(%dma_start3A_709 : memref<10112x128xf32, #tpu.memory_space<vmem_shared>>) offsets(%dma_start3A_706 : memref<64xi32, #tpu.memory_space<vmem>>) semaphore(%run_scoped3A_699 : memref<!tpu.dma_semaphore, #tpu.memory_space<semaphore_mem>>) {add = true}
          %dma_wait3A_710 = arith.constant 0 : i32
          %dma_wait3A_711 = arith.constant 0 : i32
          %dma_wait3A_712 = tpu.memref_slice %arg8[%run_scoped3A_691, %dma_wait3A_710, %dma_wait3A_711] : memref<4x64x128xf32, #tpu.memory_space<vmem>> -> memref<1x64x128xf32, #tpu.memory_space<vmem>>
          %dma_wait3A_713 = tpu.memref_squeeze %dma_wait3A_712 : memref<1x64x128xf32, #tpu.memory_space<vmem>> -> memref<64x128xf32, #tpu.memory_space<vmem>>
          %dma_wait3A_714 = arith.constant 0 : i32
          %dma_wait3A_715 = tpu.memref_slice %arg7[%add3A_679, %dma_wait3A_714] : memref<40x64xi32, #tpu.memory_space<vmem>> -> memref<1x64xi32, #tpu.memory_space<vmem>>
          %dma_wait3A_716 = tpu.memref_squeeze %dma_wait3A_715 : memref<1x64xi32, #tpu.memory_space<vmem>> -> memref<64xi32, #tpu.memory_space<vmem>>
          %dma_wait3A_717 = arith.constant 0 : i32
          %dma_wait3A_718 = arith.constant 0 : i32
          %dma_wait3A_719 = tpu.memref_slice %arg10[%dma_wait3A_717, %dma_wait3A_718] : memref<10112x128xf32, #tpu.memory_space<vmem_shared>> -> memref<10112x128xf32, #tpu.memory_space<vmem_shared>>
          tpu.wait_indirect_dma semaphore(%run_scoped3A_699 : memref<!tpu.dma_semaphore, #tpu.memory_space<semaphore_mem>>) src(%dma_wait3A_713 : memref<64x128xf32, #tpu.memory_space<vmem>>) dst(%dma_wait3A_719 : memref<10112x128xf32, #tpu.memory_space<vmem_shared>>)
          tpu.yield
        }) : () -> ()
        %add3A_692 = arith.constant 4 : i32
        %add3A_693 = arith.addi %add3A_679, %add3A_692 : i32
        %lt3A_694 = arith.constant 40 : i32
        %lt3A_695 = arith.cmpi slt, %add3A_693, %lt3A_694 : i32
        %convert_element_type3A_696 = arith.extui %lt3A_695 : i1 to i32
        %cond3A_697 = arith.constant 0 : i32
        %cond3A_698 = arith.cmpi ne, %convert_element_type3A_696, %cond3A_697 : i32
        scf.if %cond3A_698 {
          %dma_start3A_699 = arith.constant 3 : i32
          %dma_start3A_700 = arith.constant 0 : i32
          %dma_start3A_701 = arith.constant 0 : i32
          %dma_start3A_702 = tpu.memref_slice %arg8[%dma_start3A_699, %dma_start3A_700, %dma_start3A_701] : memref<4x64x128xf32, #tpu.memory_space<vmem>> -> memref<1x64x128xf32, #tpu.memory_space<vmem>>
          %dma_start3A_703 = tpu.memref_squeeze %dma_start3A_702 : memref<1x64x128xf32, #tpu.memory_space<vmem>> -> memref<64x128xf32, #tpu.memory_space<vmem>>
          %dma_start3A_704 = arith.constant 0 : i32
          %dma_start3A_705 = tpu.memref_slice %arg6[%add3A_693, %dma_start3A_704] : memref<40x64xi32, #tpu.memory_space<vmem>> -> memref<1x64xi32, #tpu.memory_space<vmem>>
          %dma_start3A_706 = tpu.memref_squeeze %dma_start3A_705 : memref<1x64xi32, #tpu.memory_space<vmem>> -> memref<64xi32, #tpu.memory_space<vmem>>
          %dma_start3A_707 = arith.constant 0 : i32
          %dma_start3A_708 = arith.constant 0 : i32
          %dma_start3A_709 = tpu.memref_slice %arg2[%dma_start3A_707, %dma_start3A_708] : memref<10000x128xf32, #tpu.memory_space<hbm>> -> memref<10000x128xf32, #tpu.memory_space<hbm>>
          tpu.enqueue_indirect_dma source(%dma_start3A_709 : memref<10000x128xf32, #tpu.memory_space<hbm>>) target(%dma_start3A_703 : memref<64x128xf32, #tpu.memory_space<vmem>>) offsets(%dma_start3A_706 : memref<64xi32, #tpu.memory_space<vmem>>) semaphore(%arg15 : memref<!tpu.dma_semaphore, #tpu.memory_space<semaphore_mem>>)
        } else {
        }
      }
    }
    %barrier3A_543 = arith.constant 0 : index
    tpu.barrier barrier_id(%barrier3A_543)
    %mul3A_544 = arith.constant 632 : i32
    %mul3A_545 = arith.muli %arg1, %mul3A_544 : i32
    %mul3A_546 = arith.constant 632 : i32
    %mul3A_547 = arith.muli %arg1, %mul3A_546 : i32
    "tpu.region"() ({
      %run_scoped3A = tpu.sem_alloc : memref<!tpu.dma_semaphore, #tpu.memory_space<semaphore_mem>>
      %dma_start3A = arith.constant 0 : i32
      %dma_start3A_548 = arith.constant 0 : i32
      %dma_start3A_549 = tpu.memref_slice %arg5[%arg0, %dma_start3A, %dma_start3A_548] : memref<2x10112x128xf32, #tpu.memory_space<hbm>> -> memref<1x10112x128xf32, #tpu.memory_space<hbm>>
      %dma_start3A_550 = tpu.memref_squeeze %dma_start3A_549 : memref<1x10112x128xf32, #tpu.memory_space<hbm>> -> memref<10112x128xf32, #tpu.memory_space<hbm>>
      %dma_start3A_551 = arith.constant 0 : i32
      %dma_start3A_552 = tpu.memref_slice %dma_start3A_550[%mul3A_547, %dma_start3A_551] : memref<10112x128xf32, #tpu.memory_space<hbm>> -> memref<632x128xf32, #tpu.memory_space<hbm>>
      %dma_start3A_553 = arith.constant 0 : i32
      %dma_start3A_554 = tpu.memref_slice %arg10[%mul3A_545, %dma_start3A_553] : memref<10112x128xf32, #tpu.memory_space<vmem_shared>> -> memref<632x128xf32, #tpu.memory_space<vmem_shared>>
      tpu.enqueue_dma source(%dma_start3A_554 : memref<632x128xf32, #tpu.memory_space<vmem_shared>>) target(%dma_start3A_552 : memref<632x128xf32, #tpu.memory_space<hbm>>) target_semaphore(%run_scoped3A : memref<!tpu.dma_semaphore, #tpu.memory_space<semaphore_mem>>)
      %dma_wait3A = arith.constant 0 : i32
      %dma_wait3A_555 = arith.constant 0 : i32
      %dma_wait3A_556 = tpu.memref_slice %arg5[%arg0, %dma_wait3A, %dma_wait3A_555] : memref<2x10112x128xf32, #tpu.memory_space<hbm>> -> memref<1x10112x128xf32, #tpu.memory_space<hbm>>
      %dma_wait3A_557 = tpu.memref_squeeze %dma_wait3A_556 : memref<1x10112x128xf32, #tpu.memory_space<hbm>> -> memref<10112x128xf32, #tpu.memory_space<hbm>>
      %dma_wait3A_558 = arith.constant 0 : i32
      %dma_wait3A_559 = tpu.memref_slice %dma_wait3A_557[%mul3A_547, %dma_wait3A_558] : memref<10112x128xf32, #tpu.memory_space<hbm>> -> memref<632x128xf32, #tpu.memory_space<hbm>>
      %dma_wait3A_560 = arith.constant 0 : i32
      %dma_wait3A_561 = tpu.memref_slice %arg10[%mul3A_545, %dma_wait3A_560] : memref<10112x128xf32, #tpu.memory_space<vmem_shared>> -> memref<632x128xf32, #tpu.memory_space<vmem_shared>>
      tpu.wait_dma2 semaphore(%run_scoped3A : memref<!tpu.dma_semaphore, #tpu.memory_space<semaphore_mem>>) src(%dma_wait3A_561 : memref<632x128xf32, #tpu.memory_space<vmem_shared>>) dst(%dma_wait3A_559 : memref<632x128xf32, #tpu.memory_space<hbm>>)
      tpu.yield
    }) : () -> ()
    return
  }
}

module attributes {stable_mosaic.version = 14 : i64} {
  func.func @_tc_mid_body(%arg0: i32, %arg1: memref<2x2000x128xf32, #tpu.memory_space<vmem>>, %arg2: memref<2000x128xf32, #tpu.memory_space<vmem>>, %arg3: memref<128x128xf32, #tpu.memory_space<vmem>>, %arg4: memref<2000x128xf32, #tpu.memory_space<vmem>>) attributes {dimension_semantics = [#tpu.dimension_semantics<arbitrary>], iteration_bounds = array<i64: 5>, scalar_prefetch = 0 : i64, scratch_operands = 0 : i64, tpu.core_type = #tpu.core_type<tc>, window_params = [{transform_indices = @transform_0, window_bounds = array<i64: 2, 2000, 128>}, {transform_indices = @transform_1, window_bounds = array<i64: 2000, 128>}, {pipeline_mode = #tpu.pipeline_mode<synchronous>, transform_indices = @transform_2, window_bounds = array<i64: 128, 128>}, {transform_indices = @transform_3, window_bounds = array<i64: 2000, 128>}]} {
    %get3A = arith.constant 0 : index
    %get3A_0 = arith.constant 0 : index
    %get3A_1 = arith.constant 0 : index
    %get3A_2 = vector.load %arg1[%get3A, %get3A_0, %get3A_1] : memref<2x2000x128xf32, #tpu.memory_space<vmem>>, vector<1x2000x128xf32>
    %get3A_3 = vector.shape_cast %get3A_2 : vector<1x2000x128xf32> to vector<2000x128xf32>
    %get3A_4 = arith.constant 1 : index
    %get3A_5 = arith.constant 0 : index
    %get3A_6 = arith.constant 0 : index
    %get3A_7 = vector.load %arg1[%get3A_4, %get3A_5, %get3A_6] : memref<2x2000x128xf32, #tpu.memory_space<vmem>>, vector<1x2000x128xf32>
    %get3A_8 = vector.shape_cast %get3A_7 : vector<1x2000x128xf32> to vector<2000x128xf32>
    %add3A = arith.addf %get3A_3, %get3A_8 : vector<2000x128xf32>
    %get3A_9 = arith.constant 0 : index
    %get3A_10 = arith.constant 0 : index
    %get3A_11 = vector.load %arg3[%get3A_9, %get3A_10] : memref<128x128xf32, #tpu.memory_space<vmem>>, vector<128x128xf32>
    %dot_general3A = arith.constant dense<0.000000e+00> : vector<2000x128xf32>
    %dot_general3A_12 = tpu.matmul %add3A, %get3A_11, %dot_general3A {dimension_numbers = #tpu.dot_dimension_numbers<[1], [0], [0], [1], [0, 0, 1, 1], [], []>, transpose_lhs_hint = false} : vector<2000x128xf32>, vector<128x128xf32>, vector<2000x128xf32> -> vector<2000x128xf32>
    %get3A_13 = arith.constant 0 : index
    %get3A_14 = arith.constant 0 : index
    %get3A_15 = vector.load %arg2[%get3A_13, %get3A_14] : memref<2000x128xf32, #tpu.memory_space<vmem>>, vector<2000x128xf32>
    %add3A_16 = arith.addf %dot_general3A_12, %get3A_15 : vector<2000x128xf32>
    %tanh3A = math.tanh %add3A_16 : vector<2000x128xf32>
    %swap3A = arith.constant 0 : index
    %swap3A_17 = arith.constant 0 : index
    %swap3A_18 = vector.load %arg4[%swap3A, %swap3A_17] : memref<2000x128xf32, #tpu.memory_space<vmem>>, vector<2000x128xf32>
    tpu.vector_store %arg4[%swap3A, %swap3A_17], %tanh3A {strides = array<i32>} : memref<2000x128xf32, #tpu.memory_space<vmem>>, vector<2000x128xf32>,
    return
  }
  func.func @transform_0(%arg0: i32) -> (i32, i32, i32) {
    %c0_i32 = arith.constant 0 : i32
    %c0_i32_0 = arith.constant 0 : i32
    %c0_i32_1 = arith.constant 0 : i32
    return %c0_i32, %arg0, %c0_i32_0 : i32, i32, i32
  }
  func.func @transform_1(%arg0: i32) -> (i32, i32) {
    %c0_i32 = arith.constant 0 : i32
    %c0_i32_0 = arith.constant 0 : i32
    return %arg0, %c0_i32 : i32, i32
  }
  func.func @transform_2(%arg0: i32) -> (i32, i32) {
    %c0_i32 = arith.constant 0 : i32
    %c0_i32_0 = arith.constant 0 : i32
    %c0_i32_1 = arith.constant 0 : i32
    return %c0_i32, %c0_i32_0 : i32, i32
  }
  func.func @transform_3(%arg0: i32) -> (i32, i32) {
    %c0_i32 = arith.constant 0 : i32
    %c0_i32_0 = arith.constant 0 : i32
    return %arg0, %c0_i32 : i32, i32
  }
}

module attributes {stable_mosaic.version = 14 : i64} {
  func.func @_tc_in_body(%arg0: i32, %arg1: memref<2000x128xf32, #tpu.memory_space<vmem>>, %arg2: memref<128x128xf32, #tpu.memory_space<vmem>>, %arg3: memref<1x128xf32, #tpu.memory_space<vmem>>, %arg4: memref<2000x128xf32, #tpu.memory_space<vmem>>, %arg5: memref<2000x128xf32, #tpu.memory_space<vmem>>) attributes {dimension_semantics = [#tpu.dimension_semantics<arbitrary>], iteration_bounds = array<i64: 5>, scalar_prefetch = 0 : i64, scratch_operands = 0 : i64, tpu.core_type = #tpu.core_type<tc>, window_params = [{transform_indices = @transform_0, window_bounds = array<i64: 2000, 128>}, {pipeline_mode = #tpu.pipeline_mode<synchronous>, transform_indices = @transform_1, window_bounds = array<i64: 128, 128>}, {pipeline_mode = #tpu.pipeline_mode<synchronous>, transform_indices = @transform_2, window_bounds = array<i64: 1, 128>}, {transform_indices = @transform_3, window_bounds = array<i64: 2000, 128>}, {transform_indices = @transform_4, window_bounds = array<i64: 2000, 128>}]} {
    %get3A = arith.constant 0 : index
    %get3A_0 = arith.constant 0 : index
    %get3A_1 = vector.load %arg1[%get3A, %get3A_0] : memref<2000x128xf32, #tpu.memory_space<vmem>>, vector<2000x128xf32>
    %get3A_2 = arith.constant 0 : index
    %get3A_3 = arith.constant 0 : index
    %get3A_4 = vector.load %arg2[%get3A_2, %get3A_3] : memref<128x128xf32, #tpu.memory_space<vmem>>, vector<128x128xf32>
    %dot_general3A = arith.constant dense<0.000000e+00> : vector<2000x128xf32>
    %dot_general3A_5 = tpu.matmul %get3A_1, %get3A_4, %dot_general3A {dimension_numbers = #tpu.dot_dimension_numbers<[1], [0], [0], [1], [0, 0, 1, 1], [], []>, transpose_lhs_hint = false} : vector<2000x128xf32>, vector<128x128xf32>, vector<2000x128xf32> -> vector<2000x128xf32>
    %get3A_6 = arith.constant 0 : index
    %get3A_7 = arith.constant 0 : index
    %get3A_8 = vector.load %arg3[%get3A_6, %get3A_7] : memref<1x128xf32, #tpu.memory_space<vmem>>, vector<1x128xf32>
    %add3A = vector.broadcast %get3A_8 : vector<1x128xf32> to vector<2000x128xf32>
    %add3A_9 = arith.addf %dot_general3A_5, %add3A : vector<2000x128xf32>
    %swap3A = arith.constant 0 : index
    %swap3A_10 = arith.constant 0 : index
    %swap3A_11 = vector.load %arg4[%swap3A, %swap3A_10] : memref<2000x128xf32, #tpu.memory_space<vmem>>, vector<2000x128xf32>
    tpu.vector_store %arg4[%swap3A, %swap3A_10], %add3A_9 {strides = array<i32>} : memref<2000x128xf32, #tpu.memory_space<vmem>>, vector<2000x128xf32>,
    %tanh3A = math.tanh %add3A_9 : vector<2000x128xf32>
    %swap3A_12 = arith.constant 0 : index
    %swap3A_13 = arith.constant 0 : index
    %swap3A_14 = vector.load %arg5[%swap3A_12, %swap3A_13] : memref<2000x128xf32, #tpu.memory_space<vmem>>, vector<2000x128xf32>
    tpu.vector_store %arg5[%swap3A_12, %swap3A_13], %tanh3A {strides = array<i32>} : memref<2000x128xf32, #tpu.memory_space<vmem>>, vector<2000x128xf32>,
    return
  }
  func.func @transform_0(%arg0: i32) -> (i32, i32) {
    %c0_i32 = arith.constant 0 : i32
    %c0_i32_0 = arith.constant 0 : i32
    return %arg0, %c0_i32 : i32, i32
  }
  func.func @transform_1(%arg0: i32) -> (i32, i32) {
    %c0_i32 = arith.constant 0 : i32
    %c0_i32_0 = arith.constant 0 : i32
    %c0_i32_1 = arith.constant 0 : i32
    return %c0_i32, %c0_i32_0 : i32, i32
  }
  func.func @transform_2(%arg0: i32) -> (i32, i32) {
    %c0_i32 = arith.constant 0 : i32
    %c0_i32_0 = arith.constant 0 : i32
    %c0_i32_1 = arith.constant 0 : i32
    return %c0_i32, %c0_i32_0 : i32, i32
  }
  func.func @transform_3(%arg0: i32) -> (i32, i32) {
    %c0_i32 = arith.constant 0 : i32
    %c0_i32_0 = arith.constant 0 : i32
    return %arg0, %c0_i32 : i32, i32
  }
  func.func @transform_4(%arg0: i32) -> (i32, i32) {
    %c0_i32 = arith.constant 0 : i32
    %c0_i32_0 = arith.constant 0 : i32
    return %arg0, %c0_i32 : i32, i32
  }
}

module attributes {stable_mosaic.version = 14 : i64} {
  func.func @_tc_out_body(%arg0: memref<32x128xf32, #tpu.memory_space<vmem>>, %arg1: memref<128x128xf32, #tpu.memory_space<vmem>>, %arg2: memref<1x128xf32, #tpu.memory_space<vmem>>, %arg3: memref<1x128xf32, #tpu.memory_space<vmem>>) attributes {dimension_semantics = [], scalar_prefetch = 0 : i64, scratch_operands = 0 : i64, tpu.core_type = #tpu.core_type<tc>} {
    %get3A = arith.constant 0 : index
    %get3A_0 = arith.constant 0 : index
    %get3A_1 = vector.load %arg0[%get3A, %get3A_0] : memref<32x128xf32, #tpu.memory_space<vmem>>, vector<32x128xf32>
    %reduce_sum3A = arith.constant dense<0.000000e+00> : vector<128xf32>
    %reduce_sum3A_2 = vector.multi_reduction <add>, %get3A_1, %reduce_sum3A [0] : vector<32x128xf32> to vector<128xf32>
    %broadcast_in_dim3A = vector.shape_cast %reduce_sum3A_2 : vector<128xf32> to vector<1x128xf32>
    %get3A_3 = arith.constant 0 : index
    %get3A_4 = arith.constant 0 : index
    %get3A_5 = vector.load %arg1[%get3A_3, %get3A_4] : memref<128x128xf32, #tpu.memory_space<vmem>>, vector<128x128xf32>
    %dot_general3A = arith.constant dense<0.000000e+00> : vector<1x128xf32>
    %dot_general3A_6 = tpu.matmul %broadcast_in_dim3A, %get3A_5, %dot_general3A {dimension_numbers = #tpu.dot_dimension_numbers<[1], [0], [0], [1], [0, 0, 1, 1], [], []>, transpose_lhs_hint = false} : vector<1x128xf32>, vector<128x128xf32>, vector<1x128xf32> -> vector<1x128xf32>
    %get3A_7 = arith.constant 0 : index
    %get3A_8 = arith.constant 0 : index
    %get3A_9 = vector.load %arg2[%get3A_7, %get3A_8] : memref<1x128xf32, #tpu.memory_space<vmem>>, vector<1x128xf32>
    %add3A = arith.addf %dot_general3A_6, %get3A_9 : vector<1x128xf32>
    %tanh3A = math.tanh %add3A : vector<1x128xf32>
    %swap3A = arith.constant 0 : index
    %swap3A_10 = arith.constant 0 : index
    %swap3A_11 = vector.load %arg3[%swap3A, %swap3A_10] : memref<1x128xf32, #tpu.memory_space<vmem>>, vector<1x128xf32>
    tpu.vector_store %arg3[%swap3A, %swap3A_10], %tanh3A {strides = array<i32>} : memref<1x128xf32, #tpu.memory_space<vmem>>, vector<1x128xf32>,
    return
  }
}

</mosaic_0001>

<sc_bundles>
// kernel: kernel.12.cloned.1.call-start
scs
__scs_entry_jumppad:
0x0: {  	(pc) =	sbr.rel $0x88, $3  }
0x1: {  	(tag) =	ssettag $0x0;
	lr =	simm.s32 $0x1  }
0x2: {  	[smem:$0x3F99] =	sst lr;
	_ =	strace $0xD0000000  }
0x3: {  	_ = 	snop  }
0x4: {  	_ = 	snop  }
0x5: {  	_ = 	snop  }
0x6: {  	_ = 	snop  }
0x7: {  	_ = 	snop  }
__scs_overlays_trampoline_lowered:
0x8: {  	[smem:$0x3FA8] =	sst s0  }
0x9: {  	[smem:$0x3FA9] =	sst s1  }
0xa: {  	[smem:$0x3FAA] =	sst s2  }
0xb: {  	[smem:$0x3FAB] =	sst s3  }
0xc: {  	[smem:$0x3FAC] =	sst s4  }
0xd: {  	[smem:$0x3FAD] =	sst s5  }
0xe: {  	[smem:$0x3FAE] =	sst s6  }
0xf: {  	[smem:$0x3FAF] =	sst s7  }
0x10: {  	[smem:$0x3FB0] =	sst s8  }
0x11: {  	[smem:$0x3FB1] =	sst s9;
	s0 =	simm.s32 @!p0 $0x0  }
0x12: {  	s1 =	sld [smem:$0x3F97];
	s0 =	simm.s32 @p0 $0x1  }
0x13: {  	[smem:$0x3FB2] =	sst s0;
	s0 =	simm.s32 @!p1 $0x0  }
0x14: {  	s2 =	sld [smem:$0x3F96];
	s0 =	simm.s32 @p1 $0x1  }
0x15: {  	[smem:$0x3FB3] =	sst s0;
	s0 =	simm.s32 @!p2 $0x0  }
0x16: {  	s3 =	sld [smem:$0x3FDB];
	s0 =	simm.s32 @p2 $0x1  }
0x17: {  	s4 =	simm.s32 $0x1BF5;
	[smem:$0x3FB5] =	sst s0  }
0x18: {  	s0 =	sld [smem:$0x3F98];
	_ =	swait.ge [sflag:s4], $0x0  }
0x19: {  	s7 =	sld [smem:$0x3F99]  }
0x1a: {  	s8 =	sadd.s32 $0xFFFFE003, lr  }
0x1b: {  	s9 =	sadd.s32 $0xFFFFFEF7, lr;
	s5 =	simm.s32 $0xFFFFFFFF;
	p2 =	slt.u32 s8, $0xFFFFF086  }
0x1c: {  	p1 =	slt.u32 s9, $0xF7A;
	s5 =	simm.s32 @!p2 $0x0  }
0x1d: {  	s5 =	simm.s32 @p1 $0x1;
	p0 =	seq.s32 s7, s2  }
0x1e: {  	s7 =	smul.u32 @!p0 $0xF7A, s2;
	p2 =	seq.s32 @!p0 s5, $0x0  }
0x1f: {  	s9 =	smul.u32 $0xF7A, s1;
	s8 =	simm.s32 @!p0 $0x1BF5;
	p2 =	por !p2, p0  }
0x20: {  	[sflag:s8] =	ssyncset.s32 @!p0 $0xFFFFF086;
	s6 =	sadd.s32 @!p0 s3, s7;
	s7 =	simm.s32 @!p0 $0x108  }
0x21: {  	s3 =	sadd.s32 s3, s9;
	s6 =	sadd.s32 @!p0 $0x88, s6;
	s7 =	simm.s32 @p2 $0x1082  }
0x22: {  	[simem:s7], [sflag:s8] =	dma.local @!p0 [hbm:s6], $0xF7A  }
0x23: {  	s9 =	sor.u32 $0xD0000000, s2;
	s6 =	simm.s32 $0x108;
	_ =	swait.ge @!p0 [sflag:s8], $0x0  }
0x24: {  	s3 =	sadd.s32 $0x88, s3;
	s6 =	simm.s32 @!p1 $0x1082;
	[sflag:s4] =	ssyncset.s32 $0xFFFFF086  }
0x25: {  	[simem:s6], [sflag:s4] =	dma.local [hbm:s3], $0xF7A  }
0x26: {  	[smem:$0x3F99] =	sst s1;
	(tag) =	ssettag s2;
	_ =	strace s9  }
0x27: {  	s1 =	sld [smem:$0x3FA9]  }
0x28: {  	s2 =	sld [smem:$0x3FAA]  }
0x29: {  	s4 =	sld [smem:$0x3FAC]  }
0x2a: {  	p0 =	seq.s32 s5, $0x0;
	s5 =	sld [smem:$0x3FAD]  }
0x2b: {  	s6 =	sld [smem:$0x3FAE]  }
0x2c: {  	s7 =	sld [smem:$0x3FAF]  }
0x2d: {  	s3 =	simm.s32 $0x108;
	s8 =	sld [smem:$0x3FB0]  }
0x2e: {  	s3 =	simm.s32 @!p0 $0x1082;
	s9 =	sld [smem:$0x3FB1]  }
0x2f: {  	lr =	sadd.s32 s0, s3;
	s0 =	sld [smem:$0x3FA8]  }
0x30: {  	s3 =	sld [smem:$0x3FAB]  }
0x31: {  	[smem:$0x3FB4] =	sst s10  }
0x32: {  	s10 =	sld [smem:$0x3FB2];
	_ =	sdelay $0x3  }
0x33: {  	p0 =	seq.s32 s10, $0x1;
	s10 =	sld [smem:$0x3FB4];
	_ =	sdelay $0x3  }
0x34: {  	[smem:$0x3FB4] =	sst s10  }
0x35: {  	s10 =	sld [smem:$0x3FB3];
	_ =	sdelay $0x3  }
0x36: {  	p1 =	seq.s32 s10, $0x1;
	s10 =	sld [smem:$0x3FB4];
	_ =	sdelay $0x3  }
0x37: {  	[smem:$0x3FB4] =	sst s10  }
0x38: {  	s10 =	sld [smem:$0x3FB5]  }
0x39: {  	_ = 	snop;
	(pc) =	sbr.ind lr, $3  }
0x3a: {  	_ = 	snop  }
0x3b: {  	_ = 	snop  }
0x3c: {  	p2 =	seq.s32 s10, $0x1;
	s10 =	sld [smem:$0x3FB4]  }
0x3d: {  	_ =	shalt  }
0x3e: {  	_ =	shalt  }
0x3f: {  	_ =	shalt  }
0x40: {  	_ =	shalt  }
0x41: {  	_ =	shalt  }
0x42: {  	_ =	shalt  }
0x43: {  	_ =	shalt  }
0x44: {  	_ =	shalt  }
0x45: {  	_ =	shalt  }
0x46: {  	_ =	shalt  }
0x47: {  	_ =	shalt  }
0x48: {  	_ =	shalt  }
0x49: {  	_ =	shalt  }
0x4a: {  	_ =	shalt  }
0x4b: {  	_ =	shalt  }
0x4c: {  	_ =	shalt  }
0x4d: {  	_ =	shalt  }
0x4e: {  	_ =	shalt  }
0x4f: {  	_ =	shalt  }
0x50: {  	_ =	shalt  }
0x51: {  	_ =	shalt  }
0x52: {  	_ =	shalt  }
0x53: {  	_ =	shalt  }
0x54: {  	_ =	shalt  }
0x55: {  	_ =	shalt  }
0x56: {  	_ =	shalt  }
0x57: {  	_ =	shalt  }
0x58: {  	_ =	shalt  }
0x59: {  	_ =	shalt  }
0x5a: {  	_ =	shalt  }
0x5b: {  	_ =	shalt  }
0x5c: {  	_ =	shalt  }
0x5d: {  	_ =	shalt  }
0x5e: {  	_ =	shalt  }
0x5f: {  	_ =	shalt  }
0x60: {  	_ =	shalt  }
0x61: {  	_ =	shalt  }
0x62: {  	_ =	shalt  }
0x63: {  	_ =	shalt  }
0x64: {  	_ =	shalt  }
0x65: {  	_ =	shalt  }
0x66: {  	_ =	shalt  }
0x67: {  	_ =	shalt  }
0x68: {  	_ =	shalt  }
0x69: {  	_ =	shalt  }
0x6a: {  	_ =	shalt  }
0x6b: {  	_ =	shalt  }
0x6c: {  	_ =	shalt  }
0x6d: {  	_ =	shalt  }
0x6e: {  	_ =	shalt  }
0x6f: {  	_ =	shalt  }
0x70: {  	_ =	shalt  }
0x71: {  	_ =	shalt  }
0x72: {  	_ =	shalt  }
0x73: {  	_ =	shalt  }
0x74: {  	_ =	shalt  }
0x75: {  	_ =	shalt  }
0x76: {  	_ =	shalt  }
0x77: {  	_ =	shalt  }
0x78: {  	_ =	shalt  }
0x79: {  	_ =	shalt  }
0x7a: {  	_ =	shalt  }
0x7b: {  	_ =	shalt  }
0x7c: {  	_ =	shalt  }
0x7d: {  	_ =	shalt  }
0x7e: {  	_ =	shalt  }
0x7f: {  	_ =	shalt  }
0x80: {  	_ =	shalt  }
0x81: {  	_ =	shalt  }
0x82: {  	_ =	shalt  }
0x83: {  	_ =	shalt  }
0x84: {  	_ =	shalt  }
0x85: {  	_ =	shalt  }
0x86: {  	_ =	shalt  }
0x87: {  	_ =	shalt  }
.Lfunc_end0:
.L_simem_size_0:
called_computation.1_lowered:
.L_overlay_start_0:
0x88: {  	s2 =	sld [smem:$0x3FD9]  }
0x89: {  	s3 =	sld [smem:$0x3FFE];
	_ =	sdelay $0x1  }
0x8a: {  	s1 =	srdreg.scid  }
0x8b: {  	s0 =	sand.u32 $0x1, s1  }
0x8c: {  	s16 =	sshll.u32 s0, $0xA;
	s2 =	sadd.s32 s3, s2  }
0x8d: {  	s2 =	sadd.s32 s2, s16  }
0x8e: {  	[smem:$0x3FC0] =	sst s2  }
0x8f: {  	_ = 	snop  }
0x90: {  	(tm) =	ssettm $0x1  }
0x91: {  	s17 =	sld [smem:$0x3FFB];
	_ =	sdelay $0x3  }
0x92: {  	_ =	strace s17  }
0x93: {  	s2 =	sld [smem:$0x3FFC];
	_ =	sdelay $0x3  }
0x94: {  	_ =	strace s2  }
0x95: {  	s2 =	sld [smem:$0x3FFD];
	_ =	sdelay $0x3  }
0x96: {  	_ =	strace s2  }
0x97: {  	_ =	strace $0x8FFFFFFF  }
0x98: {  	s18 =	sld [smem:$0x3FDB];
	_ =	sdelay $0x1  }
0x99: {  	s19 =	simm.s32 $_scs_section_size  }
0x9a: {  	s4 =	simm.s32 $_size__tile_overlayer_lowered;
	s5 =	simm.s32 $_tile_overlayer_lowered  }
0x9b: {  	s22 =	simm.s32 $0x1BFF;
	s21 =	sshll.u32 s5, $0x1;
	s2 =	sadd.s32 s19, s18  }
0x9c: {  	s6 =	simm.s32 $0x0;
	s20 =	sshll.u32 s4, $0x1;
	s4 =	sadd.s32 s21, s2  }
0x9d: {  	[timem:s6], [sflag:s22] =	dma.local [hbm:s4], s20  }
0x9e: {  	_ =	swait.ge [sflag:s22], s20  }
0x9f: {  	s3 =	ssub.s32 $0x0, s20;
	[sflag:s22] =	ssyncset.done $0x0  }
0xa0: {  	[sflag:s22] =	ssyncadd.s32 s3;
	_ =	sdelay $0x1  }
0xa1: {  	s23 =	simm.s32 $0x1B8B  }
0xa2: {  	_ =	swait.ge [sflag:s23], $0x1  }
0xa3: {  	[sflag:s23] =	ssyncset.done $0x0  }
0xa4: {  	s25 =	simm.s32 $0x1B8E;
	s24 =	sld [smem:$0x3FFE];
	[sflag:s23] =	ssyncadd.s32 $0xFFFFFFFF  }
0xa5: {  	s26 =	simm.s32 $execute0_lowered;
	[smem:$0x3FD2] =	sst s25  }
0xa6: {  	s4 =	sshll.u32 s26, $0x1;
	_ =	strace $0x80000049;
	[dreg:$0x1] =	wrdreg $0xFFFFFFFF  }
0xa7: {  	s28 =	simm.s32 $_size_execute0_lowered;
	s2 =	sadd.s32 s2, s4;
	[dreg:$0x0] =	wrdreg $0x0  }
0xa8: {  	s4 =	sshll.u32 s28, $0x1;
	[dreg:$0x2] =	wrdreg s2  }
0xa9: {  	[dreg:$0x3] =	wrdreg s4  }
0xaa: {  	[dreg:$0x4] =	wrdreg $0xC0  }
0xab: {  	_ =	task [dreg:s6], $0x5FFFF  }
0xac: {  	[dreg:$0x1] =	wrdreg $0xFFFFFFFF  }
0xad: {  	[dreg:$0x0] =	wrdreg $0x60  }
0xae: {  	[dreg:$0x2] =	wrdreg s24  }
0xaf: {  	[dreg:$0x3] =	wrdreg $0xAC000  }
0xb0: {  	[dreg:$0x4] =	wrdreg $0x9  }
0xb1: {  	_ =	task.clear_ibuf [dreg:s6], $0x5FFFF;
	_ =	strace $0x90000049  }
0xb2: {  	s29 =	simm.s32 $0x9;
	_ =	strace $0x8000004B  }
0xb3: {  	_ =	swait.ge [sflag:s29], $0x1  }
0xb4: {  	[sflag:s29] =	ssyncadd.s32 $0xFFFFFFFF  }
0xb5: {  	_ =	strace $0x9000004B  }
0xb6: {  	_ =	sfence  }
0xb7: {  	s30 =	sld [smem:$0x0];
	_ =	sdelay $0x2  }
0xb8: {  	s31 =	sshll.u32 s1, $0xD;
	s1 =	sshrl.u32 s1, $0x2  }
0xb9: {  	s3 =	sand.u32 $0x4000, s31;
	s1 =	sadd.s32 s1, s30  }
0xba: {  	s0 =	sor.u32 s3, s0;
	s1 =	sshll.u32 s1, $0x11  }
0xbb: {  	s0 =	sor.u32 s1, s0  }
0xbc: {  	s0 =	sadd.s32 $0x8F2B, s0  }
0xbd: {  	[sflag:s0] =	ssyncadd.remote.s32 $0x1  }
0xbe: {  	_ =	sfence.sel $0xFFFF  }
0xbf: {  	[dreg:$0x0] =	wrdreg $0xFFFFFFFF;
	(pc) =	sbr.abs _section_cstart, $3  }
0xc0: {  	[dreg:$0x1] =	wrdreg $0xFFFFFFFF  }
0xc1: {  	_ =	task.clear_ibuf [dreg:s6], $0x2FFFF;
	_ =	strace $0x9FFFFFFF  }
0xc2: {  	(tm) =	ssettm $0x7FFFFFFF  }
0xc3: {  	_ =	shalt  }
tec
execute0_lowered:
.L_overlay_start_1:
0x0: {  	(tag) =	ssettag $0x1  }
0x1: {  	s0 =	srdreg.scid;
	s1 =	rddreg [dreg:$0x0]  }
0x2: {  	s2 =	rddreg [dreg:$0x1];
	s8 =	stileid.u32  }
0x3: {  	s4 =	simm.s32 $0x0;
	s9 =	simm.s32 $0xA800;
	s10 =	simm.s32 $0x6  }
0x4: {  	s12 =	simm.s32 $0x1;
	s13 =	simm.s32 $0x40;
	s14 =	simm.s32 $0x2800  }
0x5: {  	s15 =	simm.s32 $0x80;
	s16 =	simm.s32 $0x4800;
	s17 =	simm.s32 $0x100  }
0x6: {  	s18 =	simm.s32 $0x6800;
	s19 =	simm.s32 $0x180;
	s20 =	simm.s32 $0x8800  }
0x7: {  	s21 =	simm.s32 $0x2;
	s22 =	simm.s32 $0x3;
	s23 =	simm.s32 $0x4  }
0x8: {  	s28 =	simm.s32 $0x2680;
	s29 =	simm.s32 $0x2700;
	s30 =	simm.s32 $0x2780  }
0x9: {  	s31 =	simm.s32 $0x0;
	s0 =	sand.u32 $0x1, s0;
	s5 =	smul.u32 $0x4F000, s8  }
0xa: {  	[smem:$0x7FF] =	sst s4;
	s25 =	smul.u32 $0x2780, s8;
	s3 =	sshll.u32 s0, $0x4  }
0xb: {  	s6 =	smul.u32 $0x27800, s0;
	s0 =	ssub.s32 $0x2, s0;
	s3 =	sor.u32 s8, s3  }
0xc: {  	s4 =	sadd.s32 $0x2A000, s1;
	s7 =	sshrl.u32 s0, $0x1;
	s3 =	smul.u32 $0xA00, s3  }
0xd: {  	_ =	strace $0x8000004A;
	s5 =	sshrl.u32 s5, $0x2;
	s0 =	ssub.s32 s0, s7  }
0xe: {  	s0 =	smax.u32 s0, $0x1;
	s3 =	sadd.s32 s3, s1;
	s1 =	sadd.s32 s6, s1  }
0xf: {  	s5 =	sadd.s32 s5, s2;
	[dreg:$0x3] =	wrdreg s0;
	s1 =	sadd.s32 $0x51200, s1  }
0x10: {  	s6 =	sadd.s32 $0x2000, s3;
	s7 =	sadd.s32 $0x16000, s3;
	s26 =	sadd.s32 s25, s1  }
0x11: {  	v0 =	vimm.f32 $0.0e+00;
	s25 =	simm.s32 $0x5;
	[dreg:$0x4] =	wrdreg s26;
	s26 =	simm.s32 $0x2600  }
.LBB2_1:
0x12: {  	[tilespmem:$0xA800] =	vst v0  }
0x13: {  	[tilespmem:$0xA810] =	vst v0  }
0x14: {  	[tilespmem:$0xA820] =	vst v0  }
0x15: {  	[tilespmem:$0xA830] =	vst v0  }
0x16: {  	[tilespmem:$0xA840] =	vst v0  }
0x17: {  	[tilespmem:$0xA850] =	vst v0  }
0x18: {  	[tilespmem:$0xA860] =	vst v0  }
0x19: {  	[tilespmem:$0xA870] =	vst v0  }
0x1a: {  	[tilespmem:$0xA880] =	vst v0  }
0x1b: {  	[tilespmem:$0xA890] =	vst v0  }
0x1c: {  	[tilespmem:$0xA8A0] =	vst v0  }
0x1d: {  	[tilespmem:$0xA8B0] =	vst v0  }
0x1e: {  	[tilespmem:$0xA8C0] =	vst v0  }
0x1f: {  	[tilespmem:$0xA8D0] =	vst v0  }
0x20: {  	[tilespmem:$0xA8E0] =	vst v0  }
0x21: {  	[tilespmem:$0xA8F0] =	vst v0  }
0x22: {  	[tilespmem:$0xA900] =	vst v0  }
0x23: {  	[tilespmem:$0xA910] =	vst v0  }
0x24: {  	[tilespmem:$0xA920] =	vst v0  }
0x25: {  	[tilespmem:$0xA930] =	vst v0  }
0x26: {  	[tilespmem:$0xA940] =	vst v0  }
0x27: {  	[tilespmem:$0xA950] =	vst v0  }
0x28: {  	[tilespmem:$0xA960] =	vst v0  }
0x29: {  	[tilespmem:$0xA970] =	vst v0  }
0x2a: {  	[tilespmem:$0xA980] =	vst v0  }
0x2b: {  	[tilespmem:$0xA990] =	vst v0  }
0x2c: {  	[tilespmem:$0xA9A0] =	vst v0  }
0x2d: {  	[tilespmem:$0xA9B0] =	vst v0  }
0x2e: {  	[tilespmem:$0xA9C0] =	vst v0  }
0x2f: {  	[tilespmem:$0xA9D0] =	vst v0  }
0x30: {  	[tilespmem:$0xA9E0] =	vst v0  }
0x31: {  	[tilespmem:$0xA9F0] =	vst v0  }
0x32: {  	[tilespmem:$0xAA00] =	vst v0  }
0x33: {  	[tilespmem:$0xAA10] =	vst v0  }
0x34: {  	[tilespmem:$0xAA20] =	vst v0  }
0x35: {  	[tilespmem:$0xAA30] =	vst v0  }
0x36: {  	[tilespmem:$0xAA40] =	vst v0  }
0x37: {  	[tilespmem:$0xAA50] =	vst v0  }
0x38: {  	[tilespmem:$0xAA60] =	vst v0  }
0x39: {  	[tilespmem:$0xAA70] =	vst v0  }
0x3a: {  	[tilespmem:$0xAA80] =	vst v0  }
0x3b: {  	[tilespmem:$0xAA90] =	vst v0  }
0x3c: {  	[tilespmem:$0xAAA0] =	vst v0  }
0x3d: {  	[tilespmem:$0xAAB0] =	vst v0  }
0x3e: {  	[tilespmem:$0xAAC0] =	vst v0  }
0x3f: {  	[tilespmem:$0xAAD0] =	vst v0  }
0x40: {  	[tilespmem:$0xAAE0] =	vst v0  }
0x41: {  	[tilespmem:$0xAAF0] =	vst v0  }
0x42: {  	[tilespmem:$0xAB00] =	vst v0  }
0x43: {  	[tilespmem:$0xAB10] =	vst v0  }
0x44: {  	[tilespmem:$0xAB20] =	vst v0  }
0x45: {  	[tilespmem:$0xAB30] =	vst v0  }
0x46: {  	[tilespmem:$0xAB40] =	vst v0  }
0x47: {  	[tilespmem:$0xAB50] =	vst v0  }
0x48: {  	[tilespmem:$0xAB60] =	vst v0  }
0x49: {  	[tilespmem:$0xAB70] =	vst v0  }
0x4a: {  	[tilespmem:$0xAB80] =	vst v0  }
0x4b: {  	[tilespmem:$0xAB90] =	vst v0  }
0x4c: {  	[tilespmem:$0xABA0] =	vst v0  }
0x4d: {  	[tilespmem:$0xABB0] =	vst v0  }
0x4e: {  	[tilespmem:$0xABC0] =	vst v0  }
0x4f: {  	[tilespmem:$0xABD0] =	vst v0  }
0x50: {  	[tilespmem:$0xABE0] =	vst v0  }
0x51: {  	[tilespmem:$0xABF0] =	vst v0;
	s0 =	simm.s32 $0x1000;
	s1 =	sadd.s32 $0x0, s5  }
.LBB2_2:
0x52: {  	[spmem:s1] =	stream.linear.scatter [tilespmem:s9], [sflag:$0x1], $0x400, $0x38;
	[tilespmem:$0x1E800] =	vst v63  }
0x53: {  	s1 =	smov.u32 s0;
	p0 =	sne.s32 s0, $0x4E000  }
.Ltmp0:
0x54: {  	s0 =	sadd.s32 $0x1000, s0;
	(pc) =	sbr.rel @p0 .LBB2_2-.Ltmp0, $3  }
0x55: {  	_ =	sdelay $0x1  }
0x56: {  	s1 =	sshra.s32 s1, $0x2  }
0x57: {  	s1 =	sadd.s32 s1, s5  }
0x58: {  	[spmem:s1] =	stream.linear.scatter [tilespmem:s9], [sflag:$0x1], $0x400, $0x38;
	[tilespmem:$0x1E800] =	vst v63  }
0x59: {  	s0 =	simm.s32 $0x0  }
0x5a: {  	[tilespmem:s0], [sflag:$0x6] =	stream.linear.gather [hbm4b:s6+s0], $0x1400, $0x38;
	[tilespmem:$0x1E800] =	vst v63  }
0x5b: {  	_ =	swait.ge [sflag:s10], $0x1400  }
0x5c: {  	[sflag:s10] =	ssyncset.done $0x0  }
0x5d: {  	s24 =	simm.s32 $0x1400;
	[sflag:s10] =	ssyncadd.s32 $0xFFFFEC00  }
0x5e: {  	[tilespmem:s24], [sflag:$0x6] =	stream.linear.gather [hbm4b:s7+s0], $0x1400, $0x38;
	[tilespmem:$0x1E800] =	vst v63  }
0x5f: {  	_ =	swait.ge [sflag:s10], $0x1400  }
0x60: {  	[sflag:s10] =	ssyncset.done $0x0  }
0x61: {  	[sflag:s10] =	ssyncadd.s32 $0xFFFFEC00  }
0x62: {  	_ =	swait.ge [sflag:s12], $0x400  }
0x63: {  	s0 =	simm.s32 $0x4E;
	[sflag:s12] =	ssyncset.done $0x0  }
.LBB2_4:
0x64: {  	p0 =	sne.s32 s0, $0x1;
	s0 =	sadd.s32 $0xFFFFFFFF, s0;
	[sflag:s12] =	ssyncadd.s32 $0xFFFFFC00  }
.Ltmp1:
0x65: {  	(pc) =	sbr.rel @p0 .LBB2_4-.Ltmp1, $3  }
0x66: {  	_ =	sdelay $0x1  }
0x67: {  	_ =	swait.ge [sflag:s12], $0x400  }
0x68: {  	[sflag:s12] =	ssyncset.done $0x0  }
0x69: {  	[sflag:s12] =	ssyncadd.s32 $0xFFFFFC00  }
0x6a: {  	s0 =	simm.s32 $0x0;
	s11 =	simm.s32 $0x0;
	[bflag:$0x0] =	sbarrier.arrive $0xFFFF  }
.LBB2_6:
0x6b: {  	p0 =	seq.s32 s11, $0x0  }
0x6c: {  	s1 =	smul.u32 @!p0 $0x280, s11;
	_ =	sdelay $0x1  }
0x6d: {  	s8 =	simm.s32 @!p0 $0x0;
	s3 =	sadd.s32 @!p0 s6, s1  }
0x6e: {  	[tilespmem:s8], [sflag:$0x6] =	stream.linear.gather @!p0 [hbm4b:s3+s8], $0x1400, $0x38;
	[tilespmem:$0x1E800] =	vst v63  }
0x6f: {  	s3 =	simm.s32 @!p0 $0x6  }
0x70: {  	_ =	swait.ge @!p0 [sflag:s3], $0x1400  }
0x71: {  	[sflag:s3] =	ssyncset.done @!p0 $0x0  }
0x72: {  	s24 =	simm.s32 @!p0 $0x1400;
	s1 =	sadd.s32 @!p0 s7, s1;
	[sflag:s3] =	ssyncadd.s32 @!p0 $0xFFFFEC00  }
0x73: {  	[tilespmem:s24], [sflag:$0x6] =	stream.linear.gather @!p0 [hbm4b:s1+s8], $0x1400, $0x38;
	[tilespmem:$0x1E800] =	vst v63  }
0x74: {  	_ =	swait.ge @!p0 [sflag:s3], $0x1400  }
0x75: {  	[sflag:s3] =	ssyncset.done @!p0 $0x0  }
0x76: {  	[sflag:s3] =	ssyncadd.s32 @!p0 $0xFFFFEC00  }
0x77: {  	[tilespmem:s14], [sflag:$0x2] =	stream.indirect.gather [hbm4b:s4+s13], $0x80, s0, s13, $0xb8;
	[tilespmem:$0x1E800] =	vst v63  }
0x78: {  	_ = 	snop  }
0x79: {  	[tilespmem:s16], [sflag:$0x3] =	stream.indirect.gather [hbm4b:s4+s13], $0x80, s15, s13, $0xb8;
	[tilespmem:$0x1E800] =	vst v63  }
0x7a: {  	_ = 	snop  }
0x7b: {  	[tilespmem:s18], [sflag:$0x4] =	stream.indirect.gather [hbm4b:s4+s13], $0x80, s17, s13, $0xb8;
	[tilespmem:$0x1E800] =	vst v63  }
0x7c: {  	_ = 	snop  }
0x7d: {  	[tilespmem:s20], [sflag:$0x5] =	stream.indirect.gather [hbm4b:s4+s13], $0x80, s19, s13, $0xb8;
	[tilespmem:$0x1E800] =	vst v63  }
0x7e: {  	_ =	swait.ge [sflag:s21], $0x2000  }
0x7f: {  	[sflag:s21] =	ssyncset.done $0x0  }
0x80: {  	s24 =	simm.s32 $0x1400;
	[sflag:s21] =	ssyncadd.s32 $0xFFFFE000  }
0x81: {  	[spmem:s2] =	stream.indirect.scatter.add.f32 [tilespmem:s14], [sflag:$0x6], $0x80, s24, s13, $0xb8;
	[tilespmem:$0x1E800] =	vst v63  }
0x82: {  	_ =	swait.ge [sflag:s10], $0x2000  }
0x83: {  	[sflag:s10] =	ssyncset.done $0x0  }
0x84: {  	s3 =	simm.s32 $0x200;
	[sflag:s10] =	ssyncadd.s32 $0xFFFFE000  }
0x85: {  	[tilespmem:s14], [sflag:$0x2] =	stream.indirect.gather [hbm4b:s4+s13], $0x80, s3, s13, $0xb8;
	[tilespmem:$0x1E800] =	vst v63  }
0x86: {  	_ =	swait.ge [sflag:s22], $0x2000  }
0x87: {  	[sflag:s22] =	ssyncset.done $0x0  }
0x88: {  	s8 =	simm.s32 $0x1480;
	[sflag:s22] =	ssyncadd.s32 $0xFFFFE000  }
0x89: {  	[spmem:s2] =	stream.indirect.scatter.add.f32 [tilespmem:s16], [sflag:$0x6], $0x80, s8, s13, $0xb8;
	[tilespmem:$0x1E800] =	vst v63  }
0x8a: {  	_ =	swait.ge [sflag:s10], $0x2000  }
0x8b: {  	[sflag:s10] =	ssyncset.done $0x0  }
0x8c: {  	s24 =	simm.s32 $0x280;
	[sflag:s10] =	ssyncadd.s32 $0xFFFFE000  }
0x8d: {  	[tilespmem:s16], [sflag:$0x3] =	stream.indirect.gather [hbm4b:s4+s13], $0x80, s24, s13, $0xb8;
	[tilespmem:$0x1E800] =	vst v63  }
0x8e: {  	_ =	swait.ge [sflag:s23], $0x2000  }
0x8f: {  	[sflag:s23] =	ssyncset.done $0x0  }
0x90: {  	s3 =	simm.s32 $0x1500;
	[sflag:s23] =	ssyncadd.s32 $0xFFFFE000  }
0x91: {  	[spmem:s2] =	stream.indirect.scatter.add.f32 [tilespmem:s18], [sflag:$0x6], $0x80, s3, s13, $0xb8;
	[tilespmem:$0x1E800] =	vst v63  }
0x92: {  	_ =	swait.ge [sflag:s10], $0x2000  }
0x93: {  	[sflag:s10] =	ssyncset.done $0x0  }
0x94: {  	s8 =	simm.s32 $0x300;
	[sflag:s10] =	ssyncadd.s32 $0xFFFFE000  }
0x95: {  	[tilespmem:s18], [sflag:$0x4] =	stream.indirect.gather [hbm4b:s4+s13], $0x80, s8, s13, $0xb8;
	[tilespmem:$0x1E800] =	vst v63  }
0x96: {  	_ =	swait.ge [sflag:s25], $0x2000  }
0x97: {  	[sflag:s25] =	ssyncset.done $0x0  }
0x98: {  	s24 =	simm.s32 $0x1580;
	[sflag:s25] =	ssyncadd.s32 $0xFFFFE000  }
0x99: {  	[spmem:s2] =	stream.indirect.scatter.add.f32 [tilespmem:s20], [sflag:$0x6], $0x80, s24, s13, $0xb8;
	[tilespmem:$0x1E800] =	vst v63  }
0x9a: {  	_ =	swait.ge [sflag:s10], $0x2000  }
0x9b: {  	[sflag:s10] =	ssyncset.done $0x0  }
0x9c: {  	s1 =	simm.s32 $0x800;
	s3 =	simm.s32 $0x380;
	[sflag:s10] =	ssyncadd.s32 $0xFFFFE000  }
.LBB2_7:
0x9d: {  	[tilespmem:s20], [sflag:$0x5] =	stream.indirect.gather [hbm4b:s4+s13], $0x80, s3, s13, $0xb8;
	[tilespmem:$0x1E800] =	vst v63  }
0x9e: {  	s3 =	smov.u32 s1  }
0x9f: {  	p0 =	sne.s32 s1, $0x4000;
	s1 =	sadd.s32 $0x800, s1;
	_ =	swait.ge [sflag:s21], $0x2000  }
0xa0: {  	s3 =	sshra.s32 s3, $0x2;
	[sflag:s21] =	ssyncset.done $0x0  }
0xa1: {  	s8 =	sadd.s32 $0x1400, s3;
	[sflag:s21] =	ssyncadd.s32 $0xFFFFE000  }
0xa2: {  	[spmem:s2] =	stream.indirect.scatter.add.f32 [tilespmem:s14], [sflag:$0x6], $0x80, s8, s13, $0xb8;
	[tilespmem:$0x1E800] =	vst v63  }
0xa3: {  	_ =	swait.ge [sflag:s10], $0x2000  }
0xa4: {  	[sflag:s10] =	ssyncset.done $0x0  }
0xa5: {  	s8 =	sadd.s32 $0x200, s3;
	[sflag:s10] =	ssyncadd.s32 $0xFFFFE000  }
0xa6: {  	[tilespmem:s14], [sflag:$0x2] =	stream.indirect.gather [hbm4b:s4+s13], $0x80, s8, s13, $0xb8;
	[tilespmem:$0x1E800] =	vst v63  }
0xa7: {  	_ =	swait.ge [sflag:s22], $0x2000  }
0xa8: {  	[sflag:s22] =	ssyncset.done $0x0  }
0xa9: {  	s8 =	sadd.s32 $0x1480, s3;
	[sflag:s22] =	ssyncadd.s32 $0xFFFFE000  }
0xaa: {  	[spmem:s2] =	stream.indirect.scatter.add.f32 [tilespmem:s16], [sflag:$0x6], $0x80, s8, s13, $0xb8;
	[tilespmem:$0x1E800] =	vst v63  }
0xab: {  	_ =	swait.ge [sflag:s10], $0x2000  }
0xac: {  	[sflag:s10] =	ssyncset.done $0x0  }
0xad: {  	s8 =	sadd.s32 $0x280, s3;
	[sflag:s10] =	ssyncadd.s32 $0xFFFFE000  }
0xae: {  	[tilespmem:s16], [sflag:$0x3] =	stream.indirect.gather [hbm4b:s4+s13], $0x80, s8, s13, $0xb8;
	[tilespmem:$0x1E800] =	vst v63  }
0xaf: {  	_ =	swait.ge [sflag:s23], $0x2000  }
0xb0: {  	[sflag:s23] =	ssyncset.done $0x0  }
0xb1: {  	s8 =	sadd.s32 $0x1500, s3;
	[sflag:s23] =	ssyncadd.s32 $0xFFFFE000  }
0xb2: {  	[spmem:s2] =	stream.indirect.scatter.add.f32 [tilespmem:s18], [sflag:$0x6], $0x80, s8, s13, $0xb8;
	[tilespmem:$0x1E800] =	vst v63  }
0xb3: {  	_ =	swait.ge [sflag:s10], $0x2000  }
0xb4: {  	[sflag:s10] =	ssyncset.done $0x0  }
0xb5: {  	s8 =	sadd.s32 $0x300, s3;
	[sflag:s10] =	ssyncadd.s32 $0xFFFFE000  }
0xb6: {  	[tilespmem:s18], [sflag:$0x4] =	stream.indirect.gather [hbm4b:s4+s13], $0x80, s8, s13, $0xb8;
	[tilespmem:$0x1E800] =	vst v63  }
0xb7: {  	_ =	swait.ge [sflag:s25], $0x2000  }
0xb8: {  	[sflag:s25] =	ssyncset.done $0x0  }
.Ltmp2:
0xb9: {  	s8 =	sadd.s32 $0x1580, s3;
	[sflag:s25] =	ssyncadd.s32 $0xFFFFE000;
	(pc) =	sbr.rel @p0 .LBB2_7-.Ltmp2, $4  }
0xba: {  	[spmem:s2] =	stream.indirect.scatter.add.f32 [tilespmem:s20], [sflag:$0x6], $0x80, s8, s13, $0xb8;
	[tilespmem:$0x1E800] =	vst v63  }
0xbb: {  	_ =	swait.ge [sflag:s10], $0x2000  }
0xbc: {  	[sflag:s10] =	ssyncset.done $0x0  }
0xbd: {  	s3 =	sadd.s32 $0x380, s3;
	[sflag:s10] =	ssyncadd.s32 $0xFFFFE000  }
0xbe: {  	[tilespmem:s20], [sflag:$0x5] =	stream.indirect.gather [hbm4b:s4+s13], $0x80, s3, s13, $0xb8;
	[tilespmem:$0x1E800] =	vst v63  }
0xbf: {  	_ =	swait.ge [sflag:s21], $0x2000  }
0xc0: {  	[sflag:s21] =	ssyncset.done $0x0  }
0xc1: {  	[sflag:s21] =	ssyncadd.s32 $0xFFFFE000  }
0xc2: {  	[spmem:s2] =	stream.indirect.scatter.add.f32 [tilespmem:s14], [sflag:$0x6], $0x80, s26, s13, $0xb8;
	[tilespmem:$0x1E800] =	vst v63  }
0xc3: {  	_ =	swait.ge [sflag:s10], $0x2000  }
0xc4: {  	[sflag:s10] =	ssyncset.done $0x0  }
0xc5: {  	[sflag:s10] =	ssyncadd.s32 $0xFFFFE000  }
0xc6: {  	_ =	swait.ge [sflag:s22], $0x2000  }
0xc7: {  	[sflag:s22] =	ssyncset.done $0x0  }
0xc8: {  	[sflag:s22] =	ssyncadd.s32 $0xFFFFE000  }
0xc9: {  	[spmem:s2] =	stream.indirect.scatter.add.f32 [tilespmem:s16], [sflag:$0x6], $0x80, s28, s13, $0xb8;
	[tilespmem:$0x1E800] =	vst v63  }
0xca: {  	_ =	swait.ge [sflag:s10], $0x2000  }
0xcb: {  	[sflag:s10] =	ssyncset.done $0x0  }
0xcc: {  	[sflag:s10] =	ssyncadd.s32 $0xFFFFE000  }
0xcd: {  	_ =	swait.ge [sflag:s23], $0x2000  }
0xce: {  	[sflag:s23] =	ssyncset.done $0x0  }
0xcf: {  	[sflag:s23] =	ssyncadd.s32 $0xFFFFE000  }
0xd0: {  	[spmem:s2] =	stream.indirect.scatter.add.f32 [tilespmem:s18], [sflag:$0x6], $0x80, s29, s13, $0xb8;
	[tilespmem:$0x1E800] =	vst v63  }
0xd1: {  	_ =	swait.ge [sflag:s10], $0x2000  }
0xd2: {  	[sflag:s10] =	ssyncset.done $0x0  }
0xd3: {  	[sflag:s10] =	ssyncadd.s32 $0xFFFFE000  }
0xd4: {  	s11 =	sadd.s32 $0x1, s11;
	_ =	swait.ge [sflag:s25], $0x2000  }
0xd5: {  	p0 =	sne.s32 s11, $0x4;
	[sflag:s25] =	ssyncset.done $0x0  }
.Ltmp3:
0xd6: {  	[sflag:s25] =	ssyncadd.s32 $0xFFFFE000;
	(pc) =	sbr.rel @p0 .LBB2_6-.Ltmp3, $4  }
0xd7: {  	[spmem:s2] =	stream.indirect.scatter.add.f32 [tilespmem:s20], [sflag:$0x6], $0x80, s30, s13, $0xb8;
	[tilespmem:$0x1E800] =	vst v63  }
0xd8: {  	_ =	swait.ge [sflag:s10], $0x2000  }
0xd9: {  	[sflag:s10] =	ssyncset.done $0x0  }
0xda: {  	[sflag:s10] =	ssyncadd.s32 $0xFFFFE000  }
0xdb: {  	s0 =	stileid.u32  }
0xdc: {  	[bflag:$0x0] =	sbarrier.arrive $0xFFFF;
	s0 =	sshll.u32 s0, $0x6  }
0xdd: {  	s1 =	sshrl.u32 s5, $0x3;
	s3 =	rddreg [dreg:$0x4];
	s0 =	sor.u32 $0x1C06, s0  }
0xde: {  	[hbm:s3], [sflag:s0] =	dma.local [spmem:s1], $0x2780  }
0xdf: {  	_ =	swait.ge [sflag:s10], $0x2780  }
0xe0: {  	s31 =	sadd.s32 $0x1, s31;
	s24 =	rddreg [dreg:$0x3]  }
0xe1: {  	p0 =	sne.s32 s31, s24  }
.Ltmp4:
0xe2: {  	_ = 	snop;
	(pc) =	sbr.rel @p0 .LBB2_1-.Ltmp4, $3  }
0xe3: {  	_ =	sdelay $0x1  }
0xe4: {  	[sflag:s10] =	ssyncset.done $0x0  }
0xe5: {  	[sflag:s10] =	ssyncadd.s32 $0xFFFFD880  }
0xe6: {  	_ =	sfence.sel $0x180000  }
0xe7: {  	[bflag:$0x0] =	sbarrier.arrive $0xFFFF  }
0xe8: {  	_ =	strace $0x9000004A  }
0xe9: {  	s0 =	stileid.u32;
	[bflag:$0x2] =	sbarrier.arrive $0xFFFF  }
0xea: {  	p0 =	sne.s32 s0, $0x0;
	s0 =	rddreg [dreg:$0x2]  }
0xeb: {  	s0 =	sadd.s32 @!p0 $0x100000, s0  }
0xec: {  	[sflag:s0] =	ssyncadd.tile.s32 @!p0 $0x1;
	_ =	shalt  }
.Lfunc_end2:
_tile_overlayer_lowered:
.L_overlay_start_2:
0xed: {  	(tag) =	ssettag $0x2  }
0xee: {  	s0 =	rddreg [dreg:$0x0];
	s2 =	stileid.u32  }
0xef: {  	s1 =	rddreg [dreg:$0x1];
	p0 =	sne.s32 s2, $0x0  }
0xf0: {  	s3 =	rddreg [dreg:$0x2];
	[bflag:$0x3] =	sbarrier.arrive $0xFFFF;
	s2 =	simm.s32 @!p0 $0x1C06  }
0xf1: {  	[timem:s3], [sflag:s2] =	dma.local @!p0 [hbm:s0], s1  }
0xf2: {  	s0 =	simm.s32 @!p0 $0x6  }
0xf3: {  	_ =	swait.ge @!p0 [sflag:s0], s1  }
0xf4: {  	s1 =	ssub.s32 @!p0 $0x0, s1;
	[sflag:s0] =	ssyncset.done @!p0 $0x0  }
0xf5: {  	[sflag:s0] =	ssyncadd.s32 @!p0 s1  }
0xf6: {  	[bflag:$0x3] =	sbarrier.arrive $0xFFFF  }
0xf7: {  	_ =	shalt  }

// kernel: kernel.15.cloned.1.call-start
scs
__scs_entry_jumppad:
0x0: {  	(pc) =	sbr.rel $0x88, $3  }
0x1: {  	(tag) =	ssettag $0x0;
	lr =	simm.s32 $0x1  }
0x2: {  	[smem:$0x3F99] =	sst lr;
	_ =	strace $0xD0000000  }
0x3: {  	_ = 	snop  }
0x4: {  	_ = 	snop  }
0x5: {  	_ = 	snop  }
0x6: {  	_ = 	snop  }
0x7: {  	_ = 	snop  }
__scs_overlays_trampoline_lowered:
0x8: {  	[smem:$0x3FA8] =	sst s0  }
0x9: {  	[smem:$0x3FA9] =	sst s1  }
0xa: {  	[smem:$0x3FAA] =	sst s2  }
0xb: {  	[smem:$0x3FAB] =	sst s3  }
0xc: {  	[smem:$0x3FAC] =	sst s4  }
0xd: {  	[smem:$0x3FAD] =	sst s5  }
0xe: {  	[smem:$0x3FAE] =	sst s6  }
0xf: {  	[smem:$0x3FAF] =	sst s7  }
0x10: {  	[smem:$0x3FB0] =	sst s8  }
0x11: {  	[smem:$0x3FB1] =	sst s9;
	s0 =	simm.s32 @!p0 $0x0  }
0x12: {  	s1 =	sld [smem:$0x3F97];
	s0 =	simm.s32 @p0 $0x1  }
0x13: {  	[smem:$0x3FB2] =	sst s0;
	s0 =	simm.s32 @!p1 $0x0  }
0x14: {  	s2 =	sld [smem:$0x3F96];
	s0 =	simm.s32 @p1 $0x1  }
0x15: {  	[smem:$0x3FB3] =	sst s0;
	s0 =	simm.s32 @!p2 $0x0  }
0x16: {  	s3 =	sld [smem:$0x3FDB];
	s0 =	simm.s32 @p2 $0x1  }
0x17: {  	s4 =	simm.s32 $0x1BF5;
	[smem:$0x3FB5] =	sst s0  }
0x18: {  	s0 =	sld [smem:$0x3F98];
	_ =	swait.ge [sflag:s4], $0x0  }
0x19: {  	s7 =	sld [smem:$0x3F99]  }
0x1a: {  	s8 =	sadd.s32 $0xFFFFE003, lr  }
0x1b: {  	s9 =	sadd.s32 $0xFFFFFEF7, lr;
	s5 =	simm.s32 $0xFFFFFFFF;
	p2 =	slt.u32 s8, $0xFFFFF086  }
0x1c: {  	p1 =	slt.u32 s9, $0xF7A;
	s5 =	simm.s32 @!p2 $0x0  }
0x1d: {  	s5 =	simm.s32 @p1 $0x1;
	p0 =	seq.s32 s7, s2  }
0x1e: {  	s7 =	smul.u32 @!p0 $0xF7A, s2;
	p2 =	seq.s32 @!p0 s5, $0x0  }
0x1f: {  	s9 =	smul.u32 $0xF7A, s1;
	s8 =	simm.s32 @!p0 $0x1BF5;
	p2 =	por !p2, p0  }
0x20: {  	[sflag:s8] =	ssyncset.s32 @!p0 $0xFFFFF086;
	s6 =	sadd.s32 @!p0 s3, s7;
	s7 =	simm.s32 @!p0 $0x108  }
0x21: {  	s3 =	sadd.s32 s3, s9;
	s6 =	sadd.s32 @!p0 $0x88, s6;
	s7 =	simm.s32 @p2 $0x1082  }
0x22: {  	[simem:s7], [sflag:s8] =	dma.local @!p0 [hbm:s6], $0xF7A  }
0x23: {  	s9 =	sor.u32 $0xD0000000, s2;
	s6 =	simm.s32 $0x108;
	_ =	swait.ge @!p0 [sflag:s8], $0x0  }
0x24: {  	s3 =	sadd.s32 $0x88, s3;
	s6 =	simm.s32 @!p1 $0x1082;
	[sflag:s4] =	ssyncset.s32 $0xFFFFF086  }
0x25: {  	[simem:s6], [sflag:s4] =	dma.local [hbm:s3], $0xF7A  }
0x26: {  	[smem:$0x3F99] =	sst s1;
	(tag) =	ssettag s2;
	_ =	strace s9  }
0x27: {  	s1 =	sld [smem:$0x3FA9]  }
0x28: {  	s2 =	sld [smem:$0x3FAA]  }
0x29: {  	s4 =	sld [smem:$0x3FAC]  }
0x2a: {  	p0 =	seq.s32 s5, $0x0;
	s5 =	sld [smem:$0x3FAD]  }
0x2b: {  	s6 =	sld [smem:$0x3FAE]  }
0x2c: {  	s7 =	sld [smem:$0x3FAF]  }
0x2d: {  	s3 =	simm.s32 $0x108;
	s8 =	sld [smem:$0x3FB0]  }
0x2e: {  	s3 =	simm.s32 @!p0 $0x1082;
	s9 =	sld [smem:$0x3FB1]  }
0x2f: {  	lr =	sadd.s32 s0, s3;
	s0 =	sld [smem:$0x3FA8]  }
0x30: {  	s3 =	sld [smem:$0x3FAB]  }
0x31: {  	[smem:$0x3FB4] =	sst s10  }
0x32: {  	s10 =	sld [smem:$0x3FB2];
	_ =	sdelay $0x3  }
0x33: {  	p0 =	seq.s32 s10, $0x1;
	s10 =	sld [smem:$0x3FB4];
	_ =	sdelay $0x3  }
0x34: {  	[smem:$0x3FB4] =	sst s10  }
0x35: {  	s10 =	sld [smem:$0x3FB3];
	_ =	sdelay $0x3  }
0x36: {  	p1 =	seq.s32 s10, $0x1;
	s10 =	sld [smem:$0x3FB4];
	_ =	sdelay $0x3  }
0x37: {  	[smem:$0x3FB4] =	sst s10  }
0x38: {  	s10 =	sld [smem:$0x3FB5]  }
0x39: {  	_ = 	snop;
	(pc) =	sbr.ind lr, $3  }
0x3a: {  	_ = 	snop  }
0x3b: {  	_ = 	snop  }
0x3c: {  	p2 =	seq.s32 s10, $0x1;
	s10 =	sld [smem:$0x3FB4]  }
0x3d: {  	_ =	shalt  }
0x3e: {  	_ =	shalt  }
0x3f: {  	_ =	shalt  }
0x40: {  	_ =	shalt  }
0x41: {  	_ =	shalt  }
0x42: {  	_ =	shalt  }
0x43: {  	_ =	shalt  }
0x44: {  	_ =	shalt  }
0x45: {  	_ =	shalt  }
0x46: {  	_ =	shalt  }
0x47: {  	_ =	shalt  }
0x48: {  	_ =	shalt  }
0x49: {  	_ =	shalt  }
0x4a: {  	_ =	shalt  }
0x4b: {  	_ =	shalt  }
0x4c: {  	_ =	shalt  }
0x4d: {  	_ =	shalt  }
0x4e: {  	_ =	shalt  }
0x4f: {  	_ =	shalt  }
0x50: {  	_ =	shalt  }
0x51: {  	_ =	shalt  }
0x52: {  	_ =	shalt  }
0x53: {  	_ =	shalt  }
0x54: {  	_ =	shalt  }
0x55: {  	_ =	shalt  }
0x56: {  	_ =	shalt  }
0x57: {  	_ =	shalt  }
0x58: {  	_ =	shalt  }
0x59: {  	_ =	shalt  }
0x5a: {  	_ =	shalt  }
0x5b: {  	_ =	shalt  }
0x5c: {  	_ =	shalt  }
0x5d: {  	_ =	shalt  }
0x5e: {  	_ =	shalt  }
0x5f: {  	_ =	shalt  }
0x60: {  	_ =	shalt  }
0x61: {  	_ =	shalt  }
0x62: {  	_ =	shalt  }
0x63: {  	_ =	shalt  }
0x64: {  	_ =	shalt  }
0x65: {  	_ =	shalt  }
0x66: {  	_ =	shalt  }
0x67: {  	_ =	shalt  }
0x68: {  	_ =	shalt  }
0x69: {  	_ =	shalt  }
0x6a: {  	_ =	shalt  }
0x6b: {  	_ =	shalt  }
0x6c: {  	_ =	shalt  }
0x6d: {  	_ =	shalt  }
0x6e: {  	_ =	shalt  }
0x6f: {  	_ =	shalt  }
0x70: {  	_ =	shalt  }
0x71: {  	_ =	shalt  }
0x72: {  	_ =	shalt  }
0x73: {  	_ =	shalt  }
0x74: {  	_ =	shalt  }
0x75: {  	_ =	shalt  }
0x76: {  	_ =	shalt  }
0x77: {  	_ =	shalt  }
0x78: {  	_ =	shalt  }
0x79: {  	_ =	shalt  }
0x7a: {  	_ =	shalt  }
0x7b: {  	_ =	shalt  }
0x7c: {  	_ =	shalt  }
0x7d: {  	_ =	shalt  }
0x7e: {  	_ =	shalt  }
0x7f: {  	_ =	shalt  }
0x80: {  	_ =	shalt  }
0x81: {  	_ =	shalt  }
0x82: {  	_ =	shalt  }
0x83: {  	_ =	shalt  }
0x84: {  	_ =	shalt  }
0x85: {  	_ =	shalt  }
0x86: {  	_ =	shalt  }
0x87: {  	_ =	shalt  }
.Lfunc_end0:
.L_simem_size_0:
called_computation.2_lowered:
.L_overlay_start_0:
0x88: {  	s2 =	sld [smem:$0x3FD9]  }
0x89: {  	s3 =	sld [smem:$0x3FFE];
	_ =	sdelay $0x1  }
0x8a: {  	s1 =	srdreg.scid  }
0x8b: {  	s0 =	sand.u32 $0x1, s1  }
0x8c: {  	s16 =	sshll.u32 s0, $0xA;
	s2 =	sadd.s32 s3, s2  }
0x8d: {  	s2 =	sadd.s32 s2, s16  }
0x8e: {  	[smem:$0x3FC0] =	sst s2  }
0x8f: {  	_ = 	snop  }
0x90: {  	(tm) =	ssettm $0x1  }
0x91: {  	s17 =	sld [smem:$0x3FFB];
	_ =	sdelay $0x3  }
0x92: {  	_ =	strace s17  }
0x93: {  	s2 =	sld [smem:$0x3FFC];
	_ =	sdelay $0x3  }
0x94: {  	_ =	strace s2  }
0x95: {  	s2 =	sld [smem:$0x3FFD];
	_ =	sdelay $0x3  }
0x96: {  	_ =	strace s2  }
0x97: {  	_ =	strace $0x8FFFFFFF  }
0x98: {  	s18 =	sld [smem:$0x3FDB];
	_ =	sdelay $0x1  }
0x99: {  	s19 =	simm.s32 $_scs_section_size  }
0x9a: {  	s4 =	simm.s32 $_size__tile_overlayer_lowered;
	s5 =	simm.s32 $_tile_overlayer_lowered  }
0x9b: {  	s22 =	simm.s32 $0x1BFF;
	s21 =	sshll.u32 s5, $0x1;
	s2 =	sadd.s32 s19, s18  }
0x9c: {  	s6 =	simm.s32 $0x0;
	s20 =	sshll.u32 s4, $0x1;
	s4 =	sadd.s32 s21, s2  }
0x9d: {  	[timem:s6], [sflag:s22] =	dma.local [hbm:s4], s20  }
0x9e: {  	_ =	swait.ge [sflag:s22], s20  }
0x9f: {  	s3 =	ssub.s32 $0x0, s20;
	[sflag:s22] =	ssyncset.done $0x0  }
0xa0: {  	[sflag:s22] =	ssyncadd.s32 s3;
	_ =	sdelay $0x1  }
0xa1: {  	s23 =	simm.s32 $0x1B8B  }
0xa2: {  	_ =	swait.ge [sflag:s23], $0x1  }
0xa3: {  	[sflag:s23] =	ssyncset.done $0x0  }
0xa4: {  	s25 =	simm.s32 $0x1B8E;
	s24 =	sld [smem:$0x3FFE];
	[sflag:s23] =	ssyncadd.s32 $0xFFFFFFFF  }
0xa5: {  	s26 =	simm.s32 $execute0_lowered;
	[smem:$0x3FD2] =	sst s25  }
0xa6: {  	s4 =	sshll.u32 s26, $0x1;
	_ =	strace $0x8000004C;
	[dreg:$0x1] =	wrdreg $0xFFFFFFFF  }
0xa7: {  	s28 =	simm.s32 $_size_execute0_lowered;
	s2 =	sadd.s32 s2, s4;
	[dreg:$0x0] =	wrdreg $0x0  }
0xa8: {  	s4 =	sshll.u32 s28, $0x1;
	[dreg:$0x2] =	wrdreg s2  }
0xa9: {  	[dreg:$0x3] =	wrdreg s4  }
0xaa: {  	[dreg:$0x4] =	wrdreg $0xC0  }
0xab: {  	_ =	task [dreg:s6], $0x5FFFF  }
0xac: {  	[dreg:$0x1] =	wrdreg $0xFFFFFFFF  }
0xad: {  	[dreg:$0x0] =	wrdreg $0x60  }
0xae: {  	[dreg:$0x2] =	wrdreg s24  }
0xaf: {  	[dreg:$0x3] =	wrdreg $0x9  }
0xb0: {  	_ =	task.clear_ibuf [dreg:s6], $0x4FFFF;
	_ =	strace $0x9000004C  }
0xb1: {  	s29 =	simm.s32 $0x9;
	_ =	strace $0x8000004E  }
0xb2: {  	_ =	swait.ge [sflag:s29], $0x1  }
0xb3: {  	[sflag:s29] =	ssyncadd.s32 $0xFFFFFFFF  }
0xb4: {  	_ =	strace $0x9000004E  }
0xb5: {  	_ =	sfence  }
0xb6: {  	s30 =	sld [smem:$0x0];
	_ =	sdelay $0x2  }
0xb7: {  	s31 =	sshll.u32 s1, $0xD;
	s1 =	sshrl.u32 s1, $0x2  }
0xb8: {  	s3 =	sand.u32 $0x4000, s31;
	s1 =	sadd.s32 s1, s30  }
0xb9: {  	s0 =	sor.u32 s3, s0;
	s1 =	sshll.u32 s1, $0x11  }
0xba: {  	s0 =	sor.u32 s1, s0  }
0xbb: {  	s0 =	sadd.s32 $0x8F2B, s0  }
0xbc: {  	[sflag:s0] =	ssyncadd.remote.s32 $0x1  }
0xbd: {  	_ =	sfence.sel $0xFFFF  }
0xbe: {  	[dreg:$0x0] =	wrdreg $0xFFFFFFFF;
	(pc) =	sbr.abs _section_cstart, $3  }
0xbf: {  	[dreg:$0x1] =	wrdreg $0xFFFFFFFF  }
0xc0: {  	_ =	task.clear_ibuf [dreg:s6], $0x2FFFF;
	_ =	strace $0x9FFFFFFF  }
0xc1: {  	(tm) =	ssettm $0x7FFFFFFF  }
tec
execute0_lowered:
.L_overlay_start_1:
0x0: {  	(tag) =	ssettag $0x1  }
0x1: {  	s4 =	rddreg [dreg:$0x0]  }
0x2: {  	s0 =	rddreg [dreg:$0x1];
	s3 =	srdreg.scid  }
0x3: {  	s2 =	simm.s32 $0x0;
	s1 =	stileid.u32;
	s7 =	simm.s32 $0x2  }
0x4: {  	s8 =	simm.s32 $0x20;
	s9 =	simm.s32 $0x80;
	s10 =	simm.s32 $0x1  }
0x5: {  	s11 =	simm.s32 $0x1080;
	s3 =	sand.u32 $0x1, s3;
	[smem:$0x7FF] =	sst s2  }
0x6: {  	s6 =	sshll.u32 s1, $0x4;
	s5 =	sshll.u32 s3, $0x8;
	s30 =	ssub.s32 $0x2, s3  }
0x7: {  	_ =	strace $0x8000004D;
	s5 =	sor.u32 s6, s5;
	s31 =	sshrl.u32 s30, $0x1  }
0x8: {  	s3 =	sadd.s32 $0x2000, s4;
	s5 =	sadd.s32 s5, s4;
	s6 =	ssub.s32 s30, s31  }
0x9: {  	s4 =	sadd.s32 $0xA0200, s5;
	s5 =	sadd.s32 $0x29200, s5;
	s6 =	smax.u32 s6, $0x1  }
.LBB2_1:
0xa: {  	[tilespmem:s2], [sflag:$0x2] =	stream.linear.gather [hbm4b:s4+s2], $0x80, $0x38;
	[tilespmem:$0x1100] =	vst v63  }
0xb: {  	_ =	swait.ge [sflag:s7], $0x80  }
0xc: {  	[sflag:s7] =	ssyncset.done $0x0  }
0xd: {  	[sflag:s7] =	ssyncadd.s32 $0xFFFFFF80  }
0xe: {  	[tilespmem:s9], [sflag:$0x1] =	stream.indirect.gather [hbm4b:s3+s8], $0x80, s2, s8, $0xb8;
	[tilespmem:$0x1100] =	vst v63  }
0xf: {  	_ =	swait.ge [sflag:s10], $0x1000  }
0x10: {  	[sflag:s10] =	ssyncset.done $0x0  }
0x11: {  	[sflag:s10] =	ssyncadd.s32 $0xFFFFF000  }
0x12: {  	v59 =	vld [tilespmem:$0x80]  }
0x13: {  	v40 =	vld [tilespmem:$0x100]  }
0x14: {  	v44 =	vld [tilespmem:$0x180]  }
0x15: {  	v48 =	vld [tilespmem:$0x200]  }
0x16: {  	v52 =	vld [tilespmem:$0x280]  }
0x17: {  	v56 =	vld [tilespmem:$0x300]  }
0x18: {  	v61 =	vld [tilespmem:$0x380]  }
0x19: {  	v0 =	vld [tilespmem:$0x400]  }
0x1a: {  	v23 =	vld [tilespmem:$0x480]  }
0x1b: {  	v24 =	vld [tilespmem:$0x500]  }
0x1c: {  	v25 =	vld [tilespmem:$0x580]  }
0x1d: {  	v26 =	vld [tilespmem:$0x600]  }
0x1e: {  	v27 =	vld [tilespmem:$0x680]  }
0x1f: {  	v28 =	vld [tilespmem:$0x700]  }
0x20: {  	v29 =	vld [tilespmem:$0x780]  }
0x21: {  	v30 =	vld [tilespmem:$0x800]  }
0x22: {  	v31 =	vld [tilespmem:$0x880]  }
0x23: {  	v32 =	vld [tilespmem:$0x900]  }
0x24: {  	v33 =	vld [tilespmem:$0x980]  }
0x25: {  	v34 =	vld [tilespmem:$0xA00]  }
0x26: {  	v35 =	vld [tilespmem:$0xA80]  }
0x27: {  	v36 =	vld [tilespmem:$0xB00]  }
0x28: {  	v37 =	vld [tilespmem:$0xB80]  }
0x29: {  	v38 =	vld [tilespmem:$0xC00]  }
0x2a: {  	v39 =	vld [tilespmem:$0xC80]  }
0x2b: {  	v41 =	vld [tilespmem:$0xD00]  }
0x2c: {  	v42 =	vld [tilespmem:$0xD80]  }
0x2d: {  	v43 =	vld [tilespmem:$0xE00]  }
0x2e: {  	v45 =	vld [tilespmem:$0xE80]  }
0x2f: {  	v46 =	vld [tilespmem:$0xF00]  }
0x30: {  	v47 =	vld [tilespmem:$0xF80]  }
0x31: {  	v49 =	vld [tilespmem:$0x1000]  }
0x32: {  	v19 =	vld [tilespmem:$0x90]  }
0x33: {  	v22 =	vld [tilespmem:$0x110]  }
0x34: {  	v53 =	vld [tilespmem:$0x590]  }
0x35: {  	v57 =	vld [tilespmem:$0x610]  }
0x36: {  	v62 =	vld [tilespmem:$0x690]  }
0x37: {  	v50 =	vld [tilespmem:$0x710]  }
0x38: {  	v51 =	vld [tilespmem:$0x790]  }
0x39: {  	v54 =	vld [tilespmem:$0x810]  }
0x3a: {  	v55 =	vld [tilespmem:$0x890]  }
0x3b: {  	v58 =	vld [tilespmem:$0x910]  }
0x3c: {  	v60 =	vld [tilespmem:$0x990]  }
0x3d: {  	v63 =	vld [tilespmem:$0xA10]  }
0x3e: {  	v4 =	vld [tilespmem:$0xA90]  }
0x3f: {  	v5 =	vld [tilespmem:$0xB10]  }
0x40: {  	v6 =	vld [tilespmem:$0xB90]  }
0x41: {  	v7 =	vld [tilespmem:$0xC10]  }
0x42: {  	v8 =	vld [tilespmem:$0xC90]  }
0x43: {  	v9 =	vld [tilespmem:$0xD10]  }
0x44: {  	v10 =	vld [tilespmem:$0xD90]  }
0x45: {  	v11 =	vld [tilespmem:$0xE10]  }
0x46: {  	v12 =	vld [tilespmem:$0xE90]  }
0x47: {  	v13 =	vld [tilespmem:$0xF10]  }
0x48: {  	v14 =	vld [tilespmem:$0xF90]  }
0x49: {  	v15 =	vld [tilespmem:$0x1010]  }
0x4a: {  	v17 =	vld [tilespmem:$0x320]  }
0x4b: {  	v20 =	vld [tilespmem:$0x3A0]  }
0x4c: {  	v16 =	vld [tilespmem:$0xA20]  }
0x4d: {  	v18 =	vld [tilespmem:$0xAA0]  }
0x4e: {  	v21 =	vld [tilespmem:$0xB20]  }
0x4f: {  	v1 =	vld [tilespmem:$0xB0]  }
0x50: {  	v2 =	vld [tilespmem:$0x130]  }
0x51: {  	v3 =	vld [tilespmem:$0x1B0]  }
0x52: {  	[tilespmem:$0x1FAA0] =	vst v25;
	v25 =	vld [tilespmem:$0x190]  }
0x53: {  	[tilespmem:$0x1FAD0] =	vst v28;
	v28 =	vld [tilespmem:$0x210]  }
0x54: {  	[tilespmem:$0x1FB30] =	vst v31;
	v31 =	vld [tilespmem:$0x290]  }
0x55: {  	[tilespmem:$0x1FB90] =	vst v34;
	v34 =	vld [tilespmem:$0x310]  }
0x56: {  	[tilespmem:$0x1FC10] =	vst v37;
	v37 =	vld [tilespmem:$0x390]  }
0x57: {  	[tilespmem:$0x1FCA0] =	vst v41;
	v41 =	vld [tilespmem:$0x410]  }
0x58: {  	[tilespmem:$0x1FD60] =	vst v45;
	v45 =	vld [tilespmem:$0x490]  }
0x59: {  	[tilespmem:$0x1FE20] =	vst v49;
	v49 =	vld [tilespmem:$0x510]  }
0x5a: {  	[tilespmem:$0x1FC60] =	vst v7;
	v7 =	vld [tilespmem:$0xA0]  }
0x5b: {  	[tilespmem:$0x1FCC0] =	vst v9;
	v9 =	vld [tilespmem:$0x120]  }
0x5c: {  	[tilespmem:$0x1FD40] =	vst v11;
	v11 =	vld [tilespmem:$0x1A0]  }
0x5d: {  	[tilespmem:$0x1FDC0] =	vst v13;
	v13 =	vld [tilespmem:$0x220]  }
0x5e: {  	[tilespmem:$0x1FE40] =	vst v15;
	v15 =	vld [tilespmem:$0x2A0]  }
0x5f: {  	[tilespmem:$0x1FA80] =	vst v23;
	v23 =	vld [tilespmem:$0x420]  }
0x60: {  	[tilespmem:$0x1FAB0] =	vst v26;
	v26 =	vld [tilespmem:$0x4A0]  }
0x61: {  	[tilespmem:$0x1FAF0] =	vst v29;
	v29 =	vld [tilespmem:$0x520]  }
0x62: {  	[tilespmem:$0x1FB50] =	vst v32;
	v32 =	vld [tilespmem:$0x5A0]  }
0x63: {  	[tilespmem:$0x1FBB0] =	vst v35;
	v35 =	vld [tilespmem:$0x620]  }
0x64: {  	[tilespmem:$0x1FC40] =	vst v38;
	v38 =	vld [tilespmem:$0x6A0]  }
0x65: {  	[tilespmem:$0x1FCE0] =	vst v42;
	v42 =	vld [tilespmem:$0x720]  }
0x66: {  	[tilespmem:$0x1FDA0] =	vst v46;
	v46 =	vld [tilespmem:$0x7A0]  }
0x67: {  	[tilespmem:$0x1FAE0] =	vst v50;
	v50 =	vld [tilespmem:$0x820]  }
0x68: {  	[tilespmem:$0x1FB20] =	vst v54;
	v54 =	vld [tilespmem:$0x8A0]  }
0x69: {  	[tilespmem:$0x1FB60] =	vst v58;
	v58 =	vld [tilespmem:$0x920]  }
0x6a: {  	[tilespmem:$0x1FBA0] =	vst v63;
	v63 =	vld [tilespmem:$0x9A0]  }
0x6b: {  	[tilespmem:$0x1FA90] =	vst v24;
	v24 =	vld [tilespmem:$0xBA0]  }
0x6c: {  	[tilespmem:$0x1FAC0] =	vst v27;
	v27 =	vld [tilespmem:$0xC20]  }
0x6d: {  	[tilespmem:$0x1FB10] =	vst v30;
	v30 =	vld [tilespmem:$0xCA0]  }
0x6e: {  	[tilespmem:$0x1FB70] =	vst v33;
	v33 =	vld [tilespmem:$0xD20]  }
0x6f: {  	[tilespmem:$0x1FBE0] =	vst v36;
	v36 =	vld [tilespmem:$0xDA0]  }
0x70: {  	[tilespmem:$0x1FC70] =	vst v39;
	v39 =	vld [tilespmem:$0xE20]  }
0x71: {  	[tilespmem:$0x1FD20] =	vst v43;
	v43 =	vld [tilespmem:$0xEA0]  }
0x72: {  	[tilespmem:$0x1FDE0] =	vst v47;
	v47 =	vld [tilespmem:$0xF20]  }
0x73: {  	[tilespmem:$0x1FB00] =	vst v51;
	v51 =	vld [tilespmem:$0xFA0]  }
0x74: {  	[tilespmem:$0x1FB40] =	vst v55;
	v55 =	vld [tilespmem:$0x1020]  }
0x75: {  	[tilespmem:$0x1FBD0] =	vst v4;
	v4 =	vld [tilespmem:$0x230]  }
0x76: {  	[tilespmem:$0x1FC00] =	vst v5;
	v5 =	vld [tilespmem:$0x2B0]  }
0x77: {  	[tilespmem:$0x1FA70] =	vst v0;
	v0 =	vld [tilespmem:$0xCB0]  }
0x78: {  	[tilespmem:$0x1FC30] =	vst v6;
	v6 =	vld [tilespmem:$0x330]  }
0x79: {  	[tilespmem:$0x1FC90] =	vst v8;
	v8 =	vld [tilespmem:$0x3B0]  }
0x7a: {  	[tilespmem:$0x1FD00] =	vst v10;
	v10 =	vld [tilespmem:$0x430]  }
0x7b: {  	[tilespmem:$0x1FD80] =	vst v12;
	v12 =	vld [tilespmem:$0x4B0]  }
0x7c: {  	v1 =	vadd.f32 $0.0e+00, v1;
	[tilespmem:$0x1FCD0] =	vst v0;
	v0 =	vld [tilespmem:$0xD30]  }
0x7d: {  	[tilespmem:$0x1FE00] =	vst v14;
	v14 =	vld [tilespmem:$0x530]  }
0x7e: {  	[tilespmem:$0x1FBC0] =	vst v16;
	v16 =	vld [tilespmem:$0x5B0];
	v1 =	vadd.f32 v2, v1  }
0x7f: {  	[tilespmem:$0x1FBF0] =	vst v18;
	v18 =	vld [tilespmem:$0x630]  }
0x80: {  	[tilespmem:$0x1FC20] =	vst v21;
	v21 =	vld [tilespmem:$0x6B0];
	v1 =	vadd.f32 v3, v1  }
0x81: {  	v19 =	vadd.f32 $0.0e+00, v19;
	[tilespmem:$0x1FD10] =	vst v0;
	v0 =	vld [tilespmem:$0xDB0]  }
0x82: {  	[tilespmem:$0x1FB80] =	vst v60;
	v60 =	vld [tilespmem:$0xC30];
	v1 =	vadd.f32 v4, v1  }
0x83: {  	v19 =	vadd.f32 v22, v19;
	v22 =	vld [tilespmem:$0x440]  }
0x84: {  	[tilespmem:$0x1FC50] =	vst v24;
	v24 =	vld [tilespmem:$0x730];
	v1 =	vadd.f32 v5, v1  }
0x85: {  	[tilespmem:$0x1FC80] =	vst v27;
	v27 =	vld [tilespmem:$0x7B0]  }
0x86: {  	v1 =	vadd.f32 v6, v1;
	[tilespmem:$0x1FD50] =	vst v0;
	v0 =	vld [tilespmem:$0xE30]  }
0x87: {  	[tilespmem:$0x1FCB0] =	vst v30;
	v30 =	vld [tilespmem:$0x830]  }
0x88: {  	[tilespmem:$0x1FCF0] =	vst v33;
	v33 =	vld [tilespmem:$0x8B0];
	v1 =	vadd.f32 v8, v1  }
0x89: {  	[tilespmem:$0x1FD30] =	vst v36;
	v36 =	vld [tilespmem:$0x930]  }
0x8a: {  	[tilespmem:$0x1FD70] =	vst v39;
	v39 =	vld [tilespmem:$0x9B0];
	v1 =	vadd.f32 v10, v1  }
0x8b: {  	[tilespmem:$0x1FD90] =	vst v0;
	v0 =	vld [tilespmem:$0xEB0]  }
0x8c: {  	[tilespmem:$0x1FDB0] =	vst v43;
	v43 =	vld [tilespmem:$0xA30];
	v1 =	vadd.f32 v12, v1  }
0x8d: {  	[tilespmem:$0x1FDF0] =	vst v47;
	v47 =	vld [tilespmem:$0xAB0]  }
0x8e: {  	[tilespmem:$0x1FE30] =	vst v51;
	v51 =	vld [tilespmem:$0xB30];
	v1 =	vadd.f32 v14, v1  }
0x8f: {  	[tilespmem:$0x1FE60] =	vst v55;
	v55 =	vld [tilespmem:$0xBB0]  }
0x90: {  	v7 =	vadd.f32 $0.0e+00, v7;
	v1 =	vadd.f32 v16, v1;
	[tilespmem:$0x1FDD0] =	vst v0;
	v0 =	vld [tilespmem:$0xF30]  }
0x91: {  	[tilespmem:$0x1FEF0] =	vst v22;
	v22 =	vld [tilespmem:$0x5C0]  }
0x92: {  	v7 =	vadd.f32 v9, v7;
	v9 =	vld [tilespmem:$0xA40];
	v1 =	vadd.f32 v18, v1  }
0x93: {  	v4 =	vld [tilespmem:$0xD50]  }
0x94: {  	v8 =	vld [tilespmem:$0x1FA80];
	v1 =	vadd.f32 v21, v1  }
0x95: {  	[tilespmem:$0x1FE10] =	vst v0;
	v0 =	vld [tilespmem:$0xFB0]  }
0x96: {  	[tilespmem:$0x1FF20] =	vst v22;
	v22 =	vld [tilespmem:$0x1FAB0];
	v1 =	vadd.f32 v24, v1  }
0x97: {  	[tilespmem:$0x1FFB0] =	vst v9;
	v9 =	vld [tilespmem:$0x1FC30]  }
0x98: {  	v10 =	vld [tilespmem:$0x1FC40];
	v1 =	vadd.f32 v27, v1  }
0x99: {  	v12 =	vld [tilespmem:$0x1FC60]  }
0x9a: {  	v1 =	vadd.f32 v30, v1;
	[tilespmem:$0x1FE50] =	vst v0;
	v0 =	vld [tilespmem:$0x1030]  }
0x9b: {  	v14 =	vld [tilespmem:$0x1FC80]  }
0x9c: {  	v16 =	vld [tilespmem:$0x6D0];
	v1 =	vadd.f32 v33, v1  }
0x9d: {  	v18 =	vld [tilespmem:$0x7D0]  }
0x9e: {  	v21 =	vld [tilespmem:$0x8D0];
	v1 =	vadd.f32 v36, v1  }
0x9f: {  	[tilespmem:$0x1FE80] =	vst v0;
	v0 =	vld [tilespmem:$0xC0]  }
0xa0: {  	v24 =	vld [tilespmem:$0xA50];
	v1 =	vadd.f32 v39, v1  }
0xa1: {  	v27 =	vld [tilespmem:$0x1D0]  }
0xa2: {  	v30 =	vld [tilespmem:$0x5D0];
	v1 =	vadd.f32 v43, v1  }
0xa3: {  	v33 =	vld [tilespmem:$0x3D0]  }
0xa4: {  	v1 =	vadd.f32 v47, v1;
	[tilespmem:$0x1FE70] =	vst v0;
	v0 =	vld [tilespmem:$0x140]  }
0xa5: {  	v36 =	vld [tilespmem:$0x1FCA0]  }
0xa6: {  	v39 =	vld [tilespmem:$0x1FCD0];
	v1 =	vadd.f32 v51, v1  }
0xa7: {  	v43 =	vld [tilespmem:$0x1FD10]  }
0xa8: {  	v47 =	vld [tilespmem:$0x1FD30];
	v1 =	vadd.f32 v55, v1  }
0xa9: {  	[tilespmem:$0x1FE90] =	vst v0;
	v0 =	vld [tilespmem:$0x1C0]  }
0xaa: {  	v51 =	vld [tilespmem:$0x1FD50];
	v1 =	vadd.f32 v60, v1  }
0xab: {  	v55 =	vld [tilespmem:$0x1FD70]  }
0xac: {  	v60 =	vld [tilespmem:$0x1FDB0];
	v1 =	vadd.f32 v39, v1  }
0xad: {  	v39 =	vld [tilespmem:$0x1FDD0]  }
0xae: {  	v1 =	vadd.f32 v43, v1;
	v43 =	vld [tilespmem:$0x1FE10];
	[tilespmem:$0x1FEA0] =	vst v0;
	v0 =	vadd.f32 $0.0e+00, v59  }
0xaf: {  	v59 =	vld [tilespmem:$0x240]  }
0xb0: {  	v1 =	vadd.f32 v51, v1;
	v51 =	vld [tilespmem:$0x1FE40];
	v0 =	vadd.f32 v40, v0  }
0xb1: {  	v40 =	vadd.f32 v25, v19;
	v25 =	vld [tilespmem:$0x640]  }
0xb2: {  	v0 =	vadd.f32 v44, v0;
	v44 =	vld [tilespmem:$0x4C0]  }
0xb3: {  	v19 =	vadd.f32 v28, v40;
	v40 =	vld [tilespmem:$0x740]  }
0xb4: {  	[tilespmem:$0x1FEB0] =	vst v59;
	v59 =	vld [tilespmem:$0x2C0]  }
0xb5: {  	v28 =	vadd.f32 v31, v19;
	v31 =	vld [tilespmem:$0x6C0]  }
0xb6: {  	v0 =	vadd.f32 v48, v0;
	v48 =	vld [tilespmem:$0x840]  }
0xb7: {  	v19 =	vld [tilespmem:$0x1FAA0]  }
0xb8: {  	[tilespmem:$0x1FF30] =	vst v25;
	v25 =	vld [tilespmem:$0x1FAD0]  }
0xb9: {  	v0 =	vadd.f32 v52, v0;
	v52 =	vld [tilespmem:$0x8C0]  }
0xba: {  	v3 =	vadd.f32 v34, v28;
	v28 =	vld [tilespmem:$0x1FAF0]  }
0xbb: {  	v34 =	vld [tilespmem:$0x1FB30]  }
0xbc: {  	[tilespmem:$0x1FF00] =	vst v44;
	v44 =	vld [tilespmem:$0x7C0]  }
0xbd: {  	[tilespmem:$0x1FF50] =	vst v40;
	v40 =	vld [tilespmem:$0x1FB70]  }
0xbe: {  	[tilespmem:$0x1FEC0] =	vst v59;
	v59 =	vld [tilespmem:$0x340]  }
0xbf: {  	v0 =	vadd.f32 v56, v0;
	v56 =	vld [tilespmem:$0x1FA70]  }
0xc0: {  	v3 =	vadd.f32 v37, v3;
	v37 =	vld [tilespmem:$0x1FB50]  }
0xc1: {  	[tilespmem:$0x1FF70] =	vst v48;
	v48 =	vld [tilespmem:$0xF40]  }
0xc2: {  	[tilespmem:$0x1FF40] =	vst v31;
	v31 =	vld [tilespmem:$0x1FB10]  }
0xc3: {  	v0 =	vadd.f32 v61, v0;
	v61 =	vld [tilespmem:$0x9C0]  }
0xc4: {  	v3 =	vadd.f32 v41, v3;
	v41 =	vld [tilespmem:$0x1FB80]  }
0xc5: {  	[tilespmem:$0x1FF80] =	vst v52;
	v52 =	vld [tilespmem:$0xE40]  }
0xc6: {  	v3 =	vadd.f32 v45, v3;
	v45 =	vld [tilespmem:$0xFC0]  }
0xc7: {  	[tilespmem:$0x1FF60] =	vst v44;
	v44 =	vld [tilespmem:$0x1040]  }
0xc8: {  	[tilespmem:$0x1FED0] =	vst v59;
	v59 =	vld [tilespmem:$0x3C0]  }
0xc9: {  	v0 =	vadd.f32 v56, v0;
	v56 =	vld [tilespmem:$0xD40]  }
0xca: {  	v3 =	vadd.f32 v49, v3;
	v49 =	vld [tilespmem:$0xEC0]  }
0xcb: {  	[tilespmem:$0x1FFA0] =	vst v61;
	v61 =	vld [tilespmem:$0xCC0]  }
0xcc: {  	v0 =	vadd.f32 v8, v0;
	v8 =	vld [tilespmem:$0x1FC20]  }
0xcd: {  	v3 =	vadd.f32 v53, v3;
	v53 =	vld [tilespmem:$0xDC0]  }
0xce: {  	[tilespmem:$0x1FEE0] =	vst v59;
	v59 =	vadd.f32 v11, v7;
	v11 =	vld [tilespmem:$0x540]  }
0xcf: {  	v3 =	vadd.f32 v57, v3;
	v57 =	vld [tilespmem:$0x1FBD0]  }
0xd0: {  	v7 =	vld [tilespmem:$0xE50]  }
0xd1: {  	v2 =	vadd.f32 v13, v59;
	v59 =	vld [tilespmem:$0x940]  }
0xd2: {  	v13 =	vld [tilespmem:$0x1FA90]  }
0xd3: {  	v3 =	vadd.f32 v62, v3;
	v62 =	vld [tilespmem:$0x1FC00]  }
0xd4: {  	v2 =	vadd.f32 v15, v2;
	v15 =	vld [tilespmem:$0xB40]  }
0xd5: {  	[tilespmem:$0x1FF10] =	vst v11;
	v11 =	vld [tilespmem:$0xAC0]  }
0xd6: {  	v2 =	vadd.f32 v17, v2;
	v17 =	vld [tilespmem:$0xBC0]  }
0xd7: {  	[tilespmem:$0x1FF90] =	vst v59;
	v59 =	vld [tilespmem:$0x1FBF0]  }
0xd8: {  	v0 =	vadd.f32 v13, v0;
	v13 =	vld [tilespmem:$0x1FC70]  }
0xd9: {  	v2 =	vadd.f32 v20, v2;
	v20 =	vld [tilespmem:$0xC40]  }
0xda: {  	v0 =	vadd.f32 v19, v0;
	v19 =	vld [tilespmem:$0x950]  }
0xdb: {  	[tilespmem:$0x1FFD0] =	vst v15;
	v15 =	vld [tilespmem:$0x1FC90]  }
0xdc: {  	v2 =	vadd.f32 v23, v2;
	v23 =	vld [tilespmem:$0x1FAC0]  }
0xdd: {  	[tilespmem:$0x1FFC0] =	vst v11;
	v11 =	vld [tilespmem:$0x1FC50]  }
0xde: {  	v0 =	vadd.f32 v22, v0;
	v22 =	vld [tilespmem:$0x650]  }
0xdf: {  	[tilespmem:$0x1FFE0] =	vst v17;
	v17 =	vld [tilespmem:$0x850]  }
0xe0: {  	v2 =	vadd.f32 v26, v2;
	v26 =	vld [tilespmem:$0x1FAE0]  }
0xe1: {  	[tilespmem:$0x1FFF0] =	vst v20;
	v20 =	vld [tilespmem:$0x9D0]  }
0xe2: {  	v2 =	vadd.f32 v29, v2;
	v29 =	vld [tilespmem:$0x1FB00]  }
0xe3: {  	v0 =	vadd.f32 v23, v0;
	v23 =	vld [tilespmem:$0x750]  }
0xe4: {  	v2 =	vadd.f32 v32, v2;
	v32 =	vld [tilespmem:$0x1FB20]  }
0xe5: {  	v0 =	vadd.f32 v25, v0;
	v25 =	vld [tilespmem:$0xD0]  }
0xe6: {  	v3 =	vadd.f32 v26, v3;
	v26 =	vld [tilespmem:$0x150]  }
0xe7: {  	v2 =	vadd.f32 v35, v2;
	v35 =	vld [tilespmem:$0x1FB40]  }
0xe8: {  	v0 =	vadd.f32 v28, v0;
	v28 =	vld [tilespmem:$0x250]  }
0xe9: {  	v3 =	vadd.f32 v29, v3;
	v29 =	vld [tilespmem:$0x550]  }
0xea: {  	v2 =	vadd.f32 v38, v2;
	v38 =	vld [tilespmem:$0x1FB60]  }
0xeb: {  	v0 =	vadd.f32 v31, v0;
	v31 =	vld [tilespmem:$0x2D0]  }
0xec: {  	v3 =	vadd.f32 v32, v3;
	v32 =	vld [tilespmem:$0x350]  }
0xed: {  	v2 =	vadd.f32 v42, v2;
	v42 =	vld [tilespmem:$0x1FB90]  }
0xee: {  	v0 =	vadd.f32 v34, v0;
	v34 =	vld [tilespmem:$0x450]  }
0xef: {  	v3 =	vadd.f32 v35, v3;
	v35 =	vld [tilespmem:$0x4D0]  }
0xf0: {  	v2 =	vadd.f32 v46, v2;
	v46 =	vld [tilespmem:$0x1FBA0]  }
0xf1: {  	v0 =	vadd.f32 v37, v0;
	v37 =	vld [tilespmem:$0x1FCB0]  }
0xf2: {  	v3 =	vadd.f32 v38, v3;
	v38 =	vld [tilespmem:$0x1FCC0]  }
0xf3: {  	v25 =	vadd.f32 $0.0e+00, v25;
	v2 =	vadd.f32 v50, v2;
	v50 =	vld [tilespmem:$0x1FBB0]  }
0xf4: {  	v0 =	vadd.f32 v40, v0;
	v40 =	vld [tilespmem:$0x1FCE0]  }
0xf5: {  	v25 =	vadd.f32 v26, v25;
	v3 =	vadd.f32 v41, v3;
	v41 =	vld [tilespmem:$0x1FCF0]  }
0xf6: {  	v2 =	vadd.f32 v54, v2;
	v54 =	vld [tilespmem:$0x1FBC0]  }
0xf7: {  	v25 =	vadd.f32 v27, v25;
	v0 =	vadd.f32 v42, v0;
	v42 =	vld [tilespmem:$0x1FD00]  }
0xf8: {  	v3 =	vadd.f32 v46, v3;
	v46 =	vld [tilespmem:$0x1FD20]  }
0xf9: {  	v25 =	vadd.f32 v28, v25;
	v2 =	vadd.f32 v58, v2;
	v58 =	vld [tilespmem:$0x1FBE0]  }
0xfa: {  	v0 =	vadd.f32 v50, v0;
	v50 =	vld [tilespmem:$0x1FD40]  }
0xfb: {  	v25 =	vadd.f32 v31, v25;
	v3 =	vadd.f32 v57, v3;
	v57 =	vld [tilespmem:$0x1FD80]  }
0xfc: {  	v2 =	vadd.f32 v63, v2;
	v63 =	vld [tilespmem:$0x1FC10]  }
0xfd: {  	v25 =	vadd.f32 v32, v25;
	v32 =	vld [tilespmem:$0x8E0]  }
0xfe: {  	v3 =	vadd.f32 v62, v3;
	v62 =	vld [tilespmem:$0x1FDC0]  }
0xff: {  	v2 =	vadd.f32 v54, v2;
	v54 =	vld [tilespmem:$0x1FD60]  }
0x100: {  	v25 =	vadd.f32 v33, v25;
	v33 =	vld [tilespmem:$0x1FF70]  }
0x101: {  	v3 =	vadd.f32 v9, v3;
	v9 =	vld [tilespmem:$0xDD0]  }
0x102: {  	v0 =	vadd.f32 v58, v0;
	v58 =	vld [tilespmem:$0x1FD90]  }
0x103: {  	v2 =	vadd.f32 v59, v2;
	v59 =	vld [tilespmem:$0x1FDA0]  }
0x104: {  	v25 =	vadd.f32 v34, v25;
	v34 =	vld [tilespmem:$0x8F0]  }
0x105: {  	v3 =	vadd.f32 v12, v3;
	v12 =	vld [tilespmem:$0xCD0]  }
0x106: {  	v2 =	vadd.f32 v8, v2;
	v8 =	vld [tilespmem:$0xF50]  }
0x107: {  	v0 =	vadd.f32 v63, v0;
	v3 =	vadd.f32 v15, v3;
	v15 =	vld [tilespmem:$0xC50]  }
0x108: {  	v25 =	vadd.f32 v35, v25;
	v2 =	vadd.f32 v11, v2;
	v11 =	vld [tilespmem:$0xAD0]  }
0x109: {  	v0 =	vadd.f32 v10, v0;
	v1 =	vadd.f32 v58, v1;
	v58 =	vld [tilespmem:$0x1FE70]  }
0x10a: {  	v25 =	vadd.f32 v29, v25;
	v29 =	vld [tilespmem:$0x1FFF0]  }
0x10b: {  	v0 =	vadd.f32 v13, v0;
	v13 =	vld [tilespmem:$0xBD0]  }
0x10c: {  	v3 =	vadd.f32 v38, v3;
	v38 =	vld [tilespmem:$0x660]  }
0x10d: {  	v2 =	vadd.f32 v14, v2;
	v14 =	vld [tilespmem:$0xB50]  }
0x10e: {  	v25 =	vadd.f32 v30, v25;
	v30 =	vld [tilespmem:$0xCF0]  }
0x10f: {  	v1 =	vadd.f32 v39, v1;
	v3 =	vadd.f32 v42, v3;
	v42 =	vld [tilespmem:$0x1FE00]  }
0x110: {  	v0 =	vadd.f32 v36, v0;
	v2 =	vadd.f32 v37, v2;
	v37 =	vld [tilespmem:$0xE0]  }
0x111: {  	v1 =	vadd.f32 v43, v1;
	v43 =	vld [tilespmem:$0x1FED0]  }
0x112: {  	v0 =	vadd.f32 v40, v0;
	v40 =	vld [tilespmem:$0x1FDE0]  }
0x113: {  	v3 =	vadd.f32 v50, v3;
	v50 =	vld [tilespmem:$0xF0]  }
0x114: {  	v2 =	vadd.f32 v41, v2;
	v41 =	vld [tilespmem:$0x1FDF0]  }
0x115: {  	v5 =	vadd.f32 v57, v3;
	v3 =	vld [tilespmem:$0xED0]  }
0x116: {  	v0 =	vadd.f32 v46, v0;
	v46 =	vld [tilespmem:$0x1FE20]  }
0x117: {  	v57 =	vld [tilespmem:$0x1FE60]  }
0x118: {  	v2 =	vadd.f32 v47, v2;
	v47 =	vld [tilespmem:$0x1FE30]  }
0x119: {  	v63 =	vadd.f32 v62, v5;
	v5 =	vld [tilespmem:$0x1050]  }
0x11a: {  	v0 =	vadd.f32 v54, v0;
	v54 =	vld [tilespmem:$0x1FE50]  }
0x11b: {  	v62 =	vld [tilespmem:$0x1FE80]  }
0x11c: {  	v2 =	vadd.f32 v55, v2;
	v55 =	vld [tilespmem:$0x160]  }
0x11d: {  	v36 =	vadd.f32 v42, v63;
	v63 =	vld [tilespmem:$0x1E0]  }
0x11e: {  	v0 =	vadd.f32 v59, v0;
	v59 =	vadd.f32 $0.0e+00, v58;
	v58 =	vld [tilespmem:$0x1FEB0]  }
0x11f: {  	v42 =	vld [tilespmem:$0x3E0];
	v6 =	vadd.f32 v60, v2  }
0x120: {  	v60 =	vld [tilespmem:$0x170];
	v0 =	vadd.f32 v40, v0  }
0x121: {  	v6 =	vadd.f32 v41, v6;
	v41 =	vld [tilespmem:$0x6E0]  }
0x122: {  	v10 =	vadd.f32 v46, v0;
	v46 =	vld [tilespmem:$0x1FE90]  }
0x123: {  	v37 =	vadd.f32 $0.0e+00, v37;
	v0 =	vadd.f32 v51, v36;
	v51 =	vld [tilespmem:$0x260]  }
0x124: {  	v36 =	vadd.f32 v54, v1;
	v54 =	vld [tilespmem:$0x1FEA0]  }
0x125: {  	v50 =	vadd.f32 $0.0e+00, v50;
	v37 =	vadd.f32 v55, v37;
	v55 =	vld [tilespmem:$0x270]  }
0x126: {  	v6 =	vadd.f32 v47, v6;
	v47 =	vld [tilespmem:$0x1F0]  }
0x127: {  	v26 =	vadd.f32 v60, v50;
	v60 =	vld [tilespmem:$0x360]  }
0x128: {  	v50 =	vld [tilespmem:$0x1FEE0]  }
0x129: {  	v1 =	vadd.f32 v57, v6;
	v57 =	vld [tilespmem:$0x2E0]  }
0x12a: {  	v6 =	vadd.f32 v62, v36;
	v62 =	vld [tilespmem:$0x1FEC0]  }
0x12b: {  	v36 =	vadd.f32 v63, v37;
	v63 =	vld [tilespmem:$0x370]  }
0x12c: {  	v40 =	vadd.f32 v46, v59;
	v59 =	vld [tilespmem:$0x2F0]  }
0x12d: {  	v46 =	vld [tilespmem:$0x3F0]  }
0x12e: {  	v36 =	vadd.f32 v51, v36;
	v51 =	vld [tilespmem:$0x470]  }
0x12f: {  	v26 =	vadd.f32 v47, v26;
	v47 =	vld [tilespmem:$0x460]  }
0x130: {  	v40 =	vadd.f32 v54, v40;
	v54 =	vld [tilespmem:$0x4E0]  }
0x131: {  	v26 =	vadd.f32 v55, v26;
	v55 =	vld [tilespmem:$0x1FEF0]  }
0x132: {  	v27 =	vadd.f32 v57, v36;
	v57 =	vld [tilespmem:$0x4F0]  }
0x133: {  	v40 =	vadd.f32 v58, v40;
	v58 =	vld [tilespmem:$0x560]  }
0x134: {  	v26 =	vadd.f32 v59, v26;
	v59 =	vld [tilespmem:$0x1FF00]  }
0x135: {  	v27 =	vadd.f32 v60, v27;
	v60 =	vld [tilespmem:$0x570]  }
0x136: {  	v40 =	vadd.f32 v62, v40;
	v62 =	vld [tilespmem:$0x5E0]  }
0x137: {  	v26 =	vadd.f32 v63, v26;
	v63 =	vld [tilespmem:$0x1FF10]  }
0x138: {  	v27 =	vadd.f32 v42, v27;
	v42 =	vld [tilespmem:$0x1FF30];
	v39 =	vadd.f32 v43, v40  }
0x139: {  	v40 =	vld [tilespmem:$0x670]  }
0x13a: {  	v43 =	vld [tilespmem:$0x6F0];
	v37 =	vadd.f32 v50, v39  }
0x13b: {  	v27 =	vadd.f32 v47, v27;
	v47 =	vld [tilespmem:$0x760]  }
0x13c: {  	v26 =	vadd.f32 v46, v26;
	v39 =	vld [tilespmem:$0x1FF20];
	v37 =	vadd.f32 v55, v37  }
0x13d: {  	v50 =	vld [tilespmem:$0x1FF40]  }
0x13e: {  	v26 =	vadd.f32 v51, v26;
	v51 =	vld [tilespmem:$0x770];
	v36 =	vadd.f32 v59, v37  }
0x13f: {  	v55 =	vld [tilespmem:$0x7E0]  }
0x140: {  	v27 =	vadd.f32 v54, v27;
	v37 =	vld [tilespmem:$0x5F0];
	v35 =	vadd.f32 v63, v36  }
0x141: {  	v26 =	vadd.f32 v57, v26;
	v57 =	vld [tilespmem:$0x1FF50]  }
0x142: {  	v27 =	vadd.f32 v58, v27;
	v58 =	vld [tilespmem:$0x7F0];
	v31 =	vadd.f32 v39, v35  }
0x143: {  	v22 =	vadd.f32 v22, v25;
	v59 =	vld [tilespmem:$0x860];
	v26 =	vadd.f32 v60, v26  }
0x144: {  	v27 =	vadd.f32 v62, v27;
	v60 =	vld [tilespmem:$0x1FF60];
	v31 =	vadd.f32 v42, v31  }
0x145: {  	v16 =	vadd.f32 v16, v22;
	v62 =	vld [tilespmem:$0x870];
	v46 =	vadd.f32 v37, v26  }
0x146: {  	v36 =	vld [tilespmem:$0x960];
	v27 =	vadd.f32 v38, v27;
	v31 =	vadd.f32 v50, v31  }
0x147: {  	v16 =	vadd.f32 v23, v16;
	v38 =	vld [tilespmem:$0x970];
	v54 =	vadd.f32 v40, v46  }
0x148: {  	v39 =	vld [tilespmem:$0x9E0];
	v27 =	vadd.f32 v41, v27;
	v31 =	vadd.f32 v57, v31  }
0x149: {  	v16 =	vadd.f32 v18, v16;
	v37 =	vld [tilespmem:$0x1FF80];
	v22 =	vadd.f32 v43, v54  }
0x14a: {  	v41 =	vld [tilespmem:$0x9F0];
	v26 =	vadd.f32 v47, v27;
	v28 =	vadd.f32 v60, v31  }
0x14b: {  	v16 =	vadd.f32 v17, v16;
	v40 =	vld [tilespmem:$0x1FF90];
	v63 =	vadd.f32 v51, v22  }
0x14c: {  	v42 =	vld [tilespmem:$0xA60];
	v25 =	vadd.f32 v55, v26;
	v28 =	vadd.f32 v33, v28  }
0x14d: {  	v16 =	vadd.f32 v21, v16;
	v43 =	vld [tilespmem:$0x1FFA0];
	v35 =	vadd.f32 v58, v63  }
0x14e: {  	v46 =	vld [tilespmem:$0xA70];
	v23 =	vadd.f32 v59, v25;
	v28 =	vadd.f32 v37, v28  }
0x14f: {  	v16 =	vadd.f32 v19, v16;
	v50 =	vld [tilespmem:$0x1FFB0];
	v17 =	vadd.f32 v62, v35  }
0x150: {  	v47 =	vld [tilespmem:$0xAE0];
	v22 =	vadd.f32 v32, v23;
	v27 =	vadd.f32 v40, v28  }
0x151: {  	v16 =	vadd.f32 v20, v16;
	v55 =	vld [tilespmem:$0x1FFC0];
	v17 =	vadd.f32 v34, v17  }
0x152: {  	v54 =	vld [tilespmem:$0xB60];
	v18 =	vadd.f32 v36, v22;
	v26 =	vadd.f32 v43, v27  }
0x153: {  	v16 =	vadd.f32 v24, v16;
	v51 =	vld [tilespmem:$0xAF0];
	v17 =	vadd.f32 v38, v17  }
0x154: {  	v60 =	vld [tilespmem:$0x1FFD0];
	v18 =	vadd.f32 v39, v18;
	v25 =	vadd.f32 v50, v26  }
0x155: {  	v11 =	vadd.f32 v11, v16;
	v57 =	vld [tilespmem:$0xB70];
	v17 =	vadd.f32 v41, v17  }
0x156: {  	v18 =	vadd.f32 v42, v18;
	v24 =	vadd.f32 v55, v25;
	v25 =	vld [tilespmem:$0x1FFE0]  }
0x157: {  	v59 =	vld [tilespmem:$0xBE0];
	v58 =	vadd.f32 v46, v17  }
0x158: {  	v11 =	vadd.f32 v14, v11;
	v62 =	vld [tilespmem:$0xBF0];
	v18 =	vadd.f32 v47, v18  }
0x159: {  	v63 =	vadd.f32 v51, v58;
	v22 =	vadd.f32 v60, v24;
	v24 =	vld [tilespmem:$0xC60]  }
0x15a: {  	v11 =	vadd.f32 v13, v11;
	v26 =	vld [tilespmem:$0xC70];
	v18 =	vadd.f32 v54, v18  }
0x15b: {  	v28 =	vld [tilespmem:$0xCE0];
	v27 =	vadd.f32 v57, v63;
	v21 =	vadd.f32 v25, v22  }
0x15c: {  	v2 =	vld [tilespmem:$0xFD0];
	v11 =	vadd.f32 v15, v11;
	v17 =	vadd.f32 v59, v18  }
0x15d: {  	v31 =	vld [tilespmem:$0xD60];
	v13 =	vadd.f32 v62, v27;
	v19 =	vadd.f32 v29, v21  }
0x15e: {  	v11 =	vadd.f32 v12, v11;
	v32 =	vld [tilespmem:$0xD70];
	v16 =	vadd.f32 v24, v17  }
0x15f: {  	v34 =	vld [tilespmem:$0xDE0];
	v33 =	vadd.f32 v26, v13;
	v19 =	vadd.f32 v61, v19  }
0x160: {  	v4 =	vadd.f32 v4, v11;
	v35 =	vld [tilespmem:$0xDF0];
	v14 =	vadd.f32 v28, v16  }
0x161: {  	v37 =	vld [tilespmem:$0xE60];
	v36 =	vadd.f32 v30, v33;
	v19 =	vadd.f32 v56, v19  }
0x162: {  	v4 =	vadd.f32 v9, v4;
	v39 =	vld [tilespmem:$0xE70];
	v14 =	vadd.f32 v31, v14  }
0x163: {  	v41 =	vld [tilespmem:$0xEE0];
	v40 =	vadd.f32 v32, v36;
	v38 =	vadd.f32 v53, v19  }
0x164: {  	v4 =	vadd.f32 v7, v4;
	v43 =	vld [tilespmem:$0xEF0];
	v13 =	vadd.f32 v34, v14  }
0x165: {  	v47 =	vld [tilespmem:$0xF60];
	v46 =	vadd.f32 v35, v40;
	v42 =	vadd.f32 v52, v38  }
0x166: {  	v3 =	vadd.f32 v3, v4;
	v50 =	vld [tilespmem:$0xF70];
	v12 =	vadd.f32 v37, v13  }
0x167: {  	v51 =	vadd.f32 v39, v46;
	v52 =	vld [tilespmem:$0xFE0];
	v49 =	vadd.f32 v49, v42  }
0x168: {  	v3 =	vadd.f32 v8, v3;
	v54 =	vld [tilespmem:$0xFF0];
	v11 =	vadd.f32 v41, v12  }
0x169: {  	v55 =	vld [tilespmem:$0x1060];
	v4 =	vadd.f32 v43, v51;
	v53 =	vadd.f32 v48, v49  }
0x16a: {  	[tilespmem:$0x1080] =	vst v10;
	v58 =	vadd.f32 v2, v3;
	v57 =	vld [tilespmem:$0x1070];
	v9 =	vadd.f32 v47, v11  }
0x16b: {  	[tilespmem:$0x1090] =	vst v0;
	v59 =	vadd.f32 v50, v4;
	v56 =	vadd.f32 v45, v53  }
0x16c: {  	[tilespmem:$0x10A0] =	vst v1;
	v0 =	vadd.f32 v5, v58;
	v61 =	vadd.f32 v52, v9  }
0x16d: {  	[tilespmem:$0x10B0] =	vst v6;
	v2 =	vadd.f32 v54, v59;
	v60 =	vadd.f32 v44, v56  }
0x16e: {  	[tilespmem:$0x10D0] =	vst v0;
	v62 =	vadd.f32 v55, v61  }
0x16f: {  	v63 =	vadd.f32 v57, v2;
	[tilespmem:$0x10C0] =	vst v60  }
0x170: {  	p0 =	sne.s32 s6, $0x1;
	[tilespmem:$0x10E0] =	vst v62  }
.Ltmp0:
0x171: {  	[tilespmem:$0x10F0] =	vst v63;
	(pc) =	sbr.rel @p0 .LBB2_1-.Ltmp0, $4  }
0x172: {  	[hbm4b:s5+s2] =	stream.linear.scatter [tilespmem:s11], [sflag:$0x2], $0x80, $0x38;
	[tilespmem:$0x1100] =	vst v63  }
0x173: {  	_ =	swait.ge [sflag:s7], $0x80  }
0x174: {  	[sflag:s7] =	ssyncset.done $0x0  }
0x175: {  	s6 =	sadd.s32 $0xFFFFFFFF, s6;
	[sflag:s7] =	ssyncadd.s32 $0xFFFFFF80  }
0x176: {  	_ =	sfence.sel $0x180000  }
0x177: {  	[bflag:$0x0] =	sbarrier.arrive $0xFFFF  }
0x178: {  	p0 =	sne.s32 s1, $0x0;
	_ =	strace $0x9000004D  }
0x179: {  	s0 =	sadd.s32 @!p0 $0x100000, s0;
	[bflag:$0x2] =	sbarrier.arrive $0xFFFF  }
0x17a: {  	[sflag:s0] =	ssyncadd.tile.s32 @!p0 $0x1;
	_ =	shalt  }
.Lfunc_end2:
_tile_overlayer_lowered:
.L_overlay_start_2:
0x17b: {  	(tag) =	ssettag $0x2  }
0x17c: {  	s0 =	rddreg [dreg:$0x0];
	s2 =	stileid.u32  }
0x17d: {  	s1 =	rddreg [dreg:$0x1];
	p0 =	sne.s32 s2, $0x0  }
0x17e: {  	s3 =	rddreg [dreg:$0x2];
	[bflag:$0x3] =	sbarrier.arrive $0xFFFF;
	s2 =	simm.s32 @!p0 $0x1C02  }
0x17f: {  	[timem:s3], [sflag:s2] =	dma.local @!p0 [hbm:s0], s1  }
0x180: {  	s0 =	simm.s32 @!p0 $0x2  }
0x181: {  	_ =	swait.ge @!p0 [sflag:s0], s1  }
0x182: {  	s1 =	ssub.s32 @!p0 $0x0, s1;
	[sflag:s0] =	ssyncset.done @!p0 $0x0  }
0x183: {  	[sflag:s0] =	ssyncadd.s32 @!p0 s1  }
0x184: {  	[bflag:$0x3] =	sbarrier.arrive $0xFFFF  }
0x185: {  	_ =	shalt  }

// kernel: kernel.9.cloned.1.call-start
scs
__scs_entry_jumppad:
0x0: {  	(pc) =	sbr.rel $0x88, $3  }
0x1: {  	(tag) =	ssettag $0x0;
	lr =	simm.s32 $0x1  }
0x2: {  	[smem:$0x3F99] =	sst lr;
	_ =	strace $0xD0000000  }
0x3: {  	_ = 	snop  }
0x4: {  	_ = 	snop  }
0x5: {  	_ = 	snop  }
0x6: {  	_ = 	snop  }
0x7: {  	_ = 	snop  }
__scs_overlays_trampoline_lowered:
0x8: {  	[smem:$0x3FA8] =	sst s0  }
0x9: {  	[smem:$0x3FA9] =	sst s1  }
0xa: {  	[smem:$0x3FAA] =	sst s2  }
0xb: {  	[smem:$0x3FAB] =	sst s3  }
0xc: {  	[smem:$0x3FAC] =	sst s4  }
0xd: {  	[smem:$0x3FAD] =	sst s5  }
0xe: {  	[smem:$0x3FAE] =	sst s6  }
0xf: {  	[smem:$0x3FAF] =	sst s7  }
0x10: {  	[smem:$0x3FB0] =	sst s8  }
0x11: {  	[smem:$0x3FB1] =	sst s9;
	s0 =	simm.s32 @!p0 $0x0  }
0x12: {  	s1 =	sld [smem:$0x3F97];
	s0 =	simm.s32 @p0 $0x1  }
0x13: {  	[smem:$0x3FB2] =	sst s0;
	s0 =	simm.s32 @!p1 $0x0  }
0x14: {  	s2 =	sld [smem:$0x3F96];
	s0 =	simm.s32 @p1 $0x1  }
0x15: {  	[smem:$0x3FB3] =	sst s0;
	s0 =	simm.s32 @!p2 $0x0  }
0x16: {  	s3 =	sld [smem:$0x3FDB];
	s0 =	simm.s32 @p2 $0x1  }
0x17: {  	s4 =	simm.s32 $0x1BF5;
	[smem:$0x3FB5] =	sst s0  }
0x18: {  	s0 =	sld [smem:$0x3F98];
	_ =	swait.ge [sflag:s4], $0x0  }
0x19: {  	s7 =	sld [smem:$0x3F99]  }
0x1a: {  	s8 =	sadd.s32 $0xFFFFE003, lr  }
0x1b: {  	s9 =	sadd.s32 $0xFFFFFEF7, lr;
	s5 =	simm.s32 $0xFFFFFFFF;
	p2 =	slt.u32 s8, $0xFFFFF086  }
0x1c: {  	p1 =	slt.u32 s9, $0xF7A;
	s5 =	simm.s32 @!p2 $0x0  }
0x1d: {  	s5 =	simm.s32 @p1 $0x1;
	p0 =	seq.s32 s7, s2  }
0x1e: {  	s7 =	smul.u32 @!p0 $0xF7A, s2;
	p2 =	seq.s32 @!p0 s5, $0x0  }
0x1f: {  	s9 =	smul.u32 $0xF7A, s1;
	s8 =	simm.s32 @!p0 $0x1BF5;
	p2 =	por !p2, p0  }
0x20: {  	[sflag:s8] =	ssyncset.s32 @!p0 $0xFFFFF086;
	s6 =	sadd.s32 @!p0 s3, s7;
	s7 =	simm.s32 @!p0 $0x108  }
0x21: {  	s3 =	sadd.s32 s3, s9;
	s6 =	sadd.s32 @!p0 $0x88, s6;
	s7 =	simm.s32 @p2 $0x1082  }
0x22: {  	[simem:s7], [sflag:s8] =	dma.local @!p0 [hbm:s6], $0xF7A  }
0x23: {  	s9 =	sor.u32 $0xD0000000, s2;
	s6 =	simm.s32 $0x108;
	_ =	swait.ge @!p0 [sflag:s8], $0x0  }
0x24: {  	s3 =	sadd.s32 $0x88, s3;
	s6 =	simm.s32 @!p1 $0x1082;
	[sflag:s4] =	ssyncset.s32 $0xFFFFF086  }
0x25: {  	[simem:s6], [sflag:s4] =	dma.local [hbm:s3], $0xF7A  }
0x26: {  	[smem:$0x3F99] =	sst s1;
	(tag) =	ssettag s2;
	_ =	strace s9  }
0x27: {  	s1 =	sld [smem:$0x3FA9]  }
0x28: {  	s2 =	sld [smem:$0x3FAA]  }
0x29: {  	s4 =	sld [smem:$0x3FAC]  }
0x2a: {  	p0 =	seq.s32 s5, $0x0;
	s5 =	sld [smem:$0x3FAD]  }
0x2b: {  	s6 =	sld [smem:$0x3FAE]  }
0x2c: {  	s7 =	sld [smem:$0x3FAF]  }
0x2d: {  	s3 =	simm.s32 $0x108;
	s8 =	sld [smem:$0x3FB0]  }
0x2e: {  	s3 =	simm.s32 @!p0 $0x1082;
	s9 =	sld [smem:$0x3FB1]  }
0x2f: {  	lr =	sadd.s32 s0, s3;
	s0 =	sld [smem:$0x3FA8]  }
0x30: {  	s3 =	sld [smem:$0x3FAB]  }
0x31: {  	[smem:$0x3FB4] =	sst s10  }
0x32: {  	s10 =	sld [smem:$0x3FB2];
	_ =	sdelay $0x3  }
0x33: {  	p0 =	seq.s32 s10, $0x1;
	s10 =	sld [smem:$0x3FB4];
	_ =	sdelay $0x3  }
0x34: {  	[smem:$0x3FB4] =	sst s10  }
0x35: {  	s10 =	sld [smem:$0x3FB3];
	_ =	sdelay $0x3  }
0x36: {  	p1 =	seq.s32 s10, $0x1;
	s10 =	sld [smem:$0x3FB4];
	_ =	sdelay $0x3  }
0x37: {  	[smem:$0x3FB4] =	sst s10  }
0x38: {  	s10 =	sld [smem:$0x3FB5]  }
0x39: {  	_ = 	snop;
	(pc) =	sbr.ind lr, $3  }
0x3a: {  	_ = 	snop  }
0x3b: {  	_ = 	snop  }
0x3c: {  	p2 =	seq.s32 s10, $0x1;
	s10 =	sld [smem:$0x3FB4]  }
0x3d: {  	_ =	shalt  }
0x3e: {  	_ =	shalt  }
0x3f: {  	_ =	shalt  }
0x40: {  	_ =	shalt  }
0x41: {  	_ =	shalt  }
0x42: {  	_ =	shalt  }
0x43: {  	_ =	shalt  }
0x44: {  	_ =	shalt  }
0x45: {  	_ =	shalt  }
0x46: {  	_ =	shalt  }
0x47: {  	_ =	shalt  }
0x48: {  	_ =	shalt  }
0x49: {  	_ =	shalt  }
0x4a: {  	_ =	shalt  }
0x4b: {  	_ =	shalt  }
0x4c: {  	_ =	shalt  }
0x4d: {  	_ =	shalt  }
0x4e: {  	_ =	shalt  }
0x4f: {  	_ =	shalt  }
0x50: {  	_ =	shalt  }
0x51: {  	_ =	shalt  }
0x52: {  	_ =	shalt  }
0x53: {  	_ =	shalt  }
0x54: {  	_ =	shalt  }
0x55: {  	_ =	shalt  }
0x56: {  	_ =	shalt  }
0x57: {  	_ =	shalt  }
0x58: {  	_ =	shalt  }
0x59: {  	_ =	shalt  }
0x5a: {  	_ =	shalt  }
0x5b: {  	_ =	shalt  }
0x5c: {  	_ =	shalt  }
0x5d: {  	_ =	shalt  }
0x5e: {  	_ =	shalt  }
0x5f: {  	_ =	shalt  }
0x60: {  	_ =	shalt  }
0x61: {  	_ =	shalt  }
0x62: {  	_ =	shalt  }
0x63: {  	_ =	shalt  }
0x64: {  	_ =	shalt  }
0x65: {  	_ =	shalt  }
0x66: {  	_ =	shalt  }
0x67: {  	_ =	shalt  }
0x68: {  	_ =	shalt  }
0x69: {  	_ =	shalt  }
0x6a: {  	_ =	shalt  }
0x6b: {  	_ =	shalt  }
0x6c: {  	_ =	shalt  }
0x6d: {  	_ =	shalt  }
0x6e: {  	_ =	shalt  }
0x6f: {  	_ =	shalt  }
0x70: {  	_ =	shalt  }
0x71: {  	_ =	shalt  }
0x72: {  	_ =	shalt  }
0x73: {  	_ =	shalt  }
0x74: {  	_ =	shalt  }
0x75: {  	_ =	shalt  }
0x76: {  	_ =	shalt  }
0x77: {  	_ =	shalt  }
0x78: {  	_ =	shalt  }
0x79: {  	_ =	shalt  }
0x7a: {  	_ =	shalt  }
0x7b: {  	_ =	shalt  }
0x7c: {  	_ =	shalt  }
0x7d: {  	_ =	shalt  }
0x7e: {  	_ =	shalt  }
0x7f: {  	_ =	shalt  }
0x80: {  	_ =	shalt  }
0x81: {  	_ =	shalt  }
0x82: {  	_ =	shalt  }
0x83: {  	_ =	shalt  }
0x84: {  	_ =	shalt  }
0x85: {  	_ =	shalt  }
0x86: {  	_ =	shalt  }
0x87: {  	_ =	shalt  }
.Lfunc_end0:
.L_simem_size_0:
called_computation_lowered:
.L_overlay_start_0:
0x88: {  	s2 =	sld [smem:$0x3FD9]  }
0x89: {  	s3 =	sld [smem:$0x3FFE];
	_ =	sdelay $0x1  }
0x8a: {  	s1 =	srdreg.scid  }
0x8b: {  	s0 =	sand.u32 $0x1, s1  }
0x8c: {  	s16 =	sshll.u32 s0, $0xA;
	s2 =	sadd.s32 s3, s2  }
0x8d: {  	s2 =	sadd.s32 s2, s16  }
0x8e: {  	[smem:$0x3FC0] =	sst s2  }
0x8f: {  	_ = 	snop  }
0x90: {  	(tm) =	ssettm $0x1  }
0x91: {  	s17 =	sld [smem:$0x3FFB];
	_ =	sdelay $0x3  }
0x92: {  	_ =	strace s17  }
0x93: {  	s2 =	sld [smem:$0x3FFC];
	_ =	sdelay $0x3  }
0x94: {  	_ =	strace s2  }
0x95: {  	s2 =	sld [smem:$0x3FFD];
	_ =	sdelay $0x3  }
0x96: {  	_ =	strace s2  }
0x97: {  	_ =	strace $0x8FFFFFFF  }
0x98: {  	s18 =	sld [smem:$0x3FDB];
	_ =	sdelay $0x1  }
0x99: {  	s19 =	simm.s32 $_scs_section_size  }
0x9a: {  	s4 =	simm.s32 $_size__tile_overlayer_lowered;
	s5 =	simm.s32 $_tile_overlayer_lowered  }
0x9b: {  	s22 =	simm.s32 $0x1BFF;
	s21 =	sshll.u32 s5, $0x1;
	s2 =	sadd.s32 s19, s18  }
0x9c: {  	s6 =	simm.s32 $0x0;
	s20 =	sshll.u32 s4, $0x1;
	s4 =	sadd.s32 s21, s2  }
0x9d: {  	[timem:s6], [sflag:s22] =	dma.local [hbm:s4], s20  }
0x9e: {  	_ =	swait.ge [sflag:s22], s20  }
0x9f: {  	s3 =	ssub.s32 $0x0, s20;
	[sflag:s22] =	ssyncset.done $0x0  }
0xa0: {  	[sflag:s22] =	ssyncadd.s32 s3;
	_ =	sdelay $0x1  }
0xa1: {  	s23 =	simm.s32 $0x1B8B  }
0xa2: {  	_ =	swait.ge [sflag:s23], $0x1  }
0xa3: {  	[sflag:s23] =	ssyncset.done $0x0  }
0xa4: {  	s25 =	simm.s32 $0x1B8E;
	s24 =	sld [smem:$0x3FFE];
	[sflag:s23] =	ssyncadd.s32 $0xFFFFFFFF  }
0xa5: {  	s26 =	simm.s32 $execute0_lowered;
	[smem:$0x3FD2] =	sst s25  }
0xa6: {  	s4 =	sshll.u32 s26, $0x1;
	_ =	strace $0x80000046;
	[dreg:$0x1] =	wrdreg $0xFFFFFFFF  }
0xa7: {  	s28 =	simm.s32 $_size_execute0_lowered;
	s2 =	sadd.s32 s2, s4;
	[dreg:$0x0] =	wrdreg $0x0  }
0xa8: {  	s4 =	sshll.u32 s28, $0x1;
	[dreg:$0x2] =	wrdreg s2  }
0xa9: {  	[dreg:$0x3] =	wrdreg s4  }
0xaa: {  	[dreg:$0x4] =	wrdreg $0xC0  }
0xab: {  	_ =	task [dreg:s6], $0x5FFFF  }
0xac: {  	[dreg:$0x1] =	wrdreg $0xFFFFFFFF  }
0xad: {  	[dreg:$0x0] =	wrdreg $0x60  }
0xae: {  	[dreg:$0x2] =	wrdreg s24  }
0xaf: {  	[dreg:$0x3] =	wrdreg $0xAC000  }
0xb0: {  	[dreg:$0x4] =	wrdreg $0x9  }
0xb1: {  	_ =	task.clear_ibuf [dreg:s6], $0x5FFFF;
	_ =	strace $0x90000046  }
0xb2: {  	s29 =	simm.s32 $0x9;
	_ =	strace $0x80000048  }
0xb3: {  	_ =	swait.ge [sflag:s29], $0x1  }
0xb4: {  	[sflag:s29] =	ssyncadd.s32 $0xFFFFFFFF  }
0xb5: {  	_ =	strace $0x90000048  }
0xb6: {  	_ =	sfence  }
0xb7: {  	s30 =	sld [smem:$0x0];
	_ =	sdelay $0x2  }
0xb8: {  	s31 =	sshll.u32 s1, $0xD;
	s1 =	sshrl.u32 s1, $0x2  }
0xb9: {  	s3 =	sand.u32 $0x4000, s31;
	s1 =	sadd.s32 s1, s30  }
0xba: {  	s0 =	sor.u32 s3, s0;
	s1 =	sshll.u32 s1, $0x11  }
0xbb: {  	s0 =	sor.u32 s1, s0  }
0xbc: {  	s0 =	sadd.s32 $0x8F2B, s0  }
0xbd: {  	[sflag:s0] =	ssyncadd.remote.s32 $0x1  }
0xbe: {  	_ =	sfence.sel $0xFFFF  }
0xbf: {  	[dreg:$0x0] =	wrdreg $0xFFFFFFFF;
	(pc) =	sbr.abs _section_cstart, $3  }
0xc0: {  	[dreg:$0x1] =	wrdreg $0xFFFFFFFF  }
0xc1: {  	_ =	task.clear_ibuf [dreg:s6], $0x2FFFF;
	_ =	strace $0x9FFFFFFF  }
0xc2: {  	(tm) =	ssettm $0x7FFFFFFF  }
0xc3: {  	_ =	shalt  }
tec
execute0_lowered:
.L_overlay_start_1:
0x0: {  	(tag) =	ssettag $0x1  }
0x1: {  	s0 =	srdreg.scid;
	s1 =	rddreg [dreg:$0x0]  }
0x2: {  	s2 =	rddreg [dreg:$0x1];
	s8 =	stileid.u32  }
0x3: {  	s4 =	simm.s32 $0x0;
	s9 =	simm.s32 $0xA800;
	s10 =	simm.s32 $0x6  }
0x4: {  	s12 =	simm.s32 $0x1;
	s13 =	simm.s32 $0x40;
	s14 =	simm.s32 $0x2800  }
0x5: {  	s15 =	simm.s32 $0x80;
	s16 =	simm.s32 $0x4800;
	s17 =	simm.s32 $0x100  }
0x6: {  	s18 =	simm.s32 $0x6800;
	s19 =	simm.s32 $0x180;
	s20 =	simm.s32 $0x8800  }
0x7: {  	s21 =	simm.s32 $0x2;
	s22 =	simm.s32 $0x3;
	s23 =	simm.s32 $0x4  }
0x8: {  	s28 =	simm.s32 $0x2680;
	s29 =	simm.s32 $0x2700;
	s30 =	simm.s32 $0x2780  }
0x9: {  	s31 =	simm.s32 $0x0;
	s0 =	sand.u32 $0x1, s0;
	s5 =	smul.u32 $0x4F000, s8  }
0xa: {  	[smem:$0x7FF] =	sst s4;
	s25 =	smul.u32 $0x2780, s8;
	s3 =	sshll.u32 s0, $0x4  }
0xb: {  	s6 =	smul.u32 $0x27800, s0;
	s0 =	ssub.s32 $0x2, s0;
	s3 =	sor.u32 s8, s3  }
0xc: {  	s4 =	sadd.s32 $0x2A000, s1;
	s7 =	sshrl.u32 s0, $0x1;
	s3 =	smul.u32 $0xA00, s3  }
0xd: {  	_ =	strace $0x80000047;
	s5 =	sshrl.u32 s5, $0x2;
	s0 =	ssub.s32 s0, s7  }
0xe: {  	s0 =	smax.u32 s0, $0x1;
	s3 =	sadd.s32 s3, s1;
	s1 =	sadd.s32 s6, s1  }
0xf: {  	s5 =	sadd.s32 s5, s2;
	[dreg:$0x3] =	wrdreg s0;
	s1 =	sadd.s32 $0x51200, s1  }
0x10: {  	s6 =	sadd.s32 $0x2000, s3;
	s7 =	sadd.s32 $0x16000, s3;
	s26 =	sadd.s32 s25, s1  }
0x11: {  	v0 =	vimm.f32 $0.0e+00;
	s25 =	simm.s32 $0x5;
	[dreg:$0x4] =	wrdreg s26;
	s26 =	simm.s32 $0x2600  }
.LBB2_1:
0x12: {  	[tilespmem:$0xA800] =	vst v0  }
0x13: {  	[tilespmem:$0xA810] =	vst v0  }
0x14: {  	[tilespmem:$0xA820] =	vst v0  }
0x15: {  	[tilespmem:$0xA830] =	vst v0  }
0x16: {  	[tilespmem:$0xA840] =	vst v0  }
0x17: {  	[tilespmem:$0xA850] =	vst v0  }
0x18: {  	[tilespmem:$0xA860] =	vst v0  }
0x19: {  	[tilespmem:$0xA870] =	vst v0  }
0x1a: {  	[tilespmem:$0xA880] =	vst v0  }
0x1b: {  	[tilespmem:$0xA890] =	vst v0  }
0x1c: {  	[tilespmem:$0xA8A0] =	vst v0  }
0x1d: {  	[tilespmem:$0xA8B0] =	vst v0  }
0x1e: {  	[tilespmem:$0xA8C0] =	vst v0  }
0x1f: {  	[tilespmem:$0xA8D0] =	vst v0  }
0x20: {  	[tilespmem:$0xA8E0] =	vst v0  }
0x21: {  	[tilespmem:$0xA8F0] =	vst v0  }
0x22: {  	[tilespmem:$0xA900] =	vst v0  }
0x23: {  	[tilespmem:$0xA910] =	vst v0  }
0x24: {  	[tilespmem:$0xA920] =	vst v0  }
0x25: {  	[tilespmem:$0xA930] =	vst v0  }
0x26: {  	[tilespmem:$0xA940] =	vst v0  }
0x27: {  	[tilespmem:$0xA950] =	vst v0  }
0x28: {  	[tilespmem:$0xA960] =	vst v0  }
0x29: {  	[tilespmem:$0xA970] =	vst v0  }
0x2a: {  	[tilespmem:$0xA980] =	vst v0  }
0x2b: {  	[tilespmem:$0xA990] =	vst v0  }
0x2c: {  	[tilespmem:$0xA9A0] =	vst v0  }
0x2d: {  	[tilespmem:$0xA9B0] =	vst v0  }
0x2e: {  	[tilespmem:$0xA9C0] =	vst v0  }
0x2f: {  	[tilespmem:$0xA9D0] =	vst v0  }
0x30: {  	[tilespmem:$0xA9E0] =	vst v0  }
0x31: {  	[tilespmem:$0xA9F0] =	vst v0  }
0x32: {  	[tilespmem:$0xAA00] =	vst v0  }
0x33: {  	[tilespmem:$0xAA10] =	vst v0  }
0x34: {  	[tilespmem:$0xAA20] =	vst v0  }
0x35: {  	[tilespmem:$0xAA30] =	vst v0  }
0x36: {  	[tilespmem:$0xAA40] =	vst v0  }
0x37: {  	[tilespmem:$0xAA50] =	vst v0  }
0x38: {  	[tilespmem:$0xAA60] =	vst v0  }
0x39: {  	[tilespmem:$0xAA70] =	vst v0  }
0x3a: {  	[tilespmem:$0xAA80] =	vst v0  }
0x3b: {  	[tilespmem:$0xAA90] =	vst v0  }
0x3c: {  	[tilespmem:$0xAAA0] =	vst v0  }
0x3d: {  	[tilespmem:$0xAAB0] =	vst v0  }
0x3e: {  	[tilespmem:$0xAAC0] =	vst v0  }
0x3f: {  	[tilespmem:$0xAAD0] =	vst v0  }
0x40: {  	[tilespmem:$0xAAE0] =	vst v0  }
0x41: {  	[tilespmem:$0xAAF0] =	vst v0  }
0x42: {  	[tilespmem:$0xAB00] =	vst v0  }
0x43: {  	[tilespmem:$0xAB10] =	vst v0  }
0x44: {  	[tilespmem:$0xAB20] =	vst v0  }
0x45: {  	[tilespmem:$0xAB30] =	vst v0  }
0x46: {  	[tilespmem:$0xAB40] =	vst v0  }
0x47: {  	[tilespmem:$0xAB50] =	vst v0  }
0x48: {  	[tilespmem:$0xAB60] =	vst v0  }
0x49: {  	[tilespmem:$0xAB70] =	vst v0  }
0x4a: {  	[tilespmem:$0xAB80] =	vst v0  }
0x4b: {  	[tilespmem:$0xAB90] =	vst v0  }
0x4c: {  	[tilespmem:$0xABA0] =	vst v0  }
0x4d: {  	[tilespmem:$0xABB0] =	vst v0  }
0x4e: {  	[tilespmem:$0xABC0] =	vst v0  }
0x4f: {  	[tilespmem:$0xABD0] =	vst v0  }
0x50: {  	[tilespmem:$0xABE0] =	vst v0  }
0x51: {  	[tilespmem:$0xABF0] =	vst v0;
	s0 =	simm.s32 $0x1000;
	s1 =	sadd.s32 $0x0, s5  }
.LBB2_2:
0x52: {  	[spmem:s1] =	stream.linear.scatter [tilespmem:s9], [sflag:$0x1], $0x400, $0x38;
	[tilespmem:$0x1E800] =	vst v63  }
0x53: {  	s1 =	smov.u32 s0;
	p0 =	sne.s32 s0, $0x4E000  }
.Ltmp0:
0x54: {  	s0 =	sadd.s32 $0x1000, s0;
	(pc) =	sbr.rel @p0 .LBB2_2-.Ltmp0, $3  }
0x55: {  	_ =	sdelay $0x1  }
0x56: {  	s1 =	sshra.s32 s1, $0x2  }
0x57: {  	s1 =	sadd.s32 s1, s5  }
0x58: {  	[spmem:s1] =	stream.linear.scatter [tilespmem:s9], [sflag:$0x1], $0x400, $0x38;
	[tilespmem:$0x1E800] =	vst v63  }
0x59: {  	s0 =	simm.s32 $0x0  }
0x5a: {  	[tilespmem:s0], [sflag:$0x6] =	stream.linear.gather [hbm4b:s6+s0], $0x1400, $0x38;
	[tilespmem:$0x1E800] =	vst v63  }
0x5b: {  	_ =	swait.ge [sflag:s10], $0x1400  }
0x5c: {  	[sflag:s10] =	ssyncset.done $0x0  }
0x5d: {  	s24 =	simm.s32 $0x1400;
	[sflag:s10] =	ssyncadd.s32 $0xFFFFEC00  }
0x5e: {  	[tilespmem:s24], [sflag:$0x6] =	stream.linear.gather [hbm4b:s7+s0], $0x1400, $0x38;
	[tilespmem:$0x1E800] =	vst v63  }
0x5f: {  	_ =	swait.ge [sflag:s10], $0x1400  }
0x60: {  	[sflag:s10] =	ssyncset.done $0x0  }
0x61: {  	[sflag:s10] =	ssyncadd.s32 $0xFFFFEC00  }
0x62: {  	_ =	swait.ge [sflag:s12], $0x400  }
0x63: {  	s0 =	simm.s32 $0x4E;
	[sflag:s12] =	ssyncset.done $0x0  }
.LBB2_4:
0x64: {  	p0 =	sne.s32 s0, $0x1;
	s0 =	sadd.s32 $0xFFFFFFFF, s0;
	[sflag:s12] =	ssyncadd.s32 $0xFFFFFC00  }
.Ltmp1:
0x65: {  	(pc) =	sbr.rel @p0 .LBB2_4-.Ltmp1, $3  }
0x66: {  	_ =	sdelay $0x1  }
0x67: {  	_ =	swait.ge [sflag:s12], $0x400  }
0x68: {  	[sflag:s12] =	ssyncset.done $0x0  }
0x69: {  	[sflag:s12] =	ssyncadd.s32 $0xFFFFFC00  }
0x6a: {  	s0 =	simm.s32 $0x0;
	s11 =	simm.s32 $0x0;
	[bflag:$0x0] =	sbarrier.arrive $0xFFFF  }
.LBB2_6:
0x6b: {  	p0 =	seq.s32 s11, $0x0  }
0x6c: {  	s1 =	smul.u32 @!p0 $0x280, s11;
	_ =	sdelay $0x1  }
0x6d: {  	s8 =	simm.s32 @!p0 $0x0;
	s3 =	sadd.s32 @!p0 s6, s1  }
0x6e: {  	[tilespmem:s8], [sflag:$0x6] =	stream.linear.gather @!p0 [hbm4b:s3+s8], $0x1400, $0x38;
	[tilespmem:$0x1E800] =	vst v63  }
0x6f: {  	s3 =	simm.s32 @!p0 $0x6  }
0x70: {  	_ =	swait.ge @!p0 [sflag:s3], $0x1400  }
0x71: {  	[sflag:s3] =	ssyncset.done @!p0 $0x0  }
0x72: {  	s24 =	simm.s32 @!p0 $0x1400;
	s1 =	sadd.s32 @!p0 s7, s1;
	[sflag:s3] =	ssyncadd.s32 @!p0 $0xFFFFEC00  }
0x73: {  	[tilespmem:s24], [sflag:$0x6] =	stream.linear.gather @!p0 [hbm4b:s1+s8], $0x1400, $0x38;
	[tilespmem:$0x1E800] =	vst v63  }
0x74: {  	_ =	swait.ge @!p0 [sflag:s3], $0x1400  }
0x75: {  	[sflag:s3] =	ssyncset.done @!p0 $0x0  }
0x76: {  	[sflag:s3] =	ssyncadd.s32 @!p0 $0xFFFFEC00  }
0x77: {  	[tilespmem:s14], [sflag:$0x2] =	stream.indirect.gather [hbm4b:s4+s13], $0x80, s0, s13, $0xb8;
	[tilespmem:$0x1E800] =	vst v63  }
0x78: {  	_ = 	snop  }
0x79: {  	[tilespmem:s16], [sflag:$0x3] =	stream.indirect.gather [hbm4b:s4+s13], $0x80, s15, s13, $0xb8;
	[tilespmem:$0x1E800] =	vst v63  }
0x7a: {  	_ = 	snop  }
0x7b: {  	[tilespmem:s18], [sflag:$0x4] =	stream.indirect.gather [hbm4b:s4+s13], $0x80, s17, s13, $0xb8;
	[tilespmem:$0x1E800] =	vst v63  }
0x7c: {  	_ = 	snop  }
0x7d: {  	[tilespmem:s20], [sflag:$0x5] =	stream.indirect.gather [hbm4b:s4+s13], $0x80, s19, s13, $0xb8;
	[tilespmem:$0x1E800] =	vst v63  }
0x7e: {  	_ =	swait.ge [sflag:s21], $0x2000  }
0x7f: {  	[sflag:s21] =	ssyncset.done $0x0  }
0x80: {  	s24 =	simm.s32 $0x1400;
	[sflag:s21] =	ssyncadd.s32 $0xFFFFE000  }
0x81: {  	[spmem:s2] =	stream.indirect.scatter.add.f32 [tilespmem:s14], [sflag:$0x6], $0x80, s24, s13, $0xb8;
	[tilespmem:$0x1E800] =	vst v63  }
0x82: {  	_ =	swait.ge [sflag:s10], $0x2000  }
0x83: {  	[sflag:s10] =	ssyncset.done $0x0  }
0x84: {  	s3 =	simm.s32 $0x200;
	[sflag:s10] =	ssyncadd.s32 $0xFFFFE000  }
0x85: {  	[tilespmem:s14], [sflag:$0x2] =	stream.indirect.gather [hbm4b:s4+s13], $0x80, s3, s13, $0xb8;
	[tilespmem:$0x1E800] =	vst v63  }
0x86: {  	_ =	swait.ge [sflag:s22], $0x2000  }
0x87: {  	[sflag:s22] =	ssyncset.done $0x0  }
0x88: {  	s8 =	simm.s32 $0x1480;
	[sflag:s22] =	ssyncadd.s32 $0xFFFFE000  }
0x89: {  	[spmem:s2] =	stream.indirect.scatter.add.f32 [tilespmem:s16], [sflag:$0x6], $0x80, s8, s13, $0xb8;
	[tilespmem:$0x1E800] =	vst v63  }
0x8a: {  	_ =	swait.ge [sflag:s10], $0x2000  }
0x8b: {  	[sflag:s10] =	ssyncset.done $0x0  }
0x8c: {  	s24 =	simm.s32 $0x280;
	[sflag:s10] =	ssyncadd.s32 $0xFFFFE000  }
0x8d: {  	[tilespmem:s16], [sflag:$0x3] =	stream.indirect.gather [hbm4b:s4+s13], $0x80, s24, s13, $0xb8;
	[tilespmem:$0x1E800] =	vst v63  }
0x8e: {  	_ =	swait.ge [sflag:s23], $0x2000  }
0x8f: {  	[sflag:s23] =	ssyncset.done $0x0  }
0x90: {  	s3 =	simm.s32 $0x1500;
	[sflag:s23] =	ssyncadd.s32 $0xFFFFE000  }
0x91: {  	[spmem:s2] =	stream.indirect.scatter.add.f32 [tilespmem:s18], [sflag:$0x6], $0x80, s3, s13, $0xb8;
	[tilespmem:$0x1E800] =	vst v63  }
0x92: {  	_ =	swait.ge [sflag:s10], $0x2000  }
0x93: {  	[sflag:s10] =	ssyncset.done $0x0  }
0x94: {  	s8 =	simm.s32 $0x300;
	[sflag:s10] =	ssyncadd.s32 $0xFFFFE000  }
0x95: {  	[tilespmem:s18], [sflag:$0x4] =	stream.indirect.gather [hbm4b:s4+s13], $0x80, s8, s13, $0xb8;
	[tilespmem:$0x1E800] =	vst v63  }
0x96: {  	_ =	swait.ge [sflag:s25], $0x2000  }
0x97: {  	[sflag:s25] =	ssyncset.done $0x0  }
0x98: {  	s24 =	simm.s32 $0x1580;
	[sflag:s25] =	ssyncadd.s32 $0xFFFFE000  }
0x99: {  	[spmem:s2] =	stream.indirect.scatter.add.f32 [tilespmem:s20], [sflag:$0x6], $0x80, s24, s13, $0xb8;
	[tilespmem:$0x1E800] =	vst v63  }
0x9a: {  	_ =	swait.ge [sflag:s10], $0x2000  }
0x9b: {  	[sflag:s10] =	ssyncset.done $0x0  }
0x9c: {  	s1 =	simm.s32 $0x800;
	s3 =	simm.s32 $0x380;
	[sflag:s10] =	ssyncadd.s32 $0xFFFFE000  }
.LBB2_7:
0x9d: {  	[tilespmem:s20], [sflag:$0x5] =	stream.indirect.gather [hbm4b:s4+s13], $0x80, s3, s13, $0xb8;
	[tilespmem:$0x1E800] =	vst v63  }
0x9e: {  	s3 =	smov.u32 s1  }
0x9f: {  	p0 =	sne.s32 s1, $0x4000;
	s1 =	sadd.s32 $0x800, s1;
	_ =	swait.ge [sflag:s21], $0x2000  }
0xa0: {  	s3 =	sshra.s32 s3, $0x2;
	[sflag:s21] =	ssyncset.done $0x0  }
0xa1: {  	s8 =	sadd.s32 $0x1400, s3;
	[sflag:s21] =	ssyncadd.s32 $0xFFFFE000  }
0xa2: {  	[spmem:s2] =	stream.indirect.scatter.add.f32 [tilespmem:s14], [sflag:$0x6], $0x80, s8, s13, $0xb8;
	[tilespmem:$0x1E800] =	vst v63  }
0xa3: {  	_ =	swait.ge [sflag:s10], $0x2000  }
0xa4: {  	[sflag:s10] =	ssyncset.done $0x0  }
0xa5: {  	s8 =	sadd.s32 $0x200, s3;
	[sflag:s10] =	ssyncadd.s32 $0xFFFFE000  }
0xa6: {  	[tilespmem:s14], [sflag:$0x2] =	stream.indirect.gather [hbm4b:s4+s13], $0x80, s8, s13, $0xb8;
	[tilespmem:$0x1E800] =	vst v63  }
0xa7: {  	_ =	swait.ge [sflag:s22], $0x2000  }
0xa8: {  	[sflag:s22] =	ssyncset.done $0x0  }
0xa9: {  	s8 =	sadd.s32 $0x1480, s3;
	[sflag:s22] =	ssyncadd.s32 $0xFFFFE000  }
0xaa: {  	[spmem:s2] =	stream.indirect.scatter.add.f32 [tilespmem:s16], [sflag:$0x6], $0x80, s8, s13, $0xb8;
	[tilespmem:$0x1E800] =	vst v63  }
0xab: {  	_ =	swait.ge [sflag:s10], $0x2000  }
0xac: {  	[sflag:s10] =	ssyncset.done $0x0  }
0xad: {  	s8 =	sadd.s32 $0x280, s3;
	[sflag:s10] =	ssyncadd.s32 $0xFFFFE000  }
0xae: {  	[tilespmem:s16], [sflag:$0x3] =	stream.indirect.gather [hbm4b:s4+s13], $0x80, s8, s13, $0xb8;
	[tilespmem:$0x1E800] =	vst v63  }
0xaf: {  	_ =	swait.ge [sflag:s23], $0x2000  }
0xb0: {  	[sflag:s23] =	ssyncset.done $0x0  }
0xb1: {  	s8 =	sadd.s32 $0x1500, s3;
	[sflag:s23] =	ssyncadd.s32 $0xFFFFE000  }
0xb2: {  	[spmem:s2] =	stream.indirect.scatter.add.f32 [tilespmem:s18], [sflag:$0x6], $0x80, s8, s13, $0xb8;
	[tilespmem:$0x1E800] =	vst v63  }
0xb3: {  	_ =	swait.ge [sflag:s10], $0x2000  }
0xb4: {  	[sflag:s10] =	ssyncset.done $0x0  }
0xb5: {  	s8 =	sadd.s32 $0x300, s3;
	[sflag:s10] =	ssyncadd.s32 $0xFFFFE000  }
0xb6: {  	[tilespmem:s18], [sflag:$0x4] =	stream.indirect.gather [hbm4b:s4+s13], $0x80, s8, s13, $0xb8;
	[tilespmem:$0x1E800] =	vst v63  }
0xb7: {  	_ =	swait.ge [sflag:s25], $0x2000  }
0xb8: {  	[sflag:s25] =	ssyncset.done $0x0  }
.Ltmp2:
0xb9: {  	s8 =	sadd.s32 $0x1580, s3;
	[sflag:s25] =	ssyncadd.s32 $0xFFFFE000;
	(pc) =	sbr.rel @p0 .LBB2_7-.Ltmp2, $4  }
0xba: {  	[spmem:s2] =	stream.indirect.scatter.add.f32 [tilespmem:s20], [sflag:$0x6], $0x80, s8, s13, $0xb8;
	[tilespmem:$0x1E800] =	vst v63  }
0xbb: {  	_ =	swait.ge [sflag:s10], $0x2000  }
0xbc: {  	[sflag:s10] =	ssyncset.done $0x0  }
0xbd: {  	s3 =	sadd.s32 $0x380, s3;
	[sflag:s10] =	ssyncadd.s32 $0xFFFFE000  }
0xbe: {  	[tilespmem:s20], [sflag:$0x5] =	stream.indirect.gather [hbm4b:s4+s13], $0x80, s3, s13, $0xb8;
	[tilespmem:$0x1E800] =	vst v63  }
0xbf: {  	_ =	swait.ge [sflag:s21], $0x2000  }
0xc0: {  	[sflag:s21] =	ssyncset.done $0x0  }
0xc1: {  	[sflag:s21] =	ssyncadd.s32 $0xFFFFE000  }
0xc2: {  	[spmem:s2] =	stream.indirect.scatter.add.f32 [tilespmem:s14], [sflag:$0x6], $0x80, s26, s13, $0xb8;
	[tilespmem:$0x1E800] =	vst v63  }
0xc3: {  	_ =	swait.ge [sflag:s10], $0x2000  }
0xc4: {  	[sflag:s10] =	ssyncset.done $0x0  }
0xc5: {  	[sflag:s10] =	ssyncadd.s32 $0xFFFFE000  }
0xc6: {  	_ =	swait.ge [sflag:s22], $0x2000  }
0xc7: {  	[sflag:s22] =	ssyncset.done $0x0  }
0xc8: {  	[sflag:s22] =	ssyncadd.s32 $0xFFFFE000  }
0xc9: {  	[spmem:s2] =	stream.indirect.scatter.add.f32 [tilespmem:s16], [sflag:$0x6], $0x80, s28, s13, $0xb8;
	[tilespmem:$0x1E800] =	vst v63  }
0xca: {  	_ =	swait.ge [sflag:s10], $0x2000  }
0xcb: {  	[sflag:s10] =	ssyncset.done $0x0  }
0xcc: {  	[sflag:s10] =	ssyncadd.s32 $0xFFFFE000  }
0xcd: {  	_ =	swait.ge [sflag:s23], $0x2000  }
0xce: {  	[sflag:s23] =	ssyncset.done $0x0  }
0xcf: {  	[sflag:s23] =	ssyncadd.s32 $0xFFFFE000  }
0xd0: {  	[spmem:s2] =	stream.indirect.scatter.add.f32 [tilespmem:s18], [sflag:$0x6], $0x80, s29, s13, $0xb8;
	[tilespmem:$0x1E800] =	vst v63  }
0xd1: {  	_ =	swait.ge [sflag:s10], $0x2000  }
0xd2: {  	[sflag:s10] =	ssyncset.done $0x0  }
0xd3: {  	[sflag:s10] =	ssyncadd.s32 $0xFFFFE000  }
0xd4: {  	s11 =	sadd.s32 $0x1, s11;
	_ =	swait.ge [sflag:s25], $0x2000  }
0xd5: {  	p0 =	sne.s32 s11, $0x4;
	[sflag:s25] =	ssyncset.done $0x0  }
.Ltmp3:
0xd6: {  	[sflag:s25] =	ssyncadd.s32 $0xFFFFE000;
	(pc) =	sbr.rel @p0 .LBB2_6-.Ltmp3, $4  }
0xd7: {  	[spmem:s2] =	stream.indirect.scatter.add.f32 [tilespmem:s20], [sflag:$0x6], $0x80, s30, s13, $0xb8;
	[tilespmem:$0x1E800] =	vst v63  }
0xd8: {  	_ =	swait.ge [sflag:s10], $0x2000  }
0xd9: {  	[sflag:s10] =	ssyncset.done $0x0  }
0xda: {  	[sflag:s10] =	ssyncadd.s32 $0xFFFFE000  }
0xdb: {  	s0 =	stileid.u32  }
0xdc: {  	[bflag:$0x0] =	sbarrier.arrive $0xFFFF;
	s0 =	sshll.u32 s0, $0x6  }
0xdd: {  	s1 =	sshrl.u32 s5, $0x3;
	s3 =	rddreg [dreg:$0x4];
	s0 =	sor.u32 $0x1C06, s0  }
0xde: {  	[hbm:s3], [sflag:s0] =	dma.local [spmem:s1], $0x2780  }
0xdf: {  	_ =	swait.ge [sflag:s10], $0x2780  }
0xe0: {  	s31 =	sadd.s32 $0x1, s31;
	s24 =	rddreg [dreg:$0x3]  }
0xe1: {  	p0 =	sne.s32 s31, s24  }
.Ltmp4:
0xe2: {  	_ = 	snop;
	(pc) =	sbr.rel @p0 .LBB2_1-.Ltmp4, $3  }
0xe3: {  	_ =	sdelay $0x1  }
0xe4: {  	[sflag:s10] =	ssyncset.done $0x0  }
0xe5: {  	[sflag:s10] =	ssyncadd.s32 $0xFFFFD880  }
0xe6: {  	_ =	sfence.sel $0x180000  }
0xe7: {  	[bflag:$0x0] =	sbarrier.arrive $0xFFFF  }
0xe8: {  	_ =	strace $0x90000047  }
0xe9: {  	s0 =	stileid.u32;
	[bflag:$0x2] =	sbarrier.arrive $0xFFFF  }
0xea: {  	p0 =	sne.s32 s0, $0x0;
	s0 =	rddreg [dreg:$0x2]  }
0xeb: {  	s0 =	sadd.s32 @!p0 $0x100000, s0  }
0xec: {  	[sflag:s0] =	ssyncadd.tile.s32 @!p0 $0x1;
	_ =	shalt  }
.Lfunc_end2:
_tile_overlayer_lowered:
.L_overlay_start_2:
0xed: {  	(tag) =	ssettag $0x2  }
0xee: {  	s0 =	rddreg [dreg:$0x0];
	s2 =	stileid.u32  }
0xef: {  	s1 =	rddreg [dreg:$0x1];
	p0 =	sne.s32 s2, $0x0  }
0xf0: {  	s3 =	rddreg [dreg:$0x2];
	[bflag:$0x3] =	sbarrier.arrive $0xFFFF;
	s2 =	simm.s32 @!p0 $0x1C06  }
0xf1: {  	[timem:s3], [sflag:s2] =	dma.local @!p0 [hbm:s0], s1  }
0xf2: {  	s0 =	simm.s32 @!p0 $0x6  }
0xf3: {  	_ =	swait.ge @!p0 [sflag:s0], s1  }
0xf4: {  	s1 =	ssub.s32 @!p0 $0x0, s1;
	[sflag:s0] =	ssyncset.done @!p0 $0x0  }
0xf5: {  	[sflag:s0] =	ssyncadd.s32 @!p0 s1  }
0xf6: {  	[bflag:$0x3] =	sbarrier.arrive $0xFFFF  }
0xf7: {  	_ =	shalt  }

</sc_bundles>
